<compile_context>
chip_gen: v7x
topology: tpu7x:2x2x1
jax: 0.10.2.dev20260603
libtpu: 0.0.44.dev20260713+nightly
codegen_flags: <defaults>
</compile_context>

<pallas_src>
import functools

import jax
import jax.numpy as jnp
from jax import lax
from jax.experimental import pallas as pl
from jax.experimental.pallas import tpu as pltpu
from jax.experimental.pallas import tpu_sc as plsc

N = 10000
E = 320000
D = 128
HID = 256
OUTP = 128
H = 4
C = 32

NC = 2
NS = 16
L = 16
NW = NC * NS
EPT = E // NW
BLK = 80
NBLK = EPT // BLK
RQ = 624
RREM = N - NS * RQ
W = 144
WOFF = 128



def _pre_body(x_ref, ln_g, ln_b, w1, b1, w2, b2, wres, bres, wgat,
              acats, acatd, hpx_ref, td_ref, res_ref):
    x = x_ref[...]
    mu = jnp.mean(x, axis=-1, keepdims=True)
    var = jnp.mean((x - mu) ** 2, axis=-1, keepdims=True)
    xn = (x - mu) * lax.rsqrt(var + 1e-5) * ln_g[...] + ln_b[...]
    hmid = jnp.maximum(jnp.dot(xn, w1[...], preferred_element_type=jnp.float32)
                       + b1[...], 0.0)
    h = jnp.dot(hmid, w2[...], preferred_element_type=jnp.float32) + b2[...]
    res_ref[...] = (jnp.dot(h, wres[...], preferred_element_type=jnp.float32)
                    + bres[...])
    hp = jnp.dot(h, wgat[...], preferred_element_type=jnp.float32)
    ts = jnp.dot(hp, acats[...], preferred_element_type=jnp.float32)
    hpx_ref[:, :H * C] = hp
    hpx_ref[:, WOFF:] = ts
    td_ref[...] = jnp.dot(hp, acatd[...], preferred_element_type=jnp.float32)


def _pre(x, ln_g, ln_b, w1, b1, w2, b2, wres, bres, wgat, acats, acatd):
    blk = 1000
    grid = (N // blk,)
    full = lambda shape: pl.BlockSpec(shape, lambda i: (0,) * len(shape))
    return pl.pallas_call(
        _pre_body,
        grid=grid,
        in_specs=[
            pl.BlockSpec((blk, D), lambda i: (i, 0)),
            full((D,)), full((D,)),
            full((D, HID)), full((HID,)),
            full((HID, OUTP)), full((OUTP,)),
            full((OUTP, H * C)), full((H * C,)),
            full((OUTP, H * C)),
            full((H * C, L)), full((H * C, L)),
        ],
        out_specs=[
            pl.BlockSpec((blk, W), lambda i: (i, 0)),
            pl.BlockSpec((blk, L), lambda i: (i, 0)),
            pl.BlockSpec((blk, H * C), lambda i: (i, 0)),
        ],
        out_shape=[
            jax.ShapeDtypeStruct((N, W), jnp.float32),
            jax.ShapeDtypeStruct((N, L), jnp.float32),
            jax.ShapeDtypeStruct((N, H * C), jnp.float32),
        ],
    )(x, ln_g, ln_b, w1, b1, w2, b2, wres, bres, wgat, acats, acatd)



def _sc_edge_body(hpx_hbm, td_hbm, src_hbm, dst_hbm, z160_hbm,
                  acc_out,
                  src_all, comb0, comb1, b0, b1,
                  dst0, dst1, dst2, dst3,
                  sg0, sg1, si0, si1, si2, si3, ss0, ss1, acc_sp):
    c = lax.axis_index("c")
    s = lax.axis_index("s")
    comb_b = [comb0, comb1]
    b_b = [b0, b1]
    dst_b = [dst0, dst1, dst2, dst3]
    sg_b = [sg0, sg1]
    si_b = [si0, si1, si2, si3]
    ss_b = [ss0, ss1]
    pltpu.sync_copy(z160_hbm.at[pl.ds(0, RQ)], acc_sp.at[pl.ds(s * RQ, RQ)])

    @pl.when(s == 0)
    def _():
        pltpu.sync_copy(z160_hbm.at[pl.ds(0, RREM)],
                        acc_sp.at[pl.ds(NS * RQ, RREM)])

    wid = c * NS + s
    ebase = wid * EPT
    pltpu.sync_copy(src_hbm.at[pl.ds(ebase, EPT)], src_all)
    plsc.subcore_barrier()

    def prefetch_idx(i, q):
        pltpu.async_copy(dst_hbm.at[pl.ds(ebase + i * BLK, BLK)],
                         dst_b[q], si_b[q])

    def prefetch_gathers(i, p, q):
        pltpu.make_async_copy(dst_hbm.at[pl.ds(ebase + i * BLK, BLK)],
                              dst_b[q], si_b[q]).wait()
        sidx = src_all.at[pl.ds(i * BLK, BLK)]
        pltpu.async_copy(hpx_hbm.at[sidx], comb_b[p], sg_b[p])
        pltpu.async_copy(td_hbm.at[dst_b[q]], b_b[p], sg_b[p])

    def process(i, p, q):
        sidx = src_all.at[pl.ds(i * BLK, BLK)]
        pltpu.make_async_copy(hpx_hbm.at[sidx], comb_b[p], sg_b[p]).wait()
        pltpu.make_async_copy(td_hbm.at[dst_b[q]], b_b[p], sg_b[p]).wait()
        comb_v, b_v, dst_v = comb_b[p], b_b[p], dst_b[q]

        def fused(lo, hi):
            @plsc.parallel_loop(lo, hi, unroll=4)
            def _(e):
                lg = comb_v[e, pl.ds(WOFF, L)] + b_v[e, :]
                lg = jnp.where(lg > 0, lg, 0.2 * lg)
                wv = jnp.exp(lg)
                comb_v[e, pl.ds(WOFF, L)] = wv
                for k in range(H * C // L):
                    wk = wv[k // (C // L)]
                    comb_v[e, pl.ds(k * L, L)] = (
                        comb_v[e, pl.ds(k * L, L)] * wk)

        HB = BLK // 2
        fused(0, HB)
        d1 = pltpu.async_copy(comb_v.at[pl.ds(0, HB)],
                              acc_sp.at[dst_v.at[pl.ds(0, HB)]],
                              ss_b[p], add=True)
        fused(HB, BLK)
        d2 = pltpu.async_copy(comb_v.at[pl.ds(HB, HB)],
                              acc_sp.at[dst_v.at[pl.ds(HB, HB)]],
                              ss_b[p], add=True)
        d1.wait()
        d2.wait()

    prefetch_idx(0, 0)
    prefetch_idx(1, 1)
    prefetch_gathers(0, 0, 0)

    def quad(j, carry):
        for qq in range(4):
            i4 = 4 * j + qq

            @pl.when(i4 + 2 < NBLK)
            def _():
                prefetch_idx(i4 + 2, (qq + 2) % 4)

            prefetch_gathers(i4 + 1, (qq + 1) % 2, (qq + 1) % 4)
            process(i4, qq % 2, qq % 4)
        return carry

    lax.fori_loop(0, (NBLK - 1) // 4, quad, 0, unroll=False)
    process(NBLK - 1, (NBLK - 1) % 2, (NBLK - 1) % 4)
    plsc.subcore_barrier()
    sl = pl.ds(s * RQ, RQ)
    pltpu.sync_copy(acc_sp.at[sl], acc_out.at[c, sl])

    @pl.when(s == 0)
    def _():
        sl2 = pl.ds(NS * RQ, RREM)
        pltpu.sync_copy(acc_sp.at[sl2], acc_out.at[c, sl2])


def _sc_edge(hpx, td, src, dst, z160):
    mesh = plsc.VectorSubcoreMesh(core_axis_name="c", subcore_axis_name="s")
    kern = functools.partial(
        pl.kernel,
        mesh=mesh,
        compiler_params=pltpu.CompilerParams(use_tc_tiling_on_sc=False),
        out_type=[
            jax.ShapeDtypeStruct((NC, N, W), jnp.float32),
        ],
        scratch_types=(
            [pltpu.VMEM((EPT,), jnp.int32)]
            + [pltpu.VMEM((BLK, W), jnp.float32)] * 2
            + [pltpu.VMEM((BLK, L), jnp.float32)] * 2
            + [pltpu.VMEM((BLK,), jnp.int32)] * 4
            + [pltpu.SemaphoreType.DMA] * 8
            + [pltpu.VMEM_SHARED((N, W), jnp.float32)]
        ),
    )(_sc_edge_body)
    return kern(hpx, td, src, dst, z160)



def _post_body(acc0, acc1, hpx, td, res, gbias, pexp, out_ref):
    ts = hpx[...][:, WOFF:]
    lg = ts[:, :H] + td[...][:, :H]
    lg = jnp.where(lg > 0, lg, 0.2 * lg)
    wself = jnp.exp(lg)
    wexp = jnp.dot(wself, pexp[...], preferred_element_type=jnp.float32)
    asum = acc0[...] + acc1[...]
    num = asum[:, :H * C] + hpx[...][:, :H * C] * wexp
    dself = jnp.dot(asum[:, WOFF:WOFF + H] + wself, pexp[...],
                    preferred_element_type=jnp.float32)
    g = num / (dself + 1e-16) + gbias[...]
    out_ref[...] = (jnp.where(g > 0, g, jnp.exp(jnp.minimum(g, 0.0)) - 1.0)
                    + res[...])


def _post(acc, hpx, td, res, gbias, pexp):
    blk = 1000
    grid = (N // blk,)
    full = lambda shape: pl.BlockSpec(shape, lambda i: (0,) * len(shape))
    return pl.pallas_call(
        _post_body,
        grid=grid,
        in_specs=[
            pl.BlockSpec((blk, W), lambda i: (i, 0)),
            pl.BlockSpec((blk, W), lambda i: (i, 0)),
            pl.BlockSpec((blk, W), lambda i: (i, 0)),
            pl.BlockSpec((blk, L), lambda i: (i, 0)),
            pl.BlockSpec((blk, H * C), lambda i: (i, 0)),
            full((H * C,)),
            full((H, H * C)),
        ],
        out_specs=pl.BlockSpec((blk, H * C), lambda i: (i, 0)),
        out_shape=jax.ShapeDtypeStruct((N, H * C), jnp.float32),
    )(acc[0], acc[1], hpx, td, res, gbias, pexp)



def kernel(x, edge_index, ln_g, ln_b, W1, b1, W2, b2, Wres, bres, Wgat,
           att_src, att_dst, gat_bias):
    f32 = jnp.float32
    eye = jnp.repeat(jnp.eye(H, L, dtype=f32), C, axis=0)
    acats = eye * att_src.reshape(H * C, 1)
    acatd = eye * att_dst.reshape(H * C, 1)
    pexp = jnp.repeat(jnp.eye(H, dtype=f32), C, axis=1)

    hpx, td, res = _pre(x, ln_g, ln_b, W1, b1, W2, b2, Wres, bres, Wgat,
                        acats, acatd)

    src = edge_index[0]
    dst = edge_index[1]
    z160 = jnp.zeros((RQ, W), f32)
    acc = _sc_edge(hpx, td, src, dst, z160)
    if isinstance(acc, (list, tuple)):
        acc = acc[0]

    return _post(acc, hpx, td, res, gat_bias, pexp)

# --- scband reference (transcript-rebuilt; emitter-appended) ---
"""Pipeline reference for scband-baseline-gat-43276090474726 (READ-ONLY COPY).

The authoritative reference and input builder live on the scoring server;
editing this copy changes nothing except your own understanding.
"""

import jax, jax.numpy as jnp
import numpy as np

N = 10000
E = 320000
D = 128      # in_features
HID = 256    # hidden_dim_proj
OUTP = 128   # out_dim_proj
H = 4        # num_heads
C = 32       # att_dim


def setup_inputs(seed: int = 0) -> dict:
    key = jax.random.key(seed)
    ks = jax.random.split(key, 10)
    x = jax.random.normal(ks[0], (N, D), dtype=jnp.float32)
    edge_index = jax.random.randint(ks[1], (2, E), 0, N, dtype=jnp.int32)
    ln_g = jnp.ones((D,), dtype=jnp.float32)
    ln_b = jnp.zeros((D,), dtype=jnp.float32)
    W1 = jax.random.normal(ks[2], (D, HID), dtype=jnp.float32) * (1.0 / np.sqrt(D))
    b1 = jnp.zeros((HID,), dtype=jnp.float32)
    W2 = jax.random.normal(ks[3], (HID, OUTP), dtype=jnp.float32) * (1.0 / np.sqrt(HID))
    b2 = jnp.zeros((OUTP,), dtype=jnp.float32)
    Wres = jax.random.normal(ks[4], (OUTP, H * C), dtype=jnp.float32) * (1.0 / np.sqrt(OUTP))
    bres = jnp.zeros((H * C,), dtype=jnp.float32)
    Wgat = jax.random.normal(ks[5], (OUTP, H * C), dtype=jnp.float32) * (1.0 / np.sqrt(OUTP))
    att_src = jax.random.normal(ks[6], (1, H, C), dtype=jnp.float32) * 0.1
    att_dst = jax.random.normal(ks[7], (1, H, C), dtype=jnp.float32) * 0.1
    gat_bias = jnp.zeros((H * C,), dtype=jnp.float32)
    return {"x": x, "edge_index": edge_index, "ln_g": ln_g, "ln_b": ln_b,
            "W1": W1, "b1": b1, "W2": W2, "b2": b2, "Wres": Wres, "bres": bres,
            "Wgat": Wgat, "att_src": att_src, "att_dst": att_dst, "gat_bias": gat_bias}


def _layernorm(x, g, b, eps=1e-5):
    mu = jnp.mean(x, axis=-1, keepdims=True)
    var = jnp.var(x, axis=-1, keepdims=True)
    return (x - mu) / jnp.sqrt(var + eps) * g + b


def _gat(h, src, dst, Wgat, att_src, att_dst, gat_bias):
    n = h.shape[0]
    hp = (h @ Wgat).reshape(n, H, C)
    a_src = jnp.sum(hp * att_src, axis=-1)   # [n, H]
    a_dst = jnp.sum(hp * att_dst, axis=-1)   # [n, H]
    alpha = a_src[src] + a_dst[dst]          # [e, H]
    alpha = jax.nn.leaky_relu(alpha, negative_slope=0.2)
    amax = jax.ops.segment_max(alpha, dst, num_segments=n)
    alpha = jnp.exp(alpha - amax[dst])
    denom = jax.ops.segment_sum(alpha, dst, num_segments=n)
    alpha = alpha / (denom[dst] + 1e-16)
    msg = hp[src] * alpha[:, :, None]        # gather + weight
    out = jax.ops.segment_sum(msg, dst, num_segments=n)  # scatter-add
    return out.reshape(n, H * C) + gat_bias


def reference(x, edge_index, ln_g, ln_b, W1, b1, W2, b2, Wres, bres, Wgat, att_src, att_dst, gat_bias):
    xn = _layernorm(x, ln_g, ln_b)
    hmid = jax.nn.relu(xn @ W1 + b1)
    h = hmid @ W2 + b2
    res = h @ Wres + bres
    n = h.shape[0]
    loop = jnp.arange(n, dtype=edge_index.dtype)
    src = jnp.concatenate([edge_index[0], loop])  # add_self_loops=True
    dst = jnp.concatenate([edge_index[1], loop])
    out = jax.nn.elu(_gat(h, src, dst, Wgat, att_src, att_dst, gat_bias)) + res
    return out

if __name__ == "__main__":
    import jax
    _d = setup_inputs()
    print(jax.jit(kernel)(*tuple(_d.values())))

</pallas_src>

<mosaic_0001>
#map = affine_map<(d0, d1) -> (0, 0)>
#map1 = affine_map<(d0, d1) -> (0)>
#map2 = affine_map<(d0, d1) -> (0, 0, 0)>
module attributes {stable_mosaic.version = 14 : i64} {
  func.func @_sc_edge_body(%arg0: i32, %arg1: i32, %arg2: memref<10000x144xf32, #tpu.memory_space<hbm>>, %arg3: memref<10000x16xf32, #tpu.memory_space<hbm>>, %arg4: memref<320000xi32, #tpu.memory_space<hbm>>, %arg5: memref<320000xi32, #tpu.memory_space<hbm>>, %arg6: memref<624x144xf32, #tpu.memory_space<hbm>>, %arg7: memref<2x10000x144xf32, #tpu.memory_space<hbm>>, %arg8: memref<10000xi32, #tpu.memory_space<vmem>>, %arg9: memref<80x144xf32, #tpu.memory_space<vmem>>, %arg10: memref<80x144xf32, #tpu.memory_space<vmem>>, %arg11: memref<80x16xf32, #tpu.memory_space<vmem>>, %arg12: memref<80x16xf32, #tpu.memory_space<vmem>>, %arg13: memref<80xi32, #tpu.memory_space<vmem>>, %arg14: memref<80xi32, #tpu.memory_space<vmem>>, %arg15: memref<80xi32, #tpu.memory_space<vmem>>, %arg16: memref<80xi32, #tpu.memory_space<vmem>>, %arg17: memref<!tpu.dma_semaphore, #tpu.memory_space<semaphore_mem>>, %arg18: memref<!tpu.dma_semaphore, #tpu.memory_space<semaphore_mem>>, %arg19: memref<!tpu.dma_semaphore, #tpu.memory_space<semaphore_mem>>, %arg20: memref<!tpu.dma_semaphore, #tpu.memory_space<semaphore_mem>>, %arg21: memref<!tpu.dma_semaphore, #tpu.memory_space<semaphore_mem>>, %arg22: memref<!tpu.dma_semaphore, #tpu.memory_space<semaphore_mem>>, %arg23: memref<!tpu.dma_semaphore, #tpu.memory_space<semaphore_mem>>, %arg24: memref<!tpu.dma_semaphore, #tpu.memory_space<semaphore_mem>>, %arg25: memref<10000x144xf32, #tpu.memory_space<vmem_shared>>) attributes {dimension_semantics = [#tpu.dimension_semantics<core_parallel>, #tpu.dimension_semantics<subcore_parallel>], iteration_bounds = array<i64: 2, 16>, scalar_prefetch = 0 : i64, scratch_operands = 18 : i64, tpu.core_type = #tpu.core_type<sc_vector_subcore>, window_params = [{transform_indices = #map}, {transform_indices = #map}, {transform_indices = #map1}, {transform_indices = #map1}, {transform_indices = #map}, {transform_indices = #map2}]} {
    %mul3A = arith.constant 624 : i32
    %mul3A_0 = arith.muli %arg1, %mul3A : i32
    "tpu.region"() ({
      %run_scoped3A = tpu.sem_alloc : memref<!tpu.dma_semaphore, #tpu.memory_space<semaphore_mem>>
      %dma_start3A_83 = arith.constant 0 : i32
      %dma_start3A_84 = tpu.memref_slice %arg25[%mul3A_0, %dma_start3A_83] : memref<10000x144xf32, #tpu.memory_space<vmem_shared>> -> memref<624x144xf32, #tpu.memory_space<vmem_shared>>
      %dma_start3A_85 = arith.constant 0 : i32
      %dma_start3A_86 = arith.constant 0 : i32
      %dma_start3A_87 = tpu.memref_slice %arg6[%dma_start3A_85, %dma_start3A_86] : memref<624x144xf32, #tpu.memory_space<hbm>> -> memref<624x144xf32, #tpu.memory_space<hbm>>
      tpu.enqueue_dma source(%dma_start3A_87 : memref<624x144xf32, #tpu.memory_space<hbm>>) target(%dma_start3A_84 : memref<624x144xf32, #tpu.memory_space<vmem_shared>>) target_semaphore(%run_scoped3A : memref<!tpu.dma_semaphore, #tpu.memory_space<semaphore_mem>>)
      %dma_wait3A_88 = arith.constant 0 : i32
      %dma_wait3A_89 = tpu.memref_slice %arg25[%mul3A_0, %dma_wait3A_88] : memref<10000x144xf32, #tpu.memory_space<vmem_shared>> -> memref<624x144xf32, #tpu.memory_space<vmem_shared>>
      %dma_wait3A_90 = arith.constant 0 : i32
      %dma_wait3A_91 = arith.constant 0 : i32
      %dma_wait3A_92 = tpu.memref_slice %arg6[%dma_wait3A_90, %dma_wait3A_91] : memref<624x144xf32, #tpu.memory_space<hbm>> -> memref<624x144xf32, #tpu.memory_space<hbm>>
      tpu.wait_dma2 semaphore(%run_scoped3A : memref<!tpu.dma_semaphore, #tpu.memory_space<semaphore_mem>>) src(%dma_wait3A_92 : memref<624x144xf32, #tpu.memory_space<hbm>>) dst(%dma_wait3A_89 : memref<624x144xf32, #tpu.memory_space<vmem_shared>>)
      tpu.yield
    }) : () -> ()
    %eq3A = arith.constant 0 : i32
    %eq3A_1 = arith.cmpi eq, %arg1, %eq3A : i32
    %convert_element_type3A = arith.extui %eq3A_1 : i1 to i32
    %cond3A = arith.constant 0 : i32
    %cond3A_2 = arith.cmpi ne, %convert_element_type3A, %cond3A : i32
    scf.if %cond3A_2 {
      "tpu.region"() ({
        %run_scoped3A = tpu.sem_alloc : memref<!tpu.dma_semaphore, #tpu.memory_space<semaphore_mem>>
        %dma_start3A_83 = arith.constant 9984 : i32
        %dma_start3A_84 = arith.constant 0 : i32
        %dma_start3A_85 = tpu.memref_slice %arg25[%dma_start3A_83, %dma_start3A_84] : memref<10000x144xf32, #tpu.memory_space<vmem_shared>> -> memref<16x144xf32, #tpu.memory_space<vmem_shared>>
        %dma_start3A_86 = arith.constant 0 : i32
        %dma_start3A_87 = arith.constant 0 : i32
        %dma_start3A_88 = tpu.memref_slice %arg6[%dma_start3A_86, %dma_start3A_87] : memref<624x144xf32, #tpu.memory_space<hbm>> -> memref<16x144xf32, #tpu.memory_space<hbm>>
        tpu.enqueue_dma source(%dma_start3A_88 : memref<16x144xf32, #tpu.memory_space<hbm>>) target(%dma_start3A_85 : memref<16x144xf32, #tpu.memory_space<vmem_shared>>) target_semaphore(%run_scoped3A : memref<!tpu.dma_semaphore, #tpu.memory_space<semaphore_mem>>)
        %dma_wait3A_89 = arith.constant 9984 : i32
        %dma_wait3A_90 = arith.constant 0 : i32
        %dma_wait3A_91 = tpu.memref_slice %arg25[%dma_wait3A_89, %dma_wait3A_90] : memref<10000x144xf32, #tpu.memory_space<vmem_shared>> -> memref<16x144xf32, #tpu.memory_space<vmem_shared>>
        %dma_wait3A_92 = arith.constant 0 : i32
        %dma_wait3A_93 = arith.constant 0 : i32
        %dma_wait3A_94 = tpu.memref_slice %arg6[%dma_wait3A_92, %dma_wait3A_93] : memref<624x144xf32, #tpu.memory_space<hbm>> -> memref<16x144xf32, #tpu.memory_space<hbm>>
        tpu.wait_dma2 semaphore(%run_scoped3A : memref<!tpu.dma_semaphore, #tpu.memory_space<semaphore_mem>>) src(%dma_wait3A_94 : memref<16x144xf32, #tpu.memory_space<hbm>>) dst(%dma_wait3A_91 : memref<16x144xf32, #tpu.memory_space<vmem_shared>>)
        tpu.yield
      }) : () -> ()
    } else {
    }
    %mul3A_3 = arith.constant 16 : i32
    %mul3A_4 = arith.muli %arg0, %mul3A_3 : i32
    %add3A = arith.addi %mul3A_4, %arg1 : i32
    %mul3A_5 = arith.constant 10000 : i32
    %mul3A_6 = arith.muli %add3A, %mul3A_5 : i32
    "tpu.region"() ({
      %run_scoped3A = tpu.sem_alloc : memref<!tpu.dma_semaphore, #tpu.memory_space<semaphore_mem>>
      %dma_start3A_83 = tpu.memref_slice %arg4[%mul3A_6] : memref<320000xi32, #tpu.memory_space<hbm>> -> memref<10000xi32, #tpu.memory_space<hbm>>
      %dma_start3A_84 = tpu.memref_slice %arg4[%mul3A_6] : memref<320000xi32, #tpu.memory_space<hbm>> -> memref<10000xi32, #tpu.memory_space<hbm>>
      tpu.enqueue_dma source(%dma_start3A_84 : memref<10000xi32, #tpu.memory_space<hbm>>) target(%arg8 : memref<10000xi32, #tpu.memory_space<vmem>>) target_semaphore(%run_scoped3A : memref<!tpu.dma_semaphore, #tpu.memory_space<semaphore_mem>>)
      %dma_wait3A_85 = tpu.memref_slice %arg4[%mul3A_6] : memref<320000xi32, #tpu.memory_space<hbm>> -> memref<10000xi32, #tpu.memory_space<hbm>>
      %dma_wait3A_86 = tpu.memref_slice %arg4[%mul3A_6] : memref<320000xi32, #tpu.memory_space<hbm>> -> memref<10000xi32, #tpu.memory_space<hbm>>
      tpu.wait_dma2 semaphore(%run_scoped3A : memref<!tpu.dma_semaphore, #tpu.memory_space<semaphore_mem>>) src(%dma_wait3A_86 : memref<10000xi32, #tpu.memory_space<hbm>>) dst(%arg8 : memref<10000xi32, #tpu.memory_space<vmem>>)
      tpu.yield
    }) : () -> ()
    %barrier3A = arith.constant 0 : index
    tpu.barrier barrier_id(%barrier3A)
    %add3A_7 = arith.constant 0 : i32
    %add3A_8 = arith.addi %mul3A_6, %add3A_7 : i32
    %dma_start3A = tpu.memref_slice %arg5[%add3A_8] : memref<320000xi32, #tpu.memory_space<hbm>> -> memref<80xi32, #tpu.memory_space<hbm>>
    %dma_start3A_9 = tpu.memref_slice %arg5[%add3A_8] : memref<320000xi32, #tpu.memory_space<hbm>> -> memref<80xi32, #tpu.memory_space<hbm>>
    tpu.enqueue_dma source(%dma_start3A_9 : memref<80xi32, #tpu.memory_space<hbm>>) target(%arg13 : memref<80xi32, #tpu.memory_space<vmem>>) target_semaphore(%arg19 : memref<!tpu.dma_semaphore, #tpu.memory_space<semaphore_mem>>)
    %add3A_10 = arith.constant 80 : i32
    %add3A_11 = arith.addi %mul3A_6, %add3A_10 : i32
    %dma_start3A_12 = tpu.memref_slice %arg5[%add3A_11] : memref<320000xi32, #tpu.memory_space<hbm>> -> memref<80xi32, #tpu.memory_space<hbm>>
    %dma_start3A_13 = tpu.memref_slice %arg5[%add3A_11] : memref<320000xi32, #tpu.memory_space<hbm>> -> memref<80xi32, #tpu.memory_space<hbm>>
    tpu.enqueue_dma source(%dma_start3A_13 : memref<80xi32, #tpu.memory_space<hbm>>) target(%arg14 : memref<80xi32, #tpu.memory_space<vmem>>) target_semaphore(%arg20 : memref<!tpu.dma_semaphore, #tpu.memory_space<semaphore_mem>>)
    %add3A_14 = arith.constant 0 : i32
    %add3A_15 = arith.addi %mul3A_6, %add3A_14 : i32
    %dma_wait3A = tpu.memref_slice %arg5[%add3A_15] : memref<320000xi32, #tpu.memory_space<hbm>> -> memref<80xi32, #tpu.memory_space<hbm>>
    %dma_wait3A_16 = tpu.memref_slice %arg5[%add3A_15] : memref<320000xi32, #tpu.memory_space<hbm>> -> memref<80xi32, #tpu.memory_space<hbm>>
    tpu.wait_dma2 semaphore(%arg19 : memref<!tpu.dma_semaphore, #tpu.memory_space<semaphore_mem>>) src(%dma_wait3A_16 : memref<80xi32, #tpu.memory_space<hbm>>) dst(%arg13 : memref<80xi32, #tpu.memory_space<vmem>>)
    %dma_start3A_17 = arith.constant 0 : i32
    %dma_start3A_18 = tpu.memref_slice %arg8[%dma_start3A_17] : memref<10000xi32, #tpu.memory_space<vmem>> -> memref<80xi32, #tpu.memory_space<vmem>>
    %dma_start3A_19 = arith.constant 0 : i32
    %dma_start3A_20 = arith.constant 0 : i32
    %dma_start3A_21 = tpu.memref_slice %arg2[%dma_start3A_19, %dma_start3A_20] : memref<10000x144xf32, #tpu.memory_space<hbm>> -> memref<10000x144xf32, #tpu.memory_space<hbm>>
    tpu.enqueue_indirect_dma source(%dma_start3A_21 : memref<10000x144xf32, #tpu.memory_space<hbm>>) target(%arg9 : memref<80x144xf32, #tpu.memory_space<vmem>>) offsets(%dma_start3A_18 : memref<80xi32, #tpu.memory_space<vmem>>) semaphore(%arg17 : memref<!tpu.dma_semaphore, #tpu.memory_space<semaphore_mem>>)
    %dma_start3A_22 = arith.constant 0 : i32
    %dma_start3A_23 = arith.constant 0 : i32
    %dma_start3A_24 = tpu.memref_slice %arg3[%dma_start3A_22, %dma_start3A_23] : memref<10000x16xf32, #tpu.memory_space<hbm>> -> memref<10000x16xf32, #tpu.memory_space<hbm>>
    tpu.enqueue_indirect_dma source(%dma_start3A_24 : memref<10000x16xf32, #tpu.memory_space<hbm>>) target(%arg11 : memref<80x16xf32, #tpu.memory_space<vmem>>) offsets(%arg13 : memref<80xi32, #tpu.memory_space<vmem>>) semaphore(%arg17 : memref<!tpu.dma_semaphore, #tpu.memory_space<semaphore_mem>>)
    %scan3A = arith.constant 0 : i32
    %scan3A_25 = arith.constant 0 : i32
    %scan3A_26 = arith.constant 31 : i32
    %scan3A_27 = arith.addi %scan3A_25, %scan3A_26 : i32
    %scan3A_28 = arith.constant 1 : i32
    scf.for %scan3A_83 = %scan3A_25 to %scan3A_27 step %scan3A_28  : i32 {
      %mul3A_84 = arith.constant 4 : i32
      %mul3A_85 = arith.muli %mul3A_84, %scan3A_83 : i32
      %add3A_86 = arith.constant 0 : i32
      %add3A_87 = arith.addi %mul3A_85, %add3A_86 : i32
      %add3A_88 = arith.constant 2 : i32
      %add3A_89 = arith.addi %add3A_87, %add3A_88 : i32
      %lt3A = arith.constant 125 : i32
      %lt3A_90 = arith.cmpi slt, %add3A_89, %lt3A : i32
      %convert_element_type3A_91 = arith.extui %lt3A_90 : i1 to i32
      %cond3A_92 = arith.constant 0 : i32
      %cond3A_93 = arith.cmpi ne, %convert_element_type3A_91, %cond3A_92 : i32
      scf.if %cond3A_93 {
        %add3A_379 = arith.constant 2 : i32
        %add3A_380 = arith.addi %add3A_87, %add3A_379 : i32
        %mul3A_381 = arith.constant 80 : i32
        %mul3A_382 = arith.muli %add3A_380, %mul3A_381 : i32
        %add3A_383 = arith.addi %mul3A_6, %mul3A_382 : i32
        %dma_start3A_384 = tpu.memref_slice %arg5[%add3A_383] : memref<320000xi32, #tpu.memory_space<hbm>> -> memref<80xi32, #tpu.memory_space<hbm>>
        %dma_start3A_385 = tpu.memref_slice %arg5[%add3A_383] : memref<320000xi32, #tpu.memory_space<hbm>> -> memref<80xi32, #tpu.memory_space<hbm>>
        tpu.enqueue_dma source(%dma_start3A_385 : memref<80xi32, #tpu.memory_space<hbm>>) target(%arg15 : memref<80xi32, #tpu.memory_space<vmem>>) target_semaphore(%arg21 : memref<!tpu.dma_semaphore, #tpu.memory_space<semaphore_mem>>)
      } else {
      }
      %add3A_94 = arith.constant 1 : i32
      %add3A_95 = arith.addi %add3A_87, %add3A_94 : i32
      %mul3A_96 = arith.constant 80 : i32
      %mul3A_97 = arith.muli %add3A_95, %mul3A_96 : i32
      %add3A_98 = arith.addi %mul3A_6, %mul3A_97 : i32
      %dma_wait3A_99 = tpu.memref_slice %arg5[%add3A_98] : memref<320000xi32, #tpu.memory_space<hbm>> -> memref<80xi32, #tpu.memory_space<hbm>>
      %dma_wait3A_100 = tpu.memref_slice %arg5[%add3A_98] : memref<320000xi32, #tpu.memory_space<hbm>> -> memref<80xi32, #tpu.memory_space<hbm>>
      tpu.wait_dma2 semaphore(%arg20 : memref<!tpu.dma_semaphore, #tpu.memory_space<semaphore_mem>>) src(%dma_wait3A_100 : memref<80xi32, #tpu.memory_space<hbm>>) dst(%arg14 : memref<80xi32, #tpu.memory_space<vmem>>)
      %mul3A_101 = arith.constant 80 : i32
      %mul3A_102 = arith.muli %add3A_95, %mul3A_101 : i32
      %dma_start3A_103 = tpu.memref_slice %arg8[%mul3A_102] : memref<10000xi32, #tpu.memory_space<vmem>> -> memref<80xi32, #tpu.memory_space<vmem>>
      %dma_start3A_104 = arith.constant 0 : i32
      %dma_start3A_105 = arith.constant 0 : i32
      %dma_start3A_106 = tpu.memref_slice %arg2[%dma_start3A_104, %dma_start3A_105] : memref<10000x144xf32, #tpu.memory_space<hbm>> -> memref<10000x144xf32, #tpu.memory_space<hbm>>
      tpu.enqueue_indirect_dma source(%dma_start3A_106 : memref<10000x144xf32, #tpu.memory_space<hbm>>) target(%arg10 : memref<80x144xf32, #tpu.memory_space<vmem>>) offsets(%dma_start3A_103 : memref<80xi32, #tpu.memory_space<vmem>>) semaphore(%arg18 : memref<!tpu.dma_semaphore, #tpu.memory_space<semaphore_mem>>)
      %dma_start3A_107 = arith.constant 0 : i32
      %dma_start3A_108 = arith.constant 0 : i32
      %dma_start3A_109 = tpu.memref_slice %arg3[%dma_start3A_107, %dma_start3A_108] : memref<10000x16xf32, #tpu.memory_space<hbm>> -> memref<10000x16xf32, #tpu.memory_space<hbm>>
      tpu.enqueue_indirect_dma source(%dma_start3A_109 : memref<10000x16xf32, #tpu.memory_space<hbm>>) target(%arg12 : memref<80x16xf32, #tpu.memory_space<vmem>>) offsets(%arg14 : memref<80xi32, #tpu.memory_space<vmem>>) semaphore(%arg18 : memref<!tpu.dma_semaphore, #tpu.memory_space<semaphore_mem>>)
      %mul3A_110 = arith.constant 80 : i32
      %mul3A_111 = arith.muli %add3A_87, %mul3A_110 : i32
      %dma_wait3A_112 = tpu.memref_slice %arg8[%mul3A_111] : memref<10000xi32, #tpu.memory_space<vmem>> -> memref<80xi32, #tpu.memory_space<vmem>>
      %dma_wait3A_113 = arith.constant 0 : i32
      %dma_wait3A_114 = arith.constant 0 : i32
      %dma_wait3A_115 = tpu.memref_slice %arg2[%dma_wait3A_113, %dma_wait3A_114] : memref<10000x144xf32, #tpu.memory_space<hbm>> -> memref<10000x144xf32, #tpu.memory_space<hbm>>
      tpu.wait_indirect_dma semaphore(%arg17 : memref<!tpu.dma_semaphore, #tpu.memory_space<semaphore_mem>>) src(%dma_wait3A_115 : memref<10000x144xf32, #tpu.memory_space<hbm>>) dst(%arg9 : memref<80x144xf32, #tpu.memory_space<vmem>>)
      %dma_wait3A_116 = arith.constant 0 : i32
      %dma_wait3A_117 = arith.constant 0 : i32
      %dma_wait3A_118 = tpu.memref_slice %arg3[%dma_wait3A_116, %dma_wait3A_117] : memref<10000x16xf32, #tpu.memory_space<hbm>> -> memref<10000x16xf32, #tpu.memory_space<hbm>>
      tpu.wait_indirect_dma semaphore(%arg17 : memref<!tpu.dma_semaphore, #tpu.memory_space<semaphore_mem>>) src(%dma_wait3A_118 : memref<10000x16xf32, #tpu.memory_space<hbm>>) dst(%arg11 : memref<80x16xf32, #tpu.memory_space<vmem>>)
      %parallel_loop3A_119 = arith.constant 0 : i32
      %parallel_loop3A_120 = arith.constant 40 : i32
      %parallel_loop3A_121 = arith.constant 1 : i32
      scf.for %parallel_loop3A_379 = %parallel_loop3A_119 to %parallel_loop3A_120 step %parallel_loop3A_121  : i32 {
        %parallel_loop3A_380 = arith.index_cast %parallel_loop3A_379 : i32 to index
        %parallel_loop3A_381 = arith.constant 128 : index
        %parallel_loop3A_382 = tpu.vector_load %arg9[%parallel_loop3A_380, %parallel_loop3A_381] {strides = array<i32>} : memref<80x144xf32, #tpu.memory_space<vmem>>, vector<1x16xf32>,
        %parallel_loop3A_383 = vector.shape_cast %parallel_loop3A_382 : vector<1x16xf32> to vector<16xf32>
        %parallel_loop3A_384 = arith.index_cast %parallel_loop3A_379 : i32 to index
        %parallel_loop3A_385 = arith.constant 0 : index
        %parallel_loop3A_386 = tpu.vector_load %arg11[%parallel_loop3A_384, %parallel_loop3A_385] {strides = array<i32>} : memref<80x16xf32, #tpu.memory_space<vmem>>, vector<1x16xf32>,
        %parallel_loop3A_387 = vector.shape_cast %parallel_loop3A_386 : vector<1x16xf32> to vector<16xf32>
        %parallel_loop3A_388 = arith.addf %parallel_loop3A_383, %parallel_loop3A_387 : vector<16xf32>
        %parallel_loop3A_389 = arith.constant 0.000000e+00 : f32
        %parallel_loop3A_390 = vector.broadcast %parallel_loop3A_389 : f32 to vector<16xf32>
        %parallel_loop3A_391 = arith.cmpf ogt, %parallel_loop3A_388, %parallel_loop3A_390 : vector<16xf32>
        %parallel_loop3A_392 = arith.constant 2.000000e-01 : f32
        %parallel_loop3A_393 = vector.broadcast %parallel_loop3A_392 : f32 to vector<16xf32>
        %parallel_loop3A_394 = arith.mulf %parallel_loop3A_393, %parallel_loop3A_388 : vector<16xf32>
        %parallel_loop3A_395 = arith.select %parallel_loop3A_391, %parallel_loop3A_388, %parallel_loop3A_394 : vector<16xi1>, vector<16xf32>
        %parallel_loop3A_396 = math.exp %parallel_loop3A_395 : vector<16xf32>
        %parallel_loop3A_397 = arith.index_cast %parallel_loop3A_379 : i32 to index
        %parallel_loop3A_398 = arith.constant 128 : index
        %parallel_loop3A_399 = tpu.vector_load %arg9[%parallel_loop3A_397, %parallel_loop3A_398] {strides = array<i32>} : memref<80x144xf32, #tpu.memory_space<vmem>>, vector<1x16xf32>,
        %parallel_loop3A_400 = vector.shape_cast %parallel_loop3A_399 : vector<1x16xf32> to vector<16xf32>
        %parallel_loop3A_401 = vector.shape_cast %parallel_loop3A_396 : vector<16xf32> to vector<1x16xf32>
        tpu.vector_store %arg9[%parallel_loop3A_397, %parallel_loop3A_398], %parallel_loop3A_401 {strides = array<i32>} : memref<80x144xf32, #tpu.memory_space<vmem>>, vector<1x16xf32>,
        %parallel_loop3A_402 = vector.extract_strided_slice %parallel_loop3A_396 {offsets = [0], sizes = [1], strides = [1]} : vector<16xf32> to vector<1xf32>
        %parallel_loop3A_403 = vector.extract %parallel_loop3A_402[0] : f32 from vector<1xf32>
        %parallel_loop3A_404 = arith.index_cast %parallel_loop3A_379 : i32 to index
        %parallel_loop3A_405 = arith.constant 0 : index
        %parallel_loop3A_406 = tpu.vector_load %arg9[%parallel_loop3A_404, %parallel_loop3A_405] {strides = array<i32>} : memref<80x144xf32, #tpu.memory_space<vmem>>, vector<1x16xf32>,
        %parallel_loop3A_407 = vector.shape_cast %parallel_loop3A_406 : vector<1x16xf32> to vector<16xf32>
        %parallel_loop3A_408 = vector.broadcast %parallel_loop3A_403 : f32 to vector<16xf32>
        %parallel_loop3A_409 = arith.mulf %parallel_loop3A_407, %parallel_loop3A_408 : vector<16xf32>
        %parallel_loop3A_410 = arith.index_cast %parallel_loop3A_379 : i32 to index
        %parallel_loop3A_411 = arith.constant 0 : index
        %parallel_loop3A_412 = tpu.vector_load %arg9[%parallel_loop3A_410, %parallel_loop3A_411] {strides = array<i32>} : memref<80x144xf32, #tpu.memory_space<vmem>>, vector<1x16xf32>,
        %parallel_loop3A_413 = vector.shape_cast %parallel_loop3A_412 : vector<1x16xf32> to vector<16xf32>
        %parallel_loop3A_414 = vector.shape_cast %parallel_loop3A_409 : vector<16xf32> to vector<1x16xf32>
        tpu.vector_store %arg9[%parallel_loop3A_410, %parallel_loop3A_411], %parallel_loop3A_414 {strides = array<i32>} : memref<80x144xf32, #tpu.memory_space<vmem>>, vector<1x16xf32>,
        %parallel_loop3A_415 = vector.extract_strided_slice %parallel_loop3A_396 {offsets = [0], sizes = [1], strides = [1]} : vector<16xf32> to vector<1xf32>
        %parallel_loop3A_416 = vector.extract %parallel_loop3A_415[0] : f32 from vector<1xf32>
        %parallel_loop3A_417 = arith.index_cast %parallel_loop3A_379 : i32 to index
        %parallel_loop3A_418 = arith.constant 16 : index
        %parallel_loop3A_419 = tpu.vector_load %arg9[%parallel_loop3A_417, %parallel_loop3A_418] {strides = array<i32>} : memref<80x144xf32, #tpu.memory_space<vmem>>, vector<1x16xf32>,
        %parallel_loop3A_420 = vector.shape_cast %parallel_loop3A_419 : vector<1x16xf32> to vector<16xf32>
        %parallel_loop3A_421 = vector.broadcast %parallel_loop3A_416 : f32 to vector<16xf32>
        %parallel_loop3A_422 = arith.mulf %parallel_loop3A_420, %parallel_loop3A_421 : vector<16xf32>
        %parallel_loop3A_423 = arith.index_cast %parallel_loop3A_379 : i32 to index
        %parallel_loop3A_424 = arith.constant 16 : index
        %parallel_loop3A_425 = tpu.vector_load %arg9[%parallel_loop3A_423, %parallel_loop3A_424] {strides = array<i32>} : memref<80x144xf32, #tpu.memory_space<vmem>>, vector<1x16xf32>,
        %parallel_loop3A_426 = vector.shape_cast %parallel_loop3A_425 : vector<1x16xf32> to vector<16xf32>
        %parallel_loop3A_427 = vector.shape_cast %parallel_loop3A_422 : vector<16xf32> to vector<1x16xf32>
        tpu.vector_store %arg9[%parallel_loop3A_423, %parallel_loop3A_424], %parallel_loop3A_427 {strides = array<i32>} : memref<80x144xf32, #tpu.memory_space<vmem>>, vector<1x16xf32>,
        %parallel_loop3A_428 = vector.extract_strided_slice %parallel_loop3A_396 {offsets = [1], sizes = [1], strides = [1]} : vector<16xf32> to vector<1xf32>
        %parallel_loop3A_429 = vector.extract %parallel_loop3A_428[0] : f32 from vector<1xf32>
        %parallel_loop3A_430 = arith.index_cast %parallel_loop3A_379 : i32 to index
        %parallel_loop3A_431 = arith.constant 32 : index
        %parallel_loop3A_432 = tpu.vector_load %arg9[%parallel_loop3A_430, %parallel_loop3A_431] {strides = array<i32>} : memref<80x144xf32, #tpu.memory_space<vmem>>, vector<1x16xf32>,
        %parallel_loop3A_433 = vector.shape_cast %parallel_loop3A_432 : vector<1x16xf32> to vector<16xf32>
        %parallel_loop3A_434 = vector.broadcast %parallel_loop3A_429 : f32 to vector<16xf32>
        %parallel_loop3A_435 = arith.mulf %parallel_loop3A_433, %parallel_loop3A_434 : vector<16xf32>
        %parallel_loop3A_436 = arith.index_cast %parallel_loop3A_379 : i32 to index
        %parallel_loop3A_437 = arith.constant 32 : index
        %parallel_loop3A_438 = tpu.vector_load %arg9[%parallel_loop3A_436, %parallel_loop3A_437] {strides = array<i32>} : memref<80x144xf32, #tpu.memory_space<vmem>>, vector<1x16xf32>,
        %parallel_loop3A_439 = vector.shape_cast %parallel_loop3A_438 : vector<1x16xf32> to vector<16xf32>
        %parallel_loop3A_440 = vector.shape_cast %parallel_loop3A_435 : vector<16xf32> to vector<1x16xf32>
        tpu.vector_store %arg9[%parallel_loop3A_436, %parallel_loop3A_437], %parallel_loop3A_440 {strides = array<i32>} : memref<80x144xf32, #tpu.memory_space<vmem>>, vector<1x16xf32>,
        %parallel_loop3A_441 = vector.extract_strided_slice %parallel_loop3A_396 {offsets = [1], sizes = [1], strides = [1]} : vector<16xf32> to vector<1xf32>
        %parallel_loop3A_442 = vector.extract %parallel_loop3A_441[0] : f32 from vector<1xf32>
        %parallel_loop3A_443 = arith.index_cast %parallel_loop3A_379 : i32 to index
        %parallel_loop3A_444 = arith.constant 48 : index
        %parallel_loop3A_445 = tpu.vector_load %arg9[%parallel_loop3A_443, %parallel_loop3A_444] {strides = array<i32>} : memref<80x144xf32, #tpu.memory_space<vmem>>, vector<1x16xf32>,
        %parallel_loop3A_446 = vector.shape_cast %parallel_loop3A_445 : vector<1x16xf32> to vector<16xf32>
        %parallel_loop3A_447 = vector.broadcast %parallel_loop3A_442 : f32 to vector<16xf32>
        %parallel_loop3A_448 = arith.mulf %parallel_loop3A_446, %parallel_loop3A_447 : vector<16xf32>
        %parallel_loop3A_449 = arith.index_cast %parallel_loop3A_379 : i32 to index
        %parallel_loop3A_450 = arith.constant 48 : index
        %parallel_loop3A_451 = tpu.vector_load %arg9[%parallel_loop3A_449, %parallel_loop3A_450] {strides = array<i32>} : memref<80x144xf32, #tpu.memory_space<vmem>>, vector<1x16xf32>,
        %parallel_loop3A_452 = vector.shape_cast %parallel_loop3A_451 : vector<1x16xf32> to vector<16xf32>
        %parallel_loop3A_453 = vector.shape_cast %parallel_loop3A_448 : vector<16xf32> to vector<1x16xf32>
        tpu.vector_store %arg9[%parallel_loop3A_449, %parallel_loop3A_450], %parallel_loop3A_453 {strides = array<i32>} : memref<80x144xf32, #tpu.memory_space<vmem>>, vector<1x16xf32>,
        %parallel_loop3A_454 = vector.extract_strided_slice %parallel_loop3A_396 {offsets = [2], sizes = [1], strides = [1]} : vector<16xf32> to vector<1xf32>
        %parallel_loop3A_455 = vector.extract %parallel_loop3A_454[0] : f32 from vector<1xf32>
        %parallel_loop3A_456 = arith.index_cast %parallel_loop3A_379 : i32 to index
        %parallel_loop3A_457 = arith.constant 64 : index
        %parallel_loop3A_458 = tpu.vector_load %arg9[%parallel_loop3A_456, %parallel_loop3A_457] {strides = array<i32>} : memref<80x144xf32, #tpu.memory_space<vmem>>, vector<1x16xf32>,
        %parallel_loop3A_459 = vector.shape_cast %parallel_loop3A_458 : vector<1x16xf32> to vector<16xf32>
        %parallel_loop3A_460 = vector.broadcast %parallel_loop3A_455 : f32 to vector<16xf32>
        %parallel_loop3A_461 = arith.mulf %parallel_loop3A_459, %parallel_loop3A_460 : vector<16xf32>
        %parallel_loop3A_462 = arith.index_cast %parallel_loop3A_379 : i32 to index
        %parallel_loop3A_463 = arith.constant 64 : index
        %parallel_loop3A_464 = tpu.vector_load %arg9[%parallel_loop3A_462, %parallel_loop3A_463] {strides = array<i32>} : memref<80x144xf32, #tpu.memory_space<vmem>>, vector<1x16xf32>,
        %parallel_loop3A_465 = vector.shape_cast %parallel_loop3A_464 : vector<1x16xf32> to vector<16xf32>
        %parallel_loop3A_466 = vector.shape_cast %parallel_loop3A_461 : vector<16xf32> to vector<1x16xf32>
        tpu.vector_store %arg9[%parallel_loop3A_462, %parallel_loop3A_463], %parallel_loop3A_466 {strides = array<i32>} : memref<80x144xf32, #tpu.memory_space<vmem>>, vector<1x16xf32>,
        %parallel_loop3A_467 = vector.extract_strided_slice %parallel_loop3A_396 {offsets = [2], sizes = [1], strides = [1]} : vector<16xf32> to vector<1xf32>
        %parallel_loop3A_468 = vector.extract %parallel_loop3A_467[0] : f32 from vector<1xf32>
        %parallel_loop3A_469 = arith.index_cast %parallel_loop3A_379 : i32 to index
        %parallel_loop3A_470 = arith.constant 80 : index
        %parallel_loop3A_471 = tpu.vector_load %arg9[%parallel_loop3A_469, %parallel_loop3A_470] {strides = array<i32>} : memref<80x144xf32, #tpu.memory_space<vmem>>, vector<1x16xf32>,
        %parallel_loop3A_472 = vector.shape_cast %parallel_loop3A_471 : vector<1x16xf32> to vector<16xf32>
        %parallel_loop3A_473 = vector.broadcast %parallel_loop3A_468 : f32 to vector<16xf32>
        %parallel_loop3A_474 = arith.mulf %parallel_loop3A_472, %parallel_loop3A_473 : vector<16xf32>
        %parallel_loop3A_475 = arith.index_cast %parallel_loop3A_379 : i32 to index
        %parallel_loop3A_476 = arith.constant 80 : index
        %parallel_loop3A_477 = tpu.vector_load %arg9[%parallel_loop3A_475, %parallel_loop3A_476] {strides = array<i32>} : memref<80x144xf32, #tpu.memory_space<vmem>>, vector<1x16xf32>,
        %parallel_loop3A_478 = vector.shape_cast %parallel_loop3A_477 : vector<1x16xf32> to vector<16xf32>
        %parallel_loop3A_479 = vector.shape_cast %parallel_loop3A_474 : vector<16xf32> to vector<1x16xf32>
        tpu.vector_store %arg9[%parallel_loop3A_475, %parallel_loop3A_476], %parallel_loop3A_479 {strides = array<i32>} : memref<80x144xf32, #tpu.memory_space<vmem>>, vector<1x16xf32>,
        %parallel_loop3A_480 = vector.extract_strided_slice %parallel_loop3A_396 {offsets = [3], sizes = [1], strides = [1]} : vector<16xf32> to vector<1xf32>
        %parallel_loop3A_481 = vector.extract %parallel_loop3A_480[0] : f32 from vector<1xf32>
        %parallel_loop3A_482 = arith.index_cast %parallel_loop3A_379 : i32 to index
        %parallel_loop3A_483 = arith.constant 96 : index
        %parallel_loop3A_484 = tpu.vector_load %arg9[%parallel_loop3A_482, %parallel_loop3A_483] {strides = array<i32>} : memref<80x144xf32, #tpu.memory_space<vmem>>, vector<1x16xf32>,
        %parallel_loop3A_485 = vector.shape_cast %parallel_loop3A_484 : vector<1x16xf32> to vector<16xf32>
        %parallel_loop3A_486 = vector.broadcast %parallel_loop3A_481 : f32 to vector<16xf32>
        %parallel_loop3A_487 = arith.mulf %parallel_loop3A_485, %parallel_loop3A_486 : vector<16xf32>
        %parallel_loop3A_488 = arith.index_cast %parallel_loop3A_379 : i32 to index
        %parallel_loop3A_489 = arith.constant 96 : index
        %parallel_loop3A_490 = tpu.vector_load %arg9[%parallel_loop3A_488, %parallel_loop3A_489] {strides = array<i32>} : memref<80x144xf32, #tpu.memory_space<vmem>>, vector<1x16xf32>,
        %parallel_loop3A_491 = vector.shape_cast %parallel_loop3A_490 : vector<1x16xf32> to vector<16xf32>
        %parallel_loop3A_492 = vector.shape_cast %parallel_loop3A_487 : vector<16xf32> to vector<1x16xf32>
        tpu.vector_store %arg9[%parallel_loop3A_488, %parallel_loop3A_489], %parallel_loop3A_492 {strides = array<i32>} : memref<80x144xf32, #tpu.memory_space<vmem>>, vector<1x16xf32>,
        %parallel_loop3A_493 = vector.extract_strided_slice %parallel_loop3A_396 {offsets = [3], sizes = [1], strides = [1]} : vector<16xf32> to vector<1xf32>
        %parallel_loop3A_494 = vector.extract %parallel_loop3A_493[0] : f32 from vector<1xf32>
        %parallel_loop3A_495 = arith.index_cast %parallel_loop3A_379 : i32 to index
        %parallel_loop3A_496 = arith.constant 112 : index
        %parallel_loop3A_497 = tpu.vector_load %arg9[%parallel_loop3A_495, %parallel_loop3A_496] {strides = array<i32>} : memref<80x144xf32, #tpu.memory_space<vmem>>, vector<1x16xf32>,
        %parallel_loop3A_498 = vector.shape_cast %parallel_loop3A_497 : vector<1x16xf32> to vector<16xf32>
        %parallel_loop3A_499 = vector.broadcast %parallel_loop3A_494 : f32 to vector<16xf32>
        %parallel_loop3A_500 = arith.mulf %parallel_loop3A_498, %parallel_loop3A_499 : vector<16xf32>
        %parallel_loop3A_501 = arith.index_cast %parallel_loop3A_379 : i32 to index
        %parallel_loop3A_502 = arith.constant 112 : index
        %parallel_loop3A_503 = tpu.vector_load %arg9[%parallel_loop3A_501, %parallel_loop3A_502] {strides = array<i32>} : memref<80x144xf32, #tpu.memory_space<vmem>>, vector<1x16xf32>,
        %parallel_loop3A_504 = vector.shape_cast %parallel_loop3A_503 : vector<1x16xf32> to vector<16xf32>
        %parallel_loop3A_505 = vector.shape_cast %parallel_loop3A_500 : vector<16xf32> to vector<1x16xf32>
        tpu.vector_store %arg9[%parallel_loop3A_501, %parallel_loop3A_502], %parallel_loop3A_505 {strides = array<i32>} : memref<80x144xf32, #tpu.memory_space<vmem>>, vector<1x16xf32>,
      } {sc.loop_unroll_factor = 4 : i64, sc.parallel_access}
      %dma_start3A_122 = arith.constant 0 : i32
      %dma_start3A_123 = arith.constant 0 : i32
      %dma_start3A_124 = tpu.memref_slice %arg9[%dma_start3A_122, %dma_start3A_123] : memref<80x144xf32, #tpu.memory_space<vmem>> -> memref<40x144xf32, #tpu.memory_space<vmem>>
      %dma_start3A_125 = arith.constant 0 : i32
      %dma_start3A_126 = tpu.memref_slice %arg13[%dma_start3A_125] : memref<80xi32, #tpu.memory_space<vmem>> -> memref<40xi32, #tpu.memory_space<vmem>>
      %dma_start3A_127 = arith.constant 0 : i32
      %dma_start3A_128 = arith.constant 0 : i32
      %dma_start3A_129 = tpu.memref_slice %arg25[%dma_start3A_127, %dma_start3A_128] : memref<10000x144xf32, #tpu.memory_space<vmem_shared>> -> memref<10000x144xf32, #tpu.memory_space<vmem_shared>>
      tpu.enqueue_indirect_dma source(%dma_start3A_124 : memref<40x144xf32, #tpu.memory_space<vmem>>) target(%dma_start3A_129 : memref<10000x144xf32, #tpu.memory_space<vmem_shared>>) offsets(%dma_start3A_126 : memref<40xi32, #tpu.memory_space<vmem>>) semaphore(%arg23 : memref<!tpu.dma_semaphore, #tpu.memory_space<semaphore_mem>>) {add = true}
      %parallel_loop3A_130 = arith.constant 40 : i32
      %parallel_loop3A_131 = arith.constant 80 : i32
      %parallel_loop3A_132 = arith.constant 1 : i32
      scf.for %parallel_loop3A_379 = %parallel_loop3A_130 to %parallel_loop3A_131 step %parallel_loop3A_132  : i32 {
        %parallel_loop3A_380 = arith.index_cast %parallel_loop3A_379 : i32 to index
        %parallel_loop3A_381 = arith.constant 128 : index
        %parallel_loop3A_382 = tpu.vector_load %arg9[%parallel_loop3A_380, %parallel_loop3A_381] {strides = array<i32>} : memref<80x144xf32, #tpu.memory_space<vmem>>, vector<1x16xf32>,
        %parallel_loop3A_383 = vector.shape_cast %parallel_loop3A_382 : vector<1x16xf32> to vector<16xf32>
        %parallel_loop3A_384 = arith.index_cast %parallel_loop3A_379 : i32 to index
        %parallel_loop3A_385 = arith.constant 0 : index
        %parallel_loop3A_386 = tpu.vector_load %arg11[%parallel_loop3A_384, %parallel_loop3A_385] {strides = array<i32>} : memref<80x16xf32, #tpu.memory_space<vmem>>, vector<1x16xf32>,
        %parallel_loop3A_387 = vector.shape_cast %parallel_loop3A_386 : vector<1x16xf32> to vector<16xf32>
        %parallel_loop3A_388 = arith.addf %parallel_loop3A_383, %parallel_loop3A_387 : vector<16xf32>
        %parallel_loop3A_389 = arith.constant 0.000000e+00 : f32
        %parallel_loop3A_390 = vector.broadcast %parallel_loop3A_389 : f32 to vector<16xf32>
        %parallel_loop3A_391 = arith.cmpf ogt, %parallel_loop3A_388, %parallel_loop3A_390 : vector<16xf32>
        %parallel_loop3A_392 = arith.constant 2.000000e-01 : f32
        %parallel_loop3A_393 = vector.broadcast %parallel_loop3A_392 : f32 to vector<16xf32>
        %parallel_loop3A_394 = arith.mulf %parallel_loop3A_393, %parallel_loop3A_388 : vector<16xf32>
        %parallel_loop3A_395 = arith.select %parallel_loop3A_391, %parallel_loop3A_388, %parallel_loop3A_394 : vector<16xi1>, vector<16xf32>
        %parallel_loop3A_396 = math.exp %parallel_loop3A_395 : vector<16xf32>
        %parallel_loop3A_397 = arith.index_cast %parallel_loop3A_379 : i32 to index
        %parallel_loop3A_398 = arith.constant 128 : index
        %parallel_loop3A_399 = tpu.vector_load %arg9[%parallel_loop3A_397, %parallel_loop3A_398] {strides = array<i32>} : memref<80x144xf32, #tpu.memory_space<vmem>>, vector<1x16xf32>,
        %parallel_loop3A_400 = vector.shape_cast %parallel_loop3A_399 : vector<1x16xf32> to vector<16xf32>
        %parallel_loop3A_401 = vector.shape_cast %parallel_loop3A_396 : vector<16xf32> to vector<1x16xf32>
        tpu.vector_store %arg9[%parallel_loop3A_397, %parallel_loop3A_398], %parallel_loop3A_401 {strides = array<i32>} : memref<80x144xf32, #tpu.memory_space<vmem>>, vector<1x16xf32>,
        %parallel_loop3A_402 = vector.extract_strided_slice %parallel_loop3A_396 {offsets = [0], sizes = [1], strides = [1]} : vector<16xf32> to vector<1xf32>
        %parallel_loop3A_403 = vector.extract %parallel_loop3A_402[0] : f32 from vector<1xf32>
        %parallel_loop3A_404 = arith.index_cast %parallel_loop3A_379 : i32 to index
        %parallel_loop3A_405 = arith.constant 0 : index
        %parallel_loop3A_406 = tpu.vector_load %arg9[%parallel_loop3A_404, %parallel_loop3A_405] {strides = array<i32>} : memref<80x144xf32, #tpu.memory_space<vmem>>, vector<1x16xf32>,
        %parallel_loop3A_407 = vector.shape_cast %parallel_loop3A_406 : vector<1x16xf32> to vector<16xf32>
        %parallel_loop3A_408 = vector.broadcast %parallel_loop3A_403 : f32 to vector<16xf32>
        %parallel_loop3A_409 = arith.mulf %parallel_loop3A_407, %parallel_loop3A_408 : vector<16xf32>
        %parallel_loop3A_410 = arith.index_cast %parallel_loop3A_379 : i32 to index
        %parallel_loop3A_411 = arith.constant 0 : index
        %parallel_loop3A_412 = tpu.vector_load %arg9[%parallel_loop3A_410, %parallel_loop3A_411] {strides = array<i32>} : memref<80x144xf32, #tpu.memory_space<vmem>>, vector<1x16xf32>,
        %parallel_loop3A_413 = vector.shape_cast %parallel_loop3A_412 : vector<1x16xf32> to vector<16xf32>
        %parallel_loop3A_414 = vector.shape_cast %parallel_loop3A_409 : vector<16xf32> to vector<1x16xf32>
        tpu.vector_store %arg9[%parallel_loop3A_410, %parallel_loop3A_411], %parallel_loop3A_414 {strides = array<i32>} : memref<80x144xf32, #tpu.memory_space<vmem>>, vector<1x16xf32>,
        %parallel_loop3A_415 = vector.extract_strided_slice %parallel_loop3A_396 {offsets = [0], sizes = [1], strides = [1]} : vector<16xf32> to vector<1xf32>
        %parallel_loop3A_416 = vector.extract %parallel_loop3A_415[0] : f32 from vector<1xf32>
        %parallel_loop3A_417 = arith.index_cast %parallel_loop3A_379 : i32 to index
        %parallel_loop3A_418 = arith.constant 16 : index
        %parallel_loop3A_419 = tpu.vector_load %arg9[%parallel_loop3A_417, %parallel_loop3A_418] {strides = array<i32>} : memref<80x144xf32, #tpu.memory_space<vmem>>, vector<1x16xf32>,
        %parallel_loop3A_420 = vector.shape_cast %parallel_loop3A_419 : vector<1x16xf32> to vector<16xf32>
        %parallel_loop3A_421 = vector.broadcast %parallel_loop3A_416 : f32 to vector<16xf32>
        %parallel_loop3A_422 = arith.mulf %parallel_loop3A_420, %parallel_loop3A_421 : vector<16xf32>
        %parallel_loop3A_423 = arith.index_cast %parallel_loop3A_379 : i32 to index
        %parallel_loop3A_424 = arith.constant 16 : index
        %parallel_loop3A_425 = tpu.vector_load %arg9[%parallel_loop3A_423, %parallel_loop3A_424] {strides = array<i32>} : memref<80x144xf32, #tpu.memory_space<vmem>>, vector<1x16xf32>,
        %parallel_loop3A_426 = vector.shape_cast %parallel_loop3A_425 : vector<1x16xf32> to vector<16xf32>
        %parallel_loop3A_427 = vector.shape_cast %parallel_loop3A_422 : vector<16xf32> to vector<1x16xf32>
        tpu.vector_store %arg9[%parallel_loop3A_423, %parallel_loop3A_424], %parallel_loop3A_427 {strides = array<i32>} : memref<80x144xf32, #tpu.memory_space<vmem>>, vector<1x16xf32>,
        %parallel_loop3A_428 = vector.extract_strided_slice %parallel_loop3A_396 {offsets = [1], sizes = [1], strides = [1]} : vector<16xf32> to vector<1xf32>
        %parallel_loop3A_429 = vector.extract %parallel_loop3A_428[0] : f32 from vector<1xf32>
        %parallel_loop3A_430 = arith.index_cast %parallel_loop3A_379 : i32 to index
        %parallel_loop3A_431 = arith.constant 32 : index
        %parallel_loop3A_432 = tpu.vector_load %arg9[%parallel_loop3A_430, %parallel_loop3A_431] {strides = array<i32>} : memref<80x144xf32, #tpu.memory_space<vmem>>, vector<1x16xf32>,
        %parallel_loop3A_433 = vector.shape_cast %parallel_loop3A_432 : vector<1x16xf32> to vector<16xf32>
        %parallel_loop3A_434 = vector.broadcast %parallel_loop3A_429 : f32 to vector<16xf32>
        %parallel_loop3A_435 = arith.mulf %parallel_loop3A_433, %parallel_loop3A_434 : vector<16xf32>
        %parallel_loop3A_436 = arith.index_cast %parallel_loop3A_379 : i32 to index
        %parallel_loop3A_437 = arith.constant 32 : index
        %parallel_loop3A_438 = tpu.vector_load %arg9[%parallel_loop3A_436, %parallel_loop3A_437] {strides = array<i32>} : memref<80x144xf32, #tpu.memory_space<vmem>>, vector<1x16xf32>,
        %parallel_loop3A_439 = vector.shape_cast %parallel_loop3A_438 : vector<1x16xf32> to vector<16xf32>
        %parallel_loop3A_440 = vector.shape_cast %parallel_loop3A_435 : vector<16xf32> to vector<1x16xf32>
        tpu.vector_store %arg9[%parallel_loop3A_436, %parallel_loop3A_437], %parallel_loop3A_440 {strides = array<i32>} : memref<80x144xf32, #tpu.memory_space<vmem>>, vector<1x16xf32>,
        %parallel_loop3A_441 = vector.extract_strided_slice %parallel_loop3A_396 {offsets = [1], sizes = [1], strides = [1]} : vector<16xf32> to vector<1xf32>
        %parallel_loop3A_442 = vector.extract %parallel_loop3A_441[0] : f32 from vector<1xf32>
        %parallel_loop3A_443 = arith.index_cast %parallel_loop3A_379 : i32 to index
        %parallel_loop3A_444 = arith.constant 48 : index
        %parallel_loop3A_445 = tpu.vector_load %arg9[%parallel_loop3A_443, %parallel_loop3A_444] {strides = array<i32>} : memref<80x144xf32, #tpu.memory_space<vmem>>, vector<1x16xf32>,
        %parallel_loop3A_446 = vector.shape_cast %parallel_loop3A_445 : vector<1x16xf32> to vector<16xf32>
        %parallel_loop3A_447 = vector.broadcast %parallel_loop3A_442 : f32 to vector<16xf32>
        %parallel_loop3A_448 = arith.mulf %parallel_loop3A_446, %parallel_loop3A_447 : vector<16xf32>
        %parallel_loop3A_449 = arith.index_cast %parallel_loop3A_379 : i32 to index
        %parallel_loop3A_450 = arith.constant 48 : index
        %parallel_loop3A_451 = tpu.vector_load %arg9[%parallel_loop3A_449, %parallel_loop3A_450] {strides = array<i32>} : memref<80x144xf32, #tpu.memory_space<vmem>>, vector<1x16xf32>,
        %parallel_loop3A_452 = vector.shape_cast %parallel_loop3A_451 : vector<1x16xf32> to vector<16xf32>
        %parallel_loop3A_453 = vector.shape_cast %parallel_loop3A_448 : vector<16xf32> to vector<1x16xf32>
        tpu.vector_store %arg9[%parallel_loop3A_449, %parallel_loop3A_450], %parallel_loop3A_453 {strides = array<i32>} : memref<80x144xf32, #tpu.memory_space<vmem>>, vector<1x16xf32>,
        %parallel_loop3A_454 = vector.extract_strided_slice %parallel_loop3A_396 {offsets = [2], sizes = [1], strides = [1]} : vector<16xf32> to vector<1xf32>
        %parallel_loop3A_455 = vector.extract %parallel_loop3A_454[0] : f32 from vector<1xf32>
        %parallel_loop3A_456 = arith.index_cast %parallel_loop3A_379 : i32 to index
        %parallel_loop3A_457 = arith.constant 64 : index
        %parallel_loop3A_458 = tpu.vector_load %arg9[%parallel_loop3A_456, %parallel_loop3A_457] {strides = array<i32>} : memref<80x144xf32, #tpu.memory_space<vmem>>, vector<1x16xf32>,
        %parallel_loop3A_459 = vector.shape_cast %parallel_loop3A_458 : vector<1x16xf32> to vector<16xf32>
        %parallel_loop3A_460 = vector.broadcast %parallel_loop3A_455 : f32 to vector<16xf32>
        %parallel_loop3A_461 = arith.mulf %parallel_loop3A_459, %parallel_loop3A_460 : vector<16xf32>
        %parallel_loop3A_462 = arith.index_cast %parallel_loop3A_379 : i32 to index
        %parallel_loop3A_463 = arith.constant 64 : index
        %parallel_loop3A_464 = tpu.vector_load %arg9[%parallel_loop3A_462, %parallel_loop3A_463] {strides = array<i32>} : memref<80x144xf32, #tpu.memory_space<vmem>>, vector<1x16xf32>,
        %parallel_loop3A_465 = vector.shape_cast %parallel_loop3A_464 : vector<1x16xf32> to vector<16xf32>
        %parallel_loop3A_466 = vector.shape_cast %parallel_loop3A_461 : vector<16xf32> to vector<1x16xf32>
        tpu.vector_store %arg9[%parallel_loop3A_462, %parallel_loop3A_463], %parallel_loop3A_466 {strides = array<i32>} : memref<80x144xf32, #tpu.memory_space<vmem>>, vector<1x16xf32>,
        %parallel_loop3A_467 = vector.extract_strided_slice %parallel_loop3A_396 {offsets = [2], sizes = [1], strides = [1]} : vector<16xf32> to vector<1xf32>
        %parallel_loop3A_468 = vector.extract %parallel_loop3A_467[0] : f32 from vector<1xf32>
        %parallel_loop3A_469 = arith.index_cast %parallel_loop3A_379 : i32 to index
        %parallel_loop3A_470 = arith.constant 80 : index
        %parallel_loop3A_471 = tpu.vector_load %arg9[%parallel_loop3A_469, %parallel_loop3A_470] {strides = array<i32>} : memref<80x144xf32, #tpu.memory_space<vmem>>, vector<1x16xf32>,
        %parallel_loop3A_472 = vector.shape_cast %parallel_loop3A_471 : vector<1x16xf32> to vector<16xf32>
        %parallel_loop3A_473 = vector.broadcast %parallel_loop3A_468 : f32 to vector<16xf32>
        %parallel_loop3A_474 = arith.mulf %parallel_loop3A_472, %parallel_loop3A_473 : vector<16xf32>
        %parallel_loop3A_475 = arith.index_cast %parallel_loop3A_379 : i32 to index
        %parallel_loop3A_476 = arith.constant 80 : index
        %parallel_loop3A_477 = tpu.vector_load %arg9[%parallel_loop3A_475, %parallel_loop3A_476] {strides = array<i32>} : memref<80x144xf32, #tpu.memory_space<vmem>>, vector<1x16xf32>,
        %parallel_loop3A_478 = vector.shape_cast %parallel_loop3A_477 : vector<1x16xf32> to vector<16xf32>
        %parallel_loop3A_479 = vector.shape_cast %parallel_loop3A_474 : vector<16xf32> to vector<1x16xf32>
        tpu.vector_store %arg9[%parallel_loop3A_475, %parallel_loop3A_476], %parallel_loop3A_479 {strides = array<i32>} : memref<80x144xf32, #tpu.memory_space<vmem>>, vector<1x16xf32>,
        %parallel_loop3A_480 = vector.extract_strided_slice %parallel_loop3A_396 {offsets = [3], sizes = [1], strides = [1]} : vector<16xf32> to vector<1xf32>
        %parallel_loop3A_481 = vector.extract %parallel_loop3A_480[0] : f32 from vector<1xf32>
        %parallel_loop3A_482 = arith.index_cast %parallel_loop3A_379 : i32 to index
        %parallel_loop3A_483 = arith.constant 96 : index
        %parallel_loop3A_484 = tpu.vector_load %arg9[%parallel_loop3A_482, %parallel_loop3A_483] {strides = array<i32>} : memref<80x144xf32, #tpu.memory_space<vmem>>, vector<1x16xf32>,
        %parallel_loop3A_485 = vector.shape_cast %parallel_loop3A_484 : vector<1x16xf32> to vector<16xf32>
        %parallel_loop3A_486 = vector.broadcast %parallel_loop3A_481 : f32 to vector<16xf32>
        %parallel_loop3A_487 = arith.mulf %parallel_loop3A_485, %parallel_loop3A_486 : vector<16xf32>
        %parallel_loop3A_488 = arith.index_cast %parallel_loop3A_379 : i32 to index
        %parallel_loop3A_489 = arith.constant 96 : index
        %parallel_loop3A_490 = tpu.vector_load %arg9[%parallel_loop3A_488, %parallel_loop3A_489] {strides = array<i32>} : memref<80x144xf32, #tpu.memory_space<vmem>>, vector<1x16xf32>,
        %parallel_loop3A_491 = vector.shape_cast %parallel_loop3A_490 : vector<1x16xf32> to vector<16xf32>
        %parallel_loop3A_492 = vector.shape_cast %parallel_loop3A_487 : vector<16xf32> to vector<1x16xf32>
        tpu.vector_store %arg9[%parallel_loop3A_488, %parallel_loop3A_489], %parallel_loop3A_492 {strides = array<i32>} : memref<80x144xf32, #tpu.memory_space<vmem>>, vector<1x16xf32>,
        %parallel_loop3A_493 = vector.extract_strided_slice %parallel_loop3A_396 {offsets = [3], sizes = [1], strides = [1]} : vector<16xf32> to vector<1xf32>
        %parallel_loop3A_494 = vector.extract %parallel_loop3A_493[0] : f32 from vector<1xf32>
        %parallel_loop3A_495 = arith.index_cast %parallel_loop3A_379 : i32 to index
        %parallel_loop3A_496 = arith.constant 112 : index
        %parallel_loop3A_497 = tpu.vector_load %arg9[%parallel_loop3A_495, %parallel_loop3A_496] {strides = array<i32>} : memref<80x144xf32, #tpu.memory_space<vmem>>, vector<1x16xf32>,
        %parallel_loop3A_498 = vector.shape_cast %parallel_loop3A_497 : vector<1x16xf32> to vector<16xf32>
        %parallel_loop3A_499 = vector.broadcast %parallel_loop3A_494 : f32 to vector<16xf32>
        %parallel_loop3A_500 = arith.mulf %parallel_loop3A_498, %parallel_loop3A_499 : vector<16xf32>
        %parallel_loop3A_501 = arith.index_cast %parallel_loop3A_379 : i32 to index
        %parallel_loop3A_502 = arith.constant 112 : index
        %parallel_loop3A_503 = tpu.vector_load %arg9[%parallel_loop3A_501, %parallel_loop3A_502] {strides = array<i32>} : memref<80x144xf32, #tpu.memory_space<vmem>>, vector<1x16xf32>,
        %parallel_loop3A_504 = vector.shape_cast %parallel_loop3A_503 : vector<1x16xf32> to vector<16xf32>
        %parallel_loop3A_505 = vector.shape_cast %parallel_loop3A_500 : vector<16xf32> to vector<1x16xf32>
        tpu.vector_store %arg9[%parallel_loop3A_501, %parallel_loop3A_502], %parallel_loop3A_505 {strides = array<i32>} : memref<80x144xf32, #tpu.memory_space<vmem>>, vector<1x16xf32>,
      } {sc.loop_unroll_factor = 4 : i64, sc.parallel_access}
      %dma_start3A_133 = arith.constant 40 : i32
      %dma_start3A_134 = arith.constant 0 : i32
      %dma_start3A_135 = tpu.memref_slice %arg9[%dma_start3A_133, %dma_start3A_134] : memref<80x144xf32, #tpu.memory_space<vmem>> -> memref<40x144xf32, #tpu.memory_space<vmem>>
      %dma_start3A_136 = arith.constant 40 : i32
      %dma_start3A_137 = tpu.memref_slice %arg13[%dma_start3A_136] : memref<80xi32, #tpu.memory_space<vmem>> -> memref<40xi32, #tpu.memory_space<vmem>>
      %dma_start3A_138 = arith.constant 0 : i32
      %dma_start3A_139 = arith.constant 0 : i32
      %dma_start3A_140 = tpu.memref_slice %arg25[%dma_start3A_138, %dma_start3A_139] : memref<10000x144xf32, #tpu.memory_space<vmem_shared>> -> memref<10000x144xf32, #tpu.memory_space<vmem_shared>>
      tpu.enqueue_indirect_dma source(%dma_start3A_135 : memref<40x144xf32, #tpu.memory_space<vmem>>) target(%dma_start3A_140 : memref<10000x144xf32, #tpu.memory_space<vmem_shared>>) offsets(%dma_start3A_137 : memref<40xi32, #tpu.memory_space<vmem>>) semaphore(%arg23 : memref<!tpu.dma_semaphore, #tpu.memory_space<semaphore_mem>>) {add = true}
      %dma_wait3A_141 = arith.constant 0 : i32
      %dma_wait3A_142 = arith.constant 0 : i32
      %dma_wait3A_143 = tpu.memref_slice %arg9[%dma_wait3A_141, %dma_wait3A_142] : memref<80x144xf32, #tpu.memory_space<vmem>> -> memref<40x144xf32, #tpu.memory_space<vmem>>
      %dma_wait3A_144 = arith.constant 0 : i32
      %dma_wait3A_145 = tpu.memref_slice %arg13[%dma_wait3A_144] : memref<80xi32, #tpu.memory_space<vmem>> -> memref<40xi32, #tpu.memory_space<vmem>>
      %dma_wait3A_146 = arith.constant 0 : i32
      %dma_wait3A_147 = arith.constant 0 : i32
      %dma_wait3A_148 = tpu.memref_slice %arg25[%dma_wait3A_146, %dma_wait3A_147] : memref<10000x144xf32, #tpu.memory_space<vmem_shared>> -> memref<10000x144xf32, #tpu.memory_space<vmem_shared>>
      tpu.wait_indirect_dma semaphore(%arg23 : memref<!tpu.dma_semaphore, #tpu.memory_space<semaphore_mem>>) src(%dma_wait3A_143 : memref<40x144xf32, #tpu.memory_space<vmem>>) dst(%dma_wait3A_148 : memref<10000x144xf32, #tpu.memory_space<vmem_shared>>)
      %dma_wait3A_149 = arith.constant 40 : i32
      %dma_wait3A_150 = arith.constant 0 : i32
      %dma_wait3A_151 = tpu.memref_slice %arg9[%dma_wait3A_149, %dma_wait3A_150] : memref<80x144xf32, #tpu.memory_space<vmem>> -> memref<40x144xf32, #tpu.memory_space<vmem>>
      %dma_wait3A_152 = arith.constant 40 : i32
      %dma_wait3A_153 = tpu.memref_slice %arg13[%dma_wait3A_152] : memref<80xi32, #tpu.memory_space<vmem>> -> memref<40xi32, #tpu.memory_space<vmem>>
      %dma_wait3A_154 = arith.constant 0 : i32
      %dma_wait3A_155 = arith.constant 0 : i32
      %dma_wait3A_156 = tpu.memref_slice %arg25[%dma_wait3A_154, %dma_wait3A_155] : memref<10000x144xf32, #tpu.memory_space<vmem_shared>> -> memref<10000x144xf32, #tpu.memory_space<vmem_shared>>
      tpu.wait_indirect_dma semaphore(%arg23 : memref<!tpu.dma_semaphore, #tpu.memory_space<semaphore_mem>>) src(%dma_wait3A_151 : memref<40x144xf32, #tpu.memory_space<vmem>>) dst(%dma_wait3A_156 : memref<10000x144xf32, #tpu.memory_space<vmem_shared>>)
      %mul3A_157 = arith.constant 4 : i32
      %mul3A_158 = arith.muli %mul3A_157, %scan3A_83 : i32
      %add3A_159 = arith.constant 1 : i32
      %add3A_160 = arith.addi %mul3A_158, %add3A_159 : i32
      %add3A_161 = arith.constant 2 : i32
      %add3A_162 = arith.addi %add3A_160, %add3A_161 : i32
      %lt3A_163 = arith.constant 125 : i32
      %lt3A_164 = arith.cmpi slt, %add3A_162, %lt3A_163 : i32
      %convert_element_type3A_165 = arith.extui %lt3A_164 : i1 to i32
      %cond3A_166 = arith.constant 0 : i32
      %cond3A_167 = arith.cmpi ne, %convert_element_type3A_165, %cond3A_166 : i32
      scf.if %cond3A_167 {
        %add3A_379 = arith.constant 2 : i32
        %add3A_380 = arith.addi %add3A_160, %add3A_379 : i32
        %mul3A_381 = arith.constant 80 : i32
        %mul3A_382 = arith.muli %add3A_380, %mul3A_381 : i32
        %add3A_383 = arith.addi %mul3A_6, %mul3A_382 : i32
        %dma_start3A_384 = tpu.memref_slice %arg5[%add3A_383] : memref<320000xi32, #tpu.memory_space<hbm>> -> memref<80xi32, #tpu.memory_space<hbm>>
        %dma_start3A_385 = tpu.memref_slice %arg5[%add3A_383] : memref<320000xi32, #tpu.memory_space<hbm>> -> memref<80xi32, #tpu.memory_space<hbm>>
        tpu.enqueue_dma source(%dma_start3A_385 : memref<80xi32, #tpu.memory_space<hbm>>) target(%arg16 : memref<80xi32, #tpu.memory_space<vmem>>) target_semaphore(%arg22 : memref<!tpu.dma_semaphore, #tpu.memory_space<semaphore_mem>>)
      } else {
      }
      %add3A_168 = arith.constant 1 : i32
      %add3A_169 = arith.addi %add3A_160, %add3A_168 : i32
      %mul3A_170 = arith.constant 80 : i32
      %mul3A_171 = arith.muli %add3A_169, %mul3A_170 : i32
      %add3A_172 = arith.addi %mul3A_6, %mul3A_171 : i32
      %dma_wait3A_173 = tpu.memref_slice %arg5[%add3A_172] : memref<320000xi32, #tpu.memory_space<hbm>> -> memref<80xi32, #tpu.memory_space<hbm>>
      %dma_wait3A_174 = tpu.memref_slice %arg5[%add3A_172] : memref<320000xi32, #tpu.memory_space<hbm>> -> memref<80xi32, #tpu.memory_space<hbm>>
      tpu.wait_dma2 semaphore(%arg21 : memref<!tpu.dma_semaphore, #tpu.memory_space<semaphore_mem>>) src(%dma_wait3A_174 : memref<80xi32, #tpu.memory_space<hbm>>) dst(%arg15 : memref<80xi32, #tpu.memory_space<vmem>>)
      %mul3A_175 = arith.constant 80 : i32
      %mul3A_176 = arith.muli %add3A_169, %mul3A_175 : i32
      %dma_start3A_177 = tpu.memref_slice %arg8[%mul3A_176] : memref<10000xi32, #tpu.memory_space<vmem>> -> memref<80xi32, #tpu.memory_space<vmem>>
      %dma_start3A_178 = arith.constant 0 : i32
      %dma_start3A_179 = arith.constant 0 : i32
      %dma_start3A_180 = tpu.memref_slice %arg2[%dma_start3A_178, %dma_start3A_179] : memref<10000x144xf32, #tpu.memory_space<hbm>> -> memref<10000x144xf32, #tpu.memory_space<hbm>>
      tpu.enqueue_indirect_dma source(%dma_start3A_180 : memref<10000x144xf32, #tpu.memory_space<hbm>>) target(%arg9 : memref<80x144xf32, #tpu.memory_space<vmem>>) offsets(%dma_start3A_177 : memref<80xi32, #tpu.memory_space<vmem>>) semaphore(%arg17 : memref<!tpu.dma_semaphore, #tpu.memory_space<semaphore_mem>>)
      %dma_start3A_181 = arith.constant 0 : i32
      %dma_start3A_182 = arith.constant 0 : i32
      %dma_start3A_183 = tpu.memref_slice %arg3[%dma_start3A_181, %dma_start3A_182] : memref<10000x16xf32, #tpu.memory_space<hbm>> -> memref<10000x16xf32, #tpu.memory_space<hbm>>
      tpu.enqueue_indirect_dma source(%dma_start3A_183 : memref<10000x16xf32, #tpu.memory_space<hbm>>) target(%arg11 : memref<80x16xf32, #tpu.memory_space<vmem>>) offsets(%arg15 : memref<80xi32, #tpu.memory_space<vmem>>) semaphore(%arg17 : memref<!tpu.dma_semaphore, #tpu.memory_space<semaphore_mem>>)
      %mul3A_184 = arith.constant 80 : i32
      %mul3A_185 = arith.muli %add3A_160, %mul3A_184 : i32
      %dma_wait3A_186 = tpu.memref_slice %arg8[%mul3A_185] : memref<10000xi32, #tpu.memory_space<vmem>> -> memref<80xi32, #tpu.memory_space<vmem>>
      %dma_wait3A_187 = arith.constant 0 : i32
      %dma_wait3A_188 = arith.constant 0 : i32
      %dma_wait3A_189 = tpu.memref_slice %arg2[%dma_wait3A_187, %dma_wait3A_188] : memref<10000x144xf32, #tpu.memory_space<hbm>> -> memref<10000x144xf32, #tpu.memory_space<hbm>>
      tpu.wait_indirect_dma semaphore(%arg18 : memref<!tpu.dma_semaphore, #tpu.memory_space<semaphore_mem>>) src(%dma_wait3A_189 : memref<10000x144xf32, #tpu.memory_space<hbm>>) dst(%arg10 : memref<80x144xf32, #tpu.memory_space<vmem>>)
      %dma_wait3A_190 = arith.constant 0 : i32
      %dma_wait3A_191 = arith.constant 0 : i32
      %dma_wait3A_192 = tpu.memref_slice %arg3[%dma_wait3A_190, %dma_wait3A_191] : memref<10000x16xf32, #tpu.memory_space<hbm>> -> memref<10000x16xf32, #tpu.memory_space<hbm>>
      tpu.wait_indirect_dma semaphore(%arg18 : memref<!tpu.dma_semaphore, #tpu.memory_space<semaphore_mem>>) src(%dma_wait3A_192 : memref<10000x16xf32, #tpu.memory_space<hbm>>) dst(%arg12 : memref<80x16xf32, #tpu.memory_space<vmem>>)
      %parallel_loop3A_193 = arith.constant 0 : i32
      %parallel_loop3A_194 = arith.constant 40 : i32
      %parallel_loop3A_195 = arith.constant 1 : i32
      scf.for %parallel_loop3A_379 = %parallel_loop3A_193 to %parallel_loop3A_194 step %parallel_loop3A_195  : i32 {
        %parallel_loop3A_380 = arith.index_cast %parallel_loop3A_379 : i32 to index
        %parallel_loop3A_381 = arith.constant 128 : index
        %parallel_loop3A_382 = tpu.vector_load %arg10[%parallel_loop3A_380, %parallel_loop3A_381] {strides = array<i32>} : memref<80x144xf32, #tpu.memory_space<vmem>>, vector<1x16xf32>,
        %parallel_loop3A_383 = vector.shape_cast %parallel_loop3A_382 : vector<1x16xf32> to vector<16xf32>
        %parallel_loop3A_384 = arith.index_cast %parallel_loop3A_379 : i32 to index
        %parallel_loop3A_385 = arith.constant 0 : index
        %parallel_loop3A_386 = tpu.vector_load %arg12[%parallel_loop3A_384, %parallel_loop3A_385] {strides = array<i32>} : memref<80x16xf32, #tpu.memory_space<vmem>>, vector<1x16xf32>,
        %parallel_loop3A_387 = vector.shape_cast %parallel_loop3A_386 : vector<1x16xf32> to vector<16xf32>
        %parallel_loop3A_388 = arith.addf %parallel_loop3A_383, %parallel_loop3A_387 : vector<16xf32>
        %parallel_loop3A_389 = arith.constant 0.000000e+00 : f32
        %parallel_loop3A_390 = vector.broadcast %parallel_loop3A_389 : f32 to vector<16xf32>
        %parallel_loop3A_391 = arith.cmpf ogt, %parallel_loop3A_388, %parallel_loop3A_390 : vector<16xf32>
        %parallel_loop3A_392 = arith.constant 2.000000e-01 : f32
        %parallel_loop3A_393 = vector.broadcast %parallel_loop3A_392 : f32 to vector<16xf32>
        %parallel_loop3A_394 = arith.mulf %parallel_loop3A_393, %parallel_loop3A_388 : vector<16xf32>
        %parallel_loop3A_395 = arith.select %parallel_loop3A_391, %parallel_loop3A_388, %parallel_loop3A_394 : vector<16xi1>, vector<16xf32>
        %parallel_loop3A_396 = math.exp %parallel_loop3A_395 : vector<16xf32>
        %parallel_loop3A_397 = arith.index_cast %parallel_loop3A_379 : i32 to index
        %parallel_loop3A_398 = arith.constant 128 : index
        %parallel_loop3A_399 = tpu.vector_load %arg10[%parallel_loop3A_397, %parallel_loop3A_398] {strides = array<i32>} : memref<80x144xf32, #tpu.memory_space<vmem>>, vector<1x16xf32>,
        %parallel_loop3A_400 = vector.shape_cast %parallel_loop3A_399 : vector<1x16xf32> to vector<16xf32>
        %parallel_loop3A_401 = vector.shape_cast %parallel_loop3A_396 : vector<16xf32> to vector<1x16xf32>
        tpu.vector_store %arg10[%parallel_loop3A_397, %parallel_loop3A_398], %parallel_loop3A_401 {strides = array<i32>} : memref<80x144xf32, #tpu.memory_space<vmem>>, vector<1x16xf32>,
        %parallel_loop3A_402 = vector.extract_strided_slice %parallel_loop3A_396 {offsets = [0], sizes = [1], strides = [1]} : vector<16xf32> to vector<1xf32>
        %parallel_loop3A_403 = vector.extract %parallel_loop3A_402[0] : f32 from vector<1xf32>
        %parallel_loop3A_404 = arith.index_cast %parallel_loop3A_379 : i32 to index
        %parallel_loop3A_405 = arith.constant 0 : index
        %parallel_loop3A_406 = tpu.vector_load %arg10[%parallel_loop3A_404, %parallel_loop3A_405] {strides = array<i32>} : memref<80x144xf32, #tpu.memory_space<vmem>>, vector<1x16xf32>,
        %parallel_loop3A_407 = vector.shape_cast %parallel_loop3A_406 : vector<1x16xf32> to vector<16xf32>
        %parallel_loop3A_408 = vector.broadcast %parallel_loop3A_403 : f32 to vector<16xf32>
        %parallel_loop3A_409 = arith.mulf %parallel_loop3A_407, %parallel_loop3A_408 : vector<16xf32>
        %parallel_loop3A_410 = arith.index_cast %parallel_loop3A_379 : i32 to index
        %parallel_loop3A_411 = arith.constant 0 : index
        %parallel_loop3A_412 = tpu.vector_load %arg10[%parallel_loop3A_410, %parallel_loop3A_411] {strides = array<i32>} : memref<80x144xf32, #tpu.memory_space<vmem>>, vector<1x16xf32>,
        %parallel_loop3A_413 = vector.shape_cast %parallel_loop3A_412 : vector<1x16xf32> to vector<16xf32>
        %parallel_loop3A_414 = vector.shape_cast %parallel_loop3A_409 : vector<16xf32> to vector<1x16xf32>
        tpu.vector_store %arg10[%parallel_loop3A_410, %parallel_loop3A_411], %parallel_loop3A_414 {strides = array<i32>} : memref<80x144xf32, #tpu.memory_space<vmem>>, vector<1x16xf32>,
        %parallel_loop3A_415 = vector.extract_strided_slice %parallel_loop3A_396 {offsets = [0], sizes = [1], strides = [1]} : vector<16xf32> to vector<1xf32>
        %parallel_loop3A_416 = vector.extract %parallel_loop3A_415[0] : f32 from vector<1xf32>
        %parallel_loop3A_417 = arith.index_cast %parallel_loop3A_379 : i32 to index
        %parallel_loop3A_418 = arith.constant 16 : index
        %parallel_loop3A_419 = tpu.vector_load %arg10[%parallel_loop3A_417, %parallel_loop3A_418] {strides = array<i32>} : memref<80x144xf32, #tpu.memory_space<vmem>>, vector<1x16xf32>,
        %parallel_loop3A_420 = vector.shape_cast %parallel_loop3A_419 : vector<1x16xf32> to vector<16xf32>
        %parallel_loop3A_421 = vector.broadcast %parallel_loop3A_416 : f32 to vector<16xf32>
        %parallel_loop3A_422 = arith.mulf %parallel_loop3A_420, %parallel_loop3A_421 : vector<16xf32>
        %parallel_loop3A_423 = arith.index_cast %parallel_loop3A_379 : i32 to index
        %parallel_loop3A_424 = arith.constant 16 : index
        %parallel_loop3A_425 = tpu.vector_load %arg10[%parallel_loop3A_423, %parallel_loop3A_424] {strides = array<i32>} : memref<80x144xf32, #tpu.memory_space<vmem>>, vector<1x16xf32>,
        %parallel_loop3A_426 = vector.shape_cast %parallel_loop3A_425 : vector<1x16xf32> to vector<16xf32>
        %parallel_loop3A_427 = vector.shape_cast %parallel_loop3A_422 : vector<16xf32> to vector<1x16xf32>
        tpu.vector_store %arg10[%parallel_loop3A_423, %parallel_loop3A_424], %parallel_loop3A_427 {strides = array<i32>} : memref<80x144xf32, #tpu.memory_space<vmem>>, vector<1x16xf32>,
        %parallel_loop3A_428 = vector.extract_strided_slice %parallel_loop3A_396 {offsets = [1], sizes = [1], strides = [1]} : vector<16xf32> to vector<1xf32>
        %parallel_loop3A_429 = vector.extract %parallel_loop3A_428[0] : f32 from vector<1xf32>
        %parallel_loop3A_430 = arith.index_cast %parallel_loop3A_379 : i32 to index
        %parallel_loop3A_431 = arith.constant 32 : index
        %parallel_loop3A_432 = tpu.vector_load %arg10[%parallel_loop3A_430, %parallel_loop3A_431] {strides = array<i32>} : memref<80x144xf32, #tpu.memory_space<vmem>>, vector<1x16xf32>,
        %parallel_loop3A_433 = vector.shape_cast %parallel_loop3A_432 : vector<1x16xf32> to vector<16xf32>
        %parallel_loop3A_434 = vector.broadcast %parallel_loop3A_429 : f32 to vector<16xf32>
        %parallel_loop3A_435 = arith.mulf %parallel_loop3A_433, %parallel_loop3A_434 : vector<16xf32>
        %parallel_loop3A_436 = arith.index_cast %parallel_loop3A_379 : i32 to index
        %parallel_loop3A_437 = arith.constant 32 : index
        %parallel_loop3A_438 = tpu.vector_load %arg10[%parallel_loop3A_436, %parallel_loop3A_437] {strides = array<i32>} : memref<80x144xf32, #tpu.memory_space<vmem>>, vector<1x16xf32>,
        %parallel_loop3A_439 = vector.shape_cast %parallel_loop3A_438 : vector<1x16xf32> to vector<16xf32>
        %parallel_loop3A_440 = vector.shape_cast %parallel_loop3A_435 : vector<16xf32> to vector<1x16xf32>
        tpu.vector_store %arg10[%parallel_loop3A_436, %parallel_loop3A_437], %parallel_loop3A_440 {strides = array<i32>} : memref<80x144xf32, #tpu.memory_space<vmem>>, vector<1x16xf32>,
        %parallel_loop3A_441 = vector.extract_strided_slice %parallel_loop3A_396 {offsets = [1], sizes = [1], strides = [1]} : vector<16xf32> to vector<1xf32>
        %parallel_loop3A_442 = vector.extract %parallel_loop3A_441[0] : f32 from vector<1xf32>
        %parallel_loop3A_443 = arith.index_cast %parallel_loop3A_379 : i32 to index
        %parallel_loop3A_444 = arith.constant 48 : index
        %parallel_loop3A_445 = tpu.vector_load %arg10[%parallel_loop3A_443, %parallel_loop3A_444] {strides = array<i32>} : memref<80x144xf32, #tpu.memory_space<vmem>>, vector<1x16xf32>,
        %parallel_loop3A_446 = vector.shape_cast %parallel_loop3A_445 : vector<1x16xf32> to vector<16xf32>
        %parallel_loop3A_447 = vector.broadcast %parallel_loop3A_442 : f32 to vector<16xf32>
        %parallel_loop3A_448 = arith.mulf %parallel_loop3A_446, %parallel_loop3A_447 : vector<16xf32>
        %parallel_loop3A_449 = arith.index_cast %parallel_loop3A_379 : i32 to index
        %parallel_loop3A_450 = arith.constant 48 : index
        %parallel_loop3A_451 = tpu.vector_load %arg10[%parallel_loop3A_449, %parallel_loop3A_450] {strides = array<i32>} : memref<80x144xf32, #tpu.memory_space<vmem>>, vector<1x16xf32>,
        %parallel_loop3A_452 = vector.shape_cast %parallel_loop3A_451 : vector<1x16xf32> to vector<16xf32>
        %parallel_loop3A_453 = vector.shape_cast %parallel_loop3A_448 : vector<16xf32> to vector<1x16xf32>
        tpu.vector_store %arg10[%parallel_loop3A_449, %parallel_loop3A_450], %parallel_loop3A_453 {strides = array<i32>} : memref<80x144xf32, #tpu.memory_space<vmem>>, vector<1x16xf32>,
        %parallel_loop3A_454 = vector.extract_strided_slice %parallel_loop3A_396 {offsets = [2], sizes = [1], strides = [1]} : vector<16xf32> to vector<1xf32>
        %parallel_loop3A_455 = vector.extract %parallel_loop3A_454[0] : f32 from vector<1xf32>
        %parallel_loop3A_456 = arith.index_cast %parallel_loop3A_379 : i32 to index
        %parallel_loop3A_457 = arith.constant 64 : index
        %parallel_loop3A_458 = tpu.vector_load %arg10[%parallel_loop3A_456, %parallel_loop3A_457] {strides = array<i32>} : memref<80x144xf32, #tpu.memory_space<vmem>>, vector<1x16xf32>,
        %parallel_loop3A_459 = vector.shape_cast %parallel_loop3A_458 : vector<1x16xf32> to vector<16xf32>
        %parallel_loop3A_460 = vector.broadcast %parallel_loop3A_455 : f32 to vector<16xf32>
        %parallel_loop3A_461 = arith.mulf %parallel_loop3A_459, %parallel_loop3A_460 : vector<16xf32>
        %parallel_loop3A_462 = arith.index_cast %parallel_loop3A_379 : i32 to index
        %parallel_loop3A_463 = arith.constant 64 : index
        %parallel_loop3A_464 = tpu.vector_load %arg10[%parallel_loop3A_462, %parallel_loop3A_463] {strides = array<i32>} : memref<80x144xf32, #tpu.memory_space<vmem>>, vector<1x16xf32>,
        %parallel_loop3A_465 = vector.shape_cast %parallel_loop3A_464 : vector<1x16xf32> to vector<16xf32>
        %parallel_loop3A_466 = vector.shape_cast %parallel_loop3A_461 : vector<16xf32> to vector<1x16xf32>
        tpu.vector_store %arg10[%parallel_loop3A_462, %parallel_loop3A_463], %parallel_loop3A_466 {strides = array<i32>} : memref<80x144xf32, #tpu.memory_space<vmem>>, vector<1x16xf32>,
        %parallel_loop3A_467 = vector.extract_strided_slice %parallel_loop3A_396 {offsets = [2], sizes = [1], strides = [1]} : vector<16xf32> to vector<1xf32>
        %parallel_loop3A_468 = vector.extract %parallel_loop3A_467[0] : f32 from vector<1xf32>
        %parallel_loop3A_469 = arith.index_cast %parallel_loop3A_379 : i32 to index
        %parallel_loop3A_470 = arith.constant 80 : index
        %parallel_loop3A_471 = tpu.vector_load %arg10[%parallel_loop3A_469, %parallel_loop3A_470] {strides = array<i32>} : memref<80x144xf32, #tpu.memory_space<vmem>>, vector<1x16xf32>,
        %parallel_loop3A_472 = vector.shape_cast %parallel_loop3A_471 : vector<1x16xf32> to vector<16xf32>
        %parallel_loop3A_473 = vector.broadcast %parallel_loop3A_468 : f32 to vector<16xf32>
        %parallel_loop3A_474 = arith.mulf %parallel_loop3A_472, %parallel_loop3A_473 : vector<16xf32>
        %parallel_loop3A_475 = arith.index_cast %parallel_loop3A_379 : i32 to index
        %parallel_loop3A_476 = arith.constant 80 : index
        %parallel_loop3A_477 = tpu.vector_load %arg10[%parallel_loop3A_475, %parallel_loop3A_476] {strides = array<i32>} : memref<80x144xf32, #tpu.memory_space<vmem>>, vector<1x16xf32>,
        %parallel_loop3A_478 = vector.shape_cast %parallel_loop3A_477 : vector<1x16xf32> to vector<16xf32>
        %parallel_loop3A_479 = vector.shape_cast %parallel_loop3A_474 : vector<16xf32> to vector<1x16xf32>
        tpu.vector_store %arg10[%parallel_loop3A_475, %parallel_loop3A_476], %parallel_loop3A_479 {strides = array<i32>} : memref<80x144xf32, #tpu.memory_space<vmem>>, vector<1x16xf32>,
        %parallel_loop3A_480 = vector.extract_strided_slice %parallel_loop3A_396 {offsets = [3], sizes = [1], strides = [1]} : vector<16xf32> to vector<1xf32>
        %parallel_loop3A_481 = vector.extract %parallel_loop3A_480[0] : f32 from vector<1xf32>
        %parallel_loop3A_482 = arith.index_cast %parallel_loop3A_379 : i32 to index
        %parallel_loop3A_483 = arith.constant 96 : index
        %parallel_loop3A_484 = tpu.vector_load %arg10[%parallel_loop3A_482, %parallel_loop3A_483] {strides = array<i32>} : memref<80x144xf32, #tpu.memory_space<vmem>>, vector<1x16xf32>,
        %parallel_loop3A_485 = vector.shape_cast %parallel_loop3A_484 : vector<1x16xf32> to vector<16xf32>
        %parallel_loop3A_486 = vector.broadcast %parallel_loop3A_481 : f32 to vector<16xf32>
        %parallel_loop3A_487 = arith.mulf %parallel_loop3A_485, %parallel_loop3A_486 : vector<16xf32>
        %parallel_loop3A_488 = arith.index_cast %parallel_loop3A_379 : i32 to index
        %parallel_loop3A_489 = arith.constant 96 : index
        %parallel_loop3A_490 = tpu.vector_load %arg10[%parallel_loop3A_488, %parallel_loop3A_489] {strides = array<i32>} : memref<80x144xf32, #tpu.memory_space<vmem>>, vector<1x16xf32>,
        %parallel_loop3A_491 = vector.shape_cast %parallel_loop3A_490 : vector<1x16xf32> to vector<16xf32>
        %parallel_loop3A_492 = vector.shape_cast %parallel_loop3A_487 : vector<16xf32> to vector<1x16xf32>
        tpu.vector_store %arg10[%parallel_loop3A_488, %parallel_loop3A_489], %parallel_loop3A_492 {strides = array<i32>} : memref<80x144xf32, #tpu.memory_space<vmem>>, vector<1x16xf32>,
        %parallel_loop3A_493 = vector.extract_strided_slice %parallel_loop3A_396 {offsets = [3], sizes = [1], strides = [1]} : vector<16xf32> to vector<1xf32>
        %parallel_loop3A_494 = vector.extract %parallel_loop3A_493[0] : f32 from vector<1xf32>
        %parallel_loop3A_495 = arith.index_cast %parallel_loop3A_379 : i32 to index
        %parallel_loop3A_496 = arith.constant 112 : index
        %parallel_loop3A_497 = tpu.vector_load %arg10[%parallel_loop3A_495, %parallel_loop3A_496] {strides = array<i32>} : memref<80x144xf32, #tpu.memory_space<vmem>>, vector<1x16xf32>,
        %parallel_loop3A_498 = vector.shape_cast %parallel_loop3A_497 : vector<1x16xf32> to vector<16xf32>
        %parallel_loop3A_499 = vector.broadcast %parallel_loop3A_494 : f32 to vector<16xf32>
        %parallel_loop3A_500 = arith.mulf %parallel_loop3A_498, %parallel_loop3A_499 : vector<16xf32>
        %parallel_loop3A_501 = arith.index_cast %parallel_loop3A_379 : i32 to index
        %parallel_loop3A_502 = arith.constant 112 : index
        %parallel_loop3A_503 = tpu.vector_load %arg10[%parallel_loop3A_501, %parallel_loop3A_502] {strides = array<i32>} : memref<80x144xf32, #tpu.memory_space<vmem>>, vector<1x16xf32>,
        %parallel_loop3A_504 = vector.shape_cast %parallel_loop3A_503 : vector<1x16xf32> to vector<16xf32>
        %parallel_loop3A_505 = vector.shape_cast %parallel_loop3A_500 : vector<16xf32> to vector<1x16xf32>
        tpu.vector_store %arg10[%parallel_loop3A_501, %parallel_loop3A_502], %parallel_loop3A_505 {strides = array<i32>} : memref<80x144xf32, #tpu.memory_space<vmem>>, vector<1x16xf32>,
      } {sc.loop_unroll_factor = 4 : i64, sc.parallel_access}
      %dma_start3A_196 = arith.constant 0 : i32
      %dma_start3A_197 = arith.constant 0 : i32
      %dma_start3A_198 = tpu.memref_slice %arg10[%dma_start3A_196, %dma_start3A_197] : memref<80x144xf32, #tpu.memory_space<vmem>> -> memref<40x144xf32, #tpu.memory_space<vmem>>
      %dma_start3A_199 = arith.constant 0 : i32
      %dma_start3A_200 = tpu.memref_slice %arg14[%dma_start3A_199] : memref<80xi32, #tpu.memory_space<vmem>> -> memref<40xi32, #tpu.memory_space<vmem>>
      %dma_start3A_201 = arith.constant 0 : i32
      %dma_start3A_202 = arith.constant 0 : i32
      %dma_start3A_203 = tpu.memref_slice %arg25[%dma_start3A_201, %dma_start3A_202] : memref<10000x144xf32, #tpu.memory_space<vmem_shared>> -> memref<10000x144xf32, #tpu.memory_space<vmem_shared>>
      tpu.enqueue_indirect_dma source(%dma_start3A_198 : memref<40x144xf32, #tpu.memory_space<vmem>>) target(%dma_start3A_203 : memref<10000x144xf32, #tpu.memory_space<vmem_shared>>) offsets(%dma_start3A_200 : memref<40xi32, #tpu.memory_space<vmem>>) semaphore(%arg24 : memref<!tpu.dma_semaphore, #tpu.memory_space<semaphore_mem>>) {add = true}
      %parallel_loop3A_204 = arith.constant 40 : i32
      %parallel_loop3A_205 = arith.constant 80 : i32
      %parallel_loop3A_206 = arith.constant 1 : i32
      scf.for %parallel_loop3A_379 = %parallel_loop3A_204 to %parallel_loop3A_205 step %parallel_loop3A_206  : i32 {
        %parallel_loop3A_380 = arith.index_cast %parallel_loop3A_379 : i32 to index
        %parallel_loop3A_381 = arith.constant 128 : index
        %parallel_loop3A_382 = tpu.vector_load %arg10[%parallel_loop3A_380, %parallel_loop3A_381] {strides = array<i32>} : memref<80x144xf32, #tpu.memory_space<vmem>>, vector<1x16xf32>,
        %parallel_loop3A_383 = vector.shape_cast %parallel_loop3A_382 : vector<1x16xf32> to vector<16xf32>
        %parallel_loop3A_384 = arith.index_cast %parallel_loop3A_379 : i32 to index
        %parallel_loop3A_385 = arith.constant 0 : index
        %parallel_loop3A_386 = tpu.vector_load %arg12[%parallel_loop3A_384, %parallel_loop3A_385] {strides = array<i32>} : memref<80x16xf32, #tpu.memory_space<vmem>>, vector<1x16xf32>,
        %parallel_loop3A_387 = vector.shape_cast %parallel_loop3A_386 : vector<1x16xf32> to vector<16xf32>
        %parallel_loop3A_388 = arith.addf %parallel_loop3A_383, %parallel_loop3A_387 : vector<16xf32>
        %parallel_loop3A_389 = arith.constant 0.000000e+00 : f32
        %parallel_loop3A_390 = vector.broadcast %parallel_loop3A_389 : f32 to vector<16xf32>
        %parallel_loop3A_391 = arith.cmpf ogt, %parallel_loop3A_388, %parallel_loop3A_390 : vector<16xf32>
        %parallel_loop3A_392 = arith.constant 2.000000e-01 : f32
        %parallel_loop3A_393 = vector.broadcast %parallel_loop3A_392 : f32 to vector<16xf32>
        %parallel_loop3A_394 = arith.mulf %parallel_loop3A_393, %parallel_loop3A_388 : vector<16xf32>
        %parallel_loop3A_395 = arith.select %parallel_loop3A_391, %parallel_loop3A_388, %parallel_loop3A_394 : vector<16xi1>, vector<16xf32>
        %parallel_loop3A_396 = math.exp %parallel_loop3A_395 : vector<16xf32>
        %parallel_loop3A_397 = arith.index_cast %parallel_loop3A_379 : i32 to index
        %parallel_loop3A_398 = arith.constant 128 : index
        %parallel_loop3A_399 = tpu.vector_load %arg10[%parallel_loop3A_397, %parallel_loop3A_398] {strides = array<i32>} : memref<80x144xf32, #tpu.memory_space<vmem>>, vector<1x16xf32>,
        %parallel_loop3A_400 = vector.shape_cast %parallel_loop3A_399 : vector<1x16xf32> to vector<16xf32>
        %parallel_loop3A_401 = vector.shape_cast %parallel_loop3A_396 : vector<16xf32> to vector<1x16xf32>
        tpu.vector_store %arg10[%parallel_loop3A_397, %parallel_loop3A_398], %parallel_loop3A_401 {strides = array<i32>} : memref<80x144xf32, #tpu.memory_space<vmem>>, vector<1x16xf32>,
        %parallel_loop3A_402 = vector.extract_strided_slice %parallel_loop3A_396 {offsets = [0], sizes = [1], strides = [1]} : vector<16xf32> to vector<1xf32>
        %parallel_loop3A_403 = vector.extract %parallel_loop3A_402[0] : f32 from vector<1xf32>
        %parallel_loop3A_404 = arith.index_cast %parallel_loop3A_379 : i32 to index
        %parallel_loop3A_405 = arith.constant 0 : index
        %parallel_loop3A_406 = tpu.vector_load %arg10[%parallel_loop3A_404, %parallel_loop3A_405] {strides = array<i32>} : memref<80x144xf32, #tpu.memory_space<vmem>>, vector<1x16xf32>,
        %parallel_loop3A_407 = vector.shape_cast %parallel_loop3A_406 : vector<1x16xf32> to vector<16xf32>
        %parallel_loop3A_408 = vector.broadcast %parallel_loop3A_403 : f32 to vector<16xf32>
        %parallel_loop3A_409 = arith.mulf %parallel_loop3A_407, %parallel_loop3A_408 : vector<16xf32>
        %parallel_loop3A_410 = arith.index_cast %parallel_loop3A_379 : i32 to index
        %parallel_loop3A_411 = arith.constant 0 : index
        %parallel_loop3A_412 = tpu.vector_load %arg10[%parallel_loop3A_410, %parallel_loop3A_411] {strides = array<i32>} : memref<80x144xf32, #tpu.memory_space<vmem>>, vector<1x16xf32>,
        %parallel_loop3A_413 = vector.shape_cast %parallel_loop3A_412 : vector<1x16xf32> to vector<16xf32>
        %parallel_loop3A_414 = vector.shape_cast %parallel_loop3A_409 : vector<16xf32> to vector<1x16xf32>
        tpu.vector_store %arg10[%parallel_loop3A_410, %parallel_loop3A_411], %parallel_loop3A_414 {strides = array<i32>} : memref<80x144xf32, #tpu.memory_space<vmem>>, vector<1x16xf32>,
        %parallel_loop3A_415 = vector.extract_strided_slice %parallel_loop3A_396 {offsets = [0], sizes = [1], strides = [1]} : vector<16xf32> to vector<1xf32>
        %parallel_loop3A_416 = vector.extract %parallel_loop3A_415[0] : f32 from vector<1xf32>
        %parallel_loop3A_417 = arith.index_cast %parallel_loop3A_379 : i32 to index
        %parallel_loop3A_418 = arith.constant 16 : index
        %parallel_loop3A_419 = tpu.vector_load %arg10[%parallel_loop3A_417, %parallel_loop3A_418] {strides = array<i32>} : memref<80x144xf32, #tpu.memory_space<vmem>>, vector<1x16xf32>,
        %parallel_loop3A_420 = vector.shape_cast %parallel_loop3A_419 : vector<1x16xf32> to vector<16xf32>
        %parallel_loop3A_421 = vector.broadcast %parallel_loop3A_416 : f32 to vector<16xf32>
        %parallel_loop3A_422 = arith.mulf %parallel_loop3A_420, %parallel_loop3A_421 : vector<16xf32>
        %parallel_loop3A_423 = arith.index_cast %parallel_loop3A_379 : i32 to index
        %parallel_loop3A_424 = arith.constant 16 : index
        %parallel_loop3A_425 = tpu.vector_load %arg10[%parallel_loop3A_423, %parallel_loop3A_424] {strides = array<i32>} : memref<80x144xf32, #tpu.memory_space<vmem>>, vector<1x16xf32>,
        %parallel_loop3A_426 = vector.shape_cast %parallel_loop3A_425 : vector<1x16xf32> to vector<16xf32>
        %parallel_loop3A_427 = vector.shape_cast %parallel_loop3A_422 : vector<16xf32> to vector<1x16xf32>
        tpu.vector_store %arg10[%parallel_loop3A_423, %parallel_loop3A_424], %parallel_loop3A_427 {strides = array<i32>} : memref<80x144xf32, #tpu.memory_space<vmem>>, vector<1x16xf32>,
        %parallel_loop3A_428 = vector.extract_strided_slice %parallel_loop3A_396 {offsets = [1], sizes = [1], strides = [1]} : vector<16xf32> to vector<1xf32>
        %parallel_loop3A_429 = vector.extract %parallel_loop3A_428[0] : f32 from vector<1xf32>
        %parallel_loop3A_430 = arith.index_cast %parallel_loop3A_379 : i32 to index
        %parallel_loop3A_431 = arith.constant 32 : index
        %parallel_loop3A_432 = tpu.vector_load %arg10[%parallel_loop3A_430, %parallel_loop3A_431] {strides = array<i32>} : memref<80x144xf32, #tpu.memory_space<vmem>>, vector<1x16xf32>,
        %parallel_loop3A_433 = vector.shape_cast %parallel_loop3A_432 : vector<1x16xf32> to vector<16xf32>
        %parallel_loop3A_434 = vector.broadcast %parallel_loop3A_429 : f32 to vector<16xf32>
        %parallel_loop3A_435 = arith.mulf %parallel_loop3A_433, %parallel_loop3A_434 : vector<16xf32>
        %parallel_loop3A_436 = arith.index_cast %parallel_loop3A_379 : i32 to index
        %parallel_loop3A_437 = arith.constant 32 : index
        %parallel_loop3A_438 = tpu.vector_load %arg10[%parallel_loop3A_436, %parallel_loop3A_437] {strides = array<i32>} : memref<80x144xf32, #tpu.memory_space<vmem>>, vector<1x16xf32>,
        %parallel_loop3A_439 = vector.shape_cast %parallel_loop3A_438 : vector<1x16xf32> to vector<16xf32>
        %parallel_loop3A_440 = vector.shape_cast %parallel_loop3A_435 : vector<16xf32> to vector<1x16xf32>
        tpu.vector_store %arg10[%parallel_loop3A_436, %parallel_loop3A_437], %parallel_loop3A_440 {strides = array<i32>} : memref<80x144xf32, #tpu.memory_space<vmem>>, vector<1x16xf32>,
        %parallel_loop3A_441 = vector.extract_strided_slice %parallel_loop3A_396 {offsets = [1], sizes = [1], strides = [1]} : vector<16xf32> to vector<1xf32>
        %parallel_loop3A_442 = vector.extract %parallel_loop3A_441[0] : f32 from vector<1xf32>
        %parallel_loop3A_443 = arith.index_cast %parallel_loop3A_379 : i32 to index
        %parallel_loop3A_444 = arith.constant 48 : index
        %parallel_loop3A_445 = tpu.vector_load %arg10[%parallel_loop3A_443, %parallel_loop3A_444] {strides = array<i32>} : memref<80x144xf32, #tpu.memory_space<vmem>>, vector<1x16xf32>,
        %parallel_loop3A_446 = vector.shape_cast %parallel_loop3A_445 : vector<1x16xf32> to vector<16xf32>
        %parallel_loop3A_447 = vector.broadcast %parallel_loop3A_442 : f32 to vector<16xf32>
        %parallel_loop3A_448 = arith.mulf %parallel_loop3A_446, %parallel_loop3A_447 : vector<16xf32>
        %parallel_loop3A_449 = arith.index_cast %parallel_loop3A_379 : i32 to index
        %parallel_loop3A_450 = arith.constant 48 : index
        %parallel_loop3A_451 = tpu.vector_load %arg10[%parallel_loop3A_449, %parallel_loop3A_450] {strides = array<i32>} : memref<80x144xf32, #tpu.memory_space<vmem>>, vector<1x16xf32>,
        %parallel_loop3A_452 = vector.shape_cast %parallel_loop3A_451 : vector<1x16xf32> to vector<16xf32>
        %parallel_loop3A_453 = vector.shape_cast %parallel_loop3A_448 : vector<16xf32> to vector<1x16xf32>
        tpu.vector_store %arg10[%parallel_loop3A_449, %parallel_loop3A_450], %parallel_loop3A_453 {strides = array<i32>} : memref<80x144xf32, #tpu.memory_space<vmem>>, vector<1x16xf32>,
        %parallel_loop3A_454 = vector.extract_strided_slice %parallel_loop3A_396 {offsets = [2], sizes = [1], strides = [1]} : vector<16xf32> to vector<1xf32>
        %parallel_loop3A_455 = vector.extract %parallel_loop3A_454[0] : f32 from vector<1xf32>
        %parallel_loop3A_456 = arith.index_cast %parallel_loop3A_379 : i32 to index
        %parallel_loop3A_457 = arith.constant 64 : index
        %parallel_loop3A_458 = tpu.vector_load %arg10[%parallel_loop3A_456, %parallel_loop3A_457] {strides = array<i32>} : memref<80x144xf32, #tpu.memory_space<vmem>>, vector<1x16xf32>,
        %parallel_loop3A_459 = vector.shape_cast %parallel_loop3A_458 : vector<1x16xf32> to vector<16xf32>
        %parallel_loop3A_460 = vector.broadcast %parallel_loop3A_455 : f32 to vector<16xf32>
        %parallel_loop3A_461 = arith.mulf %parallel_loop3A_459, %parallel_loop3A_460 : vector<16xf32>
        %parallel_loop3A_462 = arith.index_cast %parallel_loop3A_379 : i32 to index
        %parallel_loop3A_463 = arith.constant 64 : index
        %parallel_loop3A_464 = tpu.vector_load %arg10[%parallel_loop3A_462, %parallel_loop3A_463] {strides = array<i32>} : memref<80x144xf32, #tpu.memory_space<vmem>>, vector<1x16xf32>,
        %parallel_loop3A_465 = vector.shape_cast %parallel_loop3A_464 : vector<1x16xf32> to vector<16xf32>
        %parallel_loop3A_466 = vector.shape_cast %parallel_loop3A_461 : vector<16xf32> to vector<1x16xf32>
        tpu.vector_store %arg10[%parallel_loop3A_462, %parallel_loop3A_463], %parallel_loop3A_466 {strides = array<i32>} : memref<80x144xf32, #tpu.memory_space<vmem>>, vector<1x16xf32>,
        %parallel_loop3A_467 = vector.extract_strided_slice %parallel_loop3A_396 {offsets = [2], sizes = [1], strides = [1]} : vector<16xf32> to vector<1xf32>
        %parallel_loop3A_468 = vector.extract %parallel_loop3A_467[0] : f32 from vector<1xf32>
        %parallel_loop3A_469 = arith.index_cast %parallel_loop3A_379 : i32 to index
        %parallel_loop3A_470 = arith.constant 80 : index
        %parallel_loop3A_471 = tpu.vector_load %arg10[%parallel_loop3A_469, %parallel_loop3A_470] {strides = array<i32>} : memref<80x144xf32, #tpu.memory_space<vmem>>, vector<1x16xf32>,
        %parallel_loop3A_472 = vector.shape_cast %parallel_loop3A_471 : vector<1x16xf32> to vector<16xf32>
        %parallel_loop3A_473 = vector.broadcast %parallel_loop3A_468 : f32 to vector<16xf32>
        %parallel_loop3A_474 = arith.mulf %parallel_loop3A_472, %parallel_loop3A_473 : vector<16xf32>
        %parallel_loop3A_475 = arith.index_cast %parallel_loop3A_379 : i32 to index
        %parallel_loop3A_476 = arith.constant 80 : index
        %parallel_loop3A_477 = tpu.vector_load %arg10[%parallel_loop3A_475, %parallel_loop3A_476] {strides = array<i32>} : memref<80x144xf32, #tpu.memory_space<vmem>>, vector<1x16xf32>,
        %parallel_loop3A_478 = vector.shape_cast %parallel_loop3A_477 : vector<1x16xf32> to vector<16xf32>
        %parallel_loop3A_479 = vector.shape_cast %parallel_loop3A_474 : vector<16xf32> to vector<1x16xf32>
        tpu.vector_store %arg10[%parallel_loop3A_475, %parallel_loop3A_476], %parallel_loop3A_479 {strides = array<i32>} : memref<80x144xf32, #tpu.memory_space<vmem>>, vector<1x16xf32>,
        %parallel_loop3A_480 = vector.extract_strided_slice %parallel_loop3A_396 {offsets = [3], sizes = [1], strides = [1]} : vector<16xf32> to vector<1xf32>
        %parallel_loop3A_481 = vector.extract %parallel_loop3A_480[0] : f32 from vector<1xf32>
        %parallel_loop3A_482 = arith.index_cast %parallel_loop3A_379 : i32 to index
        %parallel_loop3A_483 = arith.constant 96 : index
        %parallel_loop3A_484 = tpu.vector_load %arg10[%parallel_loop3A_482, %parallel_loop3A_483] {strides = array<i32>} : memref<80x144xf32, #tpu.memory_space<vmem>>, vector<1x16xf32>,
        %parallel_loop3A_485 = vector.shape_cast %parallel_loop3A_484 : vector<1x16xf32> to vector<16xf32>
        %parallel_loop3A_486 = vector.broadcast %parallel_loop3A_481 : f32 to vector<16xf32>
        %parallel_loop3A_487 = arith.mulf %parallel_loop3A_485, %parallel_loop3A_486 : vector<16xf32>
        %parallel_loop3A_488 = arith.index_cast %parallel_loop3A_379 : i32 to index
        %parallel_loop3A_489 = arith.constant 96 : index
        %parallel_loop3A_490 = tpu.vector_load %arg10[%parallel_loop3A_488, %parallel_loop3A_489] {strides = array<i32>} : memref<80x144xf32, #tpu.memory_space<vmem>>, vector<1x16xf32>,
        %parallel_loop3A_491 = vector.shape_cast %parallel_loop3A_490 : vector<1x16xf32> to vector<16xf32>
        %parallel_loop3A_492 = vector.shape_cast %parallel_loop3A_487 : vector<16xf32> to vector<1x16xf32>
        tpu.vector_store %arg10[%parallel_loop3A_488, %parallel_loop3A_489], %parallel_loop3A_492 {strides = array<i32>} : memref<80x144xf32, #tpu.memory_space<vmem>>, vector<1x16xf32>,
        %parallel_loop3A_493 = vector.extract_strided_slice %parallel_loop3A_396 {offsets = [3], sizes = [1], strides = [1]} : vector<16xf32> to vector<1xf32>
        %parallel_loop3A_494 = vector.extract %parallel_loop3A_493[0] : f32 from vector<1xf32>
        %parallel_loop3A_495 = arith.index_cast %parallel_loop3A_379 : i32 to index
        %parallel_loop3A_496 = arith.constant 112 : index
        %parallel_loop3A_497 = tpu.vector_load %arg10[%parallel_loop3A_495, %parallel_loop3A_496] {strides = array<i32>} : memref<80x144xf32, #tpu.memory_space<vmem>>, vector<1x16xf32>,
        %parallel_loop3A_498 = vector.shape_cast %parallel_loop3A_497 : vector<1x16xf32> to vector<16xf32>
        %parallel_loop3A_499 = vector.broadcast %parallel_loop3A_494 : f32 to vector<16xf32>
        %parallel_loop3A_500 = arith.mulf %parallel_loop3A_498, %parallel_loop3A_499 : vector<16xf32>
        %parallel_loop3A_501 = arith.index_cast %parallel_loop3A_379 : i32 to index
        %parallel_loop3A_502 = arith.constant 112 : index
        %parallel_loop3A_503 = tpu.vector_load %arg10[%parallel_loop3A_501, %parallel_loop3A_502] {strides = array<i32>} : memref<80x144xf32, #tpu.memory_space<vmem>>, vector<1x16xf32>,
        %parallel_loop3A_504 = vector.shape_cast %parallel_loop3A_503 : vector<1x16xf32> to vector<16xf32>
        %parallel_loop3A_505 = vector.shape_cast %parallel_loop3A_500 : vector<16xf32> to vector<1x16xf32>
        tpu.vector_store %arg10[%parallel_loop3A_501, %parallel_loop3A_502], %parallel_loop3A_505 {strides = array<i32>} : memref<80x144xf32, #tpu.memory_space<vmem>>, vector<1x16xf32>,
      } {sc.loop_unroll_factor = 4 : i64, sc.parallel_access}
      %dma_start3A_207 = arith.constant 40 : i32
      %dma_start3A_208 = arith.constant 0 : i32
      %dma_start3A_209 = tpu.memref_slice %arg10[%dma_start3A_207, %dma_start3A_208] : memref<80x144xf32, #tpu.memory_space<vmem>> -> memref<40x144xf32, #tpu.memory_space<vmem>>
      %dma_start3A_210 = arith.constant 40 : i32
      %dma_start3A_211 = tpu.memref_slice %arg14[%dma_start3A_210] : memref<80xi32, #tpu.memory_space<vmem>> -> memref<40xi32, #tpu.memory_space<vmem>>
      %dma_start3A_212 = arith.constant 0 : i32
      %dma_start3A_213 = arith.constant 0 : i32
      %dma_start3A_214 = tpu.memref_slice %arg25[%dma_start3A_212, %dma_start3A_213] : memref<10000x144xf32, #tpu.memory_space<vmem_shared>> -> memref<10000x144xf32, #tpu.memory_space<vmem_shared>>
      tpu.enqueue_indirect_dma source(%dma_start3A_209 : memref<40x144xf32, #tpu.memory_space<vmem>>) target(%dma_start3A_214 : memref<10000x144xf32, #tpu.memory_space<vmem_shared>>) offsets(%dma_start3A_211 : memref<40xi32, #tpu.memory_space<vmem>>) semaphore(%arg24 : memref<!tpu.dma_semaphore, #tpu.memory_space<semaphore_mem>>) {add = true}
      %dma_wait3A_215 = arith.constant 0 : i32
      %dma_wait3A_216 = arith.constant 0 : i32
      %dma_wait3A_217 = tpu.memref_slice %arg10[%dma_wait3A_215, %dma_wait3A_216] : memref<80x144xf32, #tpu.memory_space<vmem>> -> memref<40x144xf32, #tpu.memory_space<vmem>>
      %dma_wait3A_218 = arith.constant 0 : i32
      %dma_wait3A_219 = tpu.memref_slice %arg14[%dma_wait3A_218] : memref<80xi32, #tpu.memory_space<vmem>> -> memref<40xi32, #tpu.memory_space<vmem>>
      %dma_wait3A_220 = arith.constant 0 : i32
      %dma_wait3A_221 = arith.constant 0 : i32
      %dma_wait3A_222 = tpu.memref_slice %arg25[%dma_wait3A_220, %dma_wait3A_221] : memref<10000x144xf32, #tpu.memory_space<vmem_shared>> -> memref<10000x144xf32, #tpu.memory_space<vmem_shared>>
      tpu.wait_indirect_dma semaphore(%arg24 : memref<!tpu.dma_semaphore, #tpu.memory_space<semaphore_mem>>) src(%dma_wait3A_217 : memref<40x144xf32, #tpu.memory_space<vmem>>) dst(%dma_wait3A_222 : memref<10000x144xf32, #tpu.memory_space<vmem_shared>>)
      %dma_wait3A_223 = arith.constant 40 : i32
      %dma_wait3A_224 = arith.constant 0 : i32
      %dma_wait3A_225 = tpu.memref_slice %arg10[%dma_wait3A_223, %dma_wait3A_224] : memref<80x144xf32, #tpu.memory_space<vmem>> -> memref<40x144xf32, #tpu.memory_space<vmem>>
      %dma_wait3A_226 = arith.constant 40 : i32
      %dma_wait3A_227 = tpu.memref_slice %arg14[%dma_wait3A_226] : memref<80xi32, #tpu.memory_space<vmem>> -> memref<40xi32, #tpu.memory_space<vmem>>
      %dma_wait3A_228 = arith.constant 0 : i32
      %dma_wait3A_229 = arith.constant 0 : i32
      %dma_wait3A_230 = tpu.memref_slice %arg25[%dma_wait3A_228, %dma_wait3A_229] : memref<10000x144xf32, #tpu.memory_space<vmem_shared>> -> memref<10000x144xf32, #tpu.memory_space<vmem_shared>>
      tpu.wait_indirect_dma semaphore(%arg24 : memref<!tpu.dma_semaphore, #tpu.memory_space<semaphore_mem>>) src(%dma_wait3A_225 : memref<40x144xf32, #tpu.memory_space<vmem>>) dst(%dma_wait3A_230 : memref<10000x144xf32, #tpu.memory_space<vmem_shared>>)
      %mul3A_231 = arith.constant 4 : i32
      %mul3A_232 = arith.muli %mul3A_231, %scan3A_83 : i32
      %add3A_233 = arith.constant 2 : i32
      %add3A_234 = arith.addi %mul3A_232, %add3A_233 : i32
      %add3A_235 = arith.constant 2 : i32
      %add3A_236 = arith.addi %add3A_234, %add3A_235 : i32
      %lt3A_237 = arith.constant 125 : i32
      %lt3A_238 = arith.cmpi slt, %add3A_236, %lt3A_237 : i32
      %convert_element_type3A_239 = arith.extui %lt3A_238 : i1 to i32
      %cond3A_240 = arith.constant 0 : i32
      %cond3A_241 = arith.cmpi ne, %convert_element_type3A_239, %cond3A_240 : i32
      scf.if %cond3A_241 {
        %add3A_379 = arith.constant 2 : i32
        %add3A_380 = arith.addi %add3A_234, %add3A_379 : i32
        %mul3A_381 = arith.constant 80 : i32
        %mul3A_382 = arith.muli %add3A_380, %mul3A_381 : i32
        %add3A_383 = arith.addi %mul3A_6, %mul3A_382 : i32
        %dma_start3A_384 = tpu.memref_slice %arg5[%add3A_383] : memref<320000xi32, #tpu.memory_space<hbm>> -> memref<80xi32, #tpu.memory_space<hbm>>
        %dma_start3A_385 = tpu.memref_slice %arg5[%add3A_383] : memref<320000xi32, #tpu.memory_space<hbm>> -> memref<80xi32, #tpu.memory_space<hbm>>
        tpu.enqueue_dma source(%dma_start3A_385 : memref<80xi32, #tpu.memory_space<hbm>>) target(%arg13 : memref<80xi32, #tpu.memory_space<vmem>>) target_semaphore(%arg19 : memref<!tpu.dma_semaphore, #tpu.memory_space<semaphore_mem>>)
      } else {
      }
      %add3A_242 = arith.constant 1 : i32
      %add3A_243 = arith.addi %add3A_234, %add3A_242 : i32
      %mul3A_244 = arith.constant 80 : i32
      %mul3A_245 = arith.muli %add3A_243, %mul3A_244 : i32
      %add3A_246 = arith.addi %mul3A_6, %mul3A_245 : i32
      %dma_wait3A_247 = tpu.memref_slice %arg5[%add3A_246] : memref<320000xi32, #tpu.memory_space<hbm>> -> memref<80xi32, #tpu.memory_space<hbm>>
      %dma_wait3A_248 = tpu.memref_slice %arg5[%add3A_246] : memref<320000xi32, #tpu.memory_space<hbm>> -> memref<80xi32, #tpu.memory_space<hbm>>
      tpu.wait_dma2 semaphore(%arg22 : memref<!tpu.dma_semaphore, #tpu.memory_space<semaphore_mem>>) src(%dma_wait3A_248 : memref<80xi32, #tpu.memory_space<hbm>>) dst(%arg16 : memref<80xi32, #tpu.memory_space<vmem>>)
      %mul3A_249 = arith.constant 80 : i32
      %mul3A_250 = arith.muli %add3A_243, %mul3A_249 : i32
      %dma_start3A_251 = tpu.memref_slice %arg8[%mul3A_250] : memref<10000xi32, #tpu.memory_space<vmem>> -> memref<80xi32, #tpu.memory_space<vmem>>
      %dma_start3A_252 = arith.constant 0 : i32
      %dma_start3A_253 = arith.constant 0 : i32
      %dma_start3A_254 = tpu.memref_slice %arg2[%dma_start3A_252, %dma_start3A_253] : memref<10000x144xf32, #tpu.memory_space<hbm>> -> memref<10000x144xf32, #tpu.memory_space<hbm>>
      tpu.enqueue_indirect_dma source(%dma_start3A_254 : memref<10000x144xf32, #tpu.memory_space<hbm>>) target(%arg10 : memref<80x144xf32, #tpu.memory_space<vmem>>) offsets(%dma_start3A_251 : memref<80xi32, #tpu.memory_space<vmem>>) semaphore(%arg18 : memref<!tpu.dma_semaphore, #tpu.memory_space<semaphore_mem>>)
      %dma_start3A_255 = arith.constant 0 : i32
      %dma_start3A_256 = arith.constant 0 : i32
      %dma_start3A_257 = tpu.memref_slice %arg3[%dma_start3A_255, %dma_start3A_256] : memref<10000x16xf32, #tpu.memory_space<hbm>> -> memref<10000x16xf32, #tpu.memory_space<hbm>>
      tpu.enqueue_indirect_dma source(%dma_start3A_257 : memref<10000x16xf32, #tpu.memory_space<hbm>>) target(%arg12 : memref<80x16xf32, #tpu.memory_space<vmem>>) offsets(%arg16 : memref<80xi32, #tpu.memory_space<vmem>>) semaphore(%arg18 : memref<!tpu.dma_semaphore, #tpu.memory_space<semaphore_mem>>)
      %mul3A_258 = arith.constant 80 : i32
      %mul3A_259 = arith.muli %add3A_234, %mul3A_258 : i32
      %dma_wait3A_260 = tpu.memref_slice %arg8[%mul3A_259] : memref<10000xi32, #tpu.memory_space<vmem>> -> memref<80xi32, #tpu.memory_space<vmem>>
      %dma_wait3A_261 = arith.constant 0 : i32
      %dma_wait3A_262 = arith.constant 0 : i32
      %dma_wait3A_263 = tpu.memref_slice %arg2[%dma_wait3A_261, %dma_wait3A_262] : memref<10000x144xf32, #tpu.memory_space<hbm>> -> memref<10000x144xf32, #tpu.memory_space<hbm>>
      tpu.wait_indirect_dma semaphore(%arg17 : memref<!tpu.dma_semaphore, #tpu.memory_space<semaphore_mem>>) src(%dma_wait3A_263 : memref<10000x144xf32, #tpu.memory_space<hbm>>) dst(%arg9 : memref<80x144xf32, #tpu.memory_space<vmem>>)
      %dma_wait3A_264 = arith.constant 0 : i32
      %dma_wait3A_265 = arith.constant 0 : i32
      %dma_wait3A_266 = tpu.memref_slice %arg3[%dma_wait3A_264, %dma_wait3A_265] : memref<10000x16xf32, #tpu.memory_space<hbm>> -> memref<10000x16xf32, #tpu.memory_space<hbm>>
      tpu.wait_indirect_dma semaphore(%arg17 : memref<!tpu.dma_semaphore, #tpu.memory_space<semaphore_mem>>) src(%dma_wait3A_266 : memref<10000x16xf32, #tpu.memory_space<hbm>>) dst(%arg11 : memref<80x16xf32, #tpu.memory_space<vmem>>)
      %parallel_loop3A_267 = arith.constant 0 : i32
      %parallel_loop3A_268 = arith.constant 40 : i32
      %parallel_loop3A_269 = arith.constant 1 : i32
      scf.for %parallel_loop3A_379 = %parallel_loop3A_267 to %parallel_loop3A_268 step %parallel_loop3A_269  : i32 {
        %parallel_loop3A_380 = arith.index_cast %parallel_loop3A_379 : i32 to index
        %parallel_loop3A_381 = arith.constant 128 : index
        %parallel_loop3A_382 = tpu.vector_load %arg9[%parallel_loop3A_380, %parallel_loop3A_381] {strides = array<i32>} : memref<80x144xf32, #tpu.memory_space<vmem>>, vector<1x16xf32>,
        %parallel_loop3A_383 = vector.shape_cast %parallel_loop3A_382 : vector<1x16xf32> to vector<16xf32>
        %parallel_loop3A_384 = arith.index_cast %parallel_loop3A_379 : i32 to index
        %parallel_loop3A_385 = arith.constant 0 : index
        %parallel_loop3A_386 = tpu.vector_load %arg11[%parallel_loop3A_384, %parallel_loop3A_385] {strides = array<i32>} : memref<80x16xf32, #tpu.memory_space<vmem>>, vector<1x16xf32>,
        %parallel_loop3A_387 = vector.shape_cast %parallel_loop3A_386 : vector<1x16xf32> to vector<16xf32>
        %parallel_loop3A_388 = arith.addf %parallel_loop3A_383, %parallel_loop3A_387 : vector<16xf32>
        %parallel_loop3A_389 = arith.constant 0.000000e+00 : f32
        %parallel_loop3A_390 = vector.broadcast %parallel_loop3A_389 : f32 to vector<16xf32>
        %parallel_loop3A_391 = arith.cmpf ogt, %parallel_loop3A_388, %parallel_loop3A_390 : vector<16xf32>
        %parallel_loop3A_392 = arith.constant 2.000000e-01 : f32
        %parallel_loop3A_393 = vector.broadcast %parallel_loop3A_392 : f32 to vector<16xf32>
        %parallel_loop3A_394 = arith.mulf %parallel_loop3A_393, %parallel_loop3A_388 : vector<16xf32>
        %parallel_loop3A_395 = arith.select %parallel_loop3A_391, %parallel_loop3A_388, %parallel_loop3A_394 : vector<16xi1>, vector<16xf32>
        %parallel_loop3A_396 = math.exp %parallel_loop3A_395 : vector<16xf32>
        %parallel_loop3A_397 = arith.index_cast %parallel_loop3A_379 : i32 to index
        %parallel_loop3A_398 = arith.constant 128 : index
        %parallel_loop3A_399 = tpu.vector_load %arg9[%parallel_loop3A_397, %parallel_loop3A_398] {strides = array<i32>} : memref<80x144xf32, #tpu.memory_space<vmem>>, vector<1x16xf32>,
        %parallel_loop3A_400 = vector.shape_cast %parallel_loop3A_399 : vector<1x16xf32> to vector<16xf32>
        %parallel_loop3A_401 = vector.shape_cast %parallel_loop3A_396 : vector<16xf32> to vector<1x16xf32>
        tpu.vector_store %arg9[%parallel_loop3A_397, %parallel_loop3A_398], %parallel_loop3A_401 {strides = array<i32>} : memref<80x144xf32, #tpu.memory_space<vmem>>, vector<1x16xf32>,
        %parallel_loop3A_402 = vector.extract_strided_slice %parallel_loop3A_396 {offsets = [0], sizes = [1], strides = [1]} : vector<16xf32> to vector<1xf32>
        %parallel_loop3A_403 = vector.extract %parallel_loop3A_402[0] : f32 from vector<1xf32>
        %parallel_loop3A_404 = arith.index_cast %parallel_loop3A_379 : i32 to index
        %parallel_loop3A_405 = arith.constant 0 : index
        %parallel_loop3A_406 = tpu.vector_load %arg9[%parallel_loop3A_404, %parallel_loop3A_405] {strides = array<i32>} : memref<80x144xf32, #tpu.memory_space<vmem>>, vector<1x16xf32>,
        %parallel_loop3A_407 = vector.shape_cast %parallel_loop3A_406 : vector<1x16xf32> to vector<16xf32>
        %parallel_loop3A_408 = vector.broadcast %parallel_loop3A_403 : f32 to vector<16xf32>
        %parallel_loop3A_409 = arith.mulf %parallel_loop3A_407, %parallel_loop3A_408 : vector<16xf32>
        %parallel_loop3A_410 = arith.index_cast %parallel_loop3A_379 : i32 to index
        %parallel_loop3A_411 = arith.constant 0 : index
        %parallel_loop3A_412 = tpu.vector_load %arg9[%parallel_loop3A_410, %parallel_loop3A_411] {strides = array<i32>} : memref<80x144xf32, #tpu.memory_space<vmem>>, vector<1x16xf32>,
        %parallel_loop3A_413 = vector.shape_cast %parallel_loop3A_412 : vector<1x16xf32> to vector<16xf32>
        %parallel_loop3A_414 = vector.shape_cast %parallel_loop3A_409 : vector<16xf32> to vector<1x16xf32>
        tpu.vector_store %arg9[%parallel_loop3A_410, %parallel_loop3A_411], %parallel_loop3A_414 {strides = array<i32>} : memref<80x144xf32, #tpu.memory_space<vmem>>, vector<1x16xf32>,
        %parallel_loop3A_415 = vector.extract_strided_slice %parallel_loop3A_396 {offsets = [0], sizes = [1], strides = [1]} : vector<16xf32> to vector<1xf32>
        %parallel_loop3A_416 = vector.extract %parallel_loop3A_415[0] : f32 from vector<1xf32>
        %parallel_loop3A_417 = arith.index_cast %parallel_loop3A_379 : i32 to index
        %parallel_loop3A_418 = arith.constant 16 : index
        %parallel_loop3A_419 = tpu.vector_load %arg9[%parallel_loop3A_417, %parallel_loop3A_418] {strides = array<i32>} : memref<80x144xf32, #tpu.memory_space<vmem>>, vector<1x16xf32>,
        %parallel_loop3A_420 = vector.shape_cast %parallel_loop3A_419 : vector<1x16xf32> to vector<16xf32>
        %parallel_loop3A_421 = vector.broadcast %parallel_loop3A_416 : f32 to vector<16xf32>
        %parallel_loop3A_422 = arith.mulf %parallel_loop3A_420, %parallel_loop3A_421 : vector<16xf32>
        %parallel_loop3A_423 = arith.index_cast %parallel_loop3A_379 : i32 to index
        %parallel_loop3A_424 = arith.constant 16 : index
        %parallel_loop3A_425 = tpu.vector_load %arg9[%parallel_loop3A_423, %parallel_loop3A_424] {strides = array<i32>} : memref<80x144xf32, #tpu.memory_space<vmem>>, vector<1x16xf32>,
        %parallel_loop3A_426 = vector.shape_cast %parallel_loop3A_425 : vector<1x16xf32> to vector<16xf32>
        %parallel_loop3A_427 = vector.shape_cast %parallel_loop3A_422 : vector<16xf32> to vector<1x16xf32>
        tpu.vector_store %arg9[%parallel_loop3A_423, %parallel_loop3A_424], %parallel_loop3A_427 {strides = array<i32>} : memref<80x144xf32, #tpu.memory_space<vmem>>, vector<1x16xf32>,
        %parallel_loop3A_428 = vector.extract_strided_slice %parallel_loop3A_396 {offsets = [1], sizes = [1], strides = [1]} : vector<16xf32> to vector<1xf32>
        %parallel_loop3A_429 = vector.extract %parallel_loop3A_428[0] : f32 from vector<1xf32>
        %parallel_loop3A_430 = arith.index_cast %parallel_loop3A_379 : i32 to index
        %parallel_loop3A_431 = arith.constant 32 : index
        %parallel_loop3A_432 = tpu.vector_load %arg9[%parallel_loop3A_430, %parallel_loop3A_431] {strides = array<i32>} : memref<80x144xf32, #tpu.memory_space<vmem>>, vector<1x16xf32>,
        %parallel_loop3A_433 = vector.shape_cast %parallel_loop3A_432 : vector<1x16xf32> to vector<16xf32>
        %parallel_loop3A_434 = vector.broadcast %parallel_loop3A_429 : f32 to vector<16xf32>
        %parallel_loop3A_435 = arith.mulf %parallel_loop3A_433, %parallel_loop3A_434 : vector<16xf32>
        %parallel_loop3A_436 = arith.index_cast %parallel_loop3A_379 : i32 to index
        %parallel_loop3A_437 = arith.constant 32 : index
        %parallel_loop3A_438 = tpu.vector_load %arg9[%parallel_loop3A_436, %parallel_loop3A_437] {strides = array<i32>} : memref<80x144xf32, #tpu.memory_space<vmem>>, vector<1x16xf32>,
        %parallel_loop3A_439 = vector.shape_cast %parallel_loop3A_438 : vector<1x16xf32> to vector<16xf32>
        %parallel_loop3A_440 = vector.shape_cast %parallel_loop3A_435 : vector<16xf32> to vector<1x16xf32>
        tpu.vector_store %arg9[%parallel_loop3A_436, %parallel_loop3A_437], %parallel_loop3A_440 {strides = array<i32>} : memref<80x144xf32, #tpu.memory_space<vmem>>, vector<1x16xf32>,
        %parallel_loop3A_441 = vector.extract_strided_slice %parallel_loop3A_396 {offsets = [1], sizes = [1], strides = [1]} : vector<16xf32> to vector<1xf32>
        %parallel_loop3A_442 = vector.extract %parallel_loop3A_441[0] : f32 from vector<1xf32>
        %parallel_loop3A_443 = arith.index_cast %parallel_loop3A_379 : i32 to index
        %parallel_loop3A_444 = arith.constant 48 : index
        %parallel_loop3A_445 = tpu.vector_load %arg9[%parallel_loop3A_443, %parallel_loop3A_444] {strides = array<i32>} : memref<80x144xf32, #tpu.memory_space<vmem>>, vector<1x16xf32>,
        %parallel_loop3A_446 = vector.shape_cast %parallel_loop3A_445 : vector<1x16xf32> to vector<16xf32>
        %parallel_loop3A_447 = vector.broadcast %parallel_loop3A_442 : f32 to vector<16xf32>
        %parallel_loop3A_448 = arith.mulf %parallel_loop3A_446, %parallel_loop3A_447 : vector<16xf32>
        %parallel_loop3A_449 = arith.index_cast %parallel_loop3A_379 : i32 to index
        %parallel_loop3A_450 = arith.constant 48 : index
        %parallel_loop3A_451 = tpu.vector_load %arg9[%parallel_loop3A_449, %parallel_loop3A_450] {strides = array<i32>} : memref<80x144xf32, #tpu.memory_space<vmem>>, vector<1x16xf32>,
        %parallel_loop3A_452 = vector.shape_cast %parallel_loop3A_451 : vector<1x16xf32> to vector<16xf32>
        %parallel_loop3A_453 = vector.shape_cast %parallel_loop3A_448 : vector<16xf32> to vector<1x16xf32>
        tpu.vector_store %arg9[%parallel_loop3A_449, %parallel_loop3A_450], %parallel_loop3A_453 {strides = array<i32>} : memref<80x144xf32, #tpu.memory_space<vmem>>, vector<1x16xf32>,
        %parallel_loop3A_454 = vector.extract_strided_slice %parallel_loop3A_396 {offsets = [2], sizes = [1], strides = [1]} : vector<16xf32> to vector<1xf32>
        %parallel_loop3A_455 = vector.extract %parallel_loop3A_454[0] : f32 from vector<1xf32>
        %parallel_loop3A_456 = arith.index_cast %parallel_loop3A_379 : i32 to index
        %parallel_loop3A_457 = arith.constant 64 : index
        %parallel_loop3A_458 = tpu.vector_load %arg9[%parallel_loop3A_456, %parallel_loop3A_457] {strides = array<i32>} : memref<80x144xf32, #tpu.memory_space<vmem>>, vector<1x16xf32>,
        %parallel_loop3A_459 = vector.shape_cast %parallel_loop3A_458 : vector<1x16xf32> to vector<16xf32>
        %parallel_loop3A_460 = vector.broadcast %parallel_loop3A_455 : f32 to vector<16xf32>
        %parallel_loop3A_461 = arith.mulf %parallel_loop3A_459, %parallel_loop3A_460 : vector<16xf32>
        %parallel_loop3A_462 = arith.index_cast %parallel_loop3A_379 : i32 to index
        %parallel_loop3A_463 = arith.constant 64 : index
        %parallel_loop3A_464 = tpu.vector_load %arg9[%parallel_loop3A_462, %parallel_loop3A_463] {strides = array<i32>} : memref<80x144xf32, #tpu.memory_space<vmem>>, vector<1x16xf32>,
        %parallel_loop3A_465 = vector.shape_cast %parallel_loop3A_464 : vector<1x16xf32> to vector<16xf32>
        %parallel_loop3A_466 = vector.shape_cast %parallel_loop3A_461 : vector<16xf32> to vector<1x16xf32>
        tpu.vector_store %arg9[%parallel_loop3A_462, %parallel_loop3A_463], %parallel_loop3A_466 {strides = array<i32>} : memref<80x144xf32, #tpu.memory_space<vmem>>, vector<1x16xf32>,
        %parallel_loop3A_467 = vector.extract_strided_slice %parallel_loop3A_396 {offsets = [2], sizes = [1], strides = [1]} : vector<16xf32> to vector<1xf32>
        %parallel_loop3A_468 = vector.extract %parallel_loop3A_467[0] : f32 from vector<1xf32>
        %parallel_loop3A_469 = arith.index_cast %parallel_loop3A_379 : i32 to index
        %parallel_loop3A_470 = arith.constant 80 : index
        %parallel_loop3A_471 = tpu.vector_load %arg9[%parallel_loop3A_469, %parallel_loop3A_470] {strides = array<i32>} : memref<80x144xf32, #tpu.memory_space<vmem>>, vector<1x16xf32>,
        %parallel_loop3A_472 = vector.shape_cast %parallel_loop3A_471 : vector<1x16xf32> to vector<16xf32>
        %parallel_loop3A_473 = vector.broadcast %parallel_loop3A_468 : f32 to vector<16xf32>
        %parallel_loop3A_474 = arith.mulf %parallel_loop3A_472, %parallel_loop3A_473 : vector<16xf32>
        %parallel_loop3A_475 = arith.index_cast %parallel_loop3A_379 : i32 to index
        %parallel_loop3A_476 = arith.constant 80 : index
        %parallel_loop3A_477 = tpu.vector_load %arg9[%parallel_loop3A_475, %parallel_loop3A_476] {strides = array<i32>} : memref<80x144xf32, #tpu.memory_space<vmem>>, vector<1x16xf32>,
        %parallel_loop3A_478 = vector.shape_cast %parallel_loop3A_477 : vector<1x16xf32> to vector<16xf32>
        %parallel_loop3A_479 = vector.shape_cast %parallel_loop3A_474 : vector<16xf32> to vector<1x16xf32>
        tpu.vector_store %arg9[%parallel_loop3A_475, %parallel_loop3A_476], %parallel_loop3A_479 {strides = array<i32>} : memref<80x144xf32, #tpu.memory_space<vmem>>, vector<1x16xf32>,
        %parallel_loop3A_480 = vector.extract_strided_slice %parallel_loop3A_396 {offsets = [3], sizes = [1], strides = [1]} : vector<16xf32> to vector<1xf32>
        %parallel_loop3A_481 = vector.extract %parallel_loop3A_480[0] : f32 from vector<1xf32>
        %parallel_loop3A_482 = arith.index_cast %parallel_loop3A_379 : i32 to index
        %parallel_loop3A_483 = arith.constant 96 : index
        %parallel_loop3A_484 = tpu.vector_load %arg9[%parallel_loop3A_482, %parallel_loop3A_483] {strides = array<i32>} : memref<80x144xf32, #tpu.memory_space<vmem>>, vector<1x16xf32>,
        %parallel_loop3A_485 = vector.shape_cast %parallel_loop3A_484 : vector<1x16xf32> to vector<16xf32>
        %parallel_loop3A_486 = vector.broadcast %parallel_loop3A_481 : f32 to vector<16xf32>
        %parallel_loop3A_487 = arith.mulf %parallel_loop3A_485, %parallel_loop3A_486 : vector<16xf32>
        %parallel_loop3A_488 = arith.index_cast %parallel_loop3A_379 : i32 to index
        %parallel_loop3A_489 = arith.constant 96 : index
        %parallel_loop3A_490 = tpu.vector_load %arg9[%parallel_loop3A_488, %parallel_loop3A_489] {strides = array<i32>} : memref<80x144xf32, #tpu.memory_space<vmem>>, vector<1x16xf32>,
        %parallel_loop3A_491 = vector.shape_cast %parallel_loop3A_490 : vector<1x16xf32> to vector<16xf32>
        %parallel_loop3A_492 = vector.shape_cast %parallel_loop3A_487 : vector<16xf32> to vector<1x16xf32>
        tpu.vector_store %arg9[%parallel_loop3A_488, %parallel_loop3A_489], %parallel_loop3A_492 {strides = array<i32>} : memref<80x144xf32, #tpu.memory_space<vmem>>, vector<1x16xf32>,
        %parallel_loop3A_493 = vector.extract_strided_slice %parallel_loop3A_396 {offsets = [3], sizes = [1], strides = [1]} : vector<16xf32> to vector<1xf32>
        %parallel_loop3A_494 = vector.extract %parallel_loop3A_493[0] : f32 from vector<1xf32>
        %parallel_loop3A_495 = arith.index_cast %parallel_loop3A_379 : i32 to index
        %parallel_loop3A_496 = arith.constant 112 : index
        %parallel_loop3A_497 = tpu.vector_load %arg9[%parallel_loop3A_495, %parallel_loop3A_496] {strides = array<i32>} : memref<80x144xf32, #tpu.memory_space<vmem>>, vector<1x16xf32>,
        %parallel_loop3A_498 = vector.shape_cast %parallel_loop3A_497 : vector<1x16xf32> to vector<16xf32>
        %parallel_loop3A_499 = vector.broadcast %parallel_loop3A_494 : f32 to vector<16xf32>
        %parallel_loop3A_500 = arith.mulf %parallel_loop3A_498, %parallel_loop3A_499 : vector<16xf32>
        %parallel_loop3A_501 = arith.index_cast %parallel_loop3A_379 : i32 to index
        %parallel_loop3A_502 = arith.constant 112 : index
        %parallel_loop3A_503 = tpu.vector_load %arg9[%parallel_loop3A_501, %parallel_loop3A_502] {strides = array<i32>} : memref<80x144xf32, #tpu.memory_space<vmem>>, vector<1x16xf32>,
        %parallel_loop3A_504 = vector.shape_cast %parallel_loop3A_503 : vector<1x16xf32> to vector<16xf32>
        %parallel_loop3A_505 = vector.shape_cast %parallel_loop3A_500 : vector<16xf32> to vector<1x16xf32>
        tpu.vector_store %arg9[%parallel_loop3A_501, %parallel_loop3A_502], %parallel_loop3A_505 {strides = array<i32>} : memref<80x144xf32, #tpu.memory_space<vmem>>, vector<1x16xf32>,
      } {sc.loop_unroll_factor = 4 : i64, sc.parallel_access}
      %dma_start3A_270 = arith.constant 0 : i32
      %dma_start3A_271 = arith.constant 0 : i32
      %dma_start3A_272 = tpu.memref_slice %arg9[%dma_start3A_270, %dma_start3A_271] : memref<80x144xf32, #tpu.memory_space<vmem>> -> memref<40x144xf32, #tpu.memory_space<vmem>>
      %dma_start3A_273 = arith.constant 0 : i32
      %dma_start3A_274 = tpu.memref_slice %arg15[%dma_start3A_273] : memref<80xi32, #tpu.memory_space<vmem>> -> memref<40xi32, #tpu.memory_space<vmem>>
      %dma_start3A_275 = arith.constant 0 : i32
      %dma_start3A_276 = arith.constant 0 : i32
      %dma_start3A_277 = tpu.memref_slice %arg25[%dma_start3A_275, %dma_start3A_276] : memref<10000x144xf32, #tpu.memory_space<vmem_shared>> -> memref<10000x144xf32, #tpu.memory_space<vmem_shared>>
      tpu.enqueue_indirect_dma source(%dma_start3A_272 : memref<40x144xf32, #tpu.memory_space<vmem>>) target(%dma_start3A_277 : memref<10000x144xf32, #tpu.memory_space<vmem_shared>>) offsets(%dma_start3A_274 : memref<40xi32, #tpu.memory_space<vmem>>) semaphore(%arg23 : memref<!tpu.dma_semaphore, #tpu.memory_space<semaphore_mem>>) {add = true}
      %parallel_loop3A_278 = arith.constant 40 : i32
      %parallel_loop3A_279 = arith.constant 80 : i32
      %parallel_loop3A_280 = arith.constant 1 : i32
      scf.for %parallel_loop3A_379 = %parallel_loop3A_278 to %parallel_loop3A_279 step %parallel_loop3A_280  : i32 {
        %parallel_loop3A_380 = arith.index_cast %parallel_loop3A_379 : i32 to index
        %parallel_loop3A_381 = arith.constant 128 : index
        %parallel_loop3A_382 = tpu.vector_load %arg9[%parallel_loop3A_380, %parallel_loop3A_381] {strides = array<i32>} : memref<80x144xf32, #tpu.memory_space<vmem>>, vector<1x16xf32>,
        %parallel_loop3A_383 = vector.shape_cast %parallel_loop3A_382 : vector<1x16xf32> to vector<16xf32>
        %parallel_loop3A_384 = arith.index_cast %parallel_loop3A_379 : i32 to index
        %parallel_loop3A_385 = arith.constant 0 : index
        %parallel_loop3A_386 = tpu.vector_load %arg11[%parallel_loop3A_384, %parallel_loop3A_385] {strides = array<i32>} : memref<80x16xf32, #tpu.memory_space<vmem>>, vector<1x16xf32>,
        %parallel_loop3A_387 = vector.shape_cast %parallel_loop3A_386 : vector<1x16xf32> to vector<16xf32>
        %parallel_loop3A_388 = arith.addf %parallel_loop3A_383, %parallel_loop3A_387 : vector<16xf32>
        %parallel_loop3A_389 = arith.constant 0.000000e+00 : f32
        %parallel_loop3A_390 = vector.broadcast %parallel_loop3A_389 : f32 to vector<16xf32>
        %parallel_loop3A_391 = arith.cmpf ogt, %parallel_loop3A_388, %parallel_loop3A_390 : vector<16xf32>
        %parallel_loop3A_392 = arith.constant 2.000000e-01 : f32
        %parallel_loop3A_393 = vector.broadcast %parallel_loop3A_392 : f32 to vector<16xf32>
        %parallel_loop3A_394 = arith.mulf %parallel_loop3A_393, %parallel_loop3A_388 : vector<16xf32>
        %parallel_loop3A_395 = arith.select %parallel_loop3A_391, %parallel_loop3A_388, %parallel_loop3A_394 : vector<16xi1>, vector<16xf32>
        %parallel_loop3A_396 = math.exp %parallel_loop3A_395 : vector<16xf32>
        %parallel_loop3A_397 = arith.index_cast %parallel_loop3A_379 : i32 to index
        %parallel_loop3A_398 = arith.constant 128 : index
        %parallel_loop3A_399 = tpu.vector_load %arg9[%parallel_loop3A_397, %parallel_loop3A_398] {strides = array<i32>} : memref<80x144xf32, #tpu.memory_space<vmem>>, vector<1x16xf32>,
        %parallel_loop3A_400 = vector.shape_cast %parallel_loop3A_399 : vector<1x16xf32> to vector<16xf32>
        %parallel_loop3A_401 = vector.shape_cast %parallel_loop3A_396 : vector<16xf32> to vector<1x16xf32>
        tpu.vector_store %arg9[%parallel_loop3A_397, %parallel_loop3A_398], %parallel_loop3A_401 {strides = array<i32>} : memref<80x144xf32, #tpu.memory_space<vmem>>, vector<1x16xf32>,
        %parallel_loop3A_402 = vector.extract_strided_slice %parallel_loop3A_396 {offsets = [0], sizes = [1], strides = [1]} : vector<16xf32> to vector<1xf32>
        %parallel_loop3A_403 = vector.extract %parallel_loop3A_402[0] : f32 from vector<1xf32>
        %parallel_loop3A_404 = arith.index_cast %parallel_loop3A_379 : i32 to index
        %parallel_loop3A_405 = arith.constant 0 : index
        %parallel_loop3A_406 = tpu.vector_load %arg9[%parallel_loop3A_404, %parallel_loop3A_405] {strides = array<i32>} : memref<80x144xf32, #tpu.memory_space<vmem>>, vector<1x16xf32>,
        %parallel_loop3A_407 = vector.shape_cast %parallel_loop3A_406 : vector<1x16xf32> to vector<16xf32>
        %parallel_loop3A_408 = vector.broadcast %parallel_loop3A_403 : f32 to vector<16xf32>
        %parallel_loop3A_409 = arith.mulf %parallel_loop3A_407, %parallel_loop3A_408 : vector<16xf32>
        %parallel_loop3A_410 = arith.index_cast %parallel_loop3A_379 : i32 to index
        %parallel_loop3A_411 = arith.constant 0 : index
        %parallel_loop3A_412 = tpu.vector_load %arg9[%parallel_loop3A_410, %parallel_loop3A_411] {strides = array<i32>} : memref<80x144xf32, #tpu.memory_space<vmem>>, vector<1x16xf32>,
        %parallel_loop3A_413 = vector.shape_cast %parallel_loop3A_412 : vector<1x16xf32> to vector<16xf32>
        %parallel_loop3A_414 = vector.shape_cast %parallel_loop3A_409 : vector<16xf32> to vector<1x16xf32>
        tpu.vector_store %arg9[%parallel_loop3A_410, %parallel_loop3A_411], %parallel_loop3A_414 {strides = array<i32>} : memref<80x144xf32, #tpu.memory_space<vmem>>, vector<1x16xf32>,
        %parallel_loop3A_415 = vector.extract_strided_slice %parallel_loop3A_396 {offsets = [0], sizes = [1], strides = [1]} : vector<16xf32> to vector<1xf32>
        %parallel_loop3A_416 = vector.extract %parallel_loop3A_415[0] : f32 from vector<1xf32>
        %parallel_loop3A_417 = arith.index_cast %parallel_loop3A_379 : i32 to index
        %parallel_loop3A_418 = arith.constant 16 : index
        %parallel_loop3A_419 = tpu.vector_load %arg9[%parallel_loop3A_417, %parallel_loop3A_418] {strides = array<i32>} : memref<80x144xf32, #tpu.memory_space<vmem>>, vector<1x16xf32>,
        %parallel_loop3A_420 = vector.shape_cast %parallel_loop3A_419 : vector<1x16xf32> to vector<16xf32>
        %parallel_loop3A_421 = vector.broadcast %parallel_loop3A_416 : f32 to vector<16xf32>
        %parallel_loop3A_422 = arith.mulf %parallel_loop3A_420, %parallel_loop3A_421 : vector<16xf32>
        %parallel_loop3A_423 = arith.index_cast %parallel_loop3A_379 : i32 to index
        %parallel_loop3A_424 = arith.constant 16 : index
        %parallel_loop3A_425 = tpu.vector_load %arg9[%parallel_loop3A_423, %parallel_loop3A_424] {strides = array<i32>} : memref<80x144xf32, #tpu.memory_space<vmem>>, vector<1x16xf32>,
        %parallel_loop3A_426 = vector.shape_cast %parallel_loop3A_425 : vector<1x16xf32> to vector<16xf32>
        %parallel_loop3A_427 = vector.shape_cast %parallel_loop3A_422 : vector<16xf32> to vector<1x16xf32>
        tpu.vector_store %arg9[%parallel_loop3A_423, %parallel_loop3A_424], %parallel_loop3A_427 {strides = array<i32>} : memref<80x144xf32, #tpu.memory_space<vmem>>, vector<1x16xf32>,
        %parallel_loop3A_428 = vector.extract_strided_slice %parallel_loop3A_396 {offsets = [1], sizes = [1], strides = [1]} : vector<16xf32> to vector<1xf32>
        %parallel_loop3A_429 = vector.extract %parallel_loop3A_428[0] : f32 from vector<1xf32>
        %parallel_loop3A_430 = arith.index_cast %parallel_loop3A_379 : i32 to index
        %parallel_loop3A_431 = arith.constant 32 : index
        %parallel_loop3A_432 = tpu.vector_load %arg9[%parallel_loop3A_430, %parallel_loop3A_431] {strides = array<i32>} : memref<80x144xf32, #tpu.memory_space<vmem>>, vector<1x16xf32>,
        %parallel_loop3A_433 = vector.shape_cast %parallel_loop3A_432 : vector<1x16xf32> to vector<16xf32>
        %parallel_loop3A_434 = vector.broadcast %parallel_loop3A_429 : f32 to vector<16xf32>
        %parallel_loop3A_435 = arith.mulf %parallel_loop3A_433, %parallel_loop3A_434 : vector<16xf32>
        %parallel_loop3A_436 = arith.index_cast %parallel_loop3A_379 : i32 to index
        %parallel_loop3A_437 = arith.constant 32 : index
        %parallel_loop3A_438 = tpu.vector_load %arg9[%parallel_loop3A_436, %parallel_loop3A_437] {strides = array<i32>} : memref<80x144xf32, #tpu.memory_space<vmem>>, vector<1x16xf32>,
        %parallel_loop3A_439 = vector.shape_cast %parallel_loop3A_438 : vector<1x16xf32> to vector<16xf32>
        %parallel_loop3A_440 = vector.shape_cast %parallel_loop3A_435 : vector<16xf32> to vector<1x16xf32>
        tpu.vector_store %arg9[%parallel_loop3A_436, %parallel_loop3A_437], %parallel_loop3A_440 {strides = array<i32>} : memref<80x144xf32, #tpu.memory_space<vmem>>, vector<1x16xf32>,
        %parallel_loop3A_441 = vector.extract_strided_slice %parallel_loop3A_396 {offsets = [1], sizes = [1], strides = [1]} : vector<16xf32> to vector<1xf32>
        %parallel_loop3A_442 = vector.extract %parallel_loop3A_441[0] : f32 from vector<1xf32>
        %parallel_loop3A_443 = arith.index_cast %parallel_loop3A_379 : i32 to index
        %parallel_loop3A_444 = arith.constant 48 : index
        %parallel_loop3A_445 = tpu.vector_load %arg9[%parallel_loop3A_443, %parallel_loop3A_444] {strides = array<i32>} : memref<80x144xf32, #tpu.memory_space<vmem>>, vector<1x16xf32>,
        %parallel_loop3A_446 = vector.shape_cast %parallel_loop3A_445 : vector<1x16xf32> to vector<16xf32>
        %parallel_loop3A_447 = vector.broadcast %parallel_loop3A_442 : f32 to vector<16xf32>
        %parallel_loop3A_448 = arith.mulf %parallel_loop3A_446, %parallel_loop3A_447 : vector<16xf32>
        %parallel_loop3A_449 = arith.index_cast %parallel_loop3A_379 : i32 to index
        %parallel_loop3A_450 = arith.constant 48 : index
        %parallel_loop3A_451 = tpu.vector_load %arg9[%parallel_loop3A_449, %parallel_loop3A_450] {strides = array<i32>} : memref<80x144xf32, #tpu.memory_space<vmem>>, vector<1x16xf32>,
        %parallel_loop3A_452 = vector.shape_cast %parallel_loop3A_451 : vector<1x16xf32> to vector<16xf32>
        %parallel_loop3A_453 = vector.shape_cast %parallel_loop3A_448 : vector<16xf32> to vector<1x16xf32>
        tpu.vector_store %arg9[%parallel_loop3A_449, %parallel_loop3A_450], %parallel_loop3A_453 {strides = array<i32>} : memref<80x144xf32, #tpu.memory_space<vmem>>, vector<1x16xf32>,
        %parallel_loop3A_454 = vector.extract_strided_slice %parallel_loop3A_396 {offsets = [2], sizes = [1], strides = [1]} : vector<16xf32> to vector<1xf32>
        %parallel_loop3A_455 = vector.extract %parallel_loop3A_454[0] : f32 from vector<1xf32>
        %parallel_loop3A_456 = arith.index_cast %parallel_loop3A_379 : i32 to index
        %parallel_loop3A_457 = arith.constant 64 : index
        %parallel_loop3A_458 = tpu.vector_load %arg9[%parallel_loop3A_456, %parallel_loop3A_457] {strides = array<i32>} : memref<80x144xf32, #tpu.memory_space<vmem>>, vector<1x16xf32>,
        %parallel_loop3A_459 = vector.shape_cast %parallel_loop3A_458 : vector<1x16xf32> to vector<16xf32>
        %parallel_loop3A_460 = vector.broadcast %parallel_loop3A_455 : f32 to vector<16xf32>
        %parallel_loop3A_461 = arith.mulf %parallel_loop3A_459, %parallel_loop3A_460 : vector<16xf32>
        %parallel_loop3A_462 = arith.index_cast %parallel_loop3A_379 : i32 to index
        %parallel_loop3A_463 = arith.constant 64 : index
        %parallel_loop3A_464 = tpu.vector_load %arg9[%parallel_loop3A_462, %parallel_loop3A_463] {strides = array<i32>} : memref<80x144xf32, #tpu.memory_space<vmem>>, vector<1x16xf32>,
        %parallel_loop3A_465 = vector.shape_cast %parallel_loop3A_464 : vector<1x16xf32> to vector<16xf32>
        %parallel_loop3A_466 = vector.shape_cast %parallel_loop3A_461 : vector<16xf32> to vector<1x16xf32>
        tpu.vector_store %arg9[%parallel_loop3A_462, %parallel_loop3A_463], %parallel_loop3A_466 {strides = array<i32>} : memref<80x144xf32, #tpu.memory_space<vmem>>, vector<1x16xf32>,
        %parallel_loop3A_467 = vector.extract_strided_slice %parallel_loop3A_396 {offsets = [2], sizes = [1], strides = [1]} : vector<16xf32> to vector<1xf32>
        %parallel_loop3A_468 = vector.extract %parallel_loop3A_467[0] : f32 from vector<1xf32>
        %parallel_loop3A_469 = arith.index_cast %parallel_loop3A_379 : i32 to index
        %parallel_loop3A_470 = arith.constant 80 : index
        %parallel_loop3A_471 = tpu.vector_load %arg9[%parallel_loop3A_469, %parallel_loop3A_470] {strides = array<i32>} : memref<80x144xf32, #tpu.memory_space<vmem>>, vector<1x16xf32>,
        %parallel_loop3A_472 = vector.shape_cast %parallel_loop3A_471 : vector<1x16xf32> to vector<16xf32>
        %parallel_loop3A_473 = vector.broadcast %parallel_loop3A_468 : f32 to vector<16xf32>
        %parallel_loop3A_474 = arith.mulf %parallel_loop3A_472, %parallel_loop3A_473 : vector<16xf32>
        %parallel_loop3A_475 = arith.index_cast %parallel_loop3A_379 : i32 to index
        %parallel_loop3A_476 = arith.constant 80 : index
        %parallel_loop3A_477 = tpu.vector_load %arg9[%parallel_loop3A_475, %parallel_loop3A_476] {strides = array<i32>} : memref<80x144xf32, #tpu.memory_space<vmem>>, vector<1x16xf32>,
        %parallel_loop3A_478 = vector.shape_cast %parallel_loop3A_477 : vector<1x16xf32> to vector<16xf32>
        %parallel_loop3A_479 = vector.shape_cast %parallel_loop3A_474 : vector<16xf32> to vector<1x16xf32>
        tpu.vector_store %arg9[%parallel_loop3A_475, %parallel_loop3A_476], %parallel_loop3A_479 {strides = array<i32>} : memref<80x144xf32, #tpu.memory_space<vmem>>, vector<1x16xf32>,
        %parallel_loop3A_480 = vector.extract_strided_slice %parallel_loop3A_396 {offsets = [3], sizes = [1], strides = [1]} : vector<16xf32> to vector<1xf32>
        %parallel_loop3A_481 = vector.extract %parallel_loop3A_480[0] : f32 from vector<1xf32>
        %parallel_loop3A_482 = arith.index_cast %parallel_loop3A_379 : i32 to index
        %parallel_loop3A_483 = arith.constant 96 : index
        %parallel_loop3A_484 = tpu.vector_load %arg9[%parallel_loop3A_482, %parallel_loop3A_483] {strides = array<i32>} : memref<80x144xf32, #tpu.memory_space<vmem>>, vector<1x16xf32>,
        %parallel_loop3A_485 = vector.shape_cast %parallel_loop3A_484 : vector<1x16xf32> to vector<16xf32>
        %parallel_loop3A_486 = vector.broadcast %parallel_loop3A_481 : f32 to vector<16xf32>
        %parallel_loop3A_487 = arith.mulf %parallel_loop3A_485, %parallel_loop3A_486 : vector<16xf32>
        %parallel_loop3A_488 = arith.index_cast %parallel_loop3A_379 : i32 to index
        %parallel_loop3A_489 = arith.constant 96 : index
        %parallel_loop3A_490 = tpu.vector_load %arg9[%parallel_loop3A_488, %parallel_loop3A_489] {strides = array<i32>} : memref<80x144xf32, #tpu.memory_space<vmem>>, vector<1x16xf32>,
        %parallel_loop3A_491 = vector.shape_cast %parallel_loop3A_490 : vector<1x16xf32> to vector<16xf32>
        %parallel_loop3A_492 = vector.shape_cast %parallel_loop3A_487 : vector<16xf32> to vector<1x16xf32>
        tpu.vector_store %arg9[%parallel_loop3A_488, %parallel_loop3A_489], %parallel_loop3A_492 {strides = array<i32>} : memref<80x144xf32, #tpu.memory_space<vmem>>, vector<1x16xf32>,
        %parallel_loop3A_493 = vector.extract_strided_slice %parallel_loop3A_396 {offsets = [3], sizes = [1], strides = [1]} : vector<16xf32> to vector<1xf32>
        %parallel_loop3A_494 = vector.extract %parallel_loop3A_493[0] : f32 from vector<1xf32>
        %parallel_loop3A_495 = arith.index_cast %parallel_loop3A_379 : i32 to index
        %parallel_loop3A_496 = arith.constant 112 : index
        %parallel_loop3A_497 = tpu.vector_load %arg9[%parallel_loop3A_495, %parallel_loop3A_496] {strides = array<i32>} : memref<80x144xf32, #tpu.memory_space<vmem>>, vector<1x16xf32>,
        %parallel_loop3A_498 = vector.shape_cast %parallel_loop3A_497 : vector<1x16xf32> to vector<16xf32>
        %parallel_loop3A_499 = vector.broadcast %parallel_loop3A_494 : f32 to vector<16xf32>
        %parallel_loop3A_500 = arith.mulf %parallel_loop3A_498, %parallel_loop3A_499 : vector<16xf32>
        %parallel_loop3A_501 = arith.index_cast %parallel_loop3A_379 : i32 to index
        %parallel_loop3A_502 = arith.constant 112 : index
        %parallel_loop3A_503 = tpu.vector_load %arg9[%parallel_loop3A_501, %parallel_loop3A_502] {strides = array<i32>} : memref<80x144xf32, #tpu.memory_space<vmem>>, vector<1x16xf32>,
        %parallel_loop3A_504 = vector.shape_cast %parallel_loop3A_503 : vector<1x16xf32> to vector<16xf32>
        %parallel_loop3A_505 = vector.shape_cast %parallel_loop3A_500 : vector<16xf32> to vector<1x16xf32>
        tpu.vector_store %arg9[%parallel_loop3A_501, %parallel_loop3A_502], %parallel_loop3A_505 {strides = array<i32>} : memref<80x144xf32, #tpu.memory_space<vmem>>, vector<1x16xf32>,
      } {sc.loop_unroll_factor = 4 : i64, sc.parallel_access}
      %dma_start3A_281 = arith.constant 40 : i32
      %dma_start3A_282 = arith.constant 0 : i32
      %dma_start3A_283 = tpu.memref_slice %arg9[%dma_start3A_281, %dma_start3A_282] : memref<80x144xf32, #tpu.memory_space<vmem>> -> memref<40x144xf32, #tpu.memory_space<vmem>>
      %dma_start3A_284 = arith.constant 40 : i32
      %dma_start3A_285 = tpu.memref_slice %arg15[%dma_start3A_284] : memref<80xi32, #tpu.memory_space<vmem>> -> memref<40xi32, #tpu.memory_space<vmem>>
      %dma_start3A_286 = arith.constant 0 : i32
      %dma_start3A_287 = arith.constant 0 : i32
      %dma_start3A_288 = tpu.memref_slice %arg25[%dma_start3A_286, %dma_start3A_287] : memref<10000x144xf32, #tpu.memory_space<vmem_shared>> -> memref<10000x144xf32, #tpu.memory_space<vmem_shared>>
      tpu.enqueue_indirect_dma source(%dma_start3A_283 : memref<40x144xf32, #tpu.memory_space<vmem>>) target(%dma_start3A_288 : memref<10000x144xf32, #tpu.memory_space<vmem_shared>>) offsets(%dma_start3A_285 : memref<40xi32, #tpu.memory_space<vmem>>) semaphore(%arg23 : memref<!tpu.dma_semaphore, #tpu.memory_space<semaphore_mem>>) {add = true}
      %dma_wait3A_289 = arith.constant 0 : i32
      %dma_wait3A_290 = arith.constant 0 : i32
      %dma_wait3A_291 = tpu.memref_slice %arg9[%dma_wait3A_289, %dma_wait3A_290] : memref<80x144xf32, #tpu.memory_space<vmem>> -> memref<40x144xf32, #tpu.memory_space<vmem>>
      %dma_wait3A_292 = arith.constant 0 : i32
      %dma_wait3A_293 = tpu.memref_slice %arg15[%dma_wait3A_292] : memref<80xi32, #tpu.memory_space<vmem>> -> memref<40xi32, #tpu.memory_space<vmem>>
      %dma_wait3A_294 = arith.constant 0 : i32
      %dma_wait3A_295 = arith.constant 0 : i32
      %dma_wait3A_296 = tpu.memref_slice %arg25[%dma_wait3A_294, %dma_wait3A_295] : memref<10000x144xf32, #tpu.memory_space<vmem_shared>> -> memref<10000x144xf32, #tpu.memory_space<vmem_shared>>
      tpu.wait_indirect_dma semaphore(%arg23 : memref<!tpu.dma_semaphore, #tpu.memory_space<semaphore_mem>>) src(%dma_wait3A_291 : memref<40x144xf32, #tpu.memory_space<vmem>>) dst(%dma_wait3A_296 : memref<10000x144xf32, #tpu.memory_space<vmem_shared>>)
      %dma_wait3A_297 = arith.constant 40 : i32
      %dma_wait3A_298 = arith.constant 0 : i32
      %dma_wait3A_299 = tpu.memref_slice %arg9[%dma_wait3A_297, %dma_wait3A_298] : memref<80x144xf32, #tpu.memory_space<vmem>> -> memref<40x144xf32, #tpu.memory_space<vmem>>
      %dma_wait3A_300 = arith.constant 40 : i32
      %dma_wait3A_301 = tpu.memref_slice %arg15[%dma_wait3A_300] : memref<80xi32, #tpu.memory_space<vmem>> -> memref<40xi32, #tpu.memory_space<vmem>>
      %dma_wait3A_302 = arith.constant 0 : i32
      %dma_wait3A_303 = arith.constant 0 : i32
      %dma_wait3A_304 = tpu.memref_slice %arg25[%dma_wait3A_302, %dma_wait3A_303] : memref<10000x144xf32, #tpu.memory_space<vmem_shared>> -> memref<10000x144xf32, #tpu.memory_space<vmem_shared>>
      tpu.wait_indirect_dma semaphore(%arg23 : memref<!tpu.dma_semaphore, #tpu.memory_space<semaphore_mem>>) src(%dma_wait3A_299 : memref<40x144xf32, #tpu.memory_space<vmem>>) dst(%dma_wait3A_304 : memref<10000x144xf32, #tpu.memory_space<vmem_shared>>)
      %mul3A_305 = arith.constant 4 : i32
      %mul3A_306 = arith.muli %mul3A_305, %scan3A_83 : i32
      %add3A_307 = arith.constant 3 : i32
      %add3A_308 = arith.addi %mul3A_306, %add3A_307 : i32
      %add3A_309 = arith.constant 2 : i32
      %add3A_310 = arith.addi %add3A_308, %add3A_309 : i32
      %lt3A_311 = arith.constant 125 : i32
      %lt3A_312 = arith.cmpi slt, %add3A_310, %lt3A_311 : i32
      %convert_element_type3A_313 = arith.extui %lt3A_312 : i1 to i32
      %cond3A_314 = arith.constant 0 : i32
      %cond3A_315 = arith.cmpi ne, %convert_element_type3A_313, %cond3A_314 : i32
      scf.if %cond3A_315 {
        %add3A_379 = arith.constant 2 : i32
        %add3A_380 = arith.addi %add3A_308, %add3A_379 : i32
        %mul3A_381 = arith.constant 80 : i32
        %mul3A_382 = arith.muli %add3A_380, %mul3A_381 : i32
        %add3A_383 = arith.addi %mul3A_6, %mul3A_382 : i32
        %dma_start3A_384 = tpu.memref_slice %arg5[%add3A_383] : memref<320000xi32, #tpu.memory_space<hbm>> -> memref<80xi32, #tpu.memory_space<hbm>>
        %dma_start3A_385 = tpu.memref_slice %arg5[%add3A_383] : memref<320000xi32, #tpu.memory_space<hbm>> -> memref<80xi32, #tpu.memory_space<hbm>>
        tpu.enqueue_dma source(%dma_start3A_385 : memref<80xi32, #tpu.memory_space<hbm>>) target(%arg14 : memref<80xi32, #tpu.memory_space<vmem>>) target_semaphore(%arg20 : memref<!tpu.dma_semaphore, #tpu.memory_space<semaphore_mem>>)
      } else {
      }
      %add3A_316 = arith.constant 1 : i32
      %add3A_317 = arith.addi %add3A_308, %add3A_316 : i32
      %mul3A_318 = arith.constant 80 : i32
      %mul3A_319 = arith.muli %add3A_317, %mul3A_318 : i32
      %add3A_320 = arith.addi %mul3A_6, %mul3A_319 : i32
      %dma_wait3A_321 = tpu.memref_slice %arg5[%add3A_320] : memref<320000xi32, #tpu.memory_space<hbm>> -> memref<80xi32, #tpu.memory_space<hbm>>
      %dma_wait3A_322 = tpu.memref_slice %arg5[%add3A_320] : memref<320000xi32, #tpu.memory_space<hbm>> -> memref<80xi32, #tpu.memory_space<hbm>>
      tpu.wait_dma2 semaphore(%arg19 : memref<!tpu.dma_semaphore, #tpu.memory_space<semaphore_mem>>) src(%dma_wait3A_322 : memref<80xi32, #tpu.memory_space<hbm>>) dst(%arg13 : memref<80xi32, #tpu.memory_space<vmem>>)
      %mul3A_323 = arith.constant 80 : i32
      %mul3A_324 = arith.muli %add3A_317, %mul3A_323 : i32
      %dma_start3A_325 = tpu.memref_slice %arg8[%mul3A_324] : memref<10000xi32, #tpu.memory_space<vmem>> -> memref<80xi32, #tpu.memory_space<vmem>>
      %dma_start3A_326 = arith.constant 0 : i32
      %dma_start3A_327 = arith.constant 0 : i32
      %dma_start3A_328 = tpu.memref_slice %arg2[%dma_start3A_326, %dma_start3A_327] : memref<10000x144xf32, #tpu.memory_space<hbm>> -> memref<10000x144xf32, #tpu.memory_space<hbm>>
      tpu.enqueue_indirect_dma source(%dma_start3A_328 : memref<10000x144xf32, #tpu.memory_space<hbm>>) target(%arg9 : memref<80x144xf32, #tpu.memory_space<vmem>>) offsets(%dma_start3A_325 : memref<80xi32, #tpu.memory_space<vmem>>) semaphore(%arg17 : memref<!tpu.dma_semaphore, #tpu.memory_space<semaphore_mem>>)
      %dma_start3A_329 = arith.constant 0 : i32
      %dma_start3A_330 = arith.constant 0 : i32
      %dma_start3A_331 = tpu.memref_slice %arg3[%dma_start3A_329, %dma_start3A_330] : memref<10000x16xf32, #tpu.memory_space<hbm>> -> memref<10000x16xf32, #tpu.memory_space<hbm>>
      tpu.enqueue_indirect_dma source(%dma_start3A_331 : memref<10000x16xf32, #tpu.memory_space<hbm>>) target(%arg11 : memref<80x16xf32, #tpu.memory_space<vmem>>) offsets(%arg13 : memref<80xi32, #tpu.memory_space<vmem>>) semaphore(%arg17 : memref<!tpu.dma_semaphore, #tpu.memory_space<semaphore_mem>>)
      %mul3A_332 = arith.constant 80 : i32
      %mul3A_333 = arith.muli %add3A_308, %mul3A_332 : i32
      %dma_wait3A_334 = tpu.memref_slice %arg8[%mul3A_333] : memref<10000xi32, #tpu.memory_space<vmem>> -> memref<80xi32, #tpu.memory_space<vmem>>
      %dma_wait3A_335 = arith.constant 0 : i32
      %dma_wait3A_336 = arith.constant 0 : i32
      %dma_wait3A_337 = tpu.memref_slice %arg2[%dma_wait3A_335, %dma_wait3A_336] : memref<10000x144xf32, #tpu.memory_space<hbm>> -> memref<10000x144xf32, #tpu.memory_space<hbm>>
      tpu.wait_indirect_dma semaphore(%arg18 : memref<!tpu.dma_semaphore, #tpu.memory_space<semaphore_mem>>) src(%dma_wait3A_337 : memref<10000x144xf32, #tpu.memory_space<hbm>>) dst(%arg10 : memref<80x144xf32, #tpu.memory_space<vmem>>)
      %dma_wait3A_338 = arith.constant 0 : i32
      %dma_wait3A_339 = arith.constant 0 : i32
      %dma_wait3A_340 = tpu.memref_slice %arg3[%dma_wait3A_338, %dma_wait3A_339] : memref<10000x16xf32, #tpu.memory_space<hbm>> -> memref<10000x16xf32, #tpu.memory_space<hbm>>
      tpu.wait_indirect_dma semaphore(%arg18 : memref<!tpu.dma_semaphore, #tpu.memory_space<semaphore_mem>>) src(%dma_wait3A_340 : memref<10000x16xf32, #tpu.memory_space<hbm>>) dst(%arg12 : memref<80x16xf32, #tpu.memory_space<vmem>>)
      %parallel_loop3A_341 = arith.constant 0 : i32
      %parallel_loop3A_342 = arith.constant 40 : i32
      %parallel_loop3A_343 = arith.constant 1 : i32
      scf.for %parallel_loop3A_379 = %parallel_loop3A_341 to %parallel_loop3A_342 step %parallel_loop3A_343  : i32 {
        %parallel_loop3A_380 = arith.index_cast %parallel_loop3A_379 : i32 to index
        %parallel_loop3A_381 = arith.constant 128 : index
        %parallel_loop3A_382 = tpu.vector_load %arg10[%parallel_loop3A_380, %parallel_loop3A_381] {strides = array<i32>} : memref<80x144xf32, #tpu.memory_space<vmem>>, vector<1x16xf32>,
        %parallel_loop3A_383 = vector.shape_cast %parallel_loop3A_382 : vector<1x16xf32> to vector<16xf32>
        %parallel_loop3A_384 = arith.index_cast %parallel_loop3A_379 : i32 to index
        %parallel_loop3A_385 = arith.constant 0 : index
        %parallel_loop3A_386 = tpu.vector_load %arg12[%parallel_loop3A_384, %parallel_loop3A_385] {strides = array<i32>} : memref<80x16xf32, #tpu.memory_space<vmem>>, vector<1x16xf32>,
        %parallel_loop3A_387 = vector.shape_cast %parallel_loop3A_386 : vector<1x16xf32> to vector<16xf32>
        %parallel_loop3A_388 = arith.addf %parallel_loop3A_383, %parallel_loop3A_387 : vector<16xf32>
        %parallel_loop3A_389 = arith.constant 0.000000e+00 : f32
        %parallel_loop3A_390 = vector.broadcast %parallel_loop3A_389 : f32 to vector<16xf32>
        %parallel_loop3A_391 = arith.cmpf ogt, %parallel_loop3A_388, %parallel_loop3A_390 : vector<16xf32>
        %parallel_loop3A_392 = arith.constant 2.000000e-01 : f32
        %parallel_loop3A_393 = vector.broadcast %parallel_loop3A_392 : f32 to vector<16xf32>
        %parallel_loop3A_394 = arith.mulf %parallel_loop3A_393, %parallel_loop3A_388 : vector<16xf32>
        %parallel_loop3A_395 = arith.select %parallel_loop3A_391, %parallel_loop3A_388, %parallel_loop3A_394 : vector<16xi1>, vector<16xf32>
        %parallel_loop3A_396 = math.exp %parallel_loop3A_395 : vector<16xf32>
        %parallel_loop3A_397 = arith.index_cast %parallel_loop3A_379 : i32 to index
        %parallel_loop3A_398 = arith.constant 128 : index
        %parallel_loop3A_399 = tpu.vector_load %arg10[%parallel_loop3A_397, %parallel_loop3A_398] {strides = array<i32>} : memref<80x144xf32, #tpu.memory_space<vmem>>, vector<1x16xf32>,
        %parallel_loop3A_400 = vector.shape_cast %parallel_loop3A_399 : vector<1x16xf32> to vector<16xf32>
        %parallel_loop3A_401 = vector.shape_cast %parallel_loop3A_396 : vector<16xf32> to vector<1x16xf32>
        tpu.vector_store %arg10[%parallel_loop3A_397, %parallel_loop3A_398], %parallel_loop3A_401 {strides = array<i32>} : memref<80x144xf32, #tpu.memory_space<vmem>>, vector<1x16xf32>,
        %parallel_loop3A_402 = vector.extract_strided_slice %parallel_loop3A_396 {offsets = [0], sizes = [1], strides = [1]} : vector<16xf32> to vector<1xf32>
        %parallel_loop3A_403 = vector.extract %parallel_loop3A_402[0] : f32 from vector<1xf32>
        %parallel_loop3A_404 = arith.index_cast %parallel_loop3A_379 : i32 to index
        %parallel_loop3A_405 = arith.constant 0 : index
        %parallel_loop3A_406 = tpu.vector_load %arg10[%parallel_loop3A_404, %parallel_loop3A_405] {strides = array<i32>} : memref<80x144xf32, #tpu.memory_space<vmem>>, vector<1x16xf32>,
        %parallel_loop3A_407 = vector.shape_cast %parallel_loop3A_406 : vector<1x16xf32> to vector<16xf32>
        %parallel_loop3A_408 = vector.broadcast %parallel_loop3A_403 : f32 to vector<16xf32>
        %parallel_loop3A_409 = arith.mulf %parallel_loop3A_407, %parallel_loop3A_408 : vector<16xf32>
        %parallel_loop3A_410 = arith.index_cast %parallel_loop3A_379 : i32 to index
        %parallel_loop3A_411 = arith.constant 0 : index
        %parallel_loop3A_412 = tpu.vector_load %arg10[%parallel_loop3A_410, %parallel_loop3A_411] {strides = array<i32>} : memref<80x144xf32, #tpu.memory_space<vmem>>, vector<1x16xf32>,
        %parallel_loop3A_413 = vector.shape_cast %parallel_loop3A_412 : vector<1x16xf32> to vector<16xf32>
        %parallel_loop3A_414 = vector.shape_cast %parallel_loop3A_409 : vector<16xf32> to vector<1x16xf32>
        tpu.vector_store %arg10[%parallel_loop3A_410, %parallel_loop3A_411], %parallel_loop3A_414 {strides = array<i32>} : memref<80x144xf32, #tpu.memory_space<vmem>>, vector<1x16xf32>,
        %parallel_loop3A_415 = vector.extract_strided_slice %parallel_loop3A_396 {offsets = [0], sizes = [1], strides = [1]} : vector<16xf32> to vector<1xf32>
        %parallel_loop3A_416 = vector.extract %parallel_loop3A_415[0] : f32 from vector<1xf32>
        %parallel_loop3A_417 = arith.index_cast %parallel_loop3A_379 : i32 to index
        %parallel_loop3A_418 = arith.constant 16 : index
        %parallel_loop3A_419 = tpu.vector_load %arg10[%parallel_loop3A_417, %parallel_loop3A_418] {strides = array<i32>} : memref<80x144xf32, #tpu.memory_space<vmem>>, vector<1x16xf32>,
        %parallel_loop3A_420 = vector.shape_cast %parallel_loop3A_419 : vector<1x16xf32> to vector<16xf32>
        %parallel_loop3A_421 = vector.broadcast %parallel_loop3A_416 : f32 to vector<16xf32>
        %parallel_loop3A_422 = arith.mulf %parallel_loop3A_420, %parallel_loop3A_421 : vector<16xf32>
        %parallel_loop3A_423 = arith.index_cast %parallel_loop3A_379 : i32 to index
        %parallel_loop3A_424 = arith.constant 16 : index
        %parallel_loop3A_425 = tpu.vector_load %arg10[%parallel_loop3A_423, %parallel_loop3A_424] {strides = array<i32>} : memref<80x144xf32, #tpu.memory_space<vmem>>, vector<1x16xf32>,
        %parallel_loop3A_426 = vector.shape_cast %parallel_loop3A_425 : vector<1x16xf32> to vector<16xf32>
        %parallel_loop3A_427 = vector.shape_cast %parallel_loop3A_422 : vector<16xf32> to vector<1x16xf32>
        tpu.vector_store %arg10[%parallel_loop3A_423, %parallel_loop3A_424], %parallel_loop3A_427 {strides = array<i32>} : memref<80x144xf32, #tpu.memory_space<vmem>>, vector<1x16xf32>,
        %parallel_loop3A_428 = vector.extract_strided_slice %parallel_loop3A_396 {offsets = [1], sizes = [1], strides = [1]} : vector<16xf32> to vector<1xf32>
        %parallel_loop3A_429 = vector.extract %parallel_loop3A_428[0] : f32 from vector<1xf32>
        %parallel_loop3A_430 = arith.index_cast %parallel_loop3A_379 : i32 to index
        %parallel_loop3A_431 = arith.constant 32 : index
        %parallel_loop3A_432 = tpu.vector_load %arg10[%parallel_loop3A_430, %parallel_loop3A_431] {strides = array<i32>} : memref<80x144xf32, #tpu.memory_space<vmem>>, vector<1x16xf32>,
        %parallel_loop3A_433 = vector.shape_cast %parallel_loop3A_432 : vector<1x16xf32> to vector<16xf32>
        %parallel_loop3A_434 = vector.broadcast %parallel_loop3A_429 : f32 to vector<16xf32>
        %parallel_loop3A_435 = arith.mulf %parallel_loop3A_433, %parallel_loop3A_434 : vector<16xf32>
        %parallel_loop3A_436 = arith.index_cast %parallel_loop3A_379 : i32 to index
        %parallel_loop3A_437 = arith.constant 32 : index
        %parallel_loop3A_438 = tpu.vector_load %arg10[%parallel_loop3A_436, %parallel_loop3A_437] {strides = array<i32>} : memref<80x144xf32, #tpu.memory_space<vmem>>, vector<1x16xf32>,
        %parallel_loop3A_439 = vector.shape_cast %parallel_loop3A_438 : vector<1x16xf32> to vector<16xf32>
        %parallel_loop3A_440 = vector.shape_cast %parallel_loop3A_435 : vector<16xf32> to vector<1x16xf32>
        tpu.vector_store %arg10[%parallel_loop3A_436, %parallel_loop3A_437], %parallel_loop3A_440 {strides = array<i32>} : memref<80x144xf32, #tpu.memory_space<vmem>>, vector<1x16xf32>,
        %parallel_loop3A_441 = vector.extract_strided_slice %parallel_loop3A_396 {offsets = [1], sizes = [1], strides = [1]} : vector<16xf32> to vector<1xf32>
        %parallel_loop3A_442 = vector.extract %parallel_loop3A_441[0] : f32 from vector<1xf32>
        %parallel_loop3A_443 = arith.index_cast %parallel_loop3A_379 : i32 to index
        %parallel_loop3A_444 = arith.constant 48 : index
        %parallel_loop3A_445 = tpu.vector_load %arg10[%parallel_loop3A_443, %parallel_loop3A_444] {strides = array<i32>} : memref<80x144xf32, #tpu.memory_space<vmem>>, vector<1x16xf32>,
        %parallel_loop3A_446 = vector.shape_cast %parallel_loop3A_445 : vector<1x16xf32> to vector<16xf32>
        %parallel_loop3A_447 = vector.broadcast %parallel_loop3A_442 : f32 to vector<16xf32>
        %parallel_loop3A_448 = arith.mulf %parallel_loop3A_446, %parallel_loop3A_447 : vector<16xf32>
        %parallel_loop3A_449 = arith.index_cast %parallel_loop3A_379 : i32 to index
        %parallel_loop3A_450 = arith.constant 48 : index
        %parallel_loop3A_451 = tpu.vector_load %arg10[%parallel_loop3A_449, %parallel_loop3A_450] {strides = array<i32>} : memref<80x144xf32, #tpu.memory_space<vmem>>, vector<1x16xf32>,
        %parallel_loop3A_452 = vector.shape_cast %parallel_loop3A_451 : vector<1x16xf32> to vector<16xf32>
        %parallel_loop3A_453 = vector.shape_cast %parallel_loop3A_448 : vector<16xf32> to vector<1x16xf32>
        tpu.vector_store %arg10[%parallel_loop3A_449, %parallel_loop3A_450], %parallel_loop3A_453 {strides = array<i32>} : memref<80x144xf32, #tpu.memory_space<vmem>>, vector<1x16xf32>,
        %parallel_loop3A_454 = vector.extract_strided_slice %parallel_loop3A_396 {offsets = [2], sizes = [1], strides = [1]} : vector<16xf32> to vector<1xf32>
        %parallel_loop3A_455 = vector.extract %parallel_loop3A_454[0] : f32 from vector<1xf32>
        %parallel_loop3A_456 = arith.index_cast %parallel_loop3A_379 : i32 to index
        %parallel_loop3A_457 = arith.constant 64 : index
        %parallel_loop3A_458 = tpu.vector_load %arg10[%parallel_loop3A_456, %parallel_loop3A_457] {strides = array<i32>} : memref<80x144xf32, #tpu.memory_space<vmem>>, vector<1x16xf32>,
        %parallel_loop3A_459 = vector.shape_cast %parallel_loop3A_458 : vector<1x16xf32> to vector<16xf32>
        %parallel_loop3A_460 = vector.broadcast %parallel_loop3A_455 : f32 to vector<16xf32>
        %parallel_loop3A_461 = arith.mulf %parallel_loop3A_459, %parallel_loop3A_460 : vector<16xf32>
        %parallel_loop3A_462 = arith.index_cast %parallel_loop3A_379 : i32 to index
        %parallel_loop3A_463 = arith.constant 64 : index
        %parallel_loop3A_464 = tpu.vector_load %arg10[%parallel_loop3A_462, %parallel_loop3A_463] {strides = array<i32>} : memref<80x144xf32, #tpu.memory_space<vmem>>, vector<1x16xf32>,
        %parallel_loop3A_465 = vector.shape_cast %parallel_loop3A_464 : vector<1x16xf32> to vector<16xf32>
        %parallel_loop3A_466 = vector.shape_cast %parallel_loop3A_461 : vector<16xf32> to vector<1x16xf32>
        tpu.vector_store %arg10[%parallel_loop3A_462, %parallel_loop3A_463], %parallel_loop3A_466 {strides = array<i32>} : memref<80x144xf32, #tpu.memory_space<vmem>>, vector<1x16xf32>,
        %parallel_loop3A_467 = vector.extract_strided_slice %parallel_loop3A_396 {offsets = [2], sizes = [1], strides = [1]} : vector<16xf32> to vector<1xf32>
        %parallel_loop3A_468 = vector.extract %parallel_loop3A_467[0] : f32 from vector<1xf32>
        %parallel_loop3A_469 = arith.index_cast %parallel_loop3A_379 : i32 to index
        %parallel_loop3A_470 = arith.constant 80 : index
        %parallel_loop3A_471 = tpu.vector_load %arg10[%parallel_loop3A_469, %parallel_loop3A_470] {strides = array<i32>} : memref<80x144xf32, #tpu.memory_space<vmem>>, vector<1x16xf32>,
        %parallel_loop3A_472 = vector.shape_cast %parallel_loop3A_471 : vector<1x16xf32> to vector<16xf32>
        %parallel_loop3A_473 = vector.broadcast %parallel_loop3A_468 : f32 to vector<16xf32>
        %parallel_loop3A_474 = arith.mulf %parallel_loop3A_472, %parallel_loop3A_473 : vector<16xf32>
        %parallel_loop3A_475 = arith.index_cast %parallel_loop3A_379 : i32 to index
        %parallel_loop3A_476 = arith.constant 80 : index
        %parallel_loop3A_477 = tpu.vector_load %arg10[%parallel_loop3A_475, %parallel_loop3A_476] {strides = array<i32>} : memref<80x144xf32, #tpu.memory_space<vmem>>, vector<1x16xf32>,
        %parallel_loop3A_478 = vector.shape_cast %parallel_loop3A_477 : vector<1x16xf32> to vector<16xf32>
        %parallel_loop3A_479 = vector.shape_cast %parallel_loop3A_474 : vector<16xf32> to vector<1x16xf32>
        tpu.vector_store %arg10[%parallel_loop3A_475, %parallel_loop3A_476], %parallel_loop3A_479 {strides = array<i32>} : memref<80x144xf32, #tpu.memory_space<vmem>>, vector<1x16xf32>,
        %parallel_loop3A_480 = vector.extract_strided_slice %parallel_loop3A_396 {offsets = [3], sizes = [1], strides = [1]} : vector<16xf32> to vector<1xf32>
        %parallel_loop3A_481 = vector.extract %parallel_loop3A_480[0] : f32 from vector<1xf32>
        %parallel_loop3A_482 = arith.index_cast %parallel_loop3A_379 : i32 to index
        %parallel_loop3A_483 = arith.constant 96 : index
        %parallel_loop3A_484 = tpu.vector_load %arg10[%parallel_loop3A_482, %parallel_loop3A_483] {strides = array<i32>} : memref<80x144xf32, #tpu.memory_space<vmem>>, vector<1x16xf32>,
        %parallel_loop3A_485 = vector.shape_cast %parallel_loop3A_484 : vector<1x16xf32> to vector<16xf32>
        %parallel_loop3A_486 = vector.broadcast %parallel_loop3A_481 : f32 to vector<16xf32>
        %parallel_loop3A_487 = arith.mulf %parallel_loop3A_485, %parallel_loop3A_486 : vector<16xf32>
        %parallel_loop3A_488 = arith.index_cast %parallel_loop3A_379 : i32 to index
        %parallel_loop3A_489 = arith.constant 96 : index
        %parallel_loop3A_490 = tpu.vector_load %arg10[%parallel_loop3A_488, %parallel_loop3A_489] {strides = array<i32>} : memref<80x144xf32, #tpu.memory_space<vmem>>, vector<1x16xf32>,
        %parallel_loop3A_491 = vector.shape_cast %parallel_loop3A_490 : vector<1x16xf32> to vector<16xf32>
        %parallel_loop3A_492 = vector.shape_cast %parallel_loop3A_487 : vector<16xf32> to vector<1x16xf32>
        tpu.vector_store %arg10[%parallel_loop3A_488, %parallel_loop3A_489], %parallel_loop3A_492 {strides = array<i32>} : memref<80x144xf32, #tpu.memory_space<vmem>>, vector<1x16xf32>,
        %parallel_loop3A_493 = vector.extract_strided_slice %parallel_loop3A_396 {offsets = [3], sizes = [1], strides = [1]} : vector<16xf32> to vector<1xf32>
        %parallel_loop3A_494 = vector.extract %parallel_loop3A_493[0] : f32 from vector<1xf32>
        %parallel_loop3A_495 = arith.index_cast %parallel_loop3A_379 : i32 to index
        %parallel_loop3A_496 = arith.constant 112 : index
        %parallel_loop3A_497 = tpu.vector_load %arg10[%parallel_loop3A_495, %parallel_loop3A_496] {strides = array<i32>} : memref<80x144xf32, #tpu.memory_space<vmem>>, vector<1x16xf32>,
        %parallel_loop3A_498 = vector.shape_cast %parallel_loop3A_497 : vector<1x16xf32> to vector<16xf32>
        %parallel_loop3A_499 = vector.broadcast %parallel_loop3A_494 : f32 to vector<16xf32>
        %parallel_loop3A_500 = arith.mulf %parallel_loop3A_498, %parallel_loop3A_499 : vector<16xf32>
        %parallel_loop3A_501 = arith.index_cast %parallel_loop3A_379 : i32 to index
        %parallel_loop3A_502 = arith.constant 112 : index
        %parallel_loop3A_503 = tpu.vector_load %arg10[%parallel_loop3A_501, %parallel_loop3A_502] {strides = array<i32>} : memref<80x144xf32, #tpu.memory_space<vmem>>, vector<1x16xf32>,
        %parallel_loop3A_504 = vector.shape_cast %parallel_loop3A_503 : vector<1x16xf32> to vector<16xf32>
        %parallel_loop3A_505 = vector.shape_cast %parallel_loop3A_500 : vector<16xf32> to vector<1x16xf32>
        tpu.vector_store %arg10[%parallel_loop3A_501, %parallel_loop3A_502], %parallel_loop3A_505 {strides = array<i32>} : memref<80x144xf32, #tpu.memory_space<vmem>>, vector<1x16xf32>,
      } {sc.loop_unroll_factor = 4 : i64, sc.parallel_access}
      %dma_start3A_344 = arith.constant 0 : i32
      %dma_start3A_345 = arith.constant 0 : i32
      %dma_start3A_346 = tpu.memref_slice %arg10[%dma_start3A_344, %dma_start3A_345] : memref<80x144xf32, #tpu.memory_space<vmem>> -> memref<40x144xf32, #tpu.memory_space<vmem>>
      %dma_start3A_347 = arith.constant 0 : i32
      %dma_start3A_348 = tpu.memref_slice %arg16[%dma_start3A_347] : memref<80xi32, #tpu.memory_space<vmem>> -> memref<40xi32, #tpu.memory_space<vmem>>
      %dma_start3A_349 = arith.constant 0 : i32
      %dma_start3A_350 = arith.constant 0 : i32
      %dma_start3A_351 = tpu.memref_slice %arg25[%dma_start3A_349, %dma_start3A_350] : memref<10000x144xf32, #tpu.memory_space<vmem_shared>> -> memref<10000x144xf32, #tpu.memory_space<vmem_shared>>
      tpu.enqueue_indirect_dma source(%dma_start3A_346 : memref<40x144xf32, #tpu.memory_space<vmem>>) target(%dma_start3A_351 : memref<10000x144xf32, #tpu.memory_space<vmem_shared>>) offsets(%dma_start3A_348 : memref<40xi32, #tpu.memory_space<vmem>>) semaphore(%arg24 : memref<!tpu.dma_semaphore, #tpu.memory_space<semaphore_mem>>) {add = true}
      %parallel_loop3A_352 = arith.constant 40 : i32
      %parallel_loop3A_353 = arith.constant 80 : i32
      %parallel_loop3A_354 = arith.constant 1 : i32
      scf.for %parallel_loop3A_379 = %parallel_loop3A_352 to %parallel_loop3A_353 step %parallel_loop3A_354  : i32 {
        %parallel_loop3A_380 = arith.index_cast %parallel_loop3A_379 : i32 to index
        %parallel_loop3A_381 = arith.constant 128 : index
        %parallel_loop3A_382 = tpu.vector_load %arg10[%parallel_loop3A_380, %parallel_loop3A_381] {strides = array<i32>} : memref<80x144xf32, #tpu.memory_space<vmem>>, vector<1x16xf32>,
        %parallel_loop3A_383 = vector.shape_cast %parallel_loop3A_382 : vector<1x16xf32> to vector<16xf32>
        %parallel_loop3A_384 = arith.index_cast %parallel_loop3A_379 : i32 to index
        %parallel_loop3A_385 = arith.constant 0 : index
        %parallel_loop3A_386 = tpu.vector_load %arg12[%parallel_loop3A_384, %parallel_loop3A_385] {strides = array<i32>} : memref<80x16xf32, #tpu.memory_space<vmem>>, vector<1x16xf32>,
        %parallel_loop3A_387 = vector.shape_cast %parallel_loop3A_386 : vector<1x16xf32> to vector<16xf32>
        %parallel_loop3A_388 = arith.addf %parallel_loop3A_383, %parallel_loop3A_387 : vector<16xf32>
        %parallel_loop3A_389 = arith.constant 0.000000e+00 : f32
        %parallel_loop3A_390 = vector.broadcast %parallel_loop3A_389 : f32 to vector<16xf32>
        %parallel_loop3A_391 = arith.cmpf ogt, %parallel_loop3A_388, %parallel_loop3A_390 : vector<16xf32>
        %parallel_loop3A_392 = arith.constant 2.000000e-01 : f32
        %parallel_loop3A_393 = vector.broadcast %parallel_loop3A_392 : f32 to vector<16xf32>
        %parallel_loop3A_394 = arith.mulf %parallel_loop3A_393, %parallel_loop3A_388 : vector<16xf32>
        %parallel_loop3A_395 = arith.select %parallel_loop3A_391, %parallel_loop3A_388, %parallel_loop3A_394 : vector<16xi1>, vector<16xf32>
        %parallel_loop3A_396 = math.exp %parallel_loop3A_395 : vector<16xf32>
        %parallel_loop3A_397 = arith.index_cast %parallel_loop3A_379 : i32 to index
        %parallel_loop3A_398 = arith.constant 128 : index
        %parallel_loop3A_399 = tpu.vector_load %arg10[%parallel_loop3A_397, %parallel_loop3A_398] {strides = array<i32>} : memref<80x144xf32, #tpu.memory_space<vmem>>, vector<1x16xf32>,
        %parallel_loop3A_400 = vector.shape_cast %parallel_loop3A_399 : vector<1x16xf32> to vector<16xf32>
        %parallel_loop3A_401 = vector.shape_cast %parallel_loop3A_396 : vector<16xf32> to vector<1x16xf32>
        tpu.vector_store %arg10[%parallel_loop3A_397, %parallel_loop3A_398], %parallel_loop3A_401 {strides = array<i32>} : memref<80x144xf32, #tpu.memory_space<vmem>>, vector<1x16xf32>,
        %parallel_loop3A_402 = vector.extract_strided_slice %parallel_loop3A_396 {offsets = [0], sizes = [1], strides = [1]} : vector<16xf32> to vector<1xf32>
        %parallel_loop3A_403 = vector.extract %parallel_loop3A_402[0] : f32 from vector<1xf32>
        %parallel_loop3A_404 = arith.index_cast %parallel_loop3A_379 : i32 to index
        %parallel_loop3A_405 = arith.constant 0 : index
        %parallel_loop3A_406 = tpu.vector_load %arg10[%parallel_loop3A_404, %parallel_loop3A_405] {strides = array<i32>} : memref<80x144xf32, #tpu.memory_space<vmem>>, vector<1x16xf32>,
        %parallel_loop3A_407 = vector.shape_cast %parallel_loop3A_406 : vector<1x16xf32> to vector<16xf32>
        %parallel_loop3A_408 = vector.broadcast %parallel_loop3A_403 : f32 to vector<16xf32>
        %parallel_loop3A_409 = arith.mulf %parallel_loop3A_407, %parallel_loop3A_408 : vector<16xf32>
        %parallel_loop3A_410 = arith.index_cast %parallel_loop3A_379 : i32 to index
        %parallel_loop3A_411 = arith.constant 0 : index
        %parallel_loop3A_412 = tpu.vector_load %arg10[%parallel_loop3A_410, %parallel_loop3A_411] {strides = array<i32>} : memref<80x144xf32, #tpu.memory_space<vmem>>, vector<1x16xf32>,
        %parallel_loop3A_413 = vector.shape_cast %parallel_loop3A_412 : vector<1x16xf32> to vector<16xf32>
        %parallel_loop3A_414 = vector.shape_cast %parallel_loop3A_409 : vector<16xf32> to vector<1x16xf32>
        tpu.vector_store %arg10[%parallel_loop3A_410, %parallel_loop3A_411], %parallel_loop3A_414 {strides = array<i32>} : memref<80x144xf32, #tpu.memory_space<vmem>>, vector<1x16xf32>,
        %parallel_loop3A_415 = vector.extract_strided_slice %parallel_loop3A_396 {offsets = [0], sizes = [1], strides = [1]} : vector<16xf32> to vector<1xf32>
        %parallel_loop3A_416 = vector.extract %parallel_loop3A_415[0] : f32 from vector<1xf32>
        %parallel_loop3A_417 = arith.index_cast %parallel_loop3A_379 : i32 to index
        %parallel_loop3A_418 = arith.constant 16 : index
        %parallel_loop3A_419 = tpu.vector_load %arg10[%parallel_loop3A_417, %parallel_loop3A_418] {strides = array<i32>} : memref<80x144xf32, #tpu.memory_space<vmem>>, vector<1x16xf32>,
        %parallel_loop3A_420 = vector.shape_cast %parallel_loop3A_419 : vector<1x16xf32> to vector<16xf32>
        %parallel_loop3A_421 = vector.broadcast %parallel_loop3A_416 : f32 to vector<16xf32>
        %parallel_loop3A_422 = arith.mulf %parallel_loop3A_420, %parallel_loop3A_421 : vector<16xf32>
        %parallel_loop3A_423 = arith.index_cast %parallel_loop3A_379 : i32 to index
        %parallel_loop3A_424 = arith.constant 16 : index
        %parallel_loop3A_425 = tpu.vector_load %arg10[%parallel_loop3A_423, %parallel_loop3A_424] {strides = array<i32>} : memref<80x144xf32, #tpu.memory_space<vmem>>, vector<1x16xf32>,
        %parallel_loop3A_426 = vector.shape_cast %parallel_loop3A_425 : vector<1x16xf32> to vector<16xf32>
        %parallel_loop3A_427 = vector.shape_cast %parallel_loop3A_422 : vector<16xf32> to vector<1x16xf32>
        tpu.vector_store %arg10[%parallel_loop3A_423, %parallel_loop3A_424], %parallel_loop3A_427 {strides = array<i32>} : memref<80x144xf32, #tpu.memory_space<vmem>>, vector<1x16xf32>,
        %parallel_loop3A_428 = vector.extract_strided_slice %parallel_loop3A_396 {offsets = [1], sizes = [1], strides = [1]} : vector<16xf32> to vector<1xf32>
        %parallel_loop3A_429 = vector.extract %parallel_loop3A_428[0] : f32 from vector<1xf32>
        %parallel_loop3A_430 = arith.index_cast %parallel_loop3A_379 : i32 to index
        %parallel_loop3A_431 = arith.constant 32 : index
        %parallel_loop3A_432 = tpu.vector_load %arg10[%parallel_loop3A_430, %parallel_loop3A_431] {strides = array<i32>} : memref<80x144xf32, #tpu.memory_space<vmem>>, vector<1x16xf32>,
        %parallel_loop3A_433 = vector.shape_cast %parallel_loop3A_432 : vector<1x16xf32> to vector<16xf32>
        %parallel_loop3A_434 = vector.broadcast %parallel_loop3A_429 : f32 to vector<16xf32>
        %parallel_loop3A_435 = arith.mulf %parallel_loop3A_433, %parallel_loop3A_434 : vector<16xf32>
        %parallel_loop3A_436 = arith.index_cast %parallel_loop3A_379 : i32 to index
        %parallel_loop3A_437 = arith.constant 32 : index
        %parallel_loop3A_438 = tpu.vector_load %arg10[%parallel_loop3A_436, %parallel_loop3A_437] {strides = array<i32>} : memref<80x144xf32, #tpu.memory_space<vmem>>, vector<1x16xf32>,
        %parallel_loop3A_439 = vector.shape_cast %parallel_loop3A_438 : vector<1x16xf32> to vector<16xf32>
        %parallel_loop3A_440 = vector.shape_cast %parallel_loop3A_435 : vector<16xf32> to vector<1x16xf32>
        tpu.vector_store %arg10[%parallel_loop3A_436, %parallel_loop3A_437], %parallel_loop3A_440 {strides = array<i32>} : memref<80x144xf32, #tpu.memory_space<vmem>>, vector<1x16xf32>,
        %parallel_loop3A_441 = vector.extract_strided_slice %parallel_loop3A_396 {offsets = [1], sizes = [1], strides = [1]} : vector<16xf32> to vector<1xf32>
        %parallel_loop3A_442 = vector.extract %parallel_loop3A_441[0] : f32 from vector<1xf32>
        %parallel_loop3A_443 = arith.index_cast %parallel_loop3A_379 : i32 to index
        %parallel_loop3A_444 = arith.constant 48 : index
        %parallel_loop3A_445 = tpu.vector_load %arg10[%parallel_loop3A_443, %parallel_loop3A_444] {strides = array<i32>} : memref<80x144xf32, #tpu.memory_space<vmem>>, vector<1x16xf32>,
        %parallel_loop3A_446 = vector.shape_cast %parallel_loop3A_445 : vector<1x16xf32> to vector<16xf32>
        %parallel_loop3A_447 = vector.broadcast %parallel_loop3A_442 : f32 to vector<16xf32>
        %parallel_loop3A_448 = arith.mulf %parallel_loop3A_446, %parallel_loop3A_447 : vector<16xf32>
        %parallel_loop3A_449 = arith.index_cast %parallel_loop3A_379 : i32 to index
        %parallel_loop3A_450 = arith.constant 48 : index
        %parallel_loop3A_451 = tpu.vector_load %arg10[%parallel_loop3A_449, %parallel_loop3A_450] {strides = array<i32>} : memref<80x144xf32, #tpu.memory_space<vmem>>, vector<1x16xf32>,
        %parallel_loop3A_452 = vector.shape_cast %parallel_loop3A_451 : vector<1x16xf32> to vector<16xf32>
        %parallel_loop3A_453 = vector.shape_cast %parallel_loop3A_448 : vector<16xf32> to vector<1x16xf32>
        tpu.vector_store %arg10[%parallel_loop3A_449, %parallel_loop3A_450], %parallel_loop3A_453 {strides = array<i32>} : memref<80x144xf32, #tpu.memory_space<vmem>>, vector<1x16xf32>,
        %parallel_loop3A_454 = vector.extract_strided_slice %parallel_loop3A_396 {offsets = [2], sizes = [1], strides = [1]} : vector<16xf32> to vector<1xf32>
        %parallel_loop3A_455 = vector.extract %parallel_loop3A_454[0] : f32 from vector<1xf32>
        %parallel_loop3A_456 = arith.index_cast %parallel_loop3A_379 : i32 to index
        %parallel_loop3A_457 = arith.constant 64 : index
        %parallel_loop3A_458 = tpu.vector_load %arg10[%parallel_loop3A_456, %parallel_loop3A_457] {strides = array<i32>} : memref<80x144xf32, #tpu.memory_space<vmem>>, vector<1x16xf32>,
        %parallel_loop3A_459 = vector.shape_cast %parallel_loop3A_458 : vector<1x16xf32> to vector<16xf32>
        %parallel_loop3A_460 = vector.broadcast %parallel_loop3A_455 : f32 to vector<16xf32>
        %parallel_loop3A_461 = arith.mulf %parallel_loop3A_459, %parallel_loop3A_460 : vector<16xf32>
        %parallel_loop3A_462 = arith.index_cast %parallel_loop3A_379 : i32 to index
        %parallel_loop3A_463 = arith.constant 64 : index
        %parallel_loop3A_464 = tpu.vector_load %arg10[%parallel_loop3A_462, %parallel_loop3A_463] {strides = array<i32>} : memref<80x144xf32, #tpu.memory_space<vmem>>, vector<1x16xf32>,
        %parallel_loop3A_465 = vector.shape_cast %parallel_loop3A_464 : vector<1x16xf32> to vector<16xf32>
        %parallel_loop3A_466 = vector.shape_cast %parallel_loop3A_461 : vector<16xf32> to vector<1x16xf32>
        tpu.vector_store %arg10[%parallel_loop3A_462, %parallel_loop3A_463], %parallel_loop3A_466 {strides = array<i32>} : memref<80x144xf32, #tpu.memory_space<vmem>>, vector<1x16xf32>,
        %parallel_loop3A_467 = vector.extract_strided_slice %parallel_loop3A_396 {offsets = [2], sizes = [1], strides = [1]} : vector<16xf32> to vector<1xf32>
        %parallel_loop3A_468 = vector.extract %parallel_loop3A_467[0] : f32 from vector<1xf32>
        %parallel_loop3A_469 = arith.index_cast %parallel_loop3A_379 : i32 to index
        %parallel_loop3A_470 = arith.constant 80 : index
        %parallel_loop3A_471 = tpu.vector_load %arg10[%parallel_loop3A_469, %parallel_loop3A_470] {strides = array<i32>} : memref<80x144xf32, #tpu.memory_space<vmem>>, vector<1x16xf32>,
        %parallel_loop3A_472 = vector.shape_cast %parallel_loop3A_471 : vector<1x16xf32> to vector<16xf32>
        %parallel_loop3A_473 = vector.broadcast %parallel_loop3A_468 : f32 to vector<16xf32>
        %parallel_loop3A_474 = arith.mulf %parallel_loop3A_472, %parallel_loop3A_473 : vector<16xf32>
        %parallel_loop3A_475 = arith.index_cast %parallel_loop3A_379 : i32 to index
        %parallel_loop3A_476 = arith.constant 80 : index
        %parallel_loop3A_477 = tpu.vector_load %arg10[%parallel_loop3A_475, %parallel_loop3A_476] {strides = array<i32>} : memref<80x144xf32, #tpu.memory_space<vmem>>, vector<1x16xf32>,
        %parallel_loop3A_478 = vector.shape_cast %parallel_loop3A_477 : vector<1x16xf32> to vector<16xf32>
        %parallel_loop3A_479 = vector.shape_cast %parallel_loop3A_474 : vector<16xf32> to vector<1x16xf32>
        tpu.vector_store %arg10[%parallel_loop3A_475, %parallel_loop3A_476], %parallel_loop3A_479 {strides = array<i32>} : memref<80x144xf32, #tpu.memory_space<vmem>>, vector<1x16xf32>,
        %parallel_loop3A_480 = vector.extract_strided_slice %parallel_loop3A_396 {offsets = [3], sizes = [1], strides = [1]} : vector<16xf32> to vector<1xf32>
        %parallel_loop3A_481 = vector.extract %parallel_loop3A_480[0] : f32 from vector<1xf32>
        %parallel_loop3A_482 = arith.index_cast %parallel_loop3A_379 : i32 to index
        %parallel_loop3A_483 = arith.constant 96 : index
        %parallel_loop3A_484 = tpu.vector_load %arg10[%parallel_loop3A_482, %parallel_loop3A_483] {strides = array<i32>} : memref<80x144xf32, #tpu.memory_space<vmem>>, vector<1x16xf32>,
        %parallel_loop3A_485 = vector.shape_cast %parallel_loop3A_484 : vector<1x16xf32> to vector<16xf32>
        %parallel_loop3A_486 = vector.broadcast %parallel_loop3A_481 : f32 to vector<16xf32>
        %parallel_loop3A_487 = arith.mulf %parallel_loop3A_485, %parallel_loop3A_486 : vector<16xf32>
        %parallel_loop3A_488 = arith.index_cast %parallel_loop3A_379 : i32 to index
        %parallel_loop3A_489 = arith.constant 96 : index
        %parallel_loop3A_490 = tpu.vector_load %arg10[%parallel_loop3A_488, %parallel_loop3A_489] {strides = array<i32>} : memref<80x144xf32, #tpu.memory_space<vmem>>, vector<1x16xf32>,
        %parallel_loop3A_491 = vector.shape_cast %parallel_loop3A_490 : vector<1x16xf32> to vector<16xf32>
        %parallel_loop3A_492 = vector.shape_cast %parallel_loop3A_487 : vector<16xf32> to vector<1x16xf32>
        tpu.vector_store %arg10[%parallel_loop3A_488, %parallel_loop3A_489], %parallel_loop3A_492 {strides = array<i32>} : memref<80x144xf32, #tpu.memory_space<vmem>>, vector<1x16xf32>,
        %parallel_loop3A_493 = vector.extract_strided_slice %parallel_loop3A_396 {offsets = [3], sizes = [1], strides = [1]} : vector<16xf32> to vector<1xf32>
        %parallel_loop3A_494 = vector.extract %parallel_loop3A_493[0] : f32 from vector<1xf32>
        %parallel_loop3A_495 = arith.index_cast %parallel_loop3A_379 : i32 to index
        %parallel_loop3A_496 = arith.constant 112 : index
        %parallel_loop3A_497 = tpu.vector_load %arg10[%parallel_loop3A_495, %parallel_loop3A_496] {strides = array<i32>} : memref<80x144xf32, #tpu.memory_space<vmem>>, vector<1x16xf32>,
        %parallel_loop3A_498 = vector.shape_cast %parallel_loop3A_497 : vector<1x16xf32> to vector<16xf32>
        %parallel_loop3A_499 = vector.broadcast %parallel_loop3A_494 : f32 to vector<16xf32>
        %parallel_loop3A_500 = arith.mulf %parallel_loop3A_498, %parallel_loop3A_499 : vector<16xf32>
        %parallel_loop3A_501 = arith.index_cast %parallel_loop3A_379 : i32 to index
        %parallel_loop3A_502 = arith.constant 112 : index
        %parallel_loop3A_503 = tpu.vector_load %arg10[%parallel_loop3A_501, %parallel_loop3A_502] {strides = array<i32>} : memref<80x144xf32, #tpu.memory_space<vmem>>, vector<1x16xf32>,
        %parallel_loop3A_504 = vector.shape_cast %parallel_loop3A_503 : vector<1x16xf32> to vector<16xf32>
        %parallel_loop3A_505 = vector.shape_cast %parallel_loop3A_500 : vector<16xf32> to vector<1x16xf32>
        tpu.vector_store %arg10[%parallel_loop3A_501, %parallel_loop3A_502], %parallel_loop3A_505 {strides = array<i32>} : memref<80x144xf32, #tpu.memory_space<vmem>>, vector<1x16xf32>,
      } {sc.loop_unroll_factor = 4 : i64, sc.parallel_access}
      %dma_start3A_355 = arith.constant 40 : i32
      %dma_start3A_356 = arith.constant 0 : i32
      %dma_start3A_357 = tpu.memref_slice %arg10[%dma_start3A_355, %dma_start3A_356] : memref<80x144xf32, #tpu.memory_space<vmem>> -> memref<40x144xf32, #tpu.memory_space<vmem>>
      %dma_start3A_358 = arith.constant 40 : i32
      %dma_start3A_359 = tpu.memref_slice %arg16[%dma_start3A_358] : memref<80xi32, #tpu.memory_space<vmem>> -> memref<40xi32, #tpu.memory_space<vmem>>
      %dma_start3A_360 = arith.constant 0 : i32
      %dma_start3A_361 = arith.constant 0 : i32
      %dma_start3A_362 = tpu.memref_slice %arg25[%dma_start3A_360, %dma_start3A_361] : memref<10000x144xf32, #tpu.memory_space<vmem_shared>> -> memref<10000x144xf32, #tpu.memory_space<vmem_shared>>
      tpu.enqueue_indirect_dma source(%dma_start3A_357 : memref<40x144xf32, #tpu.memory_space<vmem>>) target(%dma_start3A_362 : memref<10000x144xf32, #tpu.memory_space<vmem_shared>>) offsets(%dma_start3A_359 : memref<40xi32, #tpu.memory_space<vmem>>) semaphore(%arg24 : memref<!tpu.dma_semaphore, #tpu.memory_space<semaphore_mem>>) {add = true}
      %dma_wait3A_363 = arith.constant 0 : i32
      %dma_wait3A_364 = arith.constant 0 : i32
      %dma_wait3A_365 = tpu.memref_slice %arg10[%dma_wait3A_363, %dma_wait3A_364] : memref<80x144xf32, #tpu.memory_space<vmem>> -> memref<40x144xf32, #tpu.memory_space<vmem>>
      %dma_wait3A_366 = arith.constant 0 : i32
      %dma_wait3A_367 = tpu.memref_slice %arg16[%dma_wait3A_366] : memref<80xi32, #tpu.memory_space<vmem>> -> memref<40xi32, #tpu.memory_space<vmem>>
      %dma_wait3A_368 = arith.constant 0 : i32
      %dma_wait3A_369 = arith.constant 0 : i32
      %dma_wait3A_370 = tpu.memref_slice %arg25[%dma_wait3A_368, %dma_wait3A_369] : memref<10000x144xf32, #tpu.memory_space<vmem_shared>> -> memref<10000x144xf32, #tpu.memory_space<vmem_shared>>
      tpu.wait_indirect_dma semaphore(%arg24 : memref<!tpu.dma_semaphore, #tpu.memory_space<semaphore_mem>>) src(%dma_wait3A_365 : memref<40x144xf32, #tpu.memory_space<vmem>>) dst(%dma_wait3A_370 : memref<10000x144xf32, #tpu.memory_space<vmem_shared>>)
      %dma_wait3A_371 = arith.constant 40 : i32
      %dma_wait3A_372 = arith.constant 0 : i32
      %dma_wait3A_373 = tpu.memref_slice %arg10[%dma_wait3A_371, %dma_wait3A_372] : memref<80x144xf32, #tpu.memory_space<vmem>> -> memref<40x144xf32, #tpu.memory_space<vmem>>
      %dma_wait3A_374 = arith.constant 40 : i32
      %dma_wait3A_375 = tpu.memref_slice %arg16[%dma_wait3A_374] : memref<80xi32, #tpu.memory_space<vmem>> -> memref<40xi32, #tpu.memory_space<vmem>>
      %dma_wait3A_376 = arith.constant 0 : i32
      %dma_wait3A_377 = arith.constant 0 : i32
      %dma_wait3A_378 = tpu.memref_slice %arg25[%dma_wait3A_376, %dma_wait3A_377] : memref<10000x144xf32, #tpu.memory_space<vmem_shared>> -> memref<10000x144xf32, #tpu.memory_space<vmem_shared>>
      tpu.wait_indirect_dma semaphore(%arg24 : memref<!tpu.dma_semaphore, #tpu.memory_space<semaphore_mem>>) src(%dma_wait3A_373 : memref<40x144xf32, #tpu.memory_space<vmem>>) dst(%dma_wait3A_378 : memref<10000x144xf32, #tpu.memory_space<vmem_shared>>)
    }
    %scan3A_29 = arith.constant 31 : i32
    %dma_wait3A_30 = arith.constant 9920 : i32
    %dma_wait3A_31 = tpu.memref_slice %arg8[%dma_wait3A_30] : memref<10000xi32, #tpu.memory_space<vmem>> -> memref<80xi32, #tpu.memory_space<vmem>>
    %dma_wait3A_32 = arith.constant 0 : i32
    %dma_wait3A_33 = arith.constant 0 : i32
    %dma_wait3A_34 = tpu.memref_slice %arg2[%dma_wait3A_32, %dma_wait3A_33] : memref<10000x144xf32, #tpu.memory_space<hbm>> -> memref<10000x144xf32, #tpu.memory_space<hbm>>
    tpu.wait_indirect_dma semaphore(%arg17 : memref<!tpu.dma_semaphore, #tpu.memory_space<semaphore_mem>>) src(%dma_wait3A_34 : memref<10000x144xf32, #tpu.memory_space<hbm>>) dst(%arg9 : memref<80x144xf32, #tpu.memory_space<vmem>>)
    %dma_wait3A_35 = arith.constant 0 : i32
    %dma_wait3A_36 = arith.constant 0 : i32
    %dma_wait3A_37 = tpu.memref_slice %arg3[%dma_wait3A_35, %dma_wait3A_36] : memref<10000x16xf32, #tpu.memory_space<hbm>> -> memref<10000x16xf32, #tpu.memory_space<hbm>>
    tpu.wait_indirect_dma semaphore(%arg17 : memref<!tpu.dma_semaphore, #tpu.memory_space<semaphore_mem>>) src(%dma_wait3A_37 : memref<10000x16xf32, #tpu.memory_space<hbm>>) dst(%arg11 : memref<80x16xf32, #tpu.memory_space<vmem>>)
    %parallel_loop3A = arith.constant 0 : i32
    %parallel_loop3A_38 = arith.constant 40 : i32
    %parallel_loop3A_39 = arith.constant 1 : i32
    scf.for %parallel_loop3A_83 = %parallel_loop3A to %parallel_loop3A_38 step %parallel_loop3A_39  : i32 {
      %parallel_loop3A_84 = arith.index_cast %parallel_loop3A_83 : i32 to index
      %parallel_loop3A_85 = arith.constant 128 : index
      %parallel_loop3A_86 = tpu.vector_load %arg9[%parallel_loop3A_84, %parallel_loop3A_85] {strides = array<i32>} : memref<80x144xf32, #tpu.memory_space<vmem>>, vector<1x16xf32>,
      %parallel_loop3A_87 = vector.shape_cast %parallel_loop3A_86 : vector<1x16xf32> to vector<16xf32>
      %parallel_loop3A_88 = arith.index_cast %parallel_loop3A_83 : i32 to index
      %parallel_loop3A_89 = arith.constant 0 : index
      %parallel_loop3A_90 = tpu.vector_load %arg11[%parallel_loop3A_88, %parallel_loop3A_89] {strides = array<i32>} : memref<80x16xf32, #tpu.memory_space<vmem>>, vector<1x16xf32>,
      %parallel_loop3A_91 = vector.shape_cast %parallel_loop3A_90 : vector<1x16xf32> to vector<16xf32>
      %parallel_loop3A_92 = arith.addf %parallel_loop3A_87, %parallel_loop3A_91 : vector<16xf32>
      %parallel_loop3A_93 = arith.constant 0.000000e+00 : f32
      %parallel_loop3A_94 = vector.broadcast %parallel_loop3A_93 : f32 to vector<16xf32>
      %parallel_loop3A_95 = arith.cmpf ogt, %parallel_loop3A_92, %parallel_loop3A_94 : vector<16xf32>
      %parallel_loop3A_96 = arith.constant 2.000000e-01 : f32
      %parallel_loop3A_97 = vector.broadcast %parallel_loop3A_96 : f32 to vector<16xf32>
      %parallel_loop3A_98 = arith.mulf %parallel_loop3A_97, %parallel_loop3A_92 : vector<16xf32>
      %parallel_loop3A_99 = arith.select %parallel_loop3A_95, %parallel_loop3A_92, %parallel_loop3A_98 : vector<16xi1>, vector<16xf32>
      %parallel_loop3A_100 = math.exp %parallel_loop3A_99 : vector<16xf32>
      %parallel_loop3A_101 = arith.index_cast %parallel_loop3A_83 : i32 to index
      %parallel_loop3A_102 = arith.constant 128 : index
      %parallel_loop3A_103 = tpu.vector_load %arg9[%parallel_loop3A_101, %parallel_loop3A_102] {strides = array<i32>} : memref<80x144xf32, #tpu.memory_space<vmem>>, vector<1x16xf32>,
      %parallel_loop3A_104 = vector.shape_cast %parallel_loop3A_103 : vector<1x16xf32> to vector<16xf32>
      %parallel_loop3A_105 = vector.shape_cast %parallel_loop3A_100 : vector<16xf32> to vector<1x16xf32>
      tpu.vector_store %arg9[%parallel_loop3A_101, %parallel_loop3A_102], %parallel_loop3A_105 {strides = array<i32>} : memref<80x144xf32, #tpu.memory_space<vmem>>, vector<1x16xf32>,
      %parallel_loop3A_106 = vector.extract_strided_slice %parallel_loop3A_100 {offsets = [0], sizes = [1], strides = [1]} : vector<16xf32> to vector<1xf32>
      %parallel_loop3A_107 = vector.extract %parallel_loop3A_106[0] : f32 from vector<1xf32>
      %parallel_loop3A_108 = arith.index_cast %parallel_loop3A_83 : i32 to index
      %parallel_loop3A_109 = arith.constant 0 : index
      %parallel_loop3A_110 = tpu.vector_load %arg9[%parallel_loop3A_108, %parallel_loop3A_109] {strides = array<i32>} : memref<80x144xf32, #tpu.memory_space<vmem>>, vector<1x16xf32>,
      %parallel_loop3A_111 = vector.shape_cast %parallel_loop3A_110 : vector<1x16xf32> to vector<16xf32>
      %parallel_loop3A_112 = vector.broadcast %parallel_loop3A_107 : f32 to vector<16xf32>
      %parallel_loop3A_113 = arith.mulf %parallel_loop3A_111, %parallel_loop3A_112 : vector<16xf32>
      %parallel_loop3A_114 = arith.index_cast %parallel_loop3A_83 : i32 to index
      %parallel_loop3A_115 = arith.constant 0 : index
      %parallel_loop3A_116 = tpu.vector_load %arg9[%parallel_loop3A_114, %parallel_loop3A_115] {strides = array<i32>} : memref<80x144xf32, #tpu.memory_space<vmem>>, vector<1x16xf32>,
      %parallel_loop3A_117 = vector.shape_cast %parallel_loop3A_116 : vector<1x16xf32> to vector<16xf32>
      %parallel_loop3A_118 = vector.shape_cast %parallel_loop3A_113 : vector<16xf32> to vector<1x16xf32>
      tpu.vector_store %arg9[%parallel_loop3A_114, %parallel_loop3A_115], %parallel_loop3A_118 {strides = array<i32>} : memref<80x144xf32, #tpu.memory_space<vmem>>, vector<1x16xf32>,
      %parallel_loop3A_119 = vector.extract_strided_slice %parallel_loop3A_100 {offsets = [0], sizes = [1], strides = [1]} : vector<16xf32> to vector<1xf32>
      %parallel_loop3A_120 = vector.extract %parallel_loop3A_119[0] : f32 from vector<1xf32>
      %parallel_loop3A_121 = arith.index_cast %parallel_loop3A_83 : i32 to index
      %parallel_loop3A_122 = arith.constant 16 : index
      %parallel_loop3A_123 = tpu.vector_load %arg9[%parallel_loop3A_121, %parallel_loop3A_122] {strides = array<i32>} : memref<80x144xf32, #tpu.memory_space<vmem>>, vector<1x16xf32>,
      %parallel_loop3A_124 = vector.shape_cast %parallel_loop3A_123 : vector<1x16xf32> to vector<16xf32>
      %parallel_loop3A_125 = vector.broadcast %parallel_loop3A_120 : f32 to vector<16xf32>
      %parallel_loop3A_126 = arith.mulf %parallel_loop3A_124, %parallel_loop3A_125 : vector<16xf32>
      %parallel_loop3A_127 = arith.index_cast %parallel_loop3A_83 : i32 to index
      %parallel_loop3A_128 = arith.constant 16 : index
      %parallel_loop3A_129 = tpu.vector_load %arg9[%parallel_loop3A_127, %parallel_loop3A_128] {strides = array<i32>} : memref<80x144xf32, #tpu.memory_space<vmem>>, vector<1x16xf32>,
      %parallel_loop3A_130 = vector.shape_cast %parallel_loop3A_129 : vector<1x16xf32> to vector<16xf32>
      %parallel_loop3A_131 = vector.shape_cast %parallel_loop3A_126 : vector<16xf32> to vector<1x16xf32>
      tpu.vector_store %arg9[%parallel_loop3A_127, %parallel_loop3A_128], %parallel_loop3A_131 {strides = array<i32>} : memref<80x144xf32, #tpu.memory_space<vmem>>, vector<1x16xf32>,
      %parallel_loop3A_132 = vector.extract_strided_slice %parallel_loop3A_100 {offsets = [1], sizes = [1], strides = [1]} : vector<16xf32> to vector<1xf32>
      %parallel_loop3A_133 = vector.extract %parallel_loop3A_132[0] : f32 from vector<1xf32>
      %parallel_loop3A_134 = arith.index_cast %parallel_loop3A_83 : i32 to index
      %parallel_loop3A_135 = arith.constant 32 : index
      %parallel_loop3A_136 = tpu.vector_load %arg9[%parallel_loop3A_134, %parallel_loop3A_135] {strides = array<i32>} : memref<80x144xf32, #tpu.memory_space<vmem>>, vector<1x16xf32>,
      %parallel_loop3A_137 = vector.shape_cast %parallel_loop3A_136 : vector<1x16xf32> to vector<16xf32>
      %parallel_loop3A_138 = vector.broadcast %parallel_loop3A_133 : f32 to vector<16xf32>
      %parallel_loop3A_139 = arith.mulf %parallel_loop3A_137, %parallel_loop3A_138 : vector<16xf32>
      %parallel_loop3A_140 = arith.index_cast %parallel_loop3A_83 : i32 to index
      %parallel_loop3A_141 = arith.constant 32 : index
      %parallel_loop3A_142 = tpu.vector_load %arg9[%parallel_loop3A_140, %parallel_loop3A_141] {strides = array<i32>} : memref<80x144xf32, #tpu.memory_space<vmem>>, vector<1x16xf32>,
      %parallel_loop3A_143 = vector.shape_cast %parallel_loop3A_142 : vector<1x16xf32> to vector<16xf32>
      %parallel_loop3A_144 = vector.shape_cast %parallel_loop3A_139 : vector<16xf32> to vector<1x16xf32>
      tpu.vector_store %arg9[%parallel_loop3A_140, %parallel_loop3A_141], %parallel_loop3A_144 {strides = array<i32>} : memref<80x144xf32, #tpu.memory_space<vmem>>, vector<1x16xf32>,
      %parallel_loop3A_145 = vector.extract_strided_slice %parallel_loop3A_100 {offsets = [1], sizes = [1], strides = [1]} : vector<16xf32> to vector<1xf32>
      %parallel_loop3A_146 = vector.extract %parallel_loop3A_145[0] : f32 from vector<1xf32>
      %parallel_loop3A_147 = arith.index_cast %parallel_loop3A_83 : i32 to index
      %parallel_loop3A_148 = arith.constant 48 : index
      %parallel_loop3A_149 = tpu.vector_load %arg9[%parallel_loop3A_147, %parallel_loop3A_148] {strides = array<i32>} : memref<80x144xf32, #tpu.memory_space<vmem>>, vector<1x16xf32>,
      %parallel_loop3A_150 = vector.shape_cast %parallel_loop3A_149 : vector<1x16xf32> to vector<16xf32>
      %parallel_loop3A_151 = vector.broadcast %parallel_loop3A_146 : f32 to vector<16xf32>
      %parallel_loop3A_152 = arith.mulf %parallel_loop3A_150, %parallel_loop3A_151 : vector<16xf32>
      %parallel_loop3A_153 = arith.index_cast %parallel_loop3A_83 : i32 to index
      %parallel_loop3A_154 = arith.constant 48 : index
      %parallel_loop3A_155 = tpu.vector_load %arg9[%parallel_loop3A_153, %parallel_loop3A_154] {strides = array<i32>} : memref<80x144xf32, #tpu.memory_space<vmem>>, vector<1x16xf32>,
      %parallel_loop3A_156 = vector.shape_cast %parallel_loop3A_155 : vector<1x16xf32> to vector<16xf32>
      %parallel_loop3A_157 = vector.shape_cast %parallel_loop3A_152 : vector<16xf32> to vector<1x16xf32>
      tpu.vector_store %arg9[%parallel_loop3A_153, %parallel_loop3A_154], %parallel_loop3A_157 {strides = array<i32>} : memref<80x144xf32, #tpu.memory_space<vmem>>, vector<1x16xf32>,
      %parallel_loop3A_158 = vector.extract_strided_slice %parallel_loop3A_100 {offsets = [2], sizes = [1], strides = [1]} : vector<16xf32> to vector<1xf32>
      %parallel_loop3A_159 = vector.extract %parallel_loop3A_158[0] : f32 from vector<1xf32>
      %parallel_loop3A_160 = arith.index_cast %parallel_loop3A_83 : i32 to index
      %parallel_loop3A_161 = arith.constant 64 : index
      %parallel_loop3A_162 = tpu.vector_load %arg9[%parallel_loop3A_160, %parallel_loop3A_161] {strides = array<i32>} : memref<80x144xf32, #tpu.memory_space<vmem>>, vector<1x16xf32>,
      %parallel_loop3A_163 = vector.shape_cast %parallel_loop3A_162 : vector<1x16xf32> to vector<16xf32>
      %parallel_loop3A_164 = vector.broadcast %parallel_loop3A_159 : f32 to vector<16xf32>
      %parallel_loop3A_165 = arith.mulf %parallel_loop3A_163, %parallel_loop3A_164 : vector<16xf32>
      %parallel_loop3A_166 = arith.index_cast %parallel_loop3A_83 : i32 to index
      %parallel_loop3A_167 = arith.constant 64 : index
      %parallel_loop3A_168 = tpu.vector_load %arg9[%parallel_loop3A_166, %parallel_loop3A_167] {strides = array<i32>} : memref<80x144xf32, #tpu.memory_space<vmem>>, vector<1x16xf32>,
      %parallel_loop3A_169 = vector.shape_cast %parallel_loop3A_168 : vector<1x16xf32> to vector<16xf32>
      %parallel_loop3A_170 = vector.shape_cast %parallel_loop3A_165 : vector<16xf32> to vector<1x16xf32>
      tpu.vector_store %arg9[%parallel_loop3A_166, %parallel_loop3A_167], %parallel_loop3A_170 {strides = array<i32>} : memref<80x144xf32, #tpu.memory_space<vmem>>, vector<1x16xf32>,
      %parallel_loop3A_171 = vector.extract_strided_slice %parallel_loop3A_100 {offsets = [2], sizes = [1], strides = [1]} : vector<16xf32> to vector<1xf32>
      %parallel_loop3A_172 = vector.extract %parallel_loop3A_171[0] : f32 from vector<1xf32>
      %parallel_loop3A_173 = arith.index_cast %parallel_loop3A_83 : i32 to index
      %parallel_loop3A_174 = arith.constant 80 : index
      %parallel_loop3A_175 = tpu.vector_load %arg9[%parallel_loop3A_173, %parallel_loop3A_174] {strides = array<i32>} : memref<80x144xf32, #tpu.memory_space<vmem>>, vector<1x16xf32>,
      %parallel_loop3A_176 = vector.shape_cast %parallel_loop3A_175 : vector<1x16xf32> to vector<16xf32>
      %parallel_loop3A_177 = vector.broadcast %parallel_loop3A_172 : f32 to vector<16xf32>
      %parallel_loop3A_178 = arith.mulf %parallel_loop3A_176, %parallel_loop3A_177 : vector<16xf32>
      %parallel_loop3A_179 = arith.index_cast %parallel_loop3A_83 : i32 to index
      %parallel_loop3A_180 = arith.constant 80 : index
      %parallel_loop3A_181 = tpu.vector_load %arg9[%parallel_loop3A_179, %parallel_loop3A_180] {strides = array<i32>} : memref<80x144xf32, #tpu.memory_space<vmem>>, vector<1x16xf32>,
      %parallel_loop3A_182 = vector.shape_cast %parallel_loop3A_181 : vector<1x16xf32> to vector<16xf32>
      %parallel_loop3A_183 = vector.shape_cast %parallel_loop3A_178 : vector<16xf32> to vector<1x16xf32>
      tpu.vector_store %arg9[%parallel_loop3A_179, %parallel_loop3A_180], %parallel_loop3A_183 {strides = array<i32>} : memref<80x144xf32, #tpu.memory_space<vmem>>, vector<1x16xf32>,
      %parallel_loop3A_184 = vector.extract_strided_slice %parallel_loop3A_100 {offsets = [3], sizes = [1], strides = [1]} : vector<16xf32> to vector<1xf32>
      %parallel_loop3A_185 = vector.extract %parallel_loop3A_184[0] : f32 from vector<1xf32>
      %parallel_loop3A_186 = arith.index_cast %parallel_loop3A_83 : i32 to index
      %parallel_loop3A_187 = arith.constant 96 : index
      %parallel_loop3A_188 = tpu.vector_load %arg9[%parallel_loop3A_186, %parallel_loop3A_187] {strides = array<i32>} : memref<80x144xf32, #tpu.memory_space<vmem>>, vector<1x16xf32>,
      %parallel_loop3A_189 = vector.shape_cast %parallel_loop3A_188 : vector<1x16xf32> to vector<16xf32>
      %parallel_loop3A_190 = vector.broadcast %parallel_loop3A_185 : f32 to vector<16xf32>
      %parallel_loop3A_191 = arith.mulf %parallel_loop3A_189, %parallel_loop3A_190 : vector<16xf32>
      %parallel_loop3A_192 = arith.index_cast %parallel_loop3A_83 : i32 to index
      %parallel_loop3A_193 = arith.constant 96 : index
      %parallel_loop3A_194 = tpu.vector_load %arg9[%parallel_loop3A_192, %parallel_loop3A_193] {strides = array<i32>} : memref<80x144xf32, #tpu.memory_space<vmem>>, vector<1x16xf32>,
      %parallel_loop3A_195 = vector.shape_cast %parallel_loop3A_194 : vector<1x16xf32> to vector<16xf32>
      %parallel_loop3A_196 = vector.shape_cast %parallel_loop3A_191 : vector<16xf32> to vector<1x16xf32>
      tpu.vector_store %arg9[%parallel_loop3A_192, %parallel_loop3A_193], %parallel_loop3A_196 {strides = array<i32>} : memref<80x144xf32, #tpu.memory_space<vmem>>, vector<1x16xf32>,
      %parallel_loop3A_197 = vector.extract_strided_slice %parallel_loop3A_100 {offsets = [3], sizes = [1], strides = [1]} : vector<16xf32> to vector<1xf32>
      %parallel_loop3A_198 = vector.extract %parallel_loop3A_197[0] : f32 from vector<1xf32>
      %parallel_loop3A_199 = arith.index_cast %parallel_loop3A_83 : i32 to index
      %parallel_loop3A_200 = arith.constant 112 : index
      %parallel_loop3A_201 = tpu.vector_load %arg9[%parallel_loop3A_199, %parallel_loop3A_200] {strides = array<i32>} : memref<80x144xf32, #tpu.memory_space<vmem>>, vector<1x16xf32>,
      %parallel_loop3A_202 = vector.shape_cast %parallel_loop3A_201 : vector<1x16xf32> to vector<16xf32>
      %parallel_loop3A_203 = vector.broadcast %parallel_loop3A_198 : f32 to vector<16xf32>
      %parallel_loop3A_204 = arith.mulf %parallel_loop3A_202, %parallel_loop3A_203 : vector<16xf32>
      %parallel_loop3A_205 = arith.index_cast %parallel_loop3A_83 : i32 to index
      %parallel_loop3A_206 = arith.constant 112 : index
      %parallel_loop3A_207 = tpu.vector_load %arg9[%parallel_loop3A_205, %parallel_loop3A_206] {strides = array<i32>} : memref<80x144xf32, #tpu.memory_space<vmem>>, vector<1x16xf32>,
      %parallel_loop3A_208 = vector.shape_cast %parallel_loop3A_207 : vector<1x16xf32> to vector<16xf32>
      %parallel_loop3A_209 = vector.shape_cast %parallel_loop3A_204 : vector<16xf32> to vector<1x16xf32>
      tpu.vector_store %arg9[%parallel_loop3A_205, %parallel_loop3A_206], %parallel_loop3A_209 {strides = array<i32>} : memref<80x144xf32, #tpu.memory_space<vmem>>, vector<1x16xf32>,
    } {sc.loop_unroll_factor = 4 : i64, sc.parallel_access}
    %dma_start3A_40 = arith.constant 0 : i32
    %dma_start3A_41 = arith.constant 0 : i32
    %dma_start3A_42 = tpu.memref_slice %arg9[%dma_start3A_40, %dma_start3A_41] : memref<80x144xf32, #tpu.memory_space<vmem>> -> memref<40x144xf32, #tpu.memory_space<vmem>>
    %dma_start3A_43 = arith.constant 0 : i32
    %dma_start3A_44 = tpu.memref_slice %arg13[%dma_start3A_43] : memref<80xi32, #tpu.memory_space<vmem>> -> memref<40xi32, #tpu.memory_space<vmem>>
    %dma_start3A_45 = arith.constant 0 : i32
    %dma_start3A_46 = arith.constant 0 : i32
    %dma_start3A_47 = tpu.memref_slice %arg25[%dma_start3A_45, %dma_start3A_46] : memref<10000x144xf32, #tpu.memory_space<vmem_shared>> -> memref<10000x144xf32, #tpu.memory_space<vmem_shared>>
    tpu.enqueue_indirect_dma source(%dma_start3A_42 : memref<40x144xf32, #tpu.memory_space<vmem>>) target(%dma_start3A_47 : memref<10000x144xf32, #tpu.memory_space<vmem_shared>>) offsets(%dma_start3A_44 : memref<40xi32, #tpu.memory_space<vmem>>) semaphore(%arg23 : memref<!tpu.dma_semaphore, #tpu.memory_space<semaphore_mem>>) {add = true}
    %parallel_loop3A_48 = arith.constant 40 : i32
    %parallel_loop3A_49 = arith.constant 80 : i32
    %parallel_loop3A_50 = arith.constant 1 : i32
    scf.for %parallel_loop3A_83 = %parallel_loop3A_48 to %parallel_loop3A_49 step %parallel_loop3A_50  : i32 {
      %parallel_loop3A_84 = arith.index_cast %parallel_loop3A_83 : i32 to index
      %parallel_loop3A_85 = arith.constant 128 : index
      %parallel_loop3A_86 = tpu.vector_load %arg9[%parallel_loop3A_84, %parallel_loop3A_85] {strides = array<i32>} : memref<80x144xf32, #tpu.memory_space<vmem>>, vector<1x16xf32>,
      %parallel_loop3A_87 = vector.shape_cast %parallel_loop3A_86 : vector<1x16xf32> to vector<16xf32>
      %parallel_loop3A_88 = arith.index_cast %parallel_loop3A_83 : i32 to index
      %parallel_loop3A_89 = arith.constant 0 : index
      %parallel_loop3A_90 = tpu.vector_load %arg11[%parallel_loop3A_88, %parallel_loop3A_89] {strides = array<i32>} : memref<80x16xf32, #tpu.memory_space<vmem>>, vector<1x16xf32>,
      %parallel_loop3A_91 = vector.shape_cast %parallel_loop3A_90 : vector<1x16xf32> to vector<16xf32>
      %parallel_loop3A_92 = arith.addf %parallel_loop3A_87, %parallel_loop3A_91 : vector<16xf32>
      %parallel_loop3A_93 = arith.constant 0.000000e+00 : f32
      %parallel_loop3A_94 = vector.broadcast %parallel_loop3A_93 : f32 to vector<16xf32>
      %parallel_loop3A_95 = arith.cmpf ogt, %parallel_loop3A_92, %parallel_loop3A_94 : vector<16xf32>
      %parallel_loop3A_96 = arith.constant 2.000000e-01 : f32
      %parallel_loop3A_97 = vector.broadcast %parallel_loop3A_96 : f32 to vector<16xf32>
      %parallel_loop3A_98 = arith.mulf %parallel_loop3A_97, %parallel_loop3A_92 : vector<16xf32>
      %parallel_loop3A_99 = arith.select %parallel_loop3A_95, %parallel_loop3A_92, %parallel_loop3A_98 : vector<16xi1>, vector<16xf32>
      %parallel_loop3A_100 = math.exp %parallel_loop3A_99 : vector<16xf32>
      %parallel_loop3A_101 = arith.index_cast %parallel_loop3A_83 : i32 to index
      %parallel_loop3A_102 = arith.constant 128 : index
      %parallel_loop3A_103 = tpu.vector_load %arg9[%parallel_loop3A_101, %parallel_loop3A_102] {strides = array<i32>} : memref<80x144xf32, #tpu.memory_space<vmem>>, vector<1x16xf32>,
      %parallel_loop3A_104 = vector.shape_cast %parallel_loop3A_103 : vector<1x16xf32> to vector<16xf32>
      %parallel_loop3A_105 = vector.shape_cast %parallel_loop3A_100 : vector<16xf32> to vector<1x16xf32>
      tpu.vector_store %arg9[%parallel_loop3A_101, %parallel_loop3A_102], %parallel_loop3A_105 {strides = array<i32>} : memref<80x144xf32, #tpu.memory_space<vmem>>, vector<1x16xf32>,
      %parallel_loop3A_106 = vector.extract_strided_slice %parallel_loop3A_100 {offsets = [0], sizes = [1], strides = [1]} : vector<16xf32> to vector<1xf32>
      %parallel_loop3A_107 = vector.extract %parallel_loop3A_106[0] : f32 from vector<1xf32>
      %parallel_loop3A_108 = arith.index_cast %parallel_loop3A_83 : i32 to index
      %parallel_loop3A_109 = arith.constant 0 : index
      %parallel_loop3A_110 = tpu.vector_load %arg9[%parallel_loop3A_108, %parallel_loop3A_109] {strides = array<i32>} : memref<80x144xf32, #tpu.memory_space<vmem>>, vector<1x16xf32>,
      %parallel_loop3A_111 = vector.shape_cast %parallel_loop3A_110 : vector<1x16xf32> to vector<16xf32>
      %parallel_loop3A_112 = vector.broadcast %parallel_loop3A_107 : f32 to vector<16xf32>
      %parallel_loop3A_113 = arith.mulf %parallel_loop3A_111, %parallel_loop3A_112 : vector<16xf32>
      %parallel_loop3A_114 = arith.index_cast %parallel_loop3A_83 : i32 to index
      %parallel_loop3A_115 = arith.constant 0 : index
      %parallel_loop3A_116 = tpu.vector_load %arg9[%parallel_loop3A_114, %parallel_loop3A_115] {strides = array<i32>} : memref<80x144xf32, #tpu.memory_space<vmem>>, vector<1x16xf32>,
      %parallel_loop3A_117 = vector.shape_cast %parallel_loop3A_116 : vector<1x16xf32> to vector<16xf32>
      %parallel_loop3A_118 = vector.shape_cast %parallel_loop3A_113 : vector<16xf32> to vector<1x16xf32>
      tpu.vector_store %arg9[%parallel_loop3A_114, %parallel_loop3A_115], %parallel_loop3A_118 {strides = array<i32>} : memref<80x144xf32, #tpu.memory_space<vmem>>, vector<1x16xf32>,
      %parallel_loop3A_119 = vector.extract_strided_slice %parallel_loop3A_100 {offsets = [0], sizes = [1], strides = [1]} : vector<16xf32> to vector<1xf32>
      %parallel_loop3A_120 = vector.extract %parallel_loop3A_119[0] : f32 from vector<1xf32>
      %parallel_loop3A_121 = arith.index_cast %parallel_loop3A_83 : i32 to index
      %parallel_loop3A_122 = arith.constant 16 : index
      %parallel_loop3A_123 = tpu.vector_load %arg9[%parallel_loop3A_121, %parallel_loop3A_122] {strides = array<i32>} : memref<80x144xf32, #tpu.memory_space<vmem>>, vector<1x16xf32>,
      %parallel_loop3A_124 = vector.shape_cast %parallel_loop3A_123 : vector<1x16xf32> to vector<16xf32>
      %parallel_loop3A_125 = vector.broadcast %parallel_loop3A_120 : f32 to vector<16xf32>
      %parallel_loop3A_126 = arith.mulf %parallel_loop3A_124, %parallel_loop3A_125 : vector<16xf32>
      %parallel_loop3A_127 = arith.index_cast %parallel_loop3A_83 : i32 to index
      %parallel_loop3A_128 = arith.constant 16 : index
      %parallel_loop3A_129 = tpu.vector_load %arg9[%parallel_loop3A_127, %parallel_loop3A_128] {strides = array<i32>} : memref<80x144xf32, #tpu.memory_space<vmem>>, vector<1x16xf32>,
      %parallel_loop3A_130 = vector.shape_cast %parallel_loop3A_129 : vector<1x16xf32> to vector<16xf32>
      %parallel_loop3A_131 = vector.shape_cast %parallel_loop3A_126 : vector<16xf32> to vector<1x16xf32>
      tpu.vector_store %arg9[%parallel_loop3A_127, %parallel_loop3A_128], %parallel_loop3A_131 {strides = array<i32>} : memref<80x144xf32, #tpu.memory_space<vmem>>, vector<1x16xf32>,
      %parallel_loop3A_132 = vector.extract_strided_slice %parallel_loop3A_100 {offsets = [1], sizes = [1], strides = [1]} : vector<16xf32> to vector<1xf32>
      %parallel_loop3A_133 = vector.extract %parallel_loop3A_132[0] : f32 from vector<1xf32>
      %parallel_loop3A_134 = arith.index_cast %parallel_loop3A_83 : i32 to index
      %parallel_loop3A_135 = arith.constant 32 : index
      %parallel_loop3A_136 = tpu.vector_load %arg9[%parallel_loop3A_134, %parallel_loop3A_135] {strides = array<i32>} : memref<80x144xf32, #tpu.memory_space<vmem>>, vector<1x16xf32>,
      %parallel_loop3A_137 = vector.shape_cast %parallel_loop3A_136 : vector<1x16xf32> to vector<16xf32>
      %parallel_loop3A_138 = vector.broadcast %parallel_loop3A_133 : f32 to vector<16xf32>
      %parallel_loop3A_139 = arith.mulf %parallel_loop3A_137, %parallel_loop3A_138 : vector<16xf32>
      %parallel_loop3A_140 = arith.index_cast %parallel_loop3A_83 : i32 to index
      %parallel_loop3A_141 = arith.constant 32 : index
      %parallel_loop3A_142 = tpu.vector_load %arg9[%parallel_loop3A_140, %parallel_loop3A_141] {strides = array<i32>} : memref<80x144xf32, #tpu.memory_space<vmem>>, vector<1x16xf32>,
      %parallel_loop3A_143 = vector.shape_cast %parallel_loop3A_142 : vector<1x16xf32> to vector<16xf32>
      %parallel_loop3A_144 = vector.shape_cast %parallel_loop3A_139 : vector<16xf32> to vector<1x16xf32>
      tpu.vector_store %arg9[%parallel_loop3A_140, %parallel_loop3A_141], %parallel_loop3A_144 {strides = array<i32>} : memref<80x144xf32, #tpu.memory_space<vmem>>, vector<1x16xf32>,
      %parallel_loop3A_145 = vector.extract_strided_slice %parallel_loop3A_100 {offsets = [1], sizes = [1], strides = [1]} : vector<16xf32> to vector<1xf32>
      %parallel_loop3A_146 = vector.extract %parallel_loop3A_145[0] : f32 from vector<1xf32>
      %parallel_loop3A_147 = arith.index_cast %parallel_loop3A_83 : i32 to index
      %parallel_loop3A_148 = arith.constant 48 : index
      %parallel_loop3A_149 = tpu.vector_load %arg9[%parallel_loop3A_147, %parallel_loop3A_148] {strides = array<i32>} : memref<80x144xf32, #tpu.memory_space<vmem>>, vector<1x16xf32>,
      %parallel_loop3A_150 = vector.shape_cast %parallel_loop3A_149 : vector<1x16xf32> to vector<16xf32>
      %parallel_loop3A_151 = vector.broadcast %parallel_loop3A_146 : f32 to vector<16xf32>
      %parallel_loop3A_152 = arith.mulf %parallel_loop3A_150, %parallel_loop3A_151 : vector<16xf32>
      %parallel_loop3A_153 = arith.index_cast %parallel_loop3A_83 : i32 to index
      %parallel_loop3A_154 = arith.constant 48 : index
      %parallel_loop3A_155 = tpu.vector_load %arg9[%parallel_loop3A_153, %parallel_loop3A_154] {strides = array<i32>} : memref<80x144xf32, #tpu.memory_space<vmem>>, vector<1x16xf32>,
      %parallel_loop3A_156 = vector.shape_cast %parallel_loop3A_155 : vector<1x16xf32> to vector<16xf32>
      %parallel_loop3A_157 = vector.shape_cast %parallel_loop3A_152 : vector<16xf32> to vector<1x16xf32>
      tpu.vector_store %arg9[%parallel_loop3A_153, %parallel_loop3A_154], %parallel_loop3A_157 {strides = array<i32>} : memref<80x144xf32, #tpu.memory_space<vmem>>, vector<1x16xf32>,
      %parallel_loop3A_158 = vector.extract_strided_slice %parallel_loop3A_100 {offsets = [2], sizes = [1], strides = [1]} : vector<16xf32> to vector<1xf32>
      %parallel_loop3A_159 = vector.extract %parallel_loop3A_158[0] : f32 from vector<1xf32>
      %parallel_loop3A_160 = arith.index_cast %parallel_loop3A_83 : i32 to index
      %parallel_loop3A_161 = arith.constant 64 : index
      %parallel_loop3A_162 = tpu.vector_load %arg9[%parallel_loop3A_160, %parallel_loop3A_161] {strides = array<i32>} : memref<80x144xf32, #tpu.memory_space<vmem>>, vector<1x16xf32>,
      %parallel_loop3A_163 = vector.shape_cast %parallel_loop3A_162 : vector<1x16xf32> to vector<16xf32>
      %parallel_loop3A_164 = vector.broadcast %parallel_loop3A_159 : f32 to vector<16xf32>
      %parallel_loop3A_165 = arith.mulf %parallel_loop3A_163, %parallel_loop3A_164 : vector<16xf32>
      %parallel_loop3A_166 = arith.index_cast %parallel_loop3A_83 : i32 to index
      %parallel_loop3A_167 = arith.constant 64 : index
      %parallel_loop3A_168 = tpu.vector_load %arg9[%parallel_loop3A_166, %parallel_loop3A_167] {strides = array<i32>} : memref<80x144xf32, #tpu.memory_space<vmem>>, vector<1x16xf32>,
      %parallel_loop3A_169 = vector.shape_cast %parallel_loop3A_168 : vector<1x16xf32> to vector<16xf32>
      %parallel_loop3A_170 = vector.shape_cast %parallel_loop3A_165 : vector<16xf32> to vector<1x16xf32>
      tpu.vector_store %arg9[%parallel_loop3A_166, %parallel_loop3A_167], %parallel_loop3A_170 {strides = array<i32>} : memref<80x144xf32, #tpu.memory_space<vmem>>, vector<1x16xf32>,
      %parallel_loop3A_171 = vector.extract_strided_slice %parallel_loop3A_100 {offsets = [2], sizes = [1], strides = [1]} : vector<16xf32> to vector<1xf32>
      %parallel_loop3A_172 = vector.extract %parallel_loop3A_171[0] : f32 from vector<1xf32>
      %parallel_loop3A_173 = arith.index_cast %parallel_loop3A_83 : i32 to index
      %parallel_loop3A_174 = arith.constant 80 : index
      %parallel_loop3A_175 = tpu.vector_load %arg9[%parallel_loop3A_173, %parallel_loop3A_174] {strides = array<i32>} : memref<80x144xf32, #tpu.memory_space<vmem>>, vector<1x16xf32>,
      %parallel_loop3A_176 = vector.shape_cast %parallel_loop3A_175 : vector<1x16xf32> to vector<16xf32>
      %parallel_loop3A_177 = vector.broadcast %parallel_loop3A_172 : f32 to vector<16xf32>
      %parallel_loop3A_178 = arith.mulf %parallel_loop3A_176, %parallel_loop3A_177 : vector<16xf32>
      %parallel_loop3A_179 = arith.index_cast %parallel_loop3A_83 : i32 to index
      %parallel_loop3A_180 = arith.constant 80 : index
      %parallel_loop3A_181 = tpu.vector_load %arg9[%parallel_loop3A_179, %parallel_loop3A_180] {strides = array<i32>} : memref<80x144xf32, #tpu.memory_space<vmem>>, vector<1x16xf32>,
      %parallel_loop3A_182 = vector.shape_cast %parallel_loop3A_181 : vector<1x16xf32> to vector<16xf32>
      %parallel_loop3A_183 = vector.shape_cast %parallel_loop3A_178 : vector<16xf32> to vector<1x16xf32>
      tpu.vector_store %arg9[%parallel_loop3A_179, %parallel_loop3A_180], %parallel_loop3A_183 {strides = array<i32>} : memref<80x144xf32, #tpu.memory_space<vmem>>, vector<1x16xf32>,
      %parallel_loop3A_184 = vector.extract_strided_slice %parallel_loop3A_100 {offsets = [3], sizes = [1], strides = [1]} : vector<16xf32> to vector<1xf32>
      %parallel_loop3A_185 = vector.extract %parallel_loop3A_184[0] : f32 from vector<1xf32>
      %parallel_loop3A_186 = arith.index_cast %parallel_loop3A_83 : i32 to index
      %parallel_loop3A_187 = arith.constant 96 : index
      %parallel_loop3A_188 = tpu.vector_load %arg9[%parallel_loop3A_186, %parallel_loop3A_187] {strides = array<i32>} : memref<80x144xf32, #tpu.memory_space<vmem>>, vector<1x16xf32>,
      %parallel_loop3A_189 = vector.shape_cast %parallel_loop3A_188 : vector<1x16xf32> to vector<16xf32>
      %parallel_loop3A_190 = vector.broadcast %parallel_loop3A_185 : f32 to vector<16xf32>
      %parallel_loop3A_191 = arith.mulf %parallel_loop3A_189, %parallel_loop3A_190 : vector<16xf32>
      %parallel_loop3A_192 = arith.index_cast %parallel_loop3A_83 : i32 to index
      %parallel_loop3A_193 = arith.constant 96 : index
      %parallel_loop3A_194 = tpu.vector_load %arg9[%parallel_loop3A_192, %parallel_loop3A_193] {strides = array<i32>} : memref<80x144xf32, #tpu.memory_space<vmem>>, vector<1x16xf32>,
      %parallel_loop3A_195 = vector.shape_cast %parallel_loop3A_194 : vector<1x16xf32> to vector<16xf32>
      %parallel_loop3A_196 = vector.shape_cast %parallel_loop3A_191 : vector<16xf32> to vector<1x16xf32>
      tpu.vector_store %arg9[%parallel_loop3A_192, %parallel_loop3A_193], %parallel_loop3A_196 {strides = array<i32>} : memref<80x144xf32, #tpu.memory_space<vmem>>, vector<1x16xf32>,
      %parallel_loop3A_197 = vector.extract_strided_slice %parallel_loop3A_100 {offsets = [3], sizes = [1], strides = [1]} : vector<16xf32> to vector<1xf32>
      %parallel_loop3A_198 = vector.extract %parallel_loop3A_197[0] : f32 from vector<1xf32>
      %parallel_loop3A_199 = arith.index_cast %parallel_loop3A_83 : i32 to index
      %parallel_loop3A_200 = arith.constant 112 : index
      %parallel_loop3A_201 = tpu.vector_load %arg9[%parallel_loop3A_199, %parallel_loop3A_200] {strides = array<i32>} : memref<80x144xf32, #tpu.memory_space<vmem>>, vector<1x16xf32>,
      %parallel_loop3A_202 = vector.shape_cast %parallel_loop3A_201 : vector<1x16xf32> to vector<16xf32>
      %parallel_loop3A_203 = vector.broadcast %parallel_loop3A_198 : f32 to vector<16xf32>
      %parallel_loop3A_204 = arith.mulf %parallel_loop3A_202, %parallel_loop3A_203 : vector<16xf32>
      %parallel_loop3A_205 = arith.index_cast %parallel_loop3A_83 : i32 to index
      %parallel_loop3A_206 = arith.constant 112 : index
      %parallel_loop3A_207 = tpu.vector_load %arg9[%parallel_loop3A_205, %parallel_loop3A_206] {strides = array<i32>} : memref<80x144xf32, #tpu.memory_space<vmem>>, vector<1x16xf32>,
      %parallel_loop3A_208 = vector.shape_cast %parallel_loop3A_207 : vector<1x16xf32> to vector<16xf32>
      %parallel_loop3A_209 = vector.shape_cast %parallel_loop3A_204 : vector<16xf32> to vector<1x16xf32>
      tpu.vector_store %arg9[%parallel_loop3A_205, %parallel_loop3A_206], %parallel_loop3A_209 {strides = array<i32>} : memref<80x144xf32, #tpu.memory_space<vmem>>, vector<1x16xf32>,
    } {sc.loop_unroll_factor = 4 : i64, sc.parallel_access}
    %dma_start3A_51 = arith.constant 40 : i32
    %dma_start3A_52 = arith.constant 0 : i32
    %dma_start3A_53 = tpu.memref_slice %arg9[%dma_start3A_51, %dma_start3A_52] : memref<80x144xf32, #tpu.memory_space<vmem>> -> memref<40x144xf32, #tpu.memory_space<vmem>>
    %dma_start3A_54 = arith.constant 40 : i32
    %dma_start3A_55 = tpu.memref_slice %arg13[%dma_start3A_54] : memref<80xi32, #tpu.memory_space<vmem>> -> memref<40xi32, #tpu.memory_space<vmem>>
    %dma_start3A_56 = arith.constant 0 : i32
    %dma_start3A_57 = arith.constant 0 : i32
    %dma_start3A_58 = tpu.memref_slice %arg25[%dma_start3A_56, %dma_start3A_57] : memref<10000x144xf32, #tpu.memory_space<vmem_shared>> -> memref<10000x144xf32, #tpu.memory_space<vmem_shared>>
    tpu.enqueue_indirect_dma source(%dma_start3A_53 : memref<40x144xf32, #tpu.memory_space<vmem>>) target(%dma_start3A_58 : memref<10000x144xf32, #tpu.memory_space<vmem_shared>>) offsets(%dma_start3A_55 : memref<40xi32, #tpu.memory_space<vmem>>) semaphore(%arg23 : memref<!tpu.dma_semaphore, #tpu.memory_space<semaphore_mem>>) {add = true}
    %dma_wait3A_59 = arith.constant 0 : i32
    %dma_wait3A_60 = arith.constant 0 : i32
    %dma_wait3A_61 = tpu.memref_slice %arg9[%dma_wait3A_59, %dma_wait3A_60] : memref<80x144xf32, #tpu.memory_space<vmem>> -> memref<40x144xf32, #tpu.memory_space<vmem>>
    %dma_wait3A_62 = arith.constant 0 : i32
    %dma_wait3A_63 = tpu.memref_slice %arg13[%dma_wait3A_62] : memref<80xi32, #tpu.memory_space<vmem>> -> memref<40xi32, #tpu.memory_space<vmem>>
    %dma_wait3A_64 = arith.constant 0 : i32
    %dma_wait3A_65 = arith.constant 0 : i32
    %dma_wait3A_66 = tpu.memref_slice %arg25[%dma_wait3A_64, %dma_wait3A_65] : memref<10000x144xf32, #tpu.memory_space<vmem_shared>> -> memref<10000x144xf32, #tpu.memory_space<vmem_shared>>
    tpu.wait_indirect_dma semaphore(%arg23 : memref<!tpu.dma_semaphore, #tpu.memory_space<semaphore_mem>>) src(%dma_wait3A_61 : memref<40x144xf32, #tpu.memory_space<vmem>>) dst(%dma_wait3A_66 : memref<10000x144xf32, #tpu.memory_space<vmem_shared>>)
    %dma_wait3A_67 = arith.constant 40 : i32
    %dma_wait3A_68 = arith.constant 0 : i32
    %dma_wait3A_69 = tpu.memref_slice %arg9[%dma_wait3A_67, %dma_wait3A_68] : memref<80x144xf32, #tpu.memory_space<vmem>> -> memref<40x144xf32, #tpu.memory_space<vmem>>
    %dma_wait3A_70 = arith.constant 40 : i32
    %dma_wait3A_71 = tpu.memref_slice %arg13[%dma_wait3A_70] : memref<80xi32, #tpu.memory_space<vmem>> -> memref<40xi32, #tpu.memory_space<vmem>>
    %dma_wait3A_72 = arith.constant 0 : i32
    %dma_wait3A_73 = arith.constant 0 : i32
    %dma_wait3A_74 = tpu.memref_slice %arg25[%dma_wait3A_72, %dma_wait3A_73] : memref<10000x144xf32, #tpu.memory_space<vmem_shared>> -> memref<10000x144xf32, #tpu.memory_space<vmem_shared>>
    tpu.wait_indirect_dma semaphore(%arg23 : memref<!tpu.dma_semaphore, #tpu.memory_space<semaphore_mem>>) src(%dma_wait3A_69 : memref<40x144xf32, #tpu.memory_space<vmem>>) dst(%dma_wait3A_74 : memref<10000x144xf32, #tpu.memory_space<vmem_shared>>)
    %barrier3A_75 = arith.constant 0 : index
    tpu.barrier barrier_id(%barrier3A_75)
    %mul3A_76 = arith.constant 624 : i32
    %mul3A_77 = arith.muli %arg1, %mul3A_76 : i32
    "tpu.region"() ({
      %run_scoped3A = tpu.sem_alloc : memref<!tpu.dma_semaphore, #tpu.memory_space<semaphore_mem>>
      %dma_start3A_83 = arith.constant 0 : i32
      %dma_start3A_84 = tpu.memref_slice %arg7[%arg0, %mul3A_77, %dma_start3A_83] : memref<2x10000x144xf32, #tpu.memory_space<hbm>> -> memref<1x624x144xf32, #tpu.memory_space<hbm>>
      %dma_start3A_85 = tpu.memref_squeeze %dma_start3A_84 : memref<1x624x144xf32, #tpu.memory_space<hbm>> -> memref<624x144xf32, #tpu.memory_space<hbm>>
      %dma_start3A_86 = arith.constant 0 : i32
      %dma_start3A_87 = tpu.memref_slice %arg25[%mul3A_77, %dma_start3A_86] : memref<10000x144xf32, #tpu.memory_space<vmem_shared>> -> memref<624x144xf32, #tpu.memory_space<vmem_shared>>
      tpu.enqueue_dma source(%dma_start3A_87 : memref<624x144xf32, #tpu.memory_space<vmem_shared>>) target(%dma_start3A_85 : memref<624x144xf32, #tpu.memory_space<hbm>>) target_semaphore(%run_scoped3A : memref<!tpu.dma_semaphore, #tpu.memory_space<semaphore_mem>>)
      %dma_wait3A_88 = arith.constant 0 : i32
      %dma_wait3A_89 = tpu.memref_slice %arg7[%arg0, %mul3A_77, %dma_wait3A_88] : memref<2x10000x144xf32, #tpu.memory_space<hbm>> -> memref<1x624x144xf32, #tpu.memory_space<hbm>>
      %dma_wait3A_90 = tpu.memref_squeeze %dma_wait3A_89 : memref<1x624x144xf32, #tpu.memory_space<hbm>> -> memref<624x144xf32, #tpu.memory_space<hbm>>
      %dma_wait3A_91 = arith.constant 0 : i32
      %dma_wait3A_92 = tpu.memref_slice %arg25[%mul3A_77, %dma_wait3A_91] : memref<10000x144xf32, #tpu.memory_space<vmem_shared>> -> memref<624x144xf32, #tpu.memory_space<vmem_shared>>
      tpu.wait_dma2 semaphore(%run_scoped3A : memref<!tpu.dma_semaphore, #tpu.memory_space<semaphore_mem>>) src(%dma_wait3A_92 : memref<624x144xf32, #tpu.memory_space<vmem_shared>>) dst(%dma_wait3A_90 : memref<624x144xf32, #tpu.memory_space<hbm>>)
      tpu.yield
    }) : () -> ()
    %eq3A_78 = arith.constant 0 : i32
    %eq3A_79 = arith.cmpi eq, %arg1, %eq3A_78 : i32
    %convert_element_type3A_80 = arith.extui %eq3A_79 : i1 to i32
    %cond3A_81 = arith.constant 0 : i32
    %cond3A_82 = arith.cmpi ne, %convert_element_type3A_80, %cond3A_81 : i32
    scf.if %cond3A_82 {
      "tpu.region"() ({
        %run_scoped3A = tpu.sem_alloc : memref<!tpu.dma_semaphore, #tpu.memory_space<semaphore_mem>>
        %dma_start3A_83 = arith.constant 9984 : i32
        %dma_start3A_84 = arith.constant 0 : i32
        %dma_start3A_85 = tpu.memref_slice %arg7[%arg0, %dma_start3A_83, %dma_start3A_84] : memref<2x10000x144xf32, #tpu.memory_space<hbm>> -> memref<1x16x144xf32, #tpu.memory_space<hbm>>
        %dma_start3A_86 = tpu.memref_squeeze %dma_start3A_85 : memref<1x16x144xf32, #tpu.memory_space<hbm>> -> memref<16x144xf32, #tpu.memory_space<hbm>>
        %dma_start3A_87 = arith.constant 9984 : i32
        %dma_start3A_88 = arith.constant 0 : i32
        %dma_start3A_89 = tpu.memref_slice %arg25[%dma_start3A_87, %dma_start3A_88] : memref<10000x144xf32, #tpu.memory_space<vmem_shared>> -> memref<16x144xf32, #tpu.memory_space<vmem_shared>>
        tpu.enqueue_dma source(%dma_start3A_89 : memref<16x144xf32, #tpu.memory_space<vmem_shared>>) target(%dma_start3A_86 : memref<16x144xf32, #tpu.memory_space<hbm>>) target_semaphore(%run_scoped3A : memref<!tpu.dma_semaphore, #tpu.memory_space<semaphore_mem>>)
        %dma_wait3A_90 = arith.constant 9984 : i32
        %dma_wait3A_91 = arith.constant 0 : i32
        %dma_wait3A_92 = tpu.memref_slice %arg7[%arg0, %dma_wait3A_90, %dma_wait3A_91] : memref<2x10000x144xf32, #tpu.memory_space<hbm>> -> memref<1x16x144xf32, #tpu.memory_space<hbm>>
        %dma_wait3A_93 = tpu.memref_squeeze %dma_wait3A_92 : memref<1x16x144xf32, #tpu.memory_space<hbm>> -> memref<16x144xf32, #tpu.memory_space<hbm>>
        %dma_wait3A_94 = arith.constant 9984 : i32
        %dma_wait3A_95 = arith.constant 0 : i32
        %dma_wait3A_96 = tpu.memref_slice %arg25[%dma_wait3A_94, %dma_wait3A_95] : memref<10000x144xf32, #tpu.memory_space<vmem_shared>> -> memref<16x144xf32, #tpu.memory_space<vmem_shared>>
        tpu.wait_dma2 semaphore(%run_scoped3A : memref<!tpu.dma_semaphore, #tpu.memory_space<semaphore_mem>>) src(%dma_wait3A_96 : memref<16x144xf32, #tpu.memory_space<vmem_shared>>) dst(%dma_wait3A_93 : memref<16x144xf32, #tpu.memory_space<hbm>>)
        tpu.yield
      }) : () -> ()
    } else {
    }
    return
  }
}

module attributes {stable_mosaic.version = 14 : i64} {
  func.func @_pre_body(%arg0: i32, %arg1: memref<1000x128xf32, #tpu.memory_space<vmem>>, %arg2: memref<128xf32, #tpu.memory_space<vmem>>, %arg3: memref<128xf32, #tpu.memory_space<vmem>>, %arg4: memref<128x256xf32, #tpu.memory_space<vmem>>, %arg5: memref<256xf32, #tpu.memory_space<vmem>>, %arg6: memref<256x128xf32, #tpu.memory_space<vmem>>, %arg7: memref<128xf32, #tpu.memory_space<vmem>>, %arg8: memref<128x128xf32, #tpu.memory_space<vmem>>, %arg9: memref<128xf32, #tpu.memory_space<vmem>>, %arg10: memref<128x128xf32, #tpu.memory_space<vmem>>, %arg11: memref<128x16xf32, #tpu.memory_space<vmem>>, %arg12: memref<128x16xf32, #tpu.memory_space<vmem>>, %arg13: memref<1000x144xf32, #tpu.memory_space<vmem>>, %arg14: memref<1000x16xf32, #tpu.memory_space<vmem>>, %arg15: memref<1000x128xf32, #tpu.memory_space<vmem>>) attributes {dimension_semantics = [#tpu.dimension_semantics<arbitrary>], iteration_bounds = array<i64: 10>, scalar_prefetch = 0 : i64, scratch_operands = 0 : i64, tpu.core_type = #tpu.core_type<tc>, window_params = [{transform_indices = @transform_0, window_bounds = array<i64: 1000, 128>}, {pipeline_mode = #tpu.pipeline_mode<synchronous>, transform_indices = @transform_1, window_bounds = array<i64: 128>}, {pipeline_mode = #tpu.pipeline_mode<synchronous>, transform_indices = @transform_2, window_bounds = array<i64: 128>}, {pipeline_mode = #tpu.pipeline_mode<synchronous>, transform_indices = @transform_3, window_bounds = array<i64: 128, 256>}, {pipeline_mode = #tpu.pipeline_mode<synchronous>, transform_indices = @transform_4, window_bounds = array<i64: 256>}, {pipeline_mode = #tpu.pipeline_mode<synchronous>, transform_indices = @transform_5, window_bounds = array<i64: 256, 128>}, {pipeline_mode = #tpu.pipeline_mode<synchronous>, transform_indices = @transform_6, window_bounds = array<i64: 128>}, {pipeline_mode = #tpu.pipeline_mode<synchronous>, transform_indices = @transform_7, window_bounds = array<i64: 128, 128>}, {pipeline_mode = #tpu.pipeline_mode<synchronous>, transform_indices = @transform_8, window_bounds = array<i64: 128>}, {pipeline_mode = #tpu.pipeline_mode<synchronous>, transform_indices = @transform_9, window_bounds = array<i64: 128, 128>}, {pipeline_mode = #tpu.pipeline_mode<synchronous>, transform_indices = @transform_10, window_bounds = array<i64: 128, 16>}, {pipeline_mode = #tpu.pipeline_mode<synchronous>, transform_indices = @transform_11, window_bounds = array<i64: 128, 16>}, {transform_indices = @transform_12, window_bounds = array<i64: 1000, 144>}, {transform_indices = @transform_13, window_bounds = array<i64: 1000, 16>}, {transform_indices = @transform_14, window_bounds = array<i64: 1000, 128>}]} {
    %get3A = arith.constant 0 : index
    %get3A_0 = arith.constant 0 : index
    %get3A_1 = vector.load %arg1[%get3A, %get3A_0] : memref<1000x128xf32, #tpu.memory_space<vmem>>, vector<1000x128xf32>
    %reduce_sum3A = arith.constant dense<0.000000e+00> : vector<1000xf32>
    %reduce_sum3A_2 = vector.multi_reduction <add>, %get3A_1, %reduce_sum3A [1] : vector<1000x128xf32> to vector<1000xf32>
    %broadcast_in_dim3A = vector.shape_cast %reduce_sum3A_2 : vector<1000xf32> to vector<1000x1xf32>
    %div3A = arith.constant 1.280000e+02 : f32
    %div3A_3 = vector.broadcast %div3A : f32 to vector<1000x1xf32>
    %div3A_4 = arith.divf %broadcast_in_dim3A, %div3A_3 : vector<1000x1xf32>
    %sub3A = vector.broadcast %div3A_4 : vector<1000x1xf32> to vector<1000x128xf32>
    %sub3A_5 = arith.subf %get3A_1, %sub3A : vector<1000x128xf32>
    %integer_pow3A = arith.mulf %sub3A_5, %sub3A_5 : vector<1000x128xf32>
    %reduce_sum3A_6 = arith.constant dense<0.000000e+00> : vector<1000xf32>
    %reduce_sum3A_7 = vector.multi_reduction <add>, %integer_pow3A, %reduce_sum3A_6 [1] : vector<1000x128xf32> to vector<1000xf32>
    %broadcast_in_dim3A_8 = vector.shape_cast %reduce_sum3A_7 : vector<1000xf32> to vector<1000x1xf32>
    %div3A_9 = arith.constant 1.280000e+02 : f32
    %div3A_10 = vector.broadcast %div3A_9 : f32 to vector<1000x1xf32>
    %div3A_11 = arith.divf %broadcast_in_dim3A_8, %div3A_10 : vector<1000x1xf32>
    %sub3A_12 = vector.broadcast %div3A_4 : vector<1000x1xf32> to vector<1000x128xf32>
    %sub3A_13 = arith.subf %get3A_1, %sub3A_12 : vector<1000x128xf32>
    %add3A = arith.constant 9.99999974E-6 : f32
    %add3A_14 = vector.broadcast %add3A : f32 to vector<1000x1xf32>
    %add3A_15 = arith.addf %div3A_11, %add3A_14 : vector<1000x1xf32>
    %rsqrt3A = math.rsqrt %add3A_15 : vector<1000x1xf32>
    %mul3A = vector.broadcast %rsqrt3A : vector<1000x1xf32> to vector<1000x128xf32>
    %mul3A_16 = arith.mulf %sub3A_13, %mul3A : vector<1000x128xf32>
    %get3A_17 = arith.constant 0 : index
    %get3A_18 = vector.load %arg2[%get3A_17] : memref<128xf32, #tpu.memory_space<vmem>>, vector<128xf32>
    %broadcast_in_dim3A_19 = vector.shape_cast %get3A_18 : vector<128xf32> to vector<1x128xf32>
    %mul3A_20 = vector.broadcast %broadcast_in_dim3A_19 : vector<1x128xf32> to vector<1000x128xf32>
    %mul3A_21 = arith.mulf %mul3A_16, %mul3A_20 : vector<1000x128xf32>
    %get3A_22 = arith.constant 0 : index
    %get3A_23 = vector.load %arg3[%get3A_22] : memref<128xf32, #tpu.memory_space<vmem>>, vector<128xf32>
    %broadcast_in_dim3A_24 = vector.shape_cast %get3A_23 : vector<128xf32> to vector<1x128xf32>
    %add3A_25 = vector.broadcast %broadcast_in_dim3A_24 : vector<1x128xf32> to vector<1000x128xf32>
    %add3A_26 = arith.addf %mul3A_21, %add3A_25 : vector<1000x128xf32>
    %get3A_27 = arith.constant 0 : index
    %get3A_28 = arith.constant 0 : index
    %get3A_29 = vector.load %arg4[%get3A_27, %get3A_28] : memref<128x256xf32, #tpu.memory_space<vmem>>, vector<128x256xf32>
    %dot_general3A = arith.constant dense<0.000000e+00> : vector<1000x256xf32>
    %dot_general3A_30 = tpu.matmul %add3A_26, %get3A_29, %dot_general3A {dimension_numbers = #tpu.dot_dimension_numbers<[1], [0], [0], [1], [0, 0, 1, 1], [], []>, transpose_lhs_hint = false} : vector<1000x128xf32>, vector<128x256xf32>, vector<1000x256xf32> -> vector<1000x256xf32>
    %get3A_31 = arith.constant 0 : index
    %get3A_32 = vector.load %arg5[%get3A_31] : memref<256xf32, #tpu.memory_space<vmem>>, vector<256xf32>
    %broadcast_in_dim3A_33 = vector.shape_cast %get3A_32 : vector<256xf32> to vector<1x256xf32>
    %add3A_34 = vector.broadcast %broadcast_in_dim3A_33 : vector<1x256xf32> to vector<1000x256xf32>
    %add3A_35 = arith.addf %dot_general3A_30, %add3A_34 : vector<1000x256xf32>
    %max3A = arith.constant 0.000000e+00 : f32
    %max3A_36 = vector.broadcast %max3A : f32 to vector<1000x256xf32>
    %max3A_37 = arith.maximumf %add3A_35, %max3A_36 : vector<1000x256xf32>
    %get3A_38 = arith.constant 0 : index
    %get3A_39 = arith.constant 0 : index
    %get3A_40 = vector.load %arg6[%get3A_38, %get3A_39] : memref<256x128xf32, #tpu.memory_space<vmem>>, vector<256x128xf32>
    %dot_general3A_41 = arith.constant dense<0.000000e+00> : vector<1000x128xf32>
    %dot_general3A_42 = tpu.matmul %max3A_37, %get3A_40, %dot_general3A_41 {dimension_numbers = #tpu.dot_dimension_numbers<[1], [0], [0], [1], [0, 0, 1, 1], [], []>, transpose_lhs_hint = false} : vector<1000x256xf32>, vector<256x128xf32>, vector<1000x128xf32> -> vector<1000x128xf32>
    %get3A_43 = arith.constant 0 : index
    %get3A_44 = vector.load %arg7[%get3A_43] : memref<128xf32, #tpu.memory_space<vmem>>, vector<128xf32>
    %broadcast_in_dim3A_45 = vector.shape_cast %get3A_44 : vector<128xf32> to vector<1x128xf32>
    %add3A_46 = vector.broadcast %broadcast_in_dim3A_45 : vector<1x128xf32> to vector<1000x128xf32>
    %add3A_47 = arith.addf %dot_general3A_42, %add3A_46 : vector<1000x128xf32>
    %get3A_48 = arith.constant 0 : index
    %get3A_49 = arith.constant 0 : index
    %get3A_50 = vector.load %arg8[%get3A_48, %get3A_49] : memref<128x128xf32, #tpu.memory_space<vmem>>, vector<128x128xf32>
    %dot_general3A_51 = arith.constant dense<0.000000e+00> : vector<1000x128xf32>
    %dot_general3A_52 = tpu.matmul %add3A_47, %get3A_50, %dot_general3A_51 {dimension_numbers = #tpu.dot_dimension_numbers<[1], [0], [0], [1], [0, 0, 1, 1], [], []>, transpose_lhs_hint = false} : vector<1000x128xf32>, vector<128x128xf32>, vector<1000x128xf32> -> vector<1000x128xf32>
    %get3A_53 = arith.constant 0 : index
    %get3A_54 = vector.load %arg9[%get3A_53] : memref<128xf32, #tpu.memory_space<vmem>>, vector<128xf32>
    %broadcast_in_dim3A_55 = vector.shape_cast %get3A_54 : vector<128xf32> to vector<1x128xf32>
    %add3A_56 = vector.broadcast %broadcast_in_dim3A_55 : vector<1x128xf32> to vector<1000x128xf32>
    %add3A_57 = arith.addf %dot_general3A_52, %add3A_56 : vector<1000x128xf32>
    %swap3A = arith.constant 0 : index
    %swap3A_58 = arith.constant 0 : index
    %swap3A_59 = vector.load %arg15[%swap3A, %swap3A_58] : memref<1000x128xf32, #tpu.memory_space<vmem>>, vector<1000x128xf32>
    tpu.vector_store %arg15[%swap3A, %swap3A_58], %add3A_57 {strides = array<i32>} : memref<1000x128xf32, #tpu.memory_space<vmem>>, vector<1000x128xf32>,
    %get3A_60 = arith.constant 0 : index
    %get3A_61 = arith.constant 0 : index
    %get3A_62 = vector.load %arg10[%get3A_60, %get3A_61] : memref<128x128xf32, #tpu.memory_space<vmem>>, vector<128x128xf32>
    %dot_general3A_63 = arith.constant dense<0.000000e+00> : vector<1000x128xf32>
    %dot_general3A_64 = tpu.matmul %add3A_47, %get3A_62, %dot_general3A_63 {dimension_numbers = #tpu.dot_dimension_numbers<[1], [0], [0], [1], [0, 0, 1, 1], [], []>, transpose_lhs_hint = false} : vector<1000x128xf32>, vector<128x128xf32>, vector<1000x128xf32> -> vector<1000x128xf32>
    %get3A_65 = arith.constant 0 : index
    %get3A_66 = arith.constant 0 : index
    %get3A_67 = vector.load %arg11[%get3A_65, %get3A_66] : memref<128x16xf32, #tpu.memory_space<vmem>>, vector<128x16xf32>
    %dot_general3A_68 = arith.constant dense<0.000000e+00> : vector<1000x16xf32>
    %dot_general3A_69 = tpu.matmul %dot_general3A_64, %get3A_67, %dot_general3A_68 {dimension_numbers = #tpu.dot_dimension_numbers<[1], [0], [0], [1], [0, 0, 1, 1], [], []>, transpose_lhs_hint = false} : vector<1000x128xf32>, vector<128x16xf32>, vector<1000x16xf32> -> vector<1000x16xf32>
    %swap3A_70 = arith.constant 0 : index
    %swap3A_71 = arith.constant 0 : index
    %swap3A_72 = vector.load %arg13[%swap3A_70, %swap3A_71] : memref<1000x144xf32, #tpu.memory_space<vmem>>, vector<1000x128xf32>
    tpu.vector_store %arg13[%swap3A_70, %swap3A_71], %dot_general3A_64 {strides = array<i32>} : memref<1000x144xf32, #tpu.memory_space<vmem>>, vector<1000x128xf32>,
    %swap3A_73 = arith.constant 0 : index
    %swap3A_74 = arith.constant 128 : index
    %swap3A_75 = vector.load %arg13[%swap3A_73, %swap3A_74] : memref<1000x144xf32, #tpu.memory_space<vmem>>, vector<1000x16xf32>
    tpu.vector_store %arg13[%swap3A_73, %swap3A_74], %dot_general3A_69 {strides = array<i32>} : memref<1000x144xf32, #tpu.memory_space<vmem>>, vector<1000x16xf32>,
    %get3A_76 = arith.constant 0 : index
    %get3A_77 = arith.constant 0 : index
    %get3A_78 = vector.load %arg12[%get3A_76, %get3A_77] : memref<128x16xf32, #tpu.memory_space<vmem>>, vector<128x16xf32>
    %dot_general3A_79 = arith.constant dense<0.000000e+00> : vector<1000x16xf32>
    %dot_general3A_80 = tpu.matmul %dot_general3A_64, %get3A_78, %dot_general3A_79 {dimension_numbers = #tpu.dot_dimension_numbers<[1], [0], [0], [1], [0, 0, 1, 1], [], []>, transpose_lhs_hint = false} : vector<1000x128xf32>, vector<128x16xf32>, vector<1000x16xf32> -> vector<1000x16xf32>
    %swap3A_81 = arith.constant 0 : index
    %swap3A_82 = arith.constant 0 : index
    %swap3A_83 = vector.load %arg14[%swap3A_81, %swap3A_82] : memref<1000x16xf32, #tpu.memory_space<vmem>>, vector<1000x16xf32>
    tpu.vector_store %arg14[%swap3A_81, %swap3A_82], %dot_general3A_80 {strides = array<i32>} : memref<1000x16xf32, #tpu.memory_space<vmem>>, vector<1000x16xf32>,
    return
  }
  func.func @transform_0(%arg0: i32) -> (i32, i32) {
    %c0_i32 = arith.constant 0 : i32
    %c0_i32_0 = arith.constant 0 : i32
    return %arg0, %c0_i32 : i32, i32
  }
  func.func @transform_1(%arg0: i32) -> i32 {
    %c0_i32 = arith.constant 0 : i32
    %c0_i32_0 = arith.constant 0 : i32
    return %c0_i32 : i32
  }
  func.func @transform_2(%arg0: i32) -> i32 {
    %c0_i32 = arith.constant 0 : i32
    %c0_i32_0 = arith.constant 0 : i32
    return %c0_i32 : i32
  }
  func.func @transform_3(%arg0: i32) -> (i32, i32) {
    %c0_i32 = arith.constant 0 : i32
    %c0_i32_0 = arith.constant 0 : i32
    %c0_i32_1 = arith.constant 0 : i32
    return %c0_i32, %c0_i32_0 : i32, i32
  }
  func.func @transform_4(%arg0: i32) -> i32 {
    %c0_i32 = arith.constant 0 : i32
    %c0_i32_0 = arith.constant 0 : i32
    return %c0_i32 : i32
  }
  func.func @transform_5(%arg0: i32) -> (i32, i32) {
    %c0_i32 = arith.constant 0 : i32
    %c0_i32_0 = arith.constant 0 : i32
    %c0_i32_1 = arith.constant 0 : i32
    return %c0_i32, %c0_i32_0 : i32, i32
  }
  func.func @transform_6(%arg0: i32) -> i32 {
    %c0_i32 = arith.constant 0 : i32
    %c0_i32_0 = arith.constant 0 : i32
    return %c0_i32 : i32
  }
  func.func @transform_7(%arg0: i32) -> (i32, i32) {
    %c0_i32 = arith.constant 0 : i32
    %c0_i32_0 = arith.constant 0 : i32
    %c0_i32_1 = arith.constant 0 : i32
    return %c0_i32, %c0_i32_0 : i32, i32
  }
  func.func @transform_8(%arg0: i32) -> i32 {
    %c0_i32 = arith.constant 0 : i32
    %c0_i32_0 = arith.constant 0 : i32
    return %c0_i32 : i32
  }
  func.func @transform_9(%arg0: i32) -> (i32, i32) {
    %c0_i32 = arith.constant 0 : i32
    %c0_i32_0 = arith.constant 0 : i32
    %c0_i32_1 = arith.constant 0 : i32
    return %c0_i32, %c0_i32_0 : i32, i32
  }
  func.func @transform_10(%arg0: i32) -> (i32, i32) {
    %c0_i32 = arith.constant 0 : i32
    %c0_i32_0 = arith.constant 0 : i32
    %c0_i32_1 = arith.constant 0 : i32
    return %c0_i32, %c0_i32_0 : i32, i32
  }
  func.func @transform_11(%arg0: i32) -> (i32, i32) {
    %c0_i32 = arith.constant 0 : i32
    %c0_i32_0 = arith.constant 0 : i32
    %c0_i32_1 = arith.constant 0 : i32
    return %c0_i32, %c0_i32_0 : i32, i32
  }
  func.func @transform_12(%arg0: i32) -> (i32, i32) {
    %c0_i32 = arith.constant 0 : i32
    %c0_i32_0 = arith.constant 0 : i32
    return %arg0, %c0_i32 : i32, i32
  }
  func.func @transform_13(%arg0: i32) -> (i32, i32) {
    %c0_i32 = arith.constant 0 : i32
    %c0_i32_0 = arith.constant 0 : i32
    return %arg0, %c0_i32 : i32, i32
  }
  func.func @transform_14(%arg0: i32) -> (i32, i32) {
    %c0_i32 = arith.constant 0 : i32
    %c0_i32_0 = arith.constant 0 : i32
    return %arg0, %c0_i32 : i32, i32
  }
}

module attributes {stable_mosaic.version = 14 : i64} {
  func.func @_post_body(%arg0: i32, %arg1: memref<1000x144xf32, #tpu.memory_space<vmem>>, %arg2: memref<1000x144xf32, #tpu.memory_space<vmem>>, %arg3: memref<1000x144xf32, #tpu.memory_space<vmem>>, %arg4: memref<1000x16xf32, #tpu.memory_space<vmem>>, %arg5: memref<1000x128xf32, #tpu.memory_space<vmem>>, %arg6: memref<128xf32, #tpu.memory_space<vmem>>, %arg7: memref<4x128xf32, #tpu.memory_space<vmem>>, %arg8: memref<1000x128xf32, #tpu.memory_space<vmem>>) attributes {dimension_semantics = [#tpu.dimension_semantics<arbitrary>], iteration_bounds = array<i64: 10>, scalar_prefetch = 0 : i64, scratch_operands = 0 : i64, tpu.core_type = #tpu.core_type<tc>, window_params = [{transform_indices = @transform_0, window_bounds = array<i64: 1000, 144>}, {transform_indices = @transform_1, window_bounds = array<i64: 1000, 144>}, {transform_indices = @transform_2, window_bounds = array<i64: 1000, 144>}, {transform_indices = @transform_3, window_bounds = array<i64: 1000, 16>}, {transform_indices = @transform_4, window_bounds = array<i64: 1000, 128>}, {pipeline_mode = #tpu.pipeline_mode<synchronous>, transform_indices = @transform_5, window_bounds = array<i64: 128>}, {pipeline_mode = #tpu.pipeline_mode<synchronous>, transform_indices = @transform_6, window_bounds = array<i64: 4, 128>}, {transform_indices = @transform_7, window_bounds = array<i64: 1000, 128>}]} {
    %get3A = arith.constant 0 : index
    %get3A_0 = arith.constant 0 : index
    %get3A_1 = vector.load %arg3[%get3A, %get3A_0] : memref<1000x144xf32, #tpu.memory_space<vmem>>, vector<1000x144xf32>
    %slice3A = vector.extract_strided_slice %get3A_1 {offsets = [0, 128], sizes = [1000, 16], strides = [1, 1]} : vector<1000x144xf32> to vector<1000x16xf32>
    %slice3A_2 = vector.extract_strided_slice %slice3A {offsets = [0, 0], sizes = [1000, 4], strides = [1, 1]} : vector<1000x16xf32> to vector<1000x4xf32>
    %get3A_3 = arith.constant 0 : index
    %get3A_4 = arith.constant 0 : index
    %get3A_5 = vector.load %arg4[%get3A_3, %get3A_4] : memref<1000x16xf32, #tpu.memory_space<vmem>>, vector<1000x16xf32>
    %slice3A_6 = vector.extract_strided_slice %get3A_5 {offsets = [0, 0], sizes = [1000, 4], strides = [1, 1]} : vector<1000x16xf32> to vector<1000x4xf32>
    %add3A = arith.addf %slice3A_2, %slice3A_6 : vector<1000x4xf32>
    %gt3A = arith.constant 0.000000e+00 : f32
    %gt3A_7 = vector.broadcast %gt3A : f32 to vector<1000x4xf32>
    %gt3A_8 = arith.cmpf ogt, %add3A, %gt3A_7 : vector<1000x4xf32>
    %mul3A = arith.constant 2.000000e-01 : f32
    %mul3A_9 = vector.broadcast %mul3A : f32 to vector<1000x4xf32>
    %mul3A_10 = arith.mulf %mul3A_9, %add3A : vector<1000x4xf32>
    %select_n3A = arith.select %gt3A_8, %add3A, %mul3A_10 : vector<1000x4xi1>, vector<1000x4xf32>
    %exp3A = math.exp %select_n3A : vector<1000x4xf32>
    %get3A_11 = arith.constant 0 : index
    %get3A_12 = arith.constant 0 : index
    %get3A_13 = vector.load %arg7[%get3A_11, %get3A_12] : memref<4x128xf32, #tpu.memory_space<vmem>>, vector<4x128xf32>
    %dot_general3A = arith.constant dense<0.000000e+00> : vector<1000x128xf32>
    %dot_general3A_14 = tpu.matmul %exp3A, %get3A_13, %dot_general3A {dimension_numbers = #tpu.dot_dimension_numbers<[1], [0], [0], [1], [0, 0, 1, 1], [], []>, transpose_lhs_hint = false} : vector<1000x4xf32>, vector<4x128xf32>, vector<1000x128xf32> -> vector<1000x128xf32>
    %get3A_15 = arith.constant 0 : index
    %get3A_16 = arith.constant 0 : index
    %get3A_17 = vector.load %arg1[%get3A_15, %get3A_16] : memref<1000x144xf32, #tpu.memory_space<vmem>>, vector<1000x144xf32>
    %get3A_18 = arith.constant 0 : index
    %get3A_19 = arith.constant 0 : index
    %get3A_20 = vector.load %arg2[%get3A_18, %get3A_19] : memref<1000x144xf32, #tpu.memory_space<vmem>>, vector<1000x144xf32>
    %add3A_21 = arith.addf %get3A_17, %get3A_20 : vector<1000x144xf32>
    %slice3A_22 = vector.extract_strided_slice %add3A_21 {offsets = [0, 0], sizes = [1000, 128], strides = [1, 1]} : vector<1000x144xf32> to vector<1000x128xf32>
    %get3A_23 = arith.constant 0 : index
    %get3A_24 = arith.constant 0 : index
    %get3A_25 = vector.load %arg3[%get3A_23, %get3A_24] : memref<1000x144xf32, #tpu.memory_space<vmem>>, vector<1000x144xf32>
    %slice3A_26 = vector.extract_strided_slice %get3A_25 {offsets = [0, 0], sizes = [1000, 128], strides = [1, 1]} : vector<1000x144xf32> to vector<1000x128xf32>
    %mul3A_27 = arith.mulf %slice3A_26, %dot_general3A_14 : vector<1000x128xf32>
    %add3A_28 = arith.addf %slice3A_22, %mul3A_27 : vector<1000x128xf32>
    %slice3A_29 = vector.extract_strided_slice %add3A_21 {offsets = [0, 128], sizes = [1000, 4], strides = [1, 1]} : vector<1000x144xf32> to vector<1000x4xf32>
    %add3A_30 = arith.addf %slice3A_29, %exp3A : vector<1000x4xf32>
    %get3A_31 = arith.constant 0 : index
    %get3A_32 = arith.constant 0 : index
    %get3A_33 = vector.load %arg7[%get3A_31, %get3A_32] : memref<4x128xf32, #tpu.memory_space<vmem>>, vector<4x128xf32>
    %dot_general3A_34 = arith.constant dense<0.000000e+00> : vector<1000x128xf32>
    %dot_general3A_35 = tpu.matmul %add3A_30, %get3A_33, %dot_general3A_34 {dimension_numbers = #tpu.dot_dimension_numbers<[1], [0], [0], [1], [0, 0, 1, 1], [], []>, transpose_lhs_hint = false} : vector<1000x4xf32>, vector<4x128xf32>, vector<1000x128xf32> -> vector<1000x128xf32>
    %add3A_36 = arith.constant 1.000000e-16 : f32
    %add3A_37 = vector.broadcast %add3A_36 : f32 to vector<1000x128xf32>
    %add3A_38 = arith.addf %dot_general3A_35, %add3A_37 : vector<1000x128xf32>
    %div3A = arith.divf %add3A_28, %add3A_38 : vector<1000x128xf32>
    %get3A_39 = arith.constant 0 : index
    %get3A_40 = vector.load %arg6[%get3A_39] : memref<128xf32, #tpu.memory_space<vmem>>, vector<128xf32>
    %broadcast_in_dim3A = vector.shape_cast %get3A_40 : vector<128xf32> to vector<1x128xf32>
    %add3A_41 = vector.broadcast %broadcast_in_dim3A : vector<1x128xf32> to vector<1000x128xf32>
    %add3A_42 = arith.addf %div3A, %add3A_41 : vector<1000x128xf32>
    %gt3A_43 = arith.constant 0.000000e+00 : f32
    %gt3A_44 = vector.broadcast %gt3A_43 : f32 to vector<1000x128xf32>
    %gt3A_45 = arith.cmpf ogt, %add3A_42, %gt3A_44 : vector<1000x128xf32>
    %min3A = arith.constant 0.000000e+00 : f32
    %min3A_46 = vector.broadcast %min3A : f32 to vector<1000x128xf32>
    %min3A_47 = arith.minimumf %add3A_42, %min3A_46 : vector<1000x128xf32>
    %exp3A_48 = math.exp %min3A_47 : vector<1000x128xf32>
    %sub3A = arith.constant 1.000000e+00 : f32
    %sub3A_49 = vector.broadcast %sub3A : f32 to vector<1000x128xf32>
    %sub3A_50 = arith.subf %exp3A_48, %sub3A_49 : vector<1000x128xf32>
    %select_n3A_51 = arith.select %gt3A_45, %add3A_42, %sub3A_50 : vector<1000x128xi1>, vector<1000x128xf32>
    %get3A_52 = arith.constant 0 : index
    %get3A_53 = arith.constant 0 : index
    %get3A_54 = vector.load %arg5[%get3A_52, %get3A_53] : memref<1000x128xf32, #tpu.memory_space<vmem>>, vector<1000x128xf32>
    %add3A_55 = arith.addf %select_n3A_51, %get3A_54 : vector<1000x128xf32>
    %swap3A = arith.constant 0 : index
    %swap3A_56 = arith.constant 0 : index
    %swap3A_57 = vector.load %arg8[%swap3A, %swap3A_56] : memref<1000x128xf32, #tpu.memory_space<vmem>>, vector<1000x128xf32>
    tpu.vector_store %arg8[%swap3A, %swap3A_56], %add3A_55 {strides = array<i32>} : memref<1000x128xf32, #tpu.memory_space<vmem>>, vector<1000x128xf32>,
    return
  }
  func.func @transform_0(%arg0: i32) -> (i32, i32) {
    %c0_i32 = arith.constant 0 : i32
    %c0_i32_0 = arith.constant 0 : i32
    return %arg0, %c0_i32 : i32, i32
  }
  func.func @transform_1(%arg0: i32) -> (i32, i32) {
    %c0_i32 = arith.constant 0 : i32
    %c0_i32_0 = arith.constant 0 : i32
    return %arg0, %c0_i32 : i32, i32
  }
  func.func @transform_2(%arg0: i32) -> (i32, i32) {
    %c0_i32 = arith.constant 0 : i32
    %c0_i32_0 = arith.constant 0 : i32
    return %arg0, %c0_i32 : i32, i32
  }
  func.func @transform_3(%arg0: i32) -> (i32, i32) {
    %c0_i32 = arith.constant 0 : i32
    %c0_i32_0 = arith.constant 0 : i32
    return %arg0, %c0_i32 : i32, i32
  }
  func.func @transform_4(%arg0: i32) -> (i32, i32) {
    %c0_i32 = arith.constant 0 : i32
    %c0_i32_0 = arith.constant 0 : i32
    return %arg0, %c0_i32 : i32, i32
  }
  func.func @transform_5(%arg0: i32) -> i32 {
    %c0_i32 = arith.constant 0 : i32
    %c0_i32_0 = arith.constant 0 : i32
    return %c0_i32 : i32
  }
  func.func @transform_6(%arg0: i32) -> (i32, i32) {
    %c0_i32 = arith.constant 0 : i32
    %c0_i32_0 = arith.constant 0 : i32
    %c0_i32_1 = arith.constant 0 : i32
    return %c0_i32, %c0_i32_0 : i32, i32
  }
  func.func @transform_7(%arg0: i32) -> (i32, i32) {
    %c0_i32 = arith.constant 0 : i32
    %c0_i32_0 = arith.constant 0 : i32
    return %arg0, %c0_i32 : i32, i32
  }
}

</mosaic_0001>

<sc_bundles>
// kernel: kernel.5.cloned.1.call-start
scs
__scs_entry_jumppad:
0x0: {  	(pc) =	sbr.rel $0x88, $3  }
0x1: {  	(tag) =	ssettag $0x0;
	lr =	simm.s32 $0x1  }
0x2: {  	[smem:$0x3F93] =	sst lr;
	_ =	strace $0xD0000000  }
0x3: {  	_ = 	snop  }
0x4: {  	_ = 	snop  }
0x5: {  	_ = 	snop  }
0x6: {  	_ = 	snop  }
0x7: {  	_ = 	snop  }
__scs_overlays_trampoline_lowered:
0x8: {  	[smem:$0x3FA2] =	sst s0  }
0x9: {  	[smem:$0x3FA3] =	sst s1  }
0xa: {  	[smem:$0x3FA4] =	sst s2  }
0xb: {  	[smem:$0x3FA5] =	sst s3  }
0xc: {  	[smem:$0x3FA6] =	sst s4  }
0xd: {  	[smem:$0x3FA7] =	sst s5  }
0xe: {  	[smem:$0x3FA8] =	sst s6  }
0xf: {  	[smem:$0x3FA9] =	sst s7  }
0x10: {  	[smem:$0x3FAA] =	sst s8  }
0x11: {  	[smem:$0x3FAB] =	sst s9;
	s0 =	simm.s32 @!p0 $0x0  }
0x12: {  	s1 =	sld [smem:$0x3F91];
	s0 =	simm.s32 @p0 $0x1  }
0x13: {  	[smem:$0x3FAC] =	sst s0;
	s0 =	simm.s32 @!p1 $0x0  }
0x14: {  	s2 =	sld [smem:$0x3F90];
	s0 =	simm.s32 @p1 $0x1  }
0x15: {  	[smem:$0x3FAD] =	sst s0;
	s0 =	simm.s32 @!p2 $0x0  }
0x16: {  	s3 =	sld [smem:$0x3FDB];
	s0 =	simm.s32 @p2 $0x1  }
0x17: {  	s4 =	simm.s32 $0x1BF5;
	[smem:$0x3FAF] =	sst s0  }
0x18: {  	s0 =	sld [smem:$0x3F92];
	_ =	swait.ge [sflag:s4], $0x0  }
0x19: {  	s7 =	sld [smem:$0x3F93]  }
0x1a: {  	s8 =	sadd.s32 $0xFFFFE003, lr  }
0x1b: {  	s9 =	sadd.s32 $0xFFFFFEF7, lr;
	s5 =	simm.s32 $0xFFFFFFFF;
	p2 =	slt.u32 s8, $0xFFFFF086  }
0x1c: {  	p1 =	slt.u32 s9, $0xF7A;
	s5 =	simm.s32 @!p2 $0x0  }
0x1d: {  	s5 =	simm.s32 @p1 $0x1;
	p0 =	seq.s32 s7, s2  }
0x1e: {  	s7 =	smul.u32 @!p0 $0xF7A, s2;
	p2 =	seq.s32 @!p0 s5, $0x0  }
0x1f: {  	s9 =	smul.u32 $0xF7A, s1;
	s8 =	simm.s32 @!p0 $0x1BF5;
	p2 =	por !p2, p0  }
0x20: {  	[sflag:s8] =	ssyncset.s32 @!p0 $0xFFFFF086;
	s6 =	sadd.s32 @!p0 s3, s7;
	s7 =	simm.s32 @!p0 $0x108  }
0x21: {  	s3 =	sadd.s32 s3, s9;
	s6 =	sadd.s32 @!p0 $0x88, s6;
	s7 =	simm.s32 @p2 $0x1082  }
0x22: {  	[simem:s7], [sflag:s8] =	dma.local @!p0 [hbm:s6], $0xF7A  }
0x23: {  	s9 =	sor.u32 $0xD0000000, s2;
	s6 =	simm.s32 $0x108;
	_ =	swait.ge @!p0 [sflag:s8], $0x0  }
0x24: {  	s3 =	sadd.s32 $0x88, s3;
	s6 =	simm.s32 @!p1 $0x1082;
	[sflag:s4] =	ssyncset.s32 $0xFFFFF086  }
0x25: {  	[simem:s6], [sflag:s4] =	dma.local [hbm:s3], $0xF7A  }
0x26: {  	[smem:$0x3F93] =	sst s1;
	(tag) =	ssettag s2;
	_ =	strace s9  }
0x27: {  	s1 =	sld [smem:$0x3FA3]  }
0x28: {  	s2 =	sld [smem:$0x3FA4]  }
0x29: {  	s4 =	sld [smem:$0x3FA6]  }
0x2a: {  	p0 =	seq.s32 s5, $0x0;
	s5 =	sld [smem:$0x3FA7]  }
0x2b: {  	s6 =	sld [smem:$0x3FA8]  }
0x2c: {  	s7 =	sld [smem:$0x3FA9]  }
0x2d: {  	s3 =	simm.s32 $0x108;
	s8 =	sld [smem:$0x3FAA]  }
0x2e: {  	s3 =	simm.s32 @!p0 $0x1082;
	s9 =	sld [smem:$0x3FAB]  }
0x2f: {  	lr =	sadd.s32 s0, s3;
	s0 =	sld [smem:$0x3FA2]  }
0x30: {  	s3 =	sld [smem:$0x3FA5]  }
0x31: {  	[smem:$0x3FAE] =	sst s10  }
0x32: {  	s10 =	sld [smem:$0x3FAC];
	_ =	sdelay $0x3  }
0x33: {  	p0 =	seq.s32 s10, $0x1;
	s10 =	sld [smem:$0x3FAE];
	_ =	sdelay $0x3  }
0x34: {  	[smem:$0x3FAE] =	sst s10  }
0x35: {  	s10 =	sld [smem:$0x3FAD];
	_ =	sdelay $0x3  }
0x36: {  	p1 =	seq.s32 s10, $0x1;
	s10 =	sld [smem:$0x3FAE];
	_ =	sdelay $0x3  }
0x37: {  	[smem:$0x3FAE] =	sst s10  }
0x38: {  	s10 =	sld [smem:$0x3FAF]  }
0x39: {  	_ = 	snop;
	(pc) =	sbr.ind lr, $3  }
0x3a: {  	_ = 	snop  }
0x3b: {  	_ = 	snop  }
0x3c: {  	p2 =	seq.s32 s10, $0x1;
	s10 =	sld [smem:$0x3FAE]  }
0x3d: {  	_ =	shalt  }
0x3e: {  	_ =	shalt  }
0x3f: {  	_ =	shalt  }
0x40: {  	_ =	shalt  }
0x41: {  	_ =	shalt  }
0x42: {  	_ =	shalt  }
0x43: {  	_ =	shalt  }
0x44: {  	_ =	shalt  }
0x45: {  	_ =	shalt  }
0x46: {  	_ =	shalt  }
0x47: {  	_ =	shalt  }
0x48: {  	_ =	shalt  }
0x49: {  	_ =	shalt  }
0x4a: {  	_ =	shalt  }
0x4b: {  	_ =	shalt  }
0x4c: {  	_ =	shalt  }
0x4d: {  	_ =	shalt  }
0x4e: {  	_ =	shalt  }
0x4f: {  	_ =	shalt  }
0x50: {  	_ =	shalt  }
0x51: {  	_ =	shalt  }
0x52: {  	_ =	shalt  }
0x53: {  	_ =	shalt  }
0x54: {  	_ =	shalt  }
0x55: {  	_ =	shalt  }
0x56: {  	_ =	shalt  }
0x57: {  	_ =	shalt  }
0x58: {  	_ =	shalt  }
0x59: {  	_ =	shalt  }
0x5a: {  	_ =	shalt  }
0x5b: {  	_ =	shalt  }
0x5c: {  	_ =	shalt  }
0x5d: {  	_ =	shalt  }
0x5e: {  	_ =	shalt  }
0x5f: {  	_ =	shalt  }
0x60: {  	_ =	shalt  }
0x61: {  	_ =	shalt  }
0x62: {  	_ =	shalt  }
0x63: {  	_ =	shalt  }
0x64: {  	_ =	shalt  }
0x65: {  	_ =	shalt  }
0x66: {  	_ =	shalt  }
0x67: {  	_ =	shalt  }
0x68: {  	_ =	shalt  }
0x69: {  	_ =	shalt  }
0x6a: {  	_ =	shalt  }
0x6b: {  	_ =	shalt  }
0x6c: {  	_ =	shalt  }
0x6d: {  	_ =	shalt  }
0x6e: {  	_ =	shalt  }
0x6f: {  	_ =	shalt  }
0x70: {  	_ =	shalt  }
0x71: {  	_ =	shalt  }
0x72: {  	_ =	shalt  }
0x73: {  	_ =	shalt  }
0x74: {  	_ =	shalt  }
0x75: {  	_ =	shalt  }
0x76: {  	_ =	shalt  }
0x77: {  	_ =	shalt  }
0x78: {  	_ =	shalt  }
0x79: {  	_ =	shalt  }
0x7a: {  	_ =	shalt  }
0x7b: {  	_ =	shalt  }
0x7c: {  	_ =	shalt  }
0x7d: {  	_ =	shalt  }
0x7e: {  	_ =	shalt  }
0x7f: {  	_ =	shalt  }
0x80: {  	_ =	shalt  }
0x81: {  	_ =	shalt  }
0x82: {  	_ =	shalt  }
0x83: {  	_ =	shalt  }
0x84: {  	_ =	shalt  }
0x85: {  	_ =	shalt  }
0x86: {  	_ =	shalt  }
0x87: {  	_ =	shalt  }
.Lfunc_end0:
.L_simem_size_0:
called_computation_lowered:
.L_overlay_start_0:
0x88: {  	s2 =	sld [smem:$0x3FD9]  }
0x89: {  	s3 =	sld [smem:$0x3FFE];
	_ =	sdelay $0x1  }
0x8a: {  	s1 =	srdreg.scid  }
0x8b: {  	s0 =	sand.u32 $0x1, s1  }
0x8c: {  	s17 =	sshll.u32 s0, $0xA;
	s2 =	sadd.s32 s3, s2  }
0x8d: {  	s2 =	sadd.s32 s2, s17  }
0x8e: {  	[smem:$0x3FBA] =	sst s2  }
0x8f: {  	_ = 	snop  }
0x90: {  	s2 =	sld [smem:$0x3FD0];
	(tm) =	ssettm $0x1  }
0x91: {  	s18 =	sld [smem:$0x3FFB];
	_ =	sdelay $0x3  }
0x92: {  	_ =	strace s18  }
0x93: {  	s3 =	sld [smem:$0x3FFC];
	_ =	sdelay $0x3  }
0x94: {  	_ =	strace s3  }
0x95: {  	s3 =	sld [smem:$0x3FFD];
	_ =	sdelay $0x3  }
0x96: {  	_ =	strace s3  }
0x97: {  	_ =	strace $0x8FFFFFFF  }
0x98: {  	s19 =	sld [smem:$0x3FDB];
	_ =	sdelay $0x1  }
0x99: {  	s4 =	simm.s32 $_scs_section_size  }
0x9a: {  	s5 =	simm.s32 $_size__tile_overlayer_lowered;
	s6 =	simm.s32 $_tile_overlayer_lowered  }
0x9b: {  	s22 =	simm.s32 $0x1BFF;
	s21 =	sshll.u32 s6, $0x1;
	s3 =	sadd.s32 s4, s19  }
0x9c: {  	s7 =	simm.s32 $0x0;
	s20 =	sshll.u32 s5, $0x1;
	s5 =	sadd.s32 s21, s3  }
0x9d: {  	[timem:s7], [sflag:s22] =	dma.local [hbm:s5], s20  }
0x9e: {  	_ =	swait.ge [sflag:s22], s20  }
0x9f: {  	s4 =	ssub.s32 $0x0, s20;
	[sflag:s22] =	ssyncset.done $0x0  }
0xa0: {  	[sflag:s22] =	ssyncadd.s32 s4;
	_ =	sdelay $0x1  }
0xa1: {  	s23 =	simm.s32 $0x1B8B  }
0xa2: {  	_ =	swait.ge [sflag:s23], $0x1  }
0xa3: {  	[sflag:s23] =	ssyncset.done $0x0  }
0xa4: {  	s25 =	simm.s32 $0x1B8E;
	s24 =	sld [smem:$0x3FFE];
	[sflag:s23] =	ssyncadd.s32 $0xFFFFFFFF  }
0xa5: {  	s26 =	simm.s32 $execute0_lowered;
	[smem:$0x3FD2] =	sst s25  }
0xa6: {  	s5 =	sshll.u32 s26, $0x1;
	_ =	strace $0x80000046;
	[dreg:$0x1] =	wrdreg $0xFFFFFFFF  }
0xa7: {  	s28 =	simm.s32 $_size_execute0_lowered;
	s3 =	sadd.s32 s3, s5;
	[dreg:$0x0] =	wrdreg $0x0  }
0xa8: {  	s5 =	sshll.u32 s28, $0x1;
	[dreg:$0x2] =	wrdreg s3  }
0xa9: {  	[dreg:$0x3] =	wrdreg s5  }
0xaa: {  	[dreg:$0x4] =	wrdreg $0xC0  }
0xab: {  	_ =	task [dreg:s7], $0x5FFFF  }
0xac: {  	[dreg:$0x1] =	wrdreg $0xFFFFFFFF  }
0xad: {  	[dreg:$0x0] =	wrdreg $0x60  }
0xae: {  	[dreg:$0x2] =	wrdreg s24  }
0xaf: {  	[dreg:$0x3] =	wrdreg s2  }
0xb0: {  	[dreg:$0x4] =	wrdreg $0x8C500  }
0xb1: {  	[dreg:$0x5] =	wrdreg $0x9  }
0xb2: {  	_ =	task.clear_ibuf [dreg:s7], $0x6FFFF;
	_ =	strace $0x90000046  }
0xb3: {  	s29 =	simm.s32 $0x9;
	_ =	strace $0x80000048  }
0xb4: {  	_ =	swait.ge [sflag:s29], $0x1  }
0xb5: {  	[sflag:s29] =	ssyncadd.s32 $0xFFFFFFFF  }
0xb6: {  	_ =	strace $0x90000048  }
0xb7: {  	_ =	sfence  }
0xb8: {  	s30 =	sld [smem:$0x0];
	_ =	sdelay $0x2  }
0xb9: {  	s31 =	sshll.u32 s1, $0xD;
	s1 =	sshrl.u32 s1, $0x2  }
0xba: {  	s3 =	sand.u32 $0x4000, s31;
	s1 =	sadd.s32 s1, s30  }
0xbb: {  	s0 =	sor.u32 s3, s0;
	s1 =	sshll.u32 s1, $0x11  }
0xbc: {  	s0 =	sor.u32 s1, s0  }
0xbd: {  	s0 =	sadd.s32 $0x8F2B, s0  }
0xbe: {  	[sflag:s0] =	ssyncadd.remote.s32 $0x1  }
0xbf: {  	_ =	sfence.sel $0xFFFF  }
0xc0: {  	[dreg:$0x0] =	wrdreg $0xFFFFFFFF;
	(pc) =	sbr.abs _section_cstart, $3  }
0xc1: {  	[dreg:$0x1] =	wrdreg $0xFFFFFFFF  }
0xc2: {  	_ =	task.clear_ibuf [dreg:s7], $0x2FFFF;
	_ =	strace $0x9FFFFFFF  }
0xc3: {  	(tm) =	ssettm $0x7FFFFFFF  }
tec
execute0_lowered:
.L_overlay_start_1:
0x0: {  	(tag) =	ssettag $0x1  }
0x1: {  	s0 =	rddreg [dreg:$0x0]  }
0x2: {  	s2 =	srdreg.scid;
	s1 =	rddreg [dreg:$0x1]  }
0x3: {  	s8 =	stileid.u32;
	s3 =	simm.s32 $0x0;
	s19 =	simm.s32 $0x8B10  }
0x4: {  	s20 =	simm.s32 $0x8B60;
	s21 =	simm.s32 $0x3;
	s28 =	simm.s32 $0x5410  }
0x5: {  	s29 =	simm.s32 $0x8610;
	s30 =	simm.s32 $0x1;
	s31 =	simm.s32 $0x28  }
0x6: {  	s18 =	simm.s32 $0x6;
	s7 =	sand.u32 $0x1, s2;
	s2 =	rddreg [dreg:$0x2]  }
0x7: {  	s17 =	simm.s32 $0x0;
	[smem:$0x7FF] =	sst s3;
	s5 =	sadd.s32 $0x4FC00, s0  }
0x8: {  	s6 =	sadd.s32 $0x7BC00, s0;
	s13 =	smul.u32 $0x15F00, s8;
	s14 =	sadd.s32 $0x8AA00, s0  }
0x9: {  	s23 =	sshll.u32 s8, $0x6;
	p0 =	sne.s32 s8, $0x0;
	s4 =	sshll.u32 s7, $0x4  }
0xa: {  	_ =	strace $0x80000047;
	s10 =	ssub.s32 $0x2, s7;
	[dreg:$0x4] =	wrdreg s14  }
0xb: {  	s7 =	smul.u32 $0x15F900, s7;
	s15 =	sor.u32 $0x1C09, s23;
	s14 =	sadd.s32 $0x15F000, s2  }
0xc: {  	s23 =	simm.s32 $0x2710;
	[dreg:$0xf] =	wrdreg s17;
	s4 =	sor.u32 s8, s4  }
0xd: {  	s12 =	sshrl.u32 s10, $0x1;
	s22 =	sadd.s32 s13, s2;
	s8 =	sshrl.u32 @!p0 s14, $0x3  }
0xe: {  	s14 =	simm.s32 $0x5;
	s4 =	smul.u32 $0x2710, s4;
	s10 =	ssub.s32 s10, s12  }
0xf: {  	s25 =	sadd.s32 s13, s7;
	s7 =	sshrl.u32 s7, $0x3;
	s12 =	simm.s32 $0x9  }
0x10: {  	[dreg:$0xe] =	wrdreg s8;
	s16 =	smax.u32 s10, $0x1;
	s10 =	sshrl.u32 s22, $0x3  }
0x11: {  	s22 =	simm.s32 $0x50;
	s9 =	sshrl.u32 s4, $0x3;
	[dreg:$0xc] =	wrdreg s16  }
0x12: {  	s26 =	sadd.s32 $0x190, s4;
	s16 =	simm.s32 $0x8;
	[dreg:$0xd] =	wrdreg s10  }
0x13: {  	s11 =	sadd.s32 s9, s0;
	s0 =	sadd.s32 $0x8D600, s0;
	s24 =	sadd.s32 s1, s9  }
0x14: {  	s9 =	sshrl.u32 s25, $0x3;
	[dreg:$0x9] =	wrdreg s26;
	s25 =	simm.s32 $0x8BB0  }
0x15: {  	s26 =	simm.s32 $0x4;
	s11 =	sadd.s32 $0x80C00, s11;
	[dreg:$0x7] =	wrdreg s24  }
0x16: {  	s7 =	sadd.s32 s0, s7;
	s0 =	sadd.s32 s0, s9;
	[dreg:$0x6] =	wrdreg s11  }
0x17: {  	s9 =	simm.s32 $0x3D90;
	s11 =	sadd.s32 $0xA, s24;
	[dreg:$0xa] =	wrdreg s0  }
0x18: {  	s13 =	sadd.s32 $0x2BE00, s7;
	s7 =	smov.u32 s15;
	[dreg:$0x8] =	wrdreg s11  }
0x19: {  	s24 =	simm.s32 $0x8110;
	s15 =	simm.s32 $0x2;
	[dreg:$0xb] =	wrdreg s13  }
0x1a: {  	s11 =	simm.s32 $0x7;
	s13 =	simm.s32 $0x8C00;
	[dreg:$0x5] =	wrdreg s7  }
.LBB2_1:
0x1b: {  	s0 =	rddreg [dreg:$0x4]  }
0x1c: {  	[spmem:s10], [sflag:s7] =	dma.local [hbm:s0], $0x2BE0  }
0x1d: {  	_ =	swait.ge [sflag:s12], $0x2BE0  }
0x1e: {  	[sflag:s12] =	ssyncset.done $0x0  }
0x1f: {  	[sflag:s12] =	ssyncadd.s32 $0xFFFFD420  }
0x20: {  	[spmem:s8], [sflag:s7] =	dma.local @!p0 [hbm:s0], $0x120  }
0x21: {  	s0 =	simm.s32 @!p0 $0x9  }
0x22: {  	_ =	swait.ge @!p0 [sflag:s0], $0x120  }
0x23: {  	[sflag:s0] =	ssyncset.done @!p0 $0x0  }
0x24: {  	s10 =	rddreg [dreg:$0x6];
	[sflag:s0] =	ssyncadd.s32 @!p0 $0xFFFFFEE0  }
0x25: {  	[tilespmem:s3], [sflag:$0x9] =	stream.linear.gather [hbm4b:s10+s3], $0x2710, $0x38;
	[tilespmem:$0x1EBE0] =	vst v63  }
0x26: {  	_ =	swait.ge [sflag:s12], $0x2710  }
0x27: {  	[sflag:s12] =	ssyncset.done $0x0  }
0x28: {  	[sflag:s12] =	ssyncadd.s32 $0xFFFFD8F0  }
0x29: {  	[bflag:$0x0] =	sbarrier.arrive $0xFFFF  }
0x2a: {  	s12 =	rddreg [dreg:$0x7]  }
0x2b: {  	[tilespmem:s19], [sflag:$0x3] =	stream.linear.gather [hbm4b:s12+s3], $0x50, $0x38;
	[tilespmem:$0x1EBE0] =	vst v63  }
0x2c: {  	s17 =	rddreg [dreg:$0x8]  }
0x2d: {  	[tilespmem:s20], [sflag:$0x4] =	stream.linear.gather [hbm4b:s17+s3], $0x50, $0x38;
	[tilespmem:$0x1EBE0] =	vst v63  }
0x2e: {  	_ =	swait.ge [sflag:s21], $0x50  }
0x2f: {  	[sflag:s21] =	ssyncset.done $0x0  }
0x30: {  	[sflag:s21] =	ssyncadd.s32 $0xFFFFFFB0  }
0x31: {  	[tilespmem:s23], [sflag:$0x1] =	stream.indirect.gather [hbm4b:s5+s22], $0x90, s3, s22, $0xb8;
	[tilespmem:$0x1EBE0] =	vst v63  }
0x32: {  	s10 =	simm.s32 $0x0  }
0x33: {  	[tilespmem:s24], [sflag:$0x1] =	stream.indirect.gather [hbm4b:s6+s22], $0x10, s19, s22, $0xb8;
	[tilespmem:$0x1EBE0] =	vst v63  }
.LBB2_2:
0x34: {  	s8 =	sshll.u32 s10, $0x2  }
0x35: {  	s0 =	sor.u32 $0x2, s8  }
0x36: {  	s7 =	smul.u32 $0x50, s0;
	_ =	sdelay $0x1  }
0x37: {  	s7 =	sadd.s32 s4, s7  }
0x38: {  	s7 =	sshrl.u32 s7, $0x3  }
0x39: {  	s17 =	smul.u32 $0x500, s10;
	s7 =	sadd.s32 s1, s7  }
0x3a: {  	[tilespmem:s25], [sflag:$0x5] =	stream.linear.gather [hbm4b:s7+s3], $0x50, $0x38;
	[tilespmem:$0x1EBE0] =	vst v63  }
0x3b: {  	_ =	swait.ge [sflag:s26], $0x50  }
0x3c: {  	s7 =	sshra.s32 s17, $0x2;
	[sflag:s26] =	ssyncset.done $0x0  }
0x3d: {  	s7 =	sadd.s32 $0x50, s7;
	[sflag:s26] =	ssyncadd.s32 $0xFFFFFFB0  }
0x3e: {  	[tilespmem:s28], [sflag:$0x2] =	stream.indirect.gather [hbm4b:s5+s22], $0x90, s7, s22, $0xb8;
	[tilespmem:$0x1EBE0] =	vst v63  }
0x3f: {  	_ = 	snop  }
0x40: {  	[tilespmem:s29], [sflag:$0x2] =	stream.indirect.gather [hbm4b:s6+s22], $0x10, s20, s22, $0xb8;
	[tilespmem:$0x1EBE0] =	vst v63  }
0x41: {  	_ =	swait.ge [sflag:s30], $0x2D00  }
0x42: {  	[sflag:s30] =	ssyncset.done $0x0  }
0x43: {  	[sflag:s30] =	ssyncadd.s32 $0xFFFFD300  }
0x44: {  	_ =	swait.ge [sflag:s30], $0x500  }
0x45: {  	[sflag:s30] =	ssyncset.done $0x0  }
0x46: {  	s17 =	simm.s32 $0x2830;
	[sflag:s30] =	ssyncadd.s32 $0xFFFFFB00  }
0x47: {  	s12 =	simm.s32 $0x8130;
	v0 =	vld [tilespmem:s17+$0x110]  }
0x48: {  	v1 =	vld [tilespmem:s12+$0x10]  }
0x49: {  	v2 =	vld [tilespmem:s12+$0xFFFFFFE0]  }
0x4a: {  	v3 =	vld [tilespmem:s17+$0xFFFFFFF0]  }
0x4b: {  	v4 =	vld [tilespmem:s12+$0xFFFFFFF0]  }
0x4c: {  	v5 =	vld [tilespmem:s17+$0x80]  }
0x4d: {  	v6 =	vld [tilespmem:s12+$0x0]  }
0x4e: {  	v16 =	vld [tilespmem:s17+$0xFFFFFEE0];
	v0 =	vadd.f32 v1, v0  }
0x4f: {  	v1 =	vld [tilespmem:s17+$0xFFFFFF60]  }
0x50: {  	v18 =	vld [tilespmem:s17+$0xFFFFFEF0];
	v3 =	vadd.f32 v4, v3;
	v7 =	vmul.f32 $2.000000030e-01, v0  }
0x51: {  	v20 =	vld [tilespmem:s17+$0xFFFFFF00];
	vm0 =	vgt.f32 v0, $0.0e+00  }
0x52: {  	v21 =	vld [tilespmem:s17+$0xFFFFFF10];
	v4 =	vadd.f32 v6, v5;
	v5 =	vmul.f32 $2.000000030e-01, v3;
	v0 =	vsel vm0, v0, v7  }
0x53: {  	v23 =	vld [tilespmem:s17+$0xFFFFFF20];
	vm14 =	vgt.f32 v3, $0.0e+00;
	v0 =	vmul.f32 $1.442695020e+00, v0  }
0x54: {  	v24 =	vld [tilespmem:s17+$0xFFFFFF30];
	v3 =	vsel vm14, v3, v5;
	v1 =	vadd.f32 v2, v1;
	v2 =	vmul.f32 $2.000000030e-01, v4  }
0x55: {  	v25 =	vld [tilespmem:s17+$0xFFFFFF40];
	v3 =	vmul.f32 $1.442695020e+00, v3;
	(erf) = vpow2.f32 v0  }
0x56: {  	v26 =	vld [tilespmem:s17+$0xFFFFFF50];
	vm1 =	vgt.f32 v4, $0.0e+00;
	v0 =	vmul.f32 $2.000000030e-01, v1  }
0x57: {  	v27 =	vld [tilespmem:s17+$0xFFFFFF70];
	vm15 =	vgt.f32 v1, $0.0e+00;
	v2 =	vsel vm1, v4, v2;
	(erf) = vpow2.f32 v3  }
0x58: {  	v28 =	vld [tilespmem:s17+$0xFFFFFF80];
	v0 =	vsel vm15, v1, v0;
	v1 =	vmul.f32 $1.442695020e+00, v2  }
0x59: {  	v30 =	vld [tilespmem:s17+$0xFFFFFF90]  }
0x5a: {  	v35 =	vld [tilespmem:s17+$0xFFFFFFA0];
	v0 =	vmul.f32 $1.442695020e+00, v0;
	(erf) = vpow2.f32 v1  }
0x5b: {  	v36 =	vld [tilespmem:s17+$0xFFFFFFB0]  }
0x5c: {  	v37 =	vld [tilespmem:s17+$0xFFFFFFC0];
	(erf) = vpow2.f32 v0  }
0x5d: {  	v8 =	vld [tilespmem:s17+$0x30]  }
0x5e: {  	v7 =	vld [tilespmem:s17+$0x100];
	v12 =	vpop (erf)  }
0x5f: {  	v10 =	vld [tilespmem:s17+$0x40];
	v0 =	vbroadcast v12, $0x3  }
0x60: {  	v9 =	vld [tilespmem:s17+$0xFFFFFFE0];
	v3 =	vbroadcast v12, $0x0;
	v2 =	vbroadcast v12, $0x1;
	v29 =	vpop (erf)  }
0x61: {  	v11 =	vld [tilespmem:s17+$0x50];
	v1 =	vbroadcast v12, $0x2;
	v38 =	vbroadcast v29, $0x0  }
0x62: {  	v6 =	vld [tilespmem:s17+$0x10];
	v39 =	vbroadcast v29, $0x1;
	v40 =	vbroadcast v29, $0x2  }
0x63: {  	v5 =	vld [tilespmem:s17+$0x0];
	v15 =	vbroadcast v29, $0x3;
	v13 =	vmul.f32 v7, v0;
	v14 =	vpop (erf)  }
0x64: {  	v4 =	vld [tilespmem:s17+$0xFFFFFFD0];
	v30 =	vmul.f32 v39, v30;
	v22 =	vbroadcast v14, $0x0  }
0x65: {  	[tilespmem:s17+$0x110] =	vst v12;
	v12 =	vld [tilespmem:s17+$0x60];
	v31 =	vpop (erf);
	v19 =	vbroadcast v14, $0x1;
	v17 =	vbroadcast v14, $0x2  }
0x66: {  	v7 =	vld [tilespmem:s17+$0x20];
	[tilespmem:s17+$0x100] =	vst v13;
	v13 =	vbroadcast v14, $0x3;
	v32 =	vbroadcast v31, $0x0  }
0x67: {  	[tilespmem:s17+$0x80] =	vst v14;
	v14 =	vld [tilespmem:s17+$0x70];
	v33 =	vbroadcast v31, $0x1;
	v34 =	vbroadcast v31, $0x2  }
0x68: {  	[tilespmem:s17+$0xFFFFFFF0] =	vst v29;
	v41 =	vbroadcast v31, $0x3;
	v29 =	vmul.f32 v32, v16;
	v16 =	vld [tilespmem:s17+$0x90]  }
0x69: {  	[tilespmem:s17+$0xFFFFFF60] =	vst v31;
	v32 =	vmul.f32 v32, v18;
	v42 =	vmul.f32 v33, v20;
	v18 =	vld [tilespmem:s17+$0xA0]  }
0x6a: {  	v43 =	vmul.f32 v21, v33;
	v44 =	vmul.f32 v23, v34;
	v20 =	vld [tilespmem:s17+$0xB0];
	[tilespmem:s17+$0xFFFFFEE0] =	vst v29  }
0x6b: {  	v34 =	vmul.f32 v24, v34;
	v33 =	vmul.f32 v25, v41;
	v21 =	vld [tilespmem:s17+$0xC0];
	[tilespmem:s17+$0xFFFFFEF0] =	vst v32  }
0x6c: {  	v31 =	vmul.f32 v26, v41;
	v23 =	vld [tilespmem:s17+$0xD0];
	v26 =	vmul.f32 v37, v40;
	[tilespmem:s17+$0xFFFFFF00] =	vst v42  }
0x6d: {  	v24 =	vld [tilespmem:s17+$0xE0];
	v32 =	vmul.f32 v38, v27;
	v29 =	vmul.f32 v38, v28;
	[tilespmem:s17+$0xFFFFFF10] =	vst v43  }
0x6e: {  	s7 =	simm.s32 $0x2A70;
	s29 =	simm.s32 $0x0;
	v25 =	vld [tilespmem:s17+$0xF0];
	v27 =	vmul.f32 v35, v39;
	[tilespmem:s17+$0xFFFFFF20] =	vst v44;
	v28 =	vmul.f32 v36, v40  }
.LBB2_3:
0x6f: {  	v35 =	vld [tilespmem:s7+$0x110];
	[tilespmem:s17+$0xFFFFFF30] =	vst v34;
	v4 =	vmul.f32 v4, v15;
	v9 =	vmul.f32 v9, v15;
	s12 =	sadd.s32 $0x40, s12  }
0x70: {  	s29 =	sadd.s32 $0x4, s29;
	v5 =	vmul.f32 v22, v5;
	v6 =	vmul.f32 v22, v6;
	v15 =	vld [tilespmem:s12+$0x10];
	[tilespmem:s17+$0xFFFFFF40] =	vst v33  }
0x71: {  	v7 =	vmul.f32 v19, v7;
	v8 =	vmul.f32 v8, v19;
	p1 =	slt.u32 s29, $0x24;
	v22 =	vld [tilespmem:s12+$0xFFFFFFE0];
	[tilespmem:s17+$0xFFFFFF50] =	vst v31  }
0x72: {  	v10 =	vmul.f32 v10, v17;
	v11 =	vmul.f32 v11, v17;
	v19 =	vld [tilespmem:s7+$0xFFFFFFF0];
	[tilespmem:s17+$0xFFFFFF70] =	vst v32  }
0x73: {  	v12 =	vmul.f32 v12, v13;
	v13 =	vmul.f32 v14, v13;
	v17 =	vld [tilespmem:s12+$0xFFFFFFF0];
	[tilespmem:s17+$0xFFFFFF80] =	vst v29  }
0x74: {  	v16 =	vmul.f32 v3, v16;
	v3 =	vmul.f32 v3, v18;
	v14 =	vld [tilespmem:s7+$0x80];
	[tilespmem:s17+$0xFFFFFF90] =	vst v30  }
0x75: {  	v20 =	vmul.f32 v2, v20;
	v2 =	vmul.f32 v21, v2;
	v18 =	vld [tilespmem:s12+$0x0];
	v15 =	vadd.f32 v15, v35;
	[tilespmem:s17+$0xFFFFFFA0] =	vst v27  }
0x76: {  	v23 =	vmul.f32 v23, v1;
	v24 =	vmul.f32 v24, v1;
	v21 =	vld [tilespmem:s7+$0xFFFFFF60];
	[tilespmem:s17+$0xFFFFFFB0] =	vst v28  }
0x77: {  	v25 =	vmul.f32 v25, v0;
	v27 =	vld [tilespmem:s7+$0xFFFFFEE0];
	v1 =	vmul.f32 $2.000000030e-01, v15;
	[tilespmem:s17+$0xFFFFFFC0] =	vst v26  }
0x78: {  	vm0 =	vgt.f32 v15, $0.0e+00;
	v26 =	vld [tilespmem:s7+$0xFFFFFEF0];
	v0 =	vadd.f32 v17, v19;
	[tilespmem:s17+$0xFFFFFFD0] =	vst v4  }
0x79: {  	v28 =	vld [tilespmem:s7+$0xFFFFFF00];
	v1 =	vsel vm0, v15, v1;
	[tilespmem:s17+$0xFFFFFFE0] =	vst v9  }
0x7a: {  	v29 =	vld [tilespmem:s7+$0xFFFFFF10];
	v4 =	vmul.f32 $2.000000030e-01, v0;
	v9 =	vadd.f32 v18, v14;
	v1 =	vmul.f32 $1.442695020e+00, v1;
	[tilespmem:s17+$0x0] =	vst v5  }
0x7b: {  	vm0 =	vgt.f32 v0, $0.0e+00;
	v5 =	vadd.f32 v22, v21;
	v21 =	vld [tilespmem:s7+$0xFFFFFF20];
	[tilespmem:s17+$0x10] =	vst v6  }
0x7c: {  	v30 =	vld [tilespmem:s7+$0xFFFFFF30];
	vm1 =	vgt.f32 v9, $0.0e+00;
	v6 =	vmul.f32 $2.000000030e-01, v9;
	(erf) = vpow2.f32 v1;
	[tilespmem:s17+$0x20] =	vst v7  }
0x7d: {  	v0 =	vsel vm0, v0, v4;
	vm2 =	vgt.f32 v5, $0.0e+00;
	v1 =	vmul.f32 $2.000000030e-01, v5;
	v31 =	vld [tilespmem:s7+$0xFFFFFF40];
	[tilespmem:s17+$0x30] =	vst v8  }
0x7e: {  	v0 =	vmul.f32 $1.442695020e+00, v0;
	v32 =	vld [tilespmem:s7+$0xFFFFFF50];
	v4 =	vsel vm1, v9, v6;
	[tilespmem:s17+$0x40] =	vst v10  }
0x7f: {  	v1 =	vsel vm2, v5, v1;
	v35 =	vld [tilespmem:s7+$0xFFFFFF70];
	v4 =	vmul.f32 $1.442695020e+00, v4;
	[tilespmem:s17+$0x50] =	vst v11  }
0x80: {  	v1 =	vmul.f32 $1.442695020e+00, v1;
	v36 =	vld [tilespmem:s7+$0xFFFFFF80];
	(erf) = vpow2.f32 v0;
	[tilespmem:s17+$0x60] =	vst v12  }
0x81: {  	v37 =	vld [tilespmem:s7+$0xFFFFFF90];
	(erf) = vpow2.f32 v4;
	[tilespmem:s17+$0x70] =	vst v13  }
0x82: {  	v38 =	vld [tilespmem:s7+$0xFFFFFFA0];
	(erf) = vpow2.f32 v1;
	[tilespmem:s17+$0x90] =	vst v16  }
0x83: {  	v6 =	vld [tilespmem:s7+$0x100];
	[tilespmem:s17+$0xA0] =	vst v3  }
0x84: {  	v39 =	vld [tilespmem:s7+$0xFFFFFFB0];
	[tilespmem:s17+$0xB0] =	vst v20  }
0x85: {  	v40 =	vld [tilespmem:s7+$0xFFFFFFC0];
	v7 =	vpop (erf);
	[tilespmem:s17+$0xC0] =	vst v2  }
0x86: {  	v4 =	vld [tilespmem:s7+$0xFFFFFFD0];
	v3 =	vbroadcast v7, $0x0;
	v0 =	vbroadcast v7, $0x3;
	[tilespmem:s17+$0xD0] =	vst v23  }
0x87: {  	v2 =	vbroadcast v7, $0x1;
	v1 =	vbroadcast v7, $0x2;
	v9 =	vld [tilespmem:s7+$0xFFFFFFE0];
	[tilespmem:s17+$0xE0] =	vst v24  }
0x88: {  	v5 =	vld [tilespmem:s7+$0x0];
	v8 =	vmul.f32 v6, v0;
	[tilespmem:s17+$0xF0] =	vst v25;
	s17 =	smov.u32 s7  }
0x89: {  	v6 =	vld [tilespmem:s7+$0x10];
	[tilespmem:s7+$0x110] =	vst v7;
	v10 =	vpop (erf)  }
0x8a: {  	v23 =	vbroadcast v10, $0x0;
	v24 =	vbroadcast v10, $0x1;
	v7 =	vld [tilespmem:s7+$0x20];
	[tilespmem:s7+$0x100] =	vst v8;
	v13 =	vpop (erf)  }
0x8b: {  	v25 =	vbroadcast v10, $0x2;
	v15 =	vbroadcast v10, $0x3;
	[tilespmem:s7+$0xFFFFFFF0] =	vst v10;
	v8 =	vld [tilespmem:s7+$0x30];
	v11 =	vpop (erf)  }
0x8c: {  	[tilespmem:s7+$0xFFFFFF60] =	vst v11;
	v16 =	vbroadcast v11, $0x0;
	v18 =	vbroadcast v11, $0x1;
	v10 =	vld [tilespmem:s7+$0x40]  }
0x8d: {  	v20 =	vbroadcast v11, $0x2;
	v41 =	vbroadcast v11, $0x3;
	[tilespmem:s7+$0x80] =	vst v13;
	v11 =	vld [tilespmem:s7+$0x50]  }
0x8e: {  	v22 =	vbroadcast v13, $0x0;
	v19 =	vbroadcast v13, $0x1;
	v12 =	vld [tilespmem:s7+$0x60]  }
0x8f: {  	v17 =	vbroadcast v13, $0x2;
	v13 =	vbroadcast v13, $0x3;
	v14 =	vld [tilespmem:s7+$0x70]  }
0x90: {  	v27 =	vmul.f32 v16, v27;
	v26 =	vmul.f32 v16, v26;
	v16 =	vld [tilespmem:s7+$0x90]  }
0x91: {  	v28 =	vmul.f32 v18, v28;
	v42 =	vmul.f32 v29, v18;
	v18 =	vld [tilespmem:s7+$0xA0]  }
.Ltmp0:
0x92: {  	v43 =	vmul.f32 v21, v20;
	v34 =	vmul.f32 v30, v20;
	[tilespmem:s7+$0xFFFFFEE0] =	vst v27;
	v20 =	vld [tilespmem:s7+$0xB0];
	(pc) =	sbr.rel @p1 .LBB2_3-.Ltmp0, $4  }
0x93: {  	v33 =	vmul.f32 v31, v41;
	v31 =	vmul.f32 v32, v41;
	[tilespmem:s7+$0xFFFFFEF0] =	vst v26;
	v21 =	vld [tilespmem:s7+$0xC0]  }
0x94: {  	v32 =	vmul.f32 v23, v35;
	v29 =	vmul.f32 v23, v36;
	[tilespmem:s7+$0xFFFFFF00] =	vst v28;
	v23 =	vld [tilespmem:s7+$0xD0]  }
0x95: {  	v30 =	vmul.f32 v24, v37;
	v27 =	vmul.f32 v38, v24;
	[tilespmem:s7+$0xFFFFFF10] =	vst v42;
	v24 =	vld [tilespmem:s7+$0xE0]  }
0x96: {  	v26 =	vmul.f32 v40, v25;
	v28 =	vmul.f32 v39, v25;
	s7 =	sadd.s32 $0x240, s7;
	[tilespmem:s17+$0xFFFFFF20] =	vst v43;
	v25 =	vld [tilespmem:s17+$0xF0]  }
0x97: {  	[tilespmem:s17+$0xFFFFFF30] =	vst v34  }
0x98: {  	[tilespmem:s17+$0xFFFFFF40] =	vst v33  }
0x99: {  	[tilespmem:s17+$0xFFFFFF50] =	vst v31  }
0x9a: {  	[tilespmem:s17+$0xFFFFFF70] =	vst v32  }
0x9b: {  	[tilespmem:s17+$0xFFFFFF80] =	vst v29  }
0x9c: {  	[tilespmem:s17+$0xFFFFFF90] =	vst v30  }
0x9d: {  	[tilespmem:s17+$0xFFFFFFA0] =	vst v27  }
0x9e: {  	v4 =	vmul.f32 v4, v15;
	[tilespmem:s17+$0xFFFFFFB0] =	vst v28  }
0x9f: {  	v9 =	vmul.f32 v9, v15;
	[tilespmem:s17+$0xFFFFFFC0] =	vst v26  }
0xa0: {  	v5 =	vmul.f32 v22, v5;
	[tilespmem:s17+$0xFFFFFFD0] =	vst v4  }
0xa1: {  	v4 =	vmul.f32 v22, v6;
	[tilespmem:s17+$0xFFFFFFE0] =	vst v9  }
0xa2: {  	v6 =	vmul.f32 v19, v7;
	[tilespmem:s17+$0x0] =	vst v5  }
0xa3: {  	v5 =	vmul.f32 v8, v19;
	[tilespmem:s17+$0x10] =	vst v4  }
0xa4: {  	v4 =	vmul.f32 v10, v17;
	[tilespmem:s17+$0x20] =	vst v6  }
0xa5: {  	v6 =	vmul.f32 v11, v17;
	[tilespmem:s17+$0x30] =	vst v5  }
0xa6: {  	v5 =	vmul.f32 v12, v13;
	[tilespmem:s17+$0x40] =	vst v4  }
0xa7: {  	v0 =	vmul.f32 v25, v0;
	[tilespmem:s17+$0x50] =	vst v6  }
0xa8: {  	v4 =	vmul.f32 v14, v13;
	[tilespmem:s17+$0x60] =	vst v5  }
0xa9: {  	v6 =	vmul.f32 v3, v16;
	[tilespmem:s17+$0xF0] =	vst v0  }
0xaa: {  	v3 =	vmul.f32 v3, v18;
	[tilespmem:s17+$0x70] =	vst v4  }
0xab: {  	v4 =	vmul.f32 v2, v20;
	[tilespmem:s17+$0x90] =	vst v6  }
0xac: {  	v2 =	vmul.f32 v21, v2;
	[tilespmem:s17+$0xA0] =	vst v3  }
0xad: {  	v3 =	vmul.f32 v23, v1;
	[tilespmem:s17+$0xB0] =	vst v4  }
0xae: {  	v1 =	vmul.f32 v24, v1;
	[tilespmem:s17+$0xC0] =	vst v2  }
0xaf: {  	[tilespmem:s17+$0xD0] =	vst v3  }
0xb0: {  	[tilespmem:s17+$0xE0] =	vst v1;
	s17 =	simm.s32 $0x3FC0  }
0xb1: {  	[spmem:s2] =	stream.indirect.scatter.add.f32 [tilespmem:s23], [sflag:$0x7], $0x90, s19, s31, $0xb8;
	[tilespmem:$0x1EBE0] =	vst v63  }
0xb2: {  	s12 =	simm.s32 $0x83C0;
	v0 =	vld [tilespmem:s17+$0x0]  }
0xb3: {  	v1 =	vld [tilespmem:s12+$0x0]  }
0xb4: {  	v2 =	vld [tilespmem:s12+$0xFFFFFFD0]  }
0xb5: {  	v3 =	vld [tilespmem:s17+$0xFFFFFEE0]  }
0xb6: {  	v4 =	vld [tilespmem:s12+$0xFFFFFFE0]  }
0xb7: {  	v5 =	vld [tilespmem:s17+$0xFFFFFF70]  }
0xb8: {  	v6 =	vld [tilespmem:s12+$0xFFFFFFF0]  }
0xb9: {  	v16 =	vld [tilespmem:s17+$0xFFFFFDD0];
	v0 =	vadd.f32 v1, v0  }
0xba: {  	v1 =	vld [tilespmem:s17+$0xFFFFFE50]  }
0xbb: {  	v18 =	vld [tilespmem:s17+$0xFFFFFDE0];
	v3 =	vadd.f32 v4, v3;
	v7 =	vmul.f32 $2.000000030e-01, v0  }
0xbc: {  	v20 =	vld [tilespmem:s17+$0xFFFFFDF0];
	vm0 =	vgt.f32 v0, $0.0e+00  }
0xbd: {  	v21 =	vld [tilespmem:s17+$0xFFFFFE00];
	v4 =	vadd.f32 v6, v5;
	v5 =	vmul.f32 $2.000000030e-01, v3;
	v0 =	vsel vm0, v0, v7  }
0xbe: {  	v23 =	vld [tilespmem:s17+$0xFFFFFE10];
	vm14 =	vgt.f32 v3, $0.0e+00;
	v0 =	vmul.f32 $1.442695020e+00, v0  }
0xbf: {  	v24 =	vld [tilespmem:s17+$0xFFFFFE20];
	v3 =	vsel vm14, v3, v5;
	v1 =	vadd.f32 v2, v1;
	v2 =	vmul.f32 $2.000000030e-01, v4  }
0xc0: {  	v25 =	vld [tilespmem:s17+$0xFFFFFE30];
	v3 =	vmul.f32 $1.442695020e+00, v3;
	(erf) = vpow2.f32 v0  }
0xc1: {  	v26 =	vld [tilespmem:s17+$0xFFFFFE40];
	vm1 =	vgt.f32 v4, $0.0e+00;
	v0 =	vmul.f32 $2.000000030e-01, v1  }
0xc2: {  	v27 =	vld [tilespmem:s17+$0xFFFFFE60];
	vm15 =	vgt.f32 v1, $0.0e+00;
	v2 =	vsel vm1, v4, v2;
	(erf) = vpow2.f32 v3  }
0xc3: {  	v28 =	vld [tilespmem:s17+$0xFFFFFE70];
	v0 =	vsel vm15, v1, v0;
	v1 =	vmul.f32 $1.442695020e+00, v2  }
0xc4: {  	v30 =	vld [tilespmem:s17+$0xFFFFFE80]  }
0xc5: {  	v35 =	vld [tilespmem:s17+$0xFFFFFE90];
	v0 =	vmul.f32 $1.442695020e+00, v0;
	(erf) = vpow2.f32 v1  }
0xc6: {  	v36 =	vld [tilespmem:s17+$0xFFFFFEA0]  }
0xc7: {  	v37 =	vld [tilespmem:s17+$0xFFFFFEB0];
	(erf) = vpow2.f32 v0  }
0xc8: {  	v8 =	vld [tilespmem:s17+$0xFFFFFF20]  }
0xc9: {  	v7 =	vld [tilespmem:s17+$0xFFFFFFF0];
	v12 =	vpop (erf)  }
0xca: {  	v10 =	vld [tilespmem:s17+$0xFFFFFF30];
	v0 =	vbroadcast v12, $0x3  }
0xcb: {  	v9 =	vld [tilespmem:s17+$0xFFFFFED0];
	v3 =	vbroadcast v12, $0x0;
	v2 =	vbroadcast v12, $0x1;
	v29 =	vpop (erf)  }
0xcc: {  	v11 =	vld [tilespmem:s17+$0xFFFFFF40];
	v1 =	vbroadcast v12, $0x2;
	v38 =	vbroadcast v29, $0x0  }
0xcd: {  	v6 =	vld [tilespmem:s17+$0xFFFFFF00];
	v39 =	vbroadcast v29, $0x1;
	v40 =	vbroadcast v29, $0x2  }
0xce: {  	v5 =	vld [tilespmem:s17+$0xFFFFFEF0];
	v15 =	vbroadcast v29, $0x3;
	v13 =	vmul.f32 v7, v0;
	v14 =	vpop (erf)  }
0xcf: {  	v4 =	vld [tilespmem:s17+$0xFFFFFEC0];
	v30 =	vmul.f32 v39, v30;
	v22 =	vbroadcast v14, $0x0  }
0xd0: {  	[tilespmem:s17+$0x0] =	vst v12;
	v12 =	vld [tilespmem:s17+$0xFFFFFF50];
	v31 =	vpop (erf);
	v19 =	vbroadcast v14, $0x1;
	v17 =	vbroadcast v14, $0x2  }
0xd1: {  	v7 =	vld [tilespmem:s17+$0xFFFFFF10];
	[tilespmem:s17+$0xFFFFFFF0] =	vst v13;
	v13 =	vbroadcast v14, $0x3;
	v61 =	vbroadcast v31, $0x0  }
0xd2: {  	[tilespmem:s17+$0xFFFFFF70] =	vst v14;
	v14 =	vld [tilespmem:s17+$0xFFFFFF60];
	v62 =	vbroadcast v31, $0x1;
	v63 =	vbroadcast v31, $0x2  }
0xd3: {  	[tilespmem:s17+$0xFFFFFEE0] =	vst v29;
	v41 =	vbroadcast v31, $0x3;
	v29 =	vmul.f32 v61, v16;
	v16 =	vld [tilespmem:s17+$0xFFFFFF80]  }
0xd4: {  	[tilespmem:s17+$0xFFFFFE50] =	vst v31;
	v32 =	vmul.f32 v61, v18;
	v42 =	vmul.f32 v62, v20;
	v18 =	vld [tilespmem:s17+$0xFFFFFF90]  }
0xd5: {  	v43 =	vmul.f32 v21, v62;
	v44 =	vmul.f32 v23, v63;
	v20 =	vld [tilespmem:s17+$0xFFFFFFA0];
	[tilespmem:s17+$0xFFFFFDD0] =	vst v29  }
0xd6: {  	v34 =	vmul.f32 v24, v63;
	v33 =	vmul.f32 v25, v41;
	v21 =	vld [tilespmem:s17+$0xFFFFFFB0];
	[tilespmem:s17+$0xFFFFFDE0] =	vst v32  }
0xd7: {  	v31 =	vmul.f32 v26, v41;
	v23 =	vld [tilespmem:s17+$0xFFFFFFC0];
	v26 =	vmul.f32 v37, v40;
	[tilespmem:s17+$0xFFFFFDF0] =	vst v42  }
0xd8: {  	v24 =	vld [tilespmem:s17+$0xFFFFFFD0];
	v32 =	vmul.f32 v38, v27;
	v29 =	vmul.f32 v38, v28;
	[tilespmem:s17+$0xFFFFFE00] =	vst v43  }
0xd9: {  	s29 =	simm.s32 $0x28;
	s7 =	simm.s32 $0x4200;
	v25 =	vld [tilespmem:s17+$0xFFFFFFE0];
	v27 =	vmul.f32 v35, v39;
	[tilespmem:s17+$0xFFFFFE10] =	vst v44;
	v28 =	vmul.f32 v36, v40  }
.LBB2_5:
0xda: {  	v35 =	vld [tilespmem:s7+$0x0];
	[tilespmem:s17+$0xFFFFFE20] =	vst v34;
	v4 =	vmul.f32 v4, v15;
	v9 =	vmul.f32 v9, v15;
	s12 =	sadd.s32 $0x40, s12  }
0xdb: {  	s29 =	sadd.s32 $0x4, s29;
	v5 =	vmul.f32 v22, v5;
	v6 =	vmul.f32 v22, v6;
	v15 =	vld [tilespmem:s12+$0x0];
	[tilespmem:s17+$0xFFFFFE30] =	vst v33  }
0xdc: {  	v7 =	vmul.f32 v19, v7;
	v8 =	vmul.f32 v8, v19;
	p1 =	slt.u32 s29, $0x4C;
	v22 =	vld [tilespmem:s12+$0xFFFFFFD0];
	[tilespmem:s17+$0xFFFFFE40] =	vst v31  }
0xdd: {  	v10 =	vmul.f32 v10, v17;
	v11 =	vmul.f32 v11, v17;
	v19 =	vld [tilespmem:s7+$0xFFFFFEE0];
	[tilespmem:s17+$0xFFFFFE60] =	vst v32  }
0xde: {  	v12 =	vmul.f32 v12, v13;
	v13 =	vmul.f32 v14, v13;
	v17 =	vld [tilespmem:s12+$0xFFFFFFE0];
	[tilespmem:s17+$0xFFFFFE70] =	vst v29  }
0xdf: {  	v16 =	vmul.f32 v3, v16;
	v3 =	vmul.f32 v3, v18;
	v14 =	vld [tilespmem:s7+$0xFFFFFF70];
	[tilespmem:s17+$0xFFFFFE80] =	vst v30  }
0xe0: {  	v20 =	vmul.f32 v2, v20;
	v2 =	vmul.f32 v21, v2;
	v18 =	vld [tilespmem:s12+$0xFFFFFFF0];
	v15 =	vadd.f32 v15, v35;
	[tilespmem:s17+$0xFFFFFE90] =	vst v27  }
0xe1: {  	v23 =	vmul.f32 v23, v1;
	v24 =	vmul.f32 v24, v1;
	v21 =	vld [tilespmem:s7+$0xFFFFFE50];
	[tilespmem:s17+$0xFFFFFEA0] =	vst v28  }
0xe2: {  	v25 =	vmul.f32 v25, v0;
	v27 =	vld [tilespmem:s7+$0xFFFFFDD0];
	v1 =	vmul.f32 $2.000000030e-01, v15;
	[tilespmem:s17+$0xFFFFFEB0] =	vst v26  }
0xe3: {  	vm0 =	vgt.f32 v15, $0.0e+00;
	v26 =	vld [tilespmem:s7+$0xFFFFFDE0];
	v0 =	vadd.f32 v17, v19;
	[tilespmem:s17+$0xFFFFFEC0] =	vst v4  }
0xe4: {  	v28 =	vld [tilespmem:s7+$0xFFFFFDF0];
	v1 =	vsel vm0, v15, v1;
	[tilespmem:s17+$0xFFFFFED0] =	vst v9  }
0xe5: {  	v29 =	vld [tilespmem:s7+$0xFFFFFE00];
	v4 =	vmul.f32 $2.000000030e-01, v0;
	v9 =	vadd.f32 v18, v14;
	v1 =	vmul.f32 $1.442695020e+00, v1;
	[tilespmem:s17+$0xFFFFFEF0] =	vst v5  }
0xe6: {  	vm0 =	vgt.f32 v0, $0.0e+00;
	v5 =	vadd.f32 v22, v21;
	v21 =	vld [tilespmem:s7+$0xFFFFFE10];
	[tilespmem:s17+$0xFFFFFF00] =	vst v6  }
0xe7: {  	v30 =	vld [tilespmem:s7+$0xFFFFFE20];
	vm1 =	vgt.f32 v9, $0.0e+00;
	v6 =	vmul.f32 $2.000000030e-01, v9;
	(erf) = vpow2.f32 v1;
	[tilespmem:s17+$0xFFFFFF10] =	vst v7  }
0xe8: {  	v0 =	vsel vm0, v0, v4;
	vm2 =	vgt.f32 v5, $0.0e+00;
	v1 =	vmul.f32 $2.000000030e-01, v5;
	v31 =	vld [tilespmem:s7+$0xFFFFFE30];
	[tilespmem:s17+$0xFFFFFF20] =	vst v8  }
0xe9: {  	v0 =	vmul.f32 $1.442695020e+00, v0;
	v32 =	vld [tilespmem:s7+$0xFFFFFE40];
	v4 =	vsel vm1, v9, v6;
	[tilespmem:s17+$0xFFFFFF30] =	vst v10  }
0xea: {  	v1 =	vsel vm2, v5, v1;
	v35 =	vld [tilespmem:s7+$0xFFFFFE60];
	v4 =	vmul.f32 $1.442695020e+00, v4;
	[tilespmem:s17+$0xFFFFFF40] =	vst v11  }
0xeb: {  	v1 =	vmul.f32 $1.442695020e+00, v1;
	v36 =	vld [tilespmem:s7+$0xFFFFFE70];
	(erf) = vpow2.f32 v0;
	[tilespmem:s17+$0xFFFFFF50] =	vst v12  }
0xec: {  	v37 =	vld [tilespmem:s7+$0xFFFFFE80];
	(erf) = vpow2.f32 v4;
	[tilespmem:s17+$0xFFFFFF60] =	vst v13  }
0xed: {  	v38 =	vld [tilespmem:s7+$0xFFFFFE90];
	(erf) = vpow2.f32 v1;
	[tilespmem:s17+$0xFFFFFF80] =	vst v16  }
0xee: {  	v6 =	vld [tilespmem:s7+$0xFFFFFFF0];
	[tilespmem:s17+$0xFFFFFF90] =	vst v3  }
0xef: {  	v39 =	vld [tilespmem:s7+$0xFFFFFEA0];
	[tilespmem:s17+$0xFFFFFFA0] =	vst v20  }
0xf0: {  	v40 =	vld [tilespmem:s7+$0xFFFFFEB0];
	v7 =	vpop (erf);
	[tilespmem:s17+$0xFFFFFFB0] =	vst v2  }
0xf1: {  	v4 =	vld [tilespmem:s7+$0xFFFFFEC0];
	v3 =	vbroadcast v7, $0x0;
	v0 =	vbroadcast v7, $0x3;
	[tilespmem:s17+$0xFFFFFFC0] =	vst v23  }
0xf2: {  	v2 =	vbroadcast v7, $0x1;
	v1 =	vbroadcast v7, $0x2;
	v9 =	vld [tilespmem:s7+$0xFFFFFED0];
	[tilespmem:s17+$0xFFFFFFD0] =	vst v24  }
0xf3: {  	v5 =	vld [tilespmem:s7+$0xFFFFFEF0];
	v8 =	vmul.f32 v6, v0;
	[tilespmem:s17+$0xFFFFFFE0] =	vst v25;
	s17 =	smov.u32 s7  }
0xf4: {  	v6 =	vld [tilespmem:s7+$0xFFFFFF00];
	[tilespmem:s7+$0x0] =	vst v7;
	v10 =	vpop (erf)  }
0xf5: {  	v23 =	vbroadcast v10, $0x0;
	v24 =	vbroadcast v10, $0x1;
	v7 =	vld [tilespmem:s7+$0xFFFFFF10];
	[tilespmem:s7+$0xFFFFFFF0] =	vst v8;
	v13 =	vpop (erf)  }
0xf6: {  	v25 =	vbroadcast v10, $0x2;
	v15 =	vbroadcast v10, $0x3;
	[tilespmem:s7+$0xFFFFFEE0] =	vst v10;
	v8 =	vld [tilespmem:s7+$0xFFFFFF20];
	v11 =	vpop (erf)  }
0xf7: {  	[tilespmem:s7+$0xFFFFFE50] =	vst v11;
	v16 =	vbroadcast v11, $0x0;
	v18 =	vbroadcast v11, $0x1;
	v10 =	vld [tilespmem:s7+$0xFFFFFF30]  }
0xf8: {  	v20 =	vbroadcast v11, $0x2;
	v41 =	vbroadcast v11, $0x3;
	[tilespmem:s7+$0xFFFFFF70] =	vst v13;
	v11 =	vld [tilespmem:s7+$0xFFFFFF40]  }
0xf9: {  	v22 =	vbroadcast v13, $0x0;
	v19 =	vbroadcast v13, $0x1;
	v12 =	vld [tilespmem:s7+$0xFFFFFF50]  }
0xfa: {  	v17 =	vbroadcast v13, $0x2;
	v13 =	vbroadcast v13, $0x3;
	v14 =	vld [tilespmem:s7+$0xFFFFFF60]  }
0xfb: {  	v27 =	vmul.f32 v16, v27;
	v26 =	vmul.f32 v16, v26;
	v16 =	vld [tilespmem:s7+$0xFFFFFF80]  }
0xfc: {  	v28 =	vmul.f32 v18, v28;
	v42 =	vmul.f32 v29, v18;
	v18 =	vld [tilespmem:s7+$0xFFFFFF90]  }
.Ltmp1:
0xfd: {  	v43 =	vmul.f32 v21, v20;
	v34 =	vmul.f32 v30, v20;
	[tilespmem:s7+$0xFFFFFDD0] =	vst v27;
	v20 =	vld [tilespmem:s7+$0xFFFFFFA0];
	(pc) =	sbr.rel @p1 .LBB2_5-.Ltmp1, $4  }
0xfe: {  	v33 =	vmul.f32 v31, v41;
	v31 =	vmul.f32 v32, v41;
	[tilespmem:s7+$0xFFFFFDE0] =	vst v26;
	v21 =	vld [tilespmem:s7+$0xFFFFFFB0]  }
0xff: {  	v32 =	vmul.f32 v23, v35;
	v29 =	vmul.f32 v23, v36;
	[tilespmem:s7+$0xFFFFFDF0] =	vst v28;
	v23 =	vld [tilespmem:s7+$0xFFFFFFC0]  }
0x100: {  	v30 =	vmul.f32 v24, v37;
	v27 =	vmul.f32 v38, v24;
	[tilespmem:s7+$0xFFFFFE00] =	vst v42;
	v24 =	vld [tilespmem:s7+$0xFFFFFFD0]  }
0x101: {  	v26 =	vmul.f32 v40, v25;
	v28 =	vmul.f32 v39, v25;
	s7 =	sadd.s32 $0x240, s7;
	[tilespmem:s17+$0xFFFFFE10] =	vst v43;
	v25 =	vld [tilespmem:s17+$0xFFFFFFE0]  }
0x102: {  	[tilespmem:s17+$0xFFFFFE20] =	vst v34  }
0x103: {  	[tilespmem:s17+$0xFFFFFE30] =	vst v33  }
0x104: {  	[tilespmem:s17+$0xFFFFFE40] =	vst v31  }
0x105: {  	[tilespmem:s17+$0xFFFFFE60] =	vst v32  }
0x106: {  	[tilespmem:s17+$0xFFFFFE70] =	vst v29  }
0x107: {  	[tilespmem:s17+$0xFFFFFE80] =	vst v30  }
0x108: {  	[tilespmem:s17+$0xFFFFFE90] =	vst v27  }
0x109: {  	v4 =	vmul.f32 v4, v15;
	[tilespmem:s17+$0xFFFFFEA0] =	vst v28  }
0x10a: {  	v9 =	vmul.f32 v9, v15;
	[tilespmem:s17+$0xFFFFFEB0] =	vst v26  }
0x10b: {  	v5 =	vmul.f32 v22, v5;
	[tilespmem:s17+$0xFFFFFEC0] =	vst v4  }
0x10c: {  	v4 =	vmul.f32 v22, v6;
	[tilespmem:s17+$0xFFFFFED0] =	vst v9  }
0x10d: {  	v6 =	vmul.f32 v19, v7;
	[tilespmem:s17+$0xFFFFFEF0] =	vst v5  }
0x10e: {  	v5 =	vmul.f32 v8, v19;
	[tilespmem:s17+$0xFFFFFF00] =	vst v4  }
0x10f: {  	v4 =	vmul.f32 v10, v17;
	[tilespmem:s17+$0xFFFFFF10] =	vst v6  }
0x110: {  	v6 =	vmul.f32 v11, v17;
	[tilespmem:s17+$0xFFFFFF20] =	vst v5  }
0x111: {  	v5 =	vmul.f32 v12, v13;
	[tilespmem:s17+$0xFFFFFF30] =	vst v4  }
0x112: {  	v0 =	vmul.f32 v25, v0;
	[tilespmem:s17+$0xFFFFFF40] =	vst v6  }
0x113: {  	v4 =	vmul.f32 v14, v13;
	[tilespmem:s17+$0xFFFFFF50] =	vst v5  }
0x114: {  	v6 =	vmul.f32 v3, v16;
	[tilespmem:s17+$0xFFFFFFE0] =	vst v0  }
0x115: {  	v3 =	vmul.f32 v3, v18;
	[tilespmem:s17+$0xFFFFFF60] =	vst v4  }
0x116: {  	v4 =	vmul.f32 v2, v20;
	[tilespmem:s17+$0xFFFFFF80] =	vst v6  }
0x117: {  	v2 =	vmul.f32 v21, v2;
	[tilespmem:s17+$0xFFFFFF90] =	vst v3  }
0x118: {  	v3 =	vmul.f32 v23, v1;
	[tilespmem:s17+$0xFFFFFFA0] =	vst v4  }
0x119: {  	v1 =	vmul.f32 v24, v1;
	[tilespmem:s17+$0xFFFFFFB0] =	vst v2  }
0x11a: {  	[tilespmem:s17+$0xFFFFFFC0] =	vst v3  }
0x11b: {  	s7 =	simm.s32 $0x8B38;
	[tilespmem:s17+$0xFFFFFFD0] =	vst v1  }
0x11c: {  	[spmem:s2] =	stream.indirect.scatter.add.f32 [tilespmem:s9], [sflag:$0x7], $0x90, s7, s31, $0xb8;
	[tilespmem:$0x1EBE0] =	vst v63  }
0x11d: {  	s17 =	sor.u32 $0x3, s8;
	_ =	swait.ge [sflag:s11], $0x1680  }
0x11e: {  	s12 =	smul.u32 $0x50, s17;
	[sflag:s11] =	ssyncset.done $0x0  }
0x11f: {  	[sflag:s11] =	ssyncadd.s32 $0xFFFFE980  }
0x120: {  	s7 =	sadd.s32 s4, s12;
	_ =	swait.ge [sflag:s11], $0x1680  }
0x121: {  	s7 =	sshrl.u32 s7, $0x3;
	[sflag:s11] =	ssyncset.done $0x0  }
0x122: {  	s7 =	sadd.s32 s1, s7;
	[sflag:s11] =	ssyncadd.s32 $0xFFFFE980  }
0x123: {  	[tilespmem:s13], [sflag:$0x6] =	stream.linear.gather [hbm4b:s7+s3], $0x50, $0x38;
	[tilespmem:$0x1EBE0] =	vst v63  }
0x124: {  	s0 =	smul.u32 $0x140, s0;
	_ =	swait.ge [sflag:s14], $0x50  }
0x125: {  	[sflag:s14] =	ssyncset.done $0x0  }
0x126: {  	s0 =	sshra.s32 s0, $0x2;
	[sflag:s14] =	ssyncadd.s32 $0xFFFFFFB0  }
0x127: {  	[tilespmem:s23], [sflag:$0x1] =	stream.indirect.gather [hbm4b:s5+s22], $0x90, s0, s22, $0xb8;
	[tilespmem:$0x1EBE0] =	vst v63  }
0x128: {  	_ = 	snop  }
0x129: {  	[tilespmem:s24], [sflag:$0x1] =	stream.indirect.gather [hbm4b:s6+s22], $0x10, s25, s22, $0xb8;
	[tilespmem:$0x1EBE0] =	vst v63  }
0x12a: {  	_ =	swait.ge [sflag:s15], $0x2D00  }
0x12b: {  	[sflag:s15] =	ssyncset.done $0x0  }
0x12c: {  	[sflag:s15] =	ssyncadd.s32 $0xFFFFD300  }
0x12d: {  	_ =	swait.ge [sflag:s15], $0x500  }
0x12e: {  	[sflag:s15] =	ssyncset.done $0x0  }
0x12f: {  	s0 =	simm.s32 $0x5530;
	[sflag:s15] =	ssyncadd.s32 $0xFFFFFB00  }
0x130: {  	s12 =	simm.s32 $0x8630;
	v0 =	vld [tilespmem:s0+$0x110]  }
0x131: {  	v1 =	vld [tilespmem:s12+$0x10]  }
0x132: {  	v2 =	vld [tilespmem:s12+$0xFFFFFFE0]  }
0x133: {  	v3 =	vld [tilespmem:s0+$0xFFFFFFF0]  }
0x134: {  	v4 =	vld [tilespmem:s12+$0xFFFFFFF0]  }
0x135: {  	v5 =	vld [tilespmem:s0+$0x80]  }
0x136: {  	v6 =	vld [tilespmem:s12+$0x0]  }
0x137: {  	v16 =	vld [tilespmem:s0+$0xFFFFFEE0];
	v0 =	vadd.f32 v1, v0  }
0x138: {  	v1 =	vld [tilespmem:s0+$0xFFFFFF60]  }
0x139: {  	v18 =	vld [tilespmem:s0+$0xFFFFFEF0];
	v3 =	vadd.f32 v4, v3;
	v7 =	vmul.f32 $2.000000030e-01, v0  }
0x13a: {  	v20 =	vld [tilespmem:s0+$0xFFFFFF00];
	vm0 =	vgt.f32 v0, $0.0e+00  }
0x13b: {  	v21 =	vld [tilespmem:s0+$0xFFFFFF10];
	v4 =	vadd.f32 v6, v5;
	v5 =	vmul.f32 $2.000000030e-01, v3;
	v0 =	vsel vm0, v0, v7  }
0x13c: {  	v23 =	vld [tilespmem:s0+$0xFFFFFF20];
	vm14 =	vgt.f32 v3, $0.0e+00;
	v0 =	vmul.f32 $1.442695020e+00, v0  }
0x13d: {  	v24 =	vld [tilespmem:s0+$0xFFFFFF30];
	v3 =	vsel vm14, v3, v5;
	v1 =	vadd.f32 v2, v1;
	v2 =	vmul.f32 $2.000000030e-01, v4  }
0x13e: {  	v25 =	vld [tilespmem:s0+$0xFFFFFF40];
	v3 =	vmul.f32 $1.442695020e+00, v3;
	(erf) = vpow2.f32 v0  }
0x13f: {  	v26 =	vld [tilespmem:s0+$0xFFFFFF50];
	vm1 =	vgt.f32 v4, $0.0e+00;
	v0 =	vmul.f32 $2.000000030e-01, v1  }
0x140: {  	v27 =	vld [tilespmem:s0+$0xFFFFFF70];
	vm15 =	vgt.f32 v1, $0.0e+00;
	v2 =	vsel vm1, v4, v2;
	(erf) = vpow2.f32 v3  }
0x141: {  	v28 =	vld [tilespmem:s0+$0xFFFFFF80];
	v0 =	vsel vm15, v1, v0;
	v1 =	vmul.f32 $1.442695020e+00, v2  }
0x142: {  	v30 =	vld [tilespmem:s0+$0xFFFFFF90]  }
0x143: {  	v35 =	vld [tilespmem:s0+$0xFFFFFFA0];
	v0 =	vmul.f32 $1.442695020e+00, v0;
	(erf) = vpow2.f32 v1  }
0x144: {  	v36 =	vld [tilespmem:s0+$0xFFFFFFB0]  }
0x145: {  	v37 =	vld [tilespmem:s0+$0xFFFFFFC0];
	(erf) = vpow2.f32 v0  }
0x146: {  	v8 =	vld [tilespmem:s0+$0x30]  }
0x147: {  	v7 =	vld [tilespmem:s0+$0x100];
	v12 =	vpop (erf)  }
0x148: {  	v10 =	vld [tilespmem:s0+$0x40];
	v0 =	vbroadcast v12, $0x3  }
0x149: {  	v9 =	vld [tilespmem:s0+$0xFFFFFFE0];
	v3 =	vbroadcast v12, $0x0;
	v2 =	vbroadcast v12, $0x1;
	v29 =	vpop (erf)  }
0x14a: {  	v11 =	vld [tilespmem:s0+$0x50];
	v1 =	vbroadcast v12, $0x2;
	v38 =	vbroadcast v29, $0x0  }
0x14b: {  	v6 =	vld [tilespmem:s0+$0x10];
	v39 =	vbroadcast v29, $0x1;
	v40 =	vbroadcast v29, $0x2  }
0x14c: {  	v5 =	vld [tilespmem:s0+$0x0];
	v15 =	vbroadcast v29, $0x3;
	v13 =	vmul.f32 v7, v0;
	v14 =	vpop (erf)  }
0x14d: {  	v4 =	vld [tilespmem:s0+$0xFFFFFFD0];
	v30 =	vmul.f32 v39, v30;
	v22 =	vbroadcast v14, $0x0  }
0x14e: {  	[tilespmem:s0+$0x110] =	vst v12;
	v12 =	vld [tilespmem:s0+$0x60];
	v31 =	vpop (erf);
	v19 =	vbroadcast v14, $0x1;
	v17 =	vbroadcast v14, $0x2  }
0x14f: {  	v7 =	vld [tilespmem:s0+$0x20];
	[tilespmem:s0+$0x100] =	vst v13;
	v13 =	vbroadcast v14, $0x3;
	v61 =	vbroadcast v31, $0x0  }
0x150: {  	[tilespmem:s0+$0x80] =	vst v14;
	v14 =	vld [tilespmem:s0+$0x70];
	v62 =	vbroadcast v31, $0x1;
	v63 =	vbroadcast v31, $0x2  }
0x151: {  	[tilespmem:s0+$0xFFFFFFF0] =	vst v29;
	v41 =	vbroadcast v31, $0x3;
	v29 =	vmul.f32 v61, v16;
	v16 =	vld [tilespmem:s0+$0x90]  }
0x152: {  	[tilespmem:s0+$0xFFFFFF60] =	vst v31;
	v32 =	vmul.f32 v61, v18;
	v42 =	vmul.f32 v62, v20;
	v18 =	vld [tilespmem:s0+$0xA0]  }
0x153: {  	v43 =	vmul.f32 v21, v62;
	v44 =	vmul.f32 v23, v63;
	v20 =	vld [tilespmem:s0+$0xB0];
	[tilespmem:s0+$0xFFFFFEE0] =	vst v29  }
0x154: {  	v34 =	vmul.f32 v24, v63;
	v33 =	vmul.f32 v25, v41;
	v21 =	vld [tilespmem:s0+$0xC0];
	[tilespmem:s0+$0xFFFFFEF0] =	vst v32  }
0x155: {  	v31 =	vmul.f32 v26, v41;
	v23 =	vld [tilespmem:s0+$0xD0];
	v26 =	vmul.f32 v37, v40;
	[tilespmem:s0+$0xFFFFFF00] =	vst v42  }
0x156: {  	v24 =	vld [tilespmem:s0+$0xE0];
	v32 =	vmul.f32 v38, v27;
	v29 =	vmul.f32 v38, v28;
	[tilespmem:s0+$0xFFFFFF10] =	vst v43  }
0x157: {  	s29 =	simm.s32 $0x0;
	s7 =	simm.s32 $0x5770;
	v25 =	vld [tilespmem:s0+$0xF0];
	v27 =	vmul.f32 v35, v39;
	[tilespmem:s0+$0xFFFFFF20] =	vst v44;
	v28 =	vmul.f32 v36, v40  }
.LBB2_7:
0x158: {  	v35 =	vld [tilespmem:s7+$0x110];
	[tilespmem:s0+$0xFFFFFF30] =	vst v34;
	v4 =	vmul.f32 v4, v15;
	v9 =	vmul.f32 v9, v15;
	s12 =	sadd.s32 $0x40, s12  }
0x159: {  	s29 =	sadd.s32 $0x4, s29;
	v5 =	vmul.f32 v22, v5;
	v6 =	vmul.f32 v22, v6;
	v15 =	vld [tilespmem:s12+$0x10];
	[tilespmem:s0+$0xFFFFFF40] =	vst v33  }
0x15a: {  	v7 =	vmul.f32 v19, v7;
	v8 =	vmul.f32 v8, v19;
	p1 =	slt.u32 s29, $0x24;
	v22 =	vld [tilespmem:s12+$0xFFFFFFE0];
	[tilespmem:s0+$0xFFFFFF50] =	vst v31  }
0x15b: {  	v10 =	vmul.f32 v10, v17;
	v11 =	vmul.f32 v11, v17;
	v19 =	vld [tilespmem:s7+$0xFFFFFFF0];
	[tilespmem:s0+$0xFFFFFF70] =	vst v32  }
0x15c: {  	v12 =	vmul.f32 v12, v13;
	v13 =	vmul.f32 v14, v13;
	v17 =	vld [tilespmem:s12+$0xFFFFFFF0];
	[tilespmem:s0+$0xFFFFFF80] =	vst v29  }
0x15d: {  	v16 =	vmul.f32 v3, v16;
	v3 =	vmul.f32 v3, v18;
	v14 =	vld [tilespmem:s7+$0x80];
	[tilespmem:s0+$0xFFFFFF90] =	vst v30  }
0x15e: {  	v20 =	vmul.f32 v2, v20;
	v2 =	vmul.f32 v21, v2;
	v18 =	vld [tilespmem:s12+$0x0];
	v15 =	vadd.f32 v15, v35;
	[tilespmem:s0+$0xFFFFFFA0] =	vst v27  }
0x15f: {  	v23 =	vmul.f32 v23, v1;
	v24 =	vmul.f32 v24, v1;
	v21 =	vld [tilespmem:s7+$0xFFFFFF60];
	[tilespmem:s0+$0xFFFFFFB0] =	vst v28  }
0x160: {  	v25 =	vmul.f32 v25, v0;
	v27 =	vld [tilespmem:s7+$0xFFFFFEE0];
	v1 =	vmul.f32 $2.000000030e-01, v15;
	[tilespmem:s0+$0xFFFFFFC0] =	vst v26  }
0x161: {  	vm0 =	vgt.f32 v15, $0.0e+00;
	v26 =	vld [tilespmem:s7+$0xFFFFFEF0];
	v0 =	vadd.f32 v17, v19;
	[tilespmem:s0+$0xFFFFFFD0] =	vst v4  }
0x162: {  	v28 =	vld [tilespmem:s7+$0xFFFFFF00];
	v1 =	vsel vm0, v15, v1;
	[tilespmem:s0+$0xFFFFFFE0] =	vst v9  }
0x163: {  	v29 =	vld [tilespmem:s7+$0xFFFFFF10];
	v4 =	vmul.f32 $2.000000030e-01, v0;
	v9 =	vadd.f32 v18, v14;
	v1 =	vmul.f32 $1.442695020e+00, v1;
	[tilespmem:s0+$0x0] =	vst v5  }
0x164: {  	vm0 =	vgt.f32 v0, $0.0e+00;
	v5 =	vadd.f32 v22, v21;
	v21 =	vld [tilespmem:s7+$0xFFFFFF20];
	[tilespmem:s0+$0x10] =	vst v6  }
0x165: {  	v30 =	vld [tilespmem:s7+$0xFFFFFF30];
	vm1 =	vgt.f32 v9, $0.0e+00;
	v6 =	vmul.f32 $2.000000030e-01, v9;
	(erf) = vpow2.f32 v1;
	[tilespmem:s0+$0x20] =	vst v7  }
0x166: {  	v0 =	vsel vm0, v0, v4;
	vm2 =	vgt.f32 v5, $0.0e+00;
	v1 =	vmul.f32 $2.000000030e-01, v5;
	v31 =	vld [tilespmem:s7+$0xFFFFFF40];
	[tilespmem:s0+$0x30] =	vst v8  }
0x167: {  	v0 =	vmul.f32 $1.442695020e+00, v0;
	v32 =	vld [tilespmem:s7+$0xFFFFFF50];
	v4 =	vsel vm1, v9, v6;
	[tilespmem:s0+$0x40] =	vst v10  }
0x168: {  	v1 =	vsel vm2, v5, v1;
	v35 =	vld [tilespmem:s7+$0xFFFFFF70];
	v4 =	vmul.f32 $1.442695020e+00, v4;
	[tilespmem:s0+$0x50] =	vst v11  }
0x169: {  	v1 =	vmul.f32 $1.442695020e+00, v1;
	v36 =	vld [tilespmem:s7+$0xFFFFFF80];
	(erf) = vpow2.f32 v0;
	[tilespmem:s0+$0x60] =	vst v12  }
0x16a: {  	v37 =	vld [tilespmem:s7+$0xFFFFFF90];
	(erf) = vpow2.f32 v4;
	[tilespmem:s0+$0x70] =	vst v13  }
0x16b: {  	v38 =	vld [tilespmem:s7+$0xFFFFFFA0];
	(erf) = vpow2.f32 v1;
	[tilespmem:s0+$0x90] =	vst v16  }
0x16c: {  	v6 =	vld [tilespmem:s7+$0x100];
	[tilespmem:s0+$0xA0] =	vst v3  }
0x16d: {  	v39 =	vld [tilespmem:s7+$0xFFFFFFB0];
	[tilespmem:s0+$0xB0] =	vst v20  }
0x16e: {  	v40 =	vld [tilespmem:s7+$0xFFFFFFC0];
	v7 =	vpop (erf);
	[tilespmem:s0+$0xC0] =	vst v2  }
0x16f: {  	v4 =	vld [tilespmem:s7+$0xFFFFFFD0];
	v3 =	vbroadcast v7, $0x0;
	v0 =	vbroadcast v7, $0x3;
	[tilespmem:s0+$0xD0] =	vst v23  }
0x170: {  	v2 =	vbroadcast v7, $0x1;
	v1 =	vbroadcast v7, $0x2;
	v9 =	vld [tilespmem:s7+$0xFFFFFFE0];
	[tilespmem:s0+$0xE0] =	vst v24  }
0x171: {  	v5 =	vld [tilespmem:s7+$0x0];
	v8 =	vmul.f32 v6, v0;
	[tilespmem:s0+$0xF0] =	vst v25;
	s0 =	smov.u32 s7  }
0x172: {  	v6 =	vld [tilespmem:s7+$0x10];
	[tilespmem:s7+$0x110] =	vst v7;
	v10 =	vpop (erf)  }
0x173: {  	v23 =	vbroadcast v10, $0x0;
	v24 =	vbroadcast v10, $0x1;
	v7 =	vld [tilespmem:s7+$0x20];
	[tilespmem:s7+$0x100] =	vst v8;
	v13 =	vpop (erf)  }
0x174: {  	v25 =	vbroadcast v10, $0x2;
	v15 =	vbroadcast v10, $0x3;
	[tilespmem:s7+$0xFFFFFFF0] =	vst v10;
	v8 =	vld [tilespmem:s7+$0x30];
	v11 =	vpop (erf)  }
0x175: {  	[tilespmem:s7+$0xFFFFFF60] =	vst v11;
	v16 =	vbroadcast v11, $0x0;
	v18 =	vbroadcast v11, $0x1;
	v10 =	vld [tilespmem:s7+$0x40]  }
0x176: {  	v20 =	vbroadcast v11, $0x2;
	v41 =	vbroadcast v11, $0x3;
	[tilespmem:s7+$0x80] =	vst v13;
	v11 =	vld [tilespmem:s7+$0x50]  }
0x177: {  	v22 =	vbroadcast v13, $0x0;
	v19 =	vbroadcast v13, $0x1;
	v12 =	vld [tilespmem:s7+$0x60]  }
0x178: {  	v17 =	vbroadcast v13, $0x2;
	v13 =	vbroadcast v13, $0x3;
	v14 =	vld [tilespmem:s7+$0x70]  }
0x179: {  	v27 =	vmul.f32 v16, v27;
	v26 =	vmul.f32 v16, v26;
	v16 =	vld [tilespmem:s7+$0x90]  }
0x17a: {  	v28 =	vmul.f32 v18, v28;
	v42 =	vmul.f32 v29, v18;
	v18 =	vld [tilespmem:s7+$0xA0]  }
.Ltmp2:
0x17b: {  	v43 =	vmul.f32 v21, v20;
	v34 =	vmul.f32 v30, v20;
	[tilespmem:s7+$0xFFFFFEE0] =	vst v27;
	v20 =	vld [tilespmem:s7+$0xB0];
	(pc) =	sbr.rel @p1 .LBB2_7-.Ltmp2, $4  }
0x17c: {  	v33 =	vmul.f32 v31, v41;
	v31 =	vmul.f32 v32, v41;
	[tilespmem:s7+$0xFFFFFEF0] =	vst v26;
	v21 =	vld [tilespmem:s7+$0xC0]  }
0x17d: {  	v32 =	vmul.f32 v23, v35;
	v29 =	vmul.f32 v23, v36;
	[tilespmem:s7+$0xFFFFFF00] =	vst v28;
	v23 =	vld [tilespmem:s7+$0xD0]  }
0x17e: {  	v30 =	vmul.f32 v24, v37;
	v27 =	vmul.f32 v38, v24;
	[tilespmem:s7+$0xFFFFFF10] =	vst v42;
	v24 =	vld [tilespmem:s7+$0xE0]  }
0x17f: {  	v26 =	vmul.f32 v40, v25;
	v28 =	vmul.f32 v39, v25;
	s7 =	sadd.s32 $0x240, s7;
	[tilespmem:s0+$0xFFFFFF20] =	vst v43;
	v25 =	vld [tilespmem:s0+$0xF0]  }
0x180: {  	[tilespmem:s0+$0xFFFFFF30] =	vst v34  }
0x181: {  	[tilespmem:s0+$0xFFFFFF40] =	vst v33  }
0x182: {  	[tilespmem:s0+$0xFFFFFF50] =	vst v31  }
0x183: {  	[tilespmem:s0+$0xFFFFFF70] =	vst v32  }
0x184: {  	[tilespmem:s0+$0xFFFFFF80] =	vst v29  }
0x185: {  	[tilespmem:s0+$0xFFFFFF90] =	vst v30  }
0x186: {  	[tilespmem:s0+$0xFFFFFFA0] =	vst v27  }
0x187: {  	v4 =	vmul.f32 v4, v15;
	[tilespmem:s0+$0xFFFFFFB0] =	vst v28  }
0x188: {  	v9 =	vmul.f32 v9, v15;
	[tilespmem:s0+$0xFFFFFFC0] =	vst v26  }
0x189: {  	v5 =	vmul.f32 v22, v5;
	[tilespmem:s0+$0xFFFFFFD0] =	vst v4  }
0x18a: {  	v4 =	vmul.f32 v22, v6;
	[tilespmem:s0+$0xFFFFFFE0] =	vst v9  }
0x18b: {  	v6 =	vmul.f32 v19, v7;
	[tilespmem:s0+$0x0] =	vst v5  }
0x18c: {  	v5 =	vmul.f32 v8, v19;
	[tilespmem:s0+$0x10] =	vst v4  }
0x18d: {  	v4 =	vmul.f32 v10, v17;
	[tilespmem:s0+$0x20] =	vst v6  }
0x18e: {  	v6 =	vmul.f32 v11, v17;
	[tilespmem:s0+$0x30] =	vst v5  }
0x18f: {  	v5 =	vmul.f32 v12, v13;
	[tilespmem:s0+$0x40] =	vst v4  }
0x190: {  	v0 =	vmul.f32 v25, v0;
	[tilespmem:s0+$0x50] =	vst v6  }
0x191: {  	v4 =	vmul.f32 v14, v13;
	[tilespmem:s0+$0x60] =	vst v5  }
0x192: {  	v6 =	vmul.f32 v3, v16;
	[tilespmem:s0+$0xF0] =	vst v0  }
0x193: {  	v3 =	vmul.f32 v3, v18;
	[tilespmem:s0+$0x70] =	vst v4  }
0x194: {  	v4 =	vmul.f32 v2, v20;
	[tilespmem:s0+$0x90] =	vst v6  }
0x195: {  	v2 =	vmul.f32 v21, v2;
	[tilespmem:s0+$0xA0] =	vst v3  }
0x196: {  	v3 =	vmul.f32 v23, v1;
	[tilespmem:s0+$0xB0] =	vst v4  }
0x197: {  	v1 =	vmul.f32 v24, v1;
	[tilespmem:s0+$0xC0] =	vst v2  }
0x198: {  	[tilespmem:s0+$0xD0] =	vst v3  }
0x199: {  	[tilespmem:s0+$0xE0] =	vst v1;
	s0 =	simm.s32 $0x6CC0  }
0x19a: {  	[spmem:s2] =	stream.indirect.scatter.add.f32 [tilespmem:s28], [sflag:$0x8], $0x90, s20, s31, $0xb8;
	[tilespmem:$0x1EBE0] =	vst v63  }
0x19b: {  	s12 =	simm.s32 $0x88C0;
	v0 =	vld [tilespmem:s0+$0x0]  }
0x19c: {  	v1 =	vld [tilespmem:s12+$0x0]  }
0x19d: {  	v2 =	vld [tilespmem:s12+$0xFFFFFFD0]  }
0x19e: {  	v3 =	vld [tilespmem:s0+$0xFFFFFEE0]  }
0x19f: {  	v4 =	vld [tilespmem:s12+$0xFFFFFFE0]  }
0x1a0: {  	v5 =	vld [tilespmem:s0+$0xFFFFFF70]  }
0x1a1: {  	v6 =	vld [tilespmem:s12+$0xFFFFFFF0]  }
0x1a2: {  	v16 =	vld [tilespmem:s0+$0xFFFFFDD0];
	v0 =	vadd.f32 v1, v0  }
0x1a3: {  	v1 =	vld [tilespmem:s0+$0xFFFFFE50]  }
0x1a4: {  	v18 =	vld [tilespmem:s0+$0xFFFFFDE0];
	v3 =	vadd.f32 v4, v3;
	v7 =	vmul.f32 $2.000000030e-01, v0  }
0x1a5: {  	v20 =	vld [tilespmem:s0+$0xFFFFFDF0];
	vm0 =	vgt.f32 v0, $0.0e+00  }
0x1a6: {  	v21 =	vld [tilespmem:s0+$0xFFFFFE00];
	v4 =	vadd.f32 v6, v5;
	v5 =	vmul.f32 $2.000000030e-01, v3;
	v0 =	vsel vm0, v0, v7  }
0x1a7: {  	v23 =	vld [tilespmem:s0+$0xFFFFFE10];
	vm14 =	vgt.f32 v3, $0.0e+00;
	v0 =	vmul.f32 $1.442695020e+00, v0  }
0x1a8: {  	v24 =	vld [tilespmem:s0+$0xFFFFFE20];
	v3 =	vsel vm14, v3, v5;
	v1 =	vadd.f32 v2, v1;
	v2 =	vmul.f32 $2.000000030e-01, v4  }
0x1a9: {  	v25 =	vld [tilespmem:s0+$0xFFFFFE30];
	v3 =	vmul.f32 $1.442695020e+00, v3;
	(erf) = vpow2.f32 v0  }
0x1aa: {  	v26 =	vld [tilespmem:s0+$0xFFFFFE40];
	vm1 =	vgt.f32 v4, $0.0e+00;
	v0 =	vmul.f32 $2.000000030e-01, v1  }
0x1ab: {  	v27 =	vld [tilespmem:s0+$0xFFFFFE60];
	vm15 =	vgt.f32 v1, $0.0e+00;
	v2 =	vsel vm1, v4, v2;
	(erf) = vpow2.f32 v3  }
0x1ac: {  	v28 =	vld [tilespmem:s0+$0xFFFFFE70];
	v0 =	vsel vm15, v1, v0;
	v1 =	vmul.f32 $1.442695020e+00, v2  }
0x1ad: {  	v30 =	vld [tilespmem:s0+$0xFFFFFE80]  }
0x1ae: {  	v35 =	vld [tilespmem:s0+$0xFFFFFE90];
	v0 =	vmul.f32 $1.442695020e+00, v0;
	(erf) = vpow2.f32 v1  }
0x1af: {  	v36 =	vld [tilespmem:s0+$0xFFFFFEA0]  }
0x1b0: {  	v37 =	vld [tilespmem:s0+$0xFFFFFEB0];
	(erf) = vpow2.f32 v0  }
0x1b1: {  	v8 =	vld [tilespmem:s0+$0xFFFFFF20]  }
0x1b2: {  	v7 =	vld [tilespmem:s0+$0xFFFFFFF0];
	v12 =	vpop (erf)  }
0x1b3: {  	v10 =	vld [tilespmem:s0+$0xFFFFFF30];
	v0 =	vbroadcast v12, $0x3  }
0x1b4: {  	v9 =	vld [tilespmem:s0+$0xFFFFFED0];
	v3 =	vbroadcast v12, $0x0;
	v2 =	vbroadcast v12, $0x1;
	v29 =	vpop (erf)  }
0x1b5: {  	v11 =	vld [tilespmem:s0+$0xFFFFFF40];
	v1 =	vbroadcast v12, $0x2;
	v38 =	vbroadcast v29, $0x0  }
0x1b6: {  	v6 =	vld [tilespmem:s0+$0xFFFFFF00];
	v39 =	vbroadcast v29, $0x1;
	v40 =	vbroadcast v29, $0x2  }
0x1b7: {  	v5 =	vld [tilespmem:s0+$0xFFFFFEF0];
	v15 =	vbroadcast v29, $0x3;
	v13 =	vmul.f32 v7, v0;
	v14 =	vpop (erf)  }
0x1b8: {  	v4 =	vld [tilespmem:s0+$0xFFFFFEC0];
	v30 =	vmul.f32 v39, v30;
	v22 =	vbroadcast v14, $0x0  }
0x1b9: {  	[tilespmem:s0+$0x0] =	vst v12;
	v12 =	vld [tilespmem:s0+$0xFFFFFF50];
	v31 =	vpop (erf);
	v19 =	vbroadcast v14, $0x1;
	v17 =	vbroadcast v14, $0x2  }
0x1ba: {  	v7 =	vld [tilespmem:s0+$0xFFFFFF10];
	[tilespmem:s0+$0xFFFFFFF0] =	vst v13;
	v13 =	vbroadcast v14, $0x3;
	v61 =	vbroadcast v31, $0x0  }
0x1bb: {  	[tilespmem:s0+$0xFFFFFF70] =	vst v14;
	v14 =	vld [tilespmem:s0+$0xFFFFFF60];
	v62 =	vbroadcast v31, $0x1;
	v63 =	vbroadcast v31, $0x2  }
0x1bc: {  	[tilespmem:s0+$0xFFFFFEE0] =	vst v29;
	v41 =	vbroadcast v31, $0x3;
	v29 =	vmul.f32 v61, v16;
	v16 =	vld [tilespmem:s0+$0xFFFFFF80]  }
0x1bd: {  	[tilespmem:s0+$0xFFFFFE50] =	vst v31;
	v32 =	vmul.f32 v61, v18;
	v42 =	vmul.f32 v62, v20;
	v18 =	vld [tilespmem:s0+$0xFFFFFF90]  }
0x1be: {  	v43 =	vmul.f32 v21, v62;
	v44 =	vmul.f32 v23, v63;
	v20 =	vld [tilespmem:s0+$0xFFFFFFA0];
	[tilespmem:s0+$0xFFFFFDD0] =	vst v29  }
0x1bf: {  	v34 =	vmul.f32 v24, v63;
	v33 =	vmul.f32 v25, v41;
	v21 =	vld [tilespmem:s0+$0xFFFFFFB0];
	[tilespmem:s0+$0xFFFFFDE0] =	vst v32  }
0x1c0: {  	v31 =	vmul.f32 v26, v41;
	v23 =	vld [tilespmem:s0+$0xFFFFFFC0];
	v26 =	vmul.f32 v37, v40;
	[tilespmem:s0+$0xFFFFFDF0] =	vst v42  }
0x1c1: {  	v24 =	vld [tilespmem:s0+$0xFFFFFFD0];
	v32 =	vmul.f32 v38, v27;
	v29 =	vmul.f32 v38, v28;
	[tilespmem:s0+$0xFFFFFE00] =	vst v43  }
0x1c2: {  	s29 =	simm.s32 $0x28;
	s7 =	simm.s32 $0x6F00;
	v25 =	vld [tilespmem:s0+$0xFFFFFFE0];
	v27 =	vmul.f32 v35, v39;
	[tilespmem:s0+$0xFFFFFE10] =	vst v44;
	v28 =	vmul.f32 v36, v40  }
.LBB2_9:
0x1c3: {  	v35 =	vld [tilespmem:s7+$0x0];
	[tilespmem:s0+$0xFFFFFE20] =	vst v34;
	v4 =	vmul.f32 v4, v15;
	v9 =	vmul.f32 v9, v15;
	s12 =	sadd.s32 $0x40, s12  }
0x1c4: {  	s29 =	sadd.s32 $0x4, s29;
	v5 =	vmul.f32 v22, v5;
	v6 =	vmul.f32 v22, v6;
	v15 =	vld [tilespmem:s12+$0x0];
	[tilespmem:s0+$0xFFFFFE30] =	vst v33  }
0x1c5: {  	v7 =	vmul.f32 v19, v7;
	v8 =	vmul.f32 v8, v19;
	p1 =	slt.u32 s29, $0x4C;
	v22 =	vld [tilespmem:s12+$0xFFFFFFD0];
	[tilespmem:s0+$0xFFFFFE40] =	vst v31  }
0x1c6: {  	v10 =	vmul.f32 v10, v17;
	v11 =	vmul.f32 v11, v17;
	v19 =	vld [tilespmem:s7+$0xFFFFFEE0];
	[tilespmem:s0+$0xFFFFFE60] =	vst v32  }
0x1c7: {  	v12 =	vmul.f32 v12, v13;
	v13 =	vmul.f32 v14, v13;
	v17 =	vld [tilespmem:s12+$0xFFFFFFE0];
	[tilespmem:s0+$0xFFFFFE70] =	vst v29  }
0x1c8: {  	v16 =	vmul.f32 v3, v16;
	v3 =	vmul.f32 v3, v18;
	v14 =	vld [tilespmem:s7+$0xFFFFFF70];
	[tilespmem:s0+$0xFFFFFE80] =	vst v30  }
0x1c9: {  	v20 =	vmul.f32 v2, v20;
	v2 =	vmul.f32 v21, v2;
	v18 =	vld [tilespmem:s12+$0xFFFFFFF0];
	v15 =	vadd.f32 v15, v35;
	[tilespmem:s0+$0xFFFFFE90] =	vst v27  }
0x1ca: {  	v23 =	vmul.f32 v23, v1;
	v24 =	vmul.f32 v24, v1;
	v21 =	vld [tilespmem:s7+$0xFFFFFE50];
	[tilespmem:s0+$0xFFFFFEA0] =	vst v28  }
0x1cb: {  	v25 =	vmul.f32 v25, v0;
	v27 =	vld [tilespmem:s7+$0xFFFFFDD0];
	v1 =	vmul.f32 $2.000000030e-01, v15;
	[tilespmem:s0+$0xFFFFFEB0] =	vst v26  }
0x1cc: {  	vm0 =	vgt.f32 v15, $0.0e+00;
	v26 =	vld [tilespmem:s7+$0xFFFFFDE0];
	v0 =	vadd.f32 v17, v19;
	[tilespmem:s0+$0xFFFFFEC0] =	vst v4  }
0x1cd: {  	v28 =	vld [tilespmem:s7+$0xFFFFFDF0];
	v1 =	vsel vm0, v15, v1;
	[tilespmem:s0+$0xFFFFFED0] =	vst v9  }
0x1ce: {  	v29 =	vld [tilespmem:s7+$0xFFFFFE00];
	v4 =	vmul.f32 $2.000000030e-01, v0;
	v9 =	vadd.f32 v18, v14;
	v1 =	vmul.f32 $1.442695020e+00, v1;
	[tilespmem:s0+$0xFFFFFEF0] =	vst v5  }
0x1cf: {  	vm0 =	vgt.f32 v0, $0.0e+00;
	v5 =	vadd.f32 v22, v21;
	v21 =	vld [tilespmem:s7+$0xFFFFFE10];
	[tilespmem:s0+$0xFFFFFF00] =	vst v6  }
0x1d0: {  	v30 =	vld [tilespmem:s7+$0xFFFFFE20];
	vm1 =	vgt.f32 v9, $0.0e+00;
	v6 =	vmul.f32 $2.000000030e-01, v9;
	(erf) = vpow2.f32 v1;
	[tilespmem:s0+$0xFFFFFF10] =	vst v7  }
0x1d1: {  	v0 =	vsel vm0, v0, v4;
	vm2 =	vgt.f32 v5, $0.0e+00;
	v1 =	vmul.f32 $2.000000030e-01, v5;
	v31 =	vld [tilespmem:s7+$0xFFFFFE30];
	[tilespmem:s0+$0xFFFFFF20] =	vst v8  }
0x1d2: {  	v0 =	vmul.f32 $1.442695020e+00, v0;
	v32 =	vld [tilespmem:s7+$0xFFFFFE40];
	v4 =	vsel vm1, v9, v6;
	[tilespmem:s0+$0xFFFFFF30] =	vst v10  }
0x1d3: {  	v1 =	vsel vm2, v5, v1;
	v35 =	vld [tilespmem:s7+$0xFFFFFE60];
	v4 =	vmul.f32 $1.442695020e+00, v4;
	[tilespmem:s0+$0xFFFFFF40] =	vst v11  }
0x1d4: {  	v1 =	vmul.f32 $1.442695020e+00, v1;
	v36 =	vld [tilespmem:s7+$0xFFFFFE70];
	(erf) = vpow2.f32 v0;
	[tilespmem:s0+$0xFFFFFF50] =	vst v12  }
0x1d5: {  	v37 =	vld [tilespmem:s7+$0xFFFFFE80];
	(erf) = vpow2.f32 v4;
	[tilespmem:s0+$0xFFFFFF60] =	vst v13  }
0x1d6: {  	v38 =	vld [tilespmem:s7+$0xFFFFFE90];
	(erf) = vpow2.f32 v1;
	[tilespmem:s0+$0xFFFFFF80] =	vst v16  }
0x1d7: {  	v6 =	vld [tilespmem:s7+$0xFFFFFFF0];
	[tilespmem:s0+$0xFFFFFF90] =	vst v3  }
0x1d8: {  	v39 =	vld [tilespmem:s7+$0xFFFFFEA0];
	[tilespmem:s0+$0xFFFFFFA0] =	vst v20  }
0x1d9: {  	v40 =	vld [tilespmem:s7+$0xFFFFFEB0];
	v7 =	vpop (erf);
	[tilespmem:s0+$0xFFFFFFB0] =	vst v2  }
0x1da: {  	v4 =	vld [tilespmem:s7+$0xFFFFFEC0];
	v3 =	vbroadcast v7, $0x0;
	v0 =	vbroadcast v7, $0x3;
	[tilespmem:s0+$0xFFFFFFC0] =	vst v23  }
0x1db: {  	v2 =	vbroadcast v7, $0x1;
	v1 =	vbroadcast v7, $0x2;
	v9 =	vld [tilespmem:s7+$0xFFFFFED0];
	[tilespmem:s0+$0xFFFFFFD0] =	vst v24  }
0x1dc: {  	v5 =	vld [tilespmem:s7+$0xFFFFFEF0];
	v8 =	vmul.f32 v6, v0;
	[tilespmem:s0+$0xFFFFFFE0] =	vst v25;
	s0 =	smov.u32 s7  }
0x1dd: {  	v6 =	vld [tilespmem:s7+$0xFFFFFF00];
	[tilespmem:s7+$0x0] =	vst v7;
	v10 =	vpop (erf)  }
0x1de: {  	v23 =	vbroadcast v10, $0x0;
	v24 =	vbroadcast v10, $0x1;
	v7 =	vld [tilespmem:s7+$0xFFFFFF10];
	[tilespmem:s7+$0xFFFFFFF0] =	vst v8;
	v13 =	vpop (erf)  }
0x1df: {  	v25 =	vbroadcast v10, $0x2;
	v15 =	vbroadcast v10, $0x3;
	[tilespmem:s7+$0xFFFFFEE0] =	vst v10;
	v8 =	vld [tilespmem:s7+$0xFFFFFF20];
	v11 =	vpop (erf)  }
0x1e0: {  	[tilespmem:s7+$0xFFFFFE50] =	vst v11;
	v16 =	vbroadcast v11, $0x0;
	v18 =	vbroadcast v11, $0x1;
	v10 =	vld [tilespmem:s7+$0xFFFFFF30]  }
0x1e1: {  	v20 =	vbroadcast v11, $0x2;
	v41 =	vbroadcast v11, $0x3;
	[tilespmem:s7+$0xFFFFFF70] =	vst v13;
	v11 =	vld [tilespmem:s7+$0xFFFFFF40]  }
0x1e2: {  	v22 =	vbroadcast v13, $0x0;
	v19 =	vbroadcast v13, $0x1;
	v12 =	vld [tilespmem:s7+$0xFFFFFF50]  }
0x1e3: {  	v17 =	vbroadcast v13, $0x2;
	v13 =	vbroadcast v13, $0x3;
	v14 =	vld [tilespmem:s7+$0xFFFFFF60]  }
0x1e4: {  	v27 =	vmul.f32 v16, v27;
	v26 =	vmul.f32 v16, v26;
	v16 =	vld [tilespmem:s7+$0xFFFFFF80]  }
0x1e5: {  	v28 =	vmul.f32 v18, v28;
	v42 =	vmul.f32 v29, v18;
	v18 =	vld [tilespmem:s7+$0xFFFFFF90]  }
.Ltmp3:
0x1e6: {  	v43 =	vmul.f32 v21, v20;
	v34 =	vmul.f32 v30, v20;
	[tilespmem:s7+$0xFFFFFDD0] =	vst v27;
	v20 =	vld [tilespmem:s7+$0xFFFFFFA0];
	(pc) =	sbr.rel @p1 .LBB2_9-.Ltmp3, $4  }
0x1e7: {  	v33 =	vmul.f32 v31, v41;
	v31 =	vmul.f32 v32, v41;
	[tilespmem:s7+$0xFFFFFDE0] =	vst v26;
	v21 =	vld [tilespmem:s7+$0xFFFFFFB0]  }
0x1e8: {  	v32 =	vmul.f32 v23, v35;
	v29 =	vmul.f32 v23, v36;
	[tilespmem:s7+$0xFFFFFDF0] =	vst v28;
	v23 =	vld [tilespmem:s7+$0xFFFFFFC0]  }
0x1e9: {  	v30 =	vmul.f32 v24, v37;
	v27 =	vmul.f32 v38, v24;
	[tilespmem:s7+$0xFFFFFE00] =	vst v42;
	v24 =	vld [tilespmem:s7+$0xFFFFFFD0]  }
0x1ea: {  	v26 =	vmul.f32 v40, v25;
	v28 =	vmul.f32 v39, v25;
	s7 =	sadd.s32 $0x240, s7;
	[tilespmem:s0+$0xFFFFFE10] =	vst v43;
	v25 =	vld [tilespmem:s0+$0xFFFFFFE0]  }
0x1eb: {  	[tilespmem:s0+$0xFFFFFE20] =	vst v34  }
0x1ec: {  	[tilespmem:s0+$0xFFFFFE30] =	vst v33  }
0x1ed: {  	[tilespmem:s0+$0xFFFFFE40] =	vst v31  }
0x1ee: {  	[tilespmem:s0+$0xFFFFFE60] =	vst v32  }
0x1ef: {  	[tilespmem:s0+$0xFFFFFE70] =	vst v29  }
0x1f0: {  	[tilespmem:s0+$0xFFFFFE80] =	vst v30  }
0x1f1: {  	[tilespmem:s0+$0xFFFFFE90] =	vst v27  }
0x1f2: {  	v4 =	vmul.f32 v4, v15;
	[tilespmem:s0+$0xFFFFFEA0] =	vst v28  }
0x1f3: {  	v9 =	vmul.f32 v9, v15;
	[tilespmem:s0+$0xFFFFFEB0] =	vst v26  }
0x1f4: {  	v5 =	vmul.f32 v22, v5;
	[tilespmem:s0+$0xFFFFFEC0] =	vst v4  }
0x1f5: {  	v4 =	vmul.f32 v22, v6;
	[tilespmem:s0+$0xFFFFFED0] =	vst v9  }
0x1f6: {  	v6 =	vmul.f32 v19, v7;
	[tilespmem:s0+$0xFFFFFEF0] =	vst v5  }
0x1f7: {  	v5 =	vmul.f32 v8, v19;
	[tilespmem:s0+$0xFFFFFF00] =	vst v4  }
0x1f8: {  	v4 =	vmul.f32 v10, v17;
	[tilespmem:s0+$0xFFFFFF10] =	vst v6  }
0x1f9: {  	v6 =	vmul.f32 v11, v17;
	[tilespmem:s0+$0xFFFFFF20] =	vst v5  }
0x1fa: {  	v5 =	vmul.f32 v12, v13;
	[tilespmem:s0+$0xFFFFFF30] =	vst v4  }
0x1fb: {  	v0 =	vmul.f32 v25, v0;
	[tilespmem:s0+$0xFFFFFF40] =	vst v6  }
0x1fc: {  	v4 =	vmul.f32 v14, v13;
	[tilespmem:s0+$0xFFFFFF50] =	vst v5  }
0x1fd: {  	v6 =	vmul.f32 v3, v16;
	[tilespmem:s0+$0xFFFFFFE0] =	vst v0  }
0x1fe: {  	v3 =	vmul.f32 v3, v18;
	[tilespmem:s0+$0xFFFFFF60] =	vst v4  }
0x1ff: {  	v4 =	vmul.f32 v2, v20;
	[tilespmem:s0+$0xFFFFFF80] =	vst v6  }
0x200: {  	v2 =	vmul.f32 v21, v2;
	[tilespmem:s0+$0xFFFFFF90] =	vst v3  }
0x201: {  	v3 =	vmul.f32 v23, v1;
	[tilespmem:s0+$0xFFFFFFA0] =	vst v4  }
0x202: {  	v1 =	vmul.f32 v24, v1;
	[tilespmem:s0+$0xFFFFFFB0] =	vst v2  }
0x203: {  	[tilespmem:s0+$0xFFFFFFC0] =	vst v3  }
0x204: {  	s12 =	simm.s32 $0x8B88;
	s7 =	simm.s32 $0x6A90;
	[tilespmem:s0+$0xFFFFFFD0] =	vst v1  }
0x205: {  	[spmem:s2] =	stream.indirect.scatter.add.f32 [tilespmem:s7], [sflag:$0x8], $0x90, s12, s31, $0xb8;
	[tilespmem:$0x1EBE0] =	vst v63  }
0x206: {  	s8 =	sadd.s32 $0x4, s8;
	_ =	swait.ge [sflag:s16], $0x1680  }
0x207: {  	s12 =	smul.u32 $0x50, s8;
	[sflag:s16] =	ssyncset.done $0x0  }
0x208: {  	[sflag:s16] =	ssyncadd.s32 $0xFFFFE980  }
0x209: {  	s0 =	sadd.s32 s4, s12;
	_ =	swait.ge [sflag:s16], $0x1680  }
0x20a: {  	s0 =	sshrl.u32 s0, $0x3;
	[sflag:s16] =	ssyncset.done $0x0  }
0x20b: {  	s0 =	sadd.s32 s1, s0;
	[sflag:s16] =	ssyncadd.s32 $0xFFFFE980  }
0x20c: {  	[tilespmem:s19], [sflag:$0x3] =	stream.linear.gather [hbm4b:s0+s3], $0x50, $0x38;
	[tilespmem:$0x1EBE0] =	vst v63  }
0x20d: {  	s17 =	smul.u32 $0x140, s17;
	_ =	swait.ge [sflag:s18], $0x50  }
0x20e: {  	[sflag:s18] =	ssyncset.done $0x0  }
0x20f: {  	s0 =	sshra.s32 s17, $0x2;
	[sflag:s18] =	ssyncadd.s32 $0xFFFFFFB0  }
0x210: {  	[tilespmem:s28], [sflag:$0x2] =	stream.indirect.gather [hbm4b:s5+s22], $0x90, s0, s22, $0xb8;
	[tilespmem:$0x1EBE0] =	vst v63  }
0x211: {  	s29 =	simm.s32 $0x8610  }
0x212: {  	[tilespmem:s29], [sflag:$0x2] =	stream.indirect.gather [hbm4b:s6+s22], $0x10, s13, s22, $0xb8;
	[tilespmem:$0x1EBE0] =	vst v63  }
0x213: {  	_ =	swait.ge [sflag:s30], $0x2D00  }
0x214: {  	[sflag:s30] =	ssyncset.done $0x0  }
0x215: {  	[sflag:s30] =	ssyncadd.s32 $0xFFFFD300  }
0x216: {  	_ =	swait.ge [sflag:s30], $0x500  }
0x217: {  	[sflag:s30] =	ssyncset.done $0x0  }
0x218: {  	s0 =	simm.s32 $0x2830;
	[sflag:s30] =	ssyncadd.s32 $0xFFFFFB00  }
0x219: {  	s12 =	simm.s32 $0x8130;
	v0 =	vld [tilespmem:s0+$0x110]  }
0x21a: {  	v1 =	vld [tilespmem:s12+$0x10]  }
0x21b: {  	v2 =	vld [tilespmem:s12+$0xFFFFFFE0]  }
0x21c: {  	v3 =	vld [tilespmem:s0+$0xFFFFFFF0]  }
0x21d: {  	v4 =	vld [tilespmem:s12+$0xFFFFFFF0]  }
0x21e: {  	v5 =	vld [tilespmem:s0+$0x80]  }
0x21f: {  	v6 =	vld [tilespmem:s12+$0x0]  }
0x220: {  	v16 =	vld [tilespmem:s0+$0xFFFFFEE0];
	v0 =	vadd.f32 v1, v0  }
0x221: {  	v1 =	vld [tilespmem:s0+$0xFFFFFF60]  }
0x222: {  	v18 =	vld [tilespmem:s0+$0xFFFFFEF0];
	v3 =	vadd.f32 v4, v3;
	v7 =	vmul.f32 $2.000000030e-01, v0  }
0x223: {  	v20 =	vld [tilespmem:s0+$0xFFFFFF00];
	vm0 =	vgt.f32 v0, $0.0e+00  }
0x224: {  	v21 =	vld [tilespmem:s0+$0xFFFFFF10];
	v4 =	vadd.f32 v6, v5;
	v5 =	vmul.f32 $2.000000030e-01, v3;
	v0 =	vsel vm0, v0, v7  }
0x225: {  	v23 =	vld [tilespmem:s0+$0xFFFFFF20];
	vm14 =	vgt.f32 v3, $0.0e+00;
	v0 =	vmul.f32 $1.442695020e+00, v0  }
0x226: {  	v24 =	vld [tilespmem:s0+$0xFFFFFF30];
	v3 =	vsel vm14, v3, v5;
	v1 =	vadd.f32 v2, v1;
	v2 =	vmul.f32 $2.000000030e-01, v4  }
0x227: {  	v25 =	vld [tilespmem:s0+$0xFFFFFF40];
	v3 =	vmul.f32 $1.442695020e+00, v3;
	(erf) = vpow2.f32 v0  }
0x228: {  	v26 =	vld [tilespmem:s0+$0xFFFFFF50];
	vm1 =	vgt.f32 v4, $0.0e+00;
	v0 =	vmul.f32 $2.000000030e-01, v1  }
0x229: {  	v27 =	vld [tilespmem:s0+$0xFFFFFF70];
	vm15 =	vgt.f32 v1, $0.0e+00;
	v2 =	vsel vm1, v4, v2;
	(erf) = vpow2.f32 v3  }
0x22a: {  	v28 =	vld [tilespmem:s0+$0xFFFFFF80];
	v0 =	vsel vm15, v1, v0;
	v1 =	vmul.f32 $1.442695020e+00, v2  }
0x22b: {  	v30 =	vld [tilespmem:s0+$0xFFFFFF90]  }
0x22c: {  	v35 =	vld [tilespmem:s0+$0xFFFFFFA0];
	v0 =	vmul.f32 $1.442695020e+00, v0;
	(erf) = vpow2.f32 v1  }
0x22d: {  	v36 =	vld [tilespmem:s0+$0xFFFFFFB0]  }
0x22e: {  	v37 =	vld [tilespmem:s0+$0xFFFFFFC0];
	(erf) = vpow2.f32 v0  }
0x22f: {  	v8 =	vld [tilespmem:s0+$0x30]  }
0x230: {  	v7 =	vld [tilespmem:s0+$0x100];
	v12 =	vpop (erf)  }
0x231: {  	v10 =	vld [tilespmem:s0+$0x40];
	v0 =	vbroadcast v12, $0x3  }
0x232: {  	v9 =	vld [tilespmem:s0+$0xFFFFFFE0];
	v3 =	vbroadcast v12, $0x0;
	v2 =	vbroadcast v12, $0x1;
	v29 =	vpop (erf)  }
0x233: {  	v11 =	vld [tilespmem:s0+$0x50];
	v1 =	vbroadcast v12, $0x2;
	v38 =	vbroadcast v29, $0x0  }
0x234: {  	v6 =	vld [tilespmem:s0+$0x10];
	v39 =	vbroadcast v29, $0x1;
	v40 =	vbroadcast v29, $0x2  }
0x235: {  	v5 =	vld [tilespmem:s0+$0x0];
	v15 =	vbroadcast v29, $0x3;
	v13 =	vmul.f32 v7, v0;
	v14 =	vpop (erf)  }
0x236: {  	v4 =	vld [tilespmem:s0+$0xFFFFFFD0];
	v30 =	vmul.f32 v39, v30;
	v22 =	vbroadcast v14, $0x0  }
0x237: {  	[tilespmem:s0+$0x110] =	vst v12;
	v12 =	vld [tilespmem:s0+$0x60];
	v31 =	vpop (erf);
	v19 =	vbroadcast v14, $0x1;
	v17 =	vbroadcast v14, $0x2  }
0x238: {  	v7 =	vld [tilespmem:s0+$0x20];
	[tilespmem:s0+$0x100] =	vst v13;
	v13 =	vbroadcast v14, $0x3;
	v61 =	vbroadcast v31, $0x0  }
0x239: {  	[tilespmem:s0+$0x80] =	vst v14;
	v14 =	vld [tilespmem:s0+$0x70];
	v62 =	vbroadcast v31, $0x1;
	v63 =	vbroadcast v31, $0x2  }
0x23a: {  	[tilespmem:s0+$0xFFFFFFF0] =	vst v29;
	v41 =	vbroadcast v31, $0x3;
	v29 =	vmul.f32 v61, v16;
	v16 =	vld [tilespmem:s0+$0x90]  }
0x23b: {  	[tilespmem:s0+$0xFFFFFF60] =	vst v31;
	v32 =	vmul.f32 v61, v18;
	v42 =	vmul.f32 v62, v20;
	v18 =	vld [tilespmem:s0+$0xA0]  }
0x23c: {  	v43 =	vmul.f32 v21, v62;
	v44 =	vmul.f32 v23, v63;
	v20 =	vld [tilespmem:s0+$0xB0];
	[tilespmem:s0+$0xFFFFFEE0] =	vst v29  }
0x23d: {  	v34 =	vmul.f32 v24, v63;
	v33 =	vmul.f32 v25, v41;
	v21 =	vld [tilespmem:s0+$0xC0];
	[tilespmem:s0+$0xFFFFFEF0] =	vst v32  }
0x23e: {  	v31 =	vmul.f32 v26, v41;
	v23 =	vld [tilespmem:s0+$0xD0];
	v26 =	vmul.f32 v37, v40;
	[tilespmem:s0+$0xFFFFFF00] =	vst v42  }
0x23f: {  	v24 =	vld [tilespmem:s0+$0xE0];
	v32 =	vmul.f32 v38, v27;
	v29 =	vmul.f32 v38, v28;
	[tilespmem:s0+$0xFFFFFF10] =	vst v43  }
0x240: {  	s7 =	simm.s32 $0x2A70;
	s17 =	simm.s32 $0x0;
	v25 =	vld [tilespmem:s0+$0xF0];
	v27 =	vmul.f32 v35, v39;
	[tilespmem:s0+$0xFFFFFF20] =	vst v44;
	v28 =	vmul.f32 v36, v40  }
.LBB2_11:
0x241: {  	v35 =	vld [tilespmem:s7+$0x110];
	[tilespmem:s0+$0xFFFFFF30] =	vst v34;
	v4 =	vmul.f32 v4, v15;
	v9 =	vmul.f32 v9, v15;
	s12 =	sadd.s32 $0x40, s12  }
0x242: {  	s17 =	sadd.s32 $0x4, s17;
	v5 =	vmul.f32 v22, v5;
	v6 =	vmul.f32 v22, v6;
	v15 =	vld [tilespmem:s12+$0x10];
	[tilespmem:s0+$0xFFFFFF40] =	vst v33  }
0x243: {  	v7 =	vmul.f32 v19, v7;
	v8 =	vmul.f32 v8, v19;
	p1 =	slt.u32 s17, $0x24;
	v22 =	vld [tilespmem:s12+$0xFFFFFFE0];
	[tilespmem:s0+$0xFFFFFF50] =	vst v31  }
0x244: {  	v10 =	vmul.f32 v10, v17;
	v11 =	vmul.f32 v11, v17;
	v19 =	vld [tilespmem:s7+$0xFFFFFFF0];
	[tilespmem:s0+$0xFFFFFF70] =	vst v32  }
0x245: {  	v12 =	vmul.f32 v12, v13;
	v13 =	vmul.f32 v14, v13;
	v17 =	vld [tilespmem:s12+$0xFFFFFFF0];
	[tilespmem:s0+$0xFFFFFF80] =	vst v29  }
0x246: {  	v16 =	vmul.f32 v3, v16;
	v3 =	vmul.f32 v3, v18;
	v14 =	vld [tilespmem:s7+$0x80];
	[tilespmem:s0+$0xFFFFFF90] =	vst v30  }
0x247: {  	v20 =	vmul.f32 v2, v20;
	v2 =	vmul.f32 v21, v2;
	v18 =	vld [tilespmem:s12+$0x0];
	v15 =	vadd.f32 v15, v35;
	[tilespmem:s0+$0xFFFFFFA0] =	vst v27  }
0x248: {  	v23 =	vmul.f32 v23, v1;
	v24 =	vmul.f32 v24, v1;
	v21 =	vld [tilespmem:s7+$0xFFFFFF60];
	[tilespmem:s0+$0xFFFFFFB0] =	vst v28  }
0x249: {  	v25 =	vmul.f32 v25, v0;
	v27 =	vld [tilespmem:s7+$0xFFFFFEE0];
	v1 =	vmul.f32 $2.000000030e-01, v15;
	[tilespmem:s0+$0xFFFFFFC0] =	vst v26  }
0x24a: {  	vm0 =	vgt.f32 v15, $0.0e+00;
	v26 =	vld [tilespmem:s7+$0xFFFFFEF0];
	v0 =	vadd.f32 v17, v19;
	[tilespmem:s0+$0xFFFFFFD0] =	vst v4  }
0x24b: {  	v28 =	vld [tilespmem:s7+$0xFFFFFF00];
	v1 =	vsel vm0, v15, v1;
	[tilespmem:s0+$0xFFFFFFE0] =	vst v9  }
0x24c: {  	v29 =	vld [tilespmem:s7+$0xFFFFFF10];
	v4 =	vmul.f32 $2.000000030e-01, v0;
	v9 =	vadd.f32 v18, v14;
	v1 =	vmul.f32 $1.442695020e+00, v1;
	[tilespmem:s0+$0x0] =	vst v5  }
0x24d: {  	vm0 =	vgt.f32 v0, $0.0e+00;
	v5 =	vadd.f32 v22, v21;
	v21 =	vld [tilespmem:s7+$0xFFFFFF20];
	[tilespmem:s0+$0x10] =	vst v6  }
0x24e: {  	v30 =	vld [tilespmem:s7+$0xFFFFFF30];
	vm1 =	vgt.f32 v9, $0.0e+00;
	v6 =	vmul.f32 $2.000000030e-01, v9;
	(erf) = vpow2.f32 v1;
	[tilespmem:s0+$0x20] =	vst v7  }
0x24f: {  	v0 =	vsel vm0, v0, v4;
	vm2 =	vgt.f32 v5, $0.0e+00;
	v1 =	vmul.f32 $2.000000030e-01, v5;
	v31 =	vld [tilespmem:s7+$0xFFFFFF40];
	[tilespmem:s0+$0x30] =	vst v8  }
0x250: {  	v0 =	vmul.f32 $1.442695020e+00, v0;
	v32 =	vld [tilespmem:s7+$0xFFFFFF50];
	v4 =	vsel vm1, v9, v6;
	[tilespmem:s0+$0x40] =	vst v10  }
0x251: {  	v1 =	vsel vm2, v5, v1;
	v35 =	vld [tilespmem:s7+$0xFFFFFF70];
	v4 =	vmul.f32 $1.442695020e+00, v4;
	[tilespmem:s0+$0x50] =	vst v11  }
0x252: {  	v1 =	vmul.f32 $1.442695020e+00, v1;
	v36 =	vld [tilespmem:s7+$0xFFFFFF80];
	(erf) = vpow2.f32 v0;
	[tilespmem:s0+$0x60] =	vst v12  }
0x253: {  	v37 =	vld [tilespmem:s7+$0xFFFFFF90];
	(erf) = vpow2.f32 v4;
	[tilespmem:s0+$0x70] =	vst v13  }
0x254: {  	v38 =	vld [tilespmem:s7+$0xFFFFFFA0];
	(erf) = vpow2.f32 v1;
	[tilespmem:s0+$0x90] =	vst v16  }
0x255: {  	v6 =	vld [tilespmem:s7+$0x100];
	[tilespmem:s0+$0xA0] =	vst v3  }
0x256: {  	v39 =	vld [tilespmem:s7+$0xFFFFFFB0];
	[tilespmem:s0+$0xB0] =	vst v20  }
0x257: {  	v40 =	vld [tilespmem:s7+$0xFFFFFFC0];
	v7 =	vpop (erf);
	[tilespmem:s0+$0xC0] =	vst v2  }
0x258: {  	v4 =	vld [tilespmem:s7+$0xFFFFFFD0];
	v3 =	vbroadcast v7, $0x0;
	v0 =	vbroadcast v7, $0x3;
	[tilespmem:s0+$0xD0] =	vst v23  }
0x259: {  	v2 =	vbroadcast v7, $0x1;
	v1 =	vbroadcast v7, $0x2;
	v9 =	vld [tilespmem:s7+$0xFFFFFFE0];
	[tilespmem:s0+$0xE0] =	vst v24  }
0x25a: {  	v5 =	vld [tilespmem:s7+$0x0];
	v8 =	vmul.f32 v6, v0;
	[tilespmem:s0+$0xF0] =	vst v25;
	s0 =	smov.u32 s7  }
0x25b: {  	v6 =	vld [tilespmem:s7+$0x10];
	[tilespmem:s7+$0x110] =	vst v7;
	v10 =	vpop (erf)  }
0x25c: {  	v23 =	vbroadcast v10, $0x0;
	v24 =	vbroadcast v10, $0x1;
	v7 =	vld [tilespmem:s7+$0x20];
	[tilespmem:s7+$0x100] =	vst v8;
	v13 =	vpop (erf)  }
0x25d: {  	v25 =	vbroadcast v10, $0x2;
	v15 =	vbroadcast v10, $0x3;
	[tilespmem:s7+$0xFFFFFFF0] =	vst v10;
	v8 =	vld [tilespmem:s7+$0x30];
	v11 =	vpop (erf)  }
0x25e: {  	[tilespmem:s7+$0xFFFFFF60] =	vst v11;
	v16 =	vbroadcast v11, $0x0;
	v18 =	vbroadcast v11, $0x1;
	v10 =	vld [tilespmem:s7+$0x40]  }
0x25f: {  	v20 =	vbroadcast v11, $0x2;
	v41 =	vbroadcast v11, $0x3;
	[tilespmem:s7+$0x80] =	vst v13;
	v11 =	vld [tilespmem:s7+$0x50]  }
0x260: {  	v22 =	vbroadcast v13, $0x0;
	v19 =	vbroadcast v13, $0x1;
	v12 =	vld [tilespmem:s7+$0x60]  }
0x261: {  	v17 =	vbroadcast v13, $0x2;
	v13 =	vbroadcast v13, $0x3;
	v14 =	vld [tilespmem:s7+$0x70]  }
0x262: {  	v27 =	vmul.f32 v16, v27;
	v26 =	vmul.f32 v16, v26;
	v16 =	vld [tilespmem:s7+$0x90]  }
0x263: {  	v28 =	vmul.f32 v18, v28;
	v42 =	vmul.f32 v29, v18;
	v18 =	vld [tilespmem:s7+$0xA0]  }
.Ltmp4:
0x264: {  	v43 =	vmul.f32 v21, v20;
	v34 =	vmul.f32 v30, v20;
	[tilespmem:s7+$0xFFFFFEE0] =	vst v27;
	v20 =	vld [tilespmem:s7+$0xB0];
	(pc) =	sbr.rel @p1 .LBB2_11-.Ltmp4, $4  }
0x265: {  	v33 =	vmul.f32 v31, v41;
	v31 =	vmul.f32 v32, v41;
	[tilespmem:s7+$0xFFFFFEF0] =	vst v26;
	v21 =	vld [tilespmem:s7+$0xC0]  }
0x266: {  	v32 =	vmul.f32 v23, v35;
	v29 =	vmul.f32 v23, v36;
	[tilespmem:s7+$0xFFFFFF00] =	vst v28;
	v23 =	vld [tilespmem:s7+$0xD0]  }
0x267: {  	v30 =	vmul.f32 v24, v37;
	v27 =	vmul.f32 v38, v24;
	[tilespmem:s7+$0xFFFFFF10] =	vst v42;
	v24 =	vld [tilespmem:s7+$0xE0]  }
0x268: {  	v26 =	vmul.f32 v40, v25;
	v28 =	vmul.f32 v39, v25;
	s7 =	sadd.s32 $0x240, s7;
	[tilespmem:s0+$0xFFFFFF20] =	vst v43;
	v25 =	vld [tilespmem:s0+$0xF0]  }
0x269: {  	[tilespmem:s0+$0xFFFFFF30] =	vst v34  }
0x26a: {  	[tilespmem:s0+$0xFFFFFF40] =	vst v33  }
0x26b: {  	[tilespmem:s0+$0xFFFFFF50] =	vst v31  }
0x26c: {  	[tilespmem:s0+$0xFFFFFF70] =	vst v32  }
0x26d: {  	[tilespmem:s0+$0xFFFFFF80] =	vst v29  }
0x26e: {  	[tilespmem:s0+$0xFFFFFF90] =	vst v30  }
0x26f: {  	[tilespmem:s0+$0xFFFFFFA0] =	vst v27  }
0x270: {  	v4 =	vmul.f32 v4, v15;
	[tilespmem:s0+$0xFFFFFFB0] =	vst v28  }
0x271: {  	v9 =	vmul.f32 v9, v15;
	[tilespmem:s0+$0xFFFFFFC0] =	vst v26  }
0x272: {  	v5 =	vmul.f32 v22, v5;
	[tilespmem:s0+$0xFFFFFFD0] =	vst v4  }
0x273: {  	v4 =	vmul.f32 v22, v6;
	[tilespmem:s0+$0xFFFFFFE0] =	vst v9  }
0x274: {  	v6 =	vmul.f32 v19, v7;
	[tilespmem:s0+$0x0] =	vst v5  }
0x275: {  	v5 =	vmul.f32 v8, v19;
	[tilespmem:s0+$0x10] =	vst v4  }
0x276: {  	v4 =	vmul.f32 v10, v17;
	[tilespmem:s0+$0x20] =	vst v6  }
0x277: {  	v6 =	vmul.f32 v11, v17;
	[tilespmem:s0+$0x30] =	vst v5  }
0x278: {  	v5 =	vmul.f32 v12, v13;
	[tilespmem:s0+$0x40] =	vst v4  }
0x279: {  	v0 =	vmul.f32 v25, v0;
	[tilespmem:s0+$0x50] =	vst v6  }
0x27a: {  	v4 =	vmul.f32 v14, v13;
	[tilespmem:s0+$0x60] =	vst v5  }
0x27b: {  	v6 =	vmul.f32 v3, v16;
	[tilespmem:s0+$0xF0] =	vst v0  }
0x27c: {  	v3 =	vmul.f32 v3, v18;
	[tilespmem:s0+$0x70] =	vst v4  }
0x27d: {  	v4 =	vmul.f32 v2, v20;
	[tilespmem:s0+$0x90] =	vst v6  }
0x27e: {  	v2 =	vmul.f32 v21, v2;
	[tilespmem:s0+$0xA0] =	vst v3  }
0x27f: {  	v3 =	vmul.f32 v23, v1;
	[tilespmem:s0+$0xB0] =	vst v4  }
0x280: {  	v1 =	vmul.f32 v24, v1;
	[tilespmem:s0+$0xC0] =	vst v2  }
0x281: {  	[tilespmem:s0+$0xD0] =	vst v3  }
0x282: {  	[tilespmem:s0+$0xE0] =	vst v1;
	s0 =	simm.s32 $0x3FC0  }
0x283: {  	[spmem:s2] =	stream.indirect.scatter.add.f32 [tilespmem:s23], [sflag:$0x7], $0x90, s25, s31, $0xb8;
	[tilespmem:$0x1EBE0] =	vst v63  }
0x284: {  	s12 =	simm.s32 $0x83C0;
	v0 =	vld [tilespmem:s0+$0x0]  }
0x285: {  	v1 =	vld [tilespmem:s12+$0x0]  }
0x286: {  	v2 =	vld [tilespmem:s12+$0xFFFFFFD0]  }
0x287: {  	v3 =	vld [tilespmem:s0+$0xFFFFFEE0]  }
0x288: {  	v4 =	vld [tilespmem:s12+$0xFFFFFFE0]  }
0x289: {  	v5 =	vld [tilespmem:s0+$0xFFFFFF70]  }
0x28a: {  	v6 =	vld [tilespmem:s12+$0xFFFFFFF0]  }
0x28b: {  	v16 =	vld [tilespmem:s0+$0xFFFFFDD0];
	v0 =	vadd.f32 v1, v0  }
0x28c: {  	v1 =	vld [tilespmem:s0+$0xFFFFFE50]  }
0x28d: {  	v18 =	vld [tilespmem:s0+$0xFFFFFDE0];
	v3 =	vadd.f32 v4, v3;
	v7 =	vmul.f32 $2.000000030e-01, v0  }
0x28e: {  	v20 =	vld [tilespmem:s0+$0xFFFFFDF0];
	vm0 =	vgt.f32 v0, $0.0e+00  }
0x28f: {  	v21 =	vld [tilespmem:s0+$0xFFFFFE00];
	v4 =	vadd.f32 v6, v5;
	v5 =	vmul.f32 $2.000000030e-01, v3;
	v0 =	vsel vm0, v0, v7  }
0x290: {  	v23 =	vld [tilespmem:s0+$0xFFFFFE10];
	vm14 =	vgt.f32 v3, $0.0e+00;
	v0 =	vmul.f32 $1.442695020e+00, v0  }
0x291: {  	v24 =	vld [tilespmem:s0+$0xFFFFFE20];
	v3 =	vsel vm14, v3, v5;
	v1 =	vadd.f32 v2, v1;
	v2 =	vmul.f32 $2.000000030e-01, v4  }
0x292: {  	v25 =	vld [tilespmem:s0+$0xFFFFFE30];
	v3 =	vmul.f32 $1.442695020e+00, v3;
	(erf) = vpow2.f32 v0  }
0x293: {  	v26 =	vld [tilespmem:s0+$0xFFFFFE40];
	vm1 =	vgt.f32 v4, $0.0e+00;
	v0 =	vmul.f32 $2.000000030e-01, v1  }
0x294: {  	v27 =	vld [tilespmem:s0+$0xFFFFFE60];
	vm15 =	vgt.f32 v1, $0.0e+00;
	v2 =	vsel vm1, v4, v2;
	(erf) = vpow2.f32 v3  }
0x295: {  	v28 =	vld [tilespmem:s0+$0xFFFFFE70];
	v0 =	vsel vm15, v1, v0;
	v1 =	vmul.f32 $1.442695020e+00, v2  }
0x296: {  	v30 =	vld [tilespmem:s0+$0xFFFFFE80]  }
0x297: {  	v35 =	vld [tilespmem:s0+$0xFFFFFE90];
	v0 =	vmul.f32 $1.442695020e+00, v0;
	(erf) = vpow2.f32 v1  }
0x298: {  	v36 =	vld [tilespmem:s0+$0xFFFFFEA0]  }
0x299: {  	v37 =	vld [tilespmem:s0+$0xFFFFFEB0];
	(erf) = vpow2.f32 v0  }
0x29a: {  	v8 =	vld [tilespmem:s0+$0xFFFFFF20]  }
0x29b: {  	v7 =	vld [tilespmem:s0+$0xFFFFFFF0];
	v12 =	vpop (erf)  }
0x29c: {  	v10 =	vld [tilespmem:s0+$0xFFFFFF30];
	v0 =	vbroadcast v12, $0x3  }
0x29d: {  	v9 =	vld [tilespmem:s0+$0xFFFFFED0];
	v3 =	vbroadcast v12, $0x0;
	v2 =	vbroadcast v12, $0x1;
	v29 =	vpop (erf)  }
0x29e: {  	v11 =	vld [tilespmem:s0+$0xFFFFFF40];
	v1 =	vbroadcast v12, $0x2;
	v38 =	vbroadcast v29, $0x0  }
0x29f: {  	v6 =	vld [tilespmem:s0+$0xFFFFFF00];
	v39 =	vbroadcast v29, $0x1;
	v40 =	vbroadcast v29, $0x2  }
0x2a0: {  	v5 =	vld [tilespmem:s0+$0xFFFFFEF0];
	v15 =	vbroadcast v29, $0x3;
	v13 =	vmul.f32 v7, v0;
	v14 =	vpop (erf)  }
0x2a1: {  	v4 =	vld [tilespmem:s0+$0xFFFFFEC0];
	v30 =	vmul.f32 v39, v30;
	v22 =	vbroadcast v14, $0x0  }
0x2a2: {  	[tilespmem:s0+$0x0] =	vst v12;
	v12 =	vld [tilespmem:s0+$0xFFFFFF50];
	v31 =	vpop (erf);
	v19 =	vbroadcast v14, $0x1;
	v17 =	vbroadcast v14, $0x2  }
0x2a3: {  	v7 =	vld [tilespmem:s0+$0xFFFFFF10];
	[tilespmem:s0+$0xFFFFFFF0] =	vst v13;
	v13 =	vbroadcast v14, $0x3;
	v61 =	vbroadcast v31, $0x0  }
0x2a4: {  	[tilespmem:s0+$0xFFFFFF70] =	vst v14;
	v14 =	vld [tilespmem:s0+$0xFFFFFF60];
	v62 =	vbroadcast v31, $0x1;
	v63 =	vbroadcast v31, $0x2  }
0x2a5: {  	[tilespmem:s0+$0xFFFFFEE0] =	vst v29;
	v41 =	vbroadcast v31, $0x3;
	v29 =	vmul.f32 v61, v16;
	v16 =	vld [tilespmem:s0+$0xFFFFFF80]  }
0x2a6: {  	[tilespmem:s0+$0xFFFFFE50] =	vst v31;
	v32 =	vmul.f32 v61, v18;
	v42 =	vmul.f32 v62, v20;
	v18 =	vld [tilespmem:s0+$0xFFFFFF90]  }
0x2a7: {  	v43 =	vmul.f32 v21, v62;
	v44 =	vmul.f32 v23, v63;
	v20 =	vld [tilespmem:s0+$0xFFFFFFA0];
	[tilespmem:s0+$0xFFFFFDD0] =	vst v29  }
0x2a8: {  	v34 =	vmul.f32 v24, v63;
	v33 =	vmul.f32 v25, v41;
	v21 =	vld [tilespmem:s0+$0xFFFFFFB0];
	[tilespmem:s0+$0xFFFFFDE0] =	vst v32  }
0x2a9: {  	v31 =	vmul.f32 v26, v41;
	v23 =	vld [tilespmem:s0+$0xFFFFFFC0];
	v26 =	vmul.f32 v37, v40;
	[tilespmem:s0+$0xFFFFFDF0] =	vst v42  }
0x2aa: {  	v24 =	vld [tilespmem:s0+$0xFFFFFFD0];
	v32 =	vmul.f32 v38, v27;
	v29 =	vmul.f32 v38, v28;
	[tilespmem:s0+$0xFFFFFE00] =	vst v43  }
0x2ab: {  	s17 =	simm.s32 $0x28;
	s7 =	simm.s32 $0x4200;
	v25 =	vld [tilespmem:s0+$0xFFFFFFE0];
	v27 =	vmul.f32 v35, v39;
	[tilespmem:s0+$0xFFFFFE10] =	vst v44;
	v28 =	vmul.f32 v36, v40  }
.LBB2_13:
0x2ac: {  	v35 =	vld [tilespmem:s7+$0x0];
	[tilespmem:s0+$0xFFFFFE20] =	vst v34;
	v4 =	vmul.f32 v4, v15;
	v9 =	vmul.f32 v9, v15;
	s12 =	sadd.s32 $0x40, s12  }
0x2ad: {  	s17 =	sadd.s32 $0x4, s17;
	v5 =	vmul.f32 v22, v5;
	v6 =	vmul.f32 v22, v6;
	v15 =	vld [tilespmem:s12+$0x0];
	[tilespmem:s0+$0xFFFFFE30] =	vst v33  }
0x2ae: {  	v7 =	vmul.f32 v19, v7;
	v8 =	vmul.f32 v8, v19;
	p1 =	slt.u32 s17, $0x4C;
	v22 =	vld [tilespmem:s12+$0xFFFFFFD0];
	[tilespmem:s0+$0xFFFFFE40] =	vst v31  }
0x2af: {  	v10 =	vmul.f32 v10, v17;
	v11 =	vmul.f32 v11, v17;
	v19 =	vld [tilespmem:s7+$0xFFFFFEE0];
	[tilespmem:s0+$0xFFFFFE60] =	vst v32  }
0x2b0: {  	v12 =	vmul.f32 v12, v13;
	v13 =	vmul.f32 v14, v13;
	v17 =	vld [tilespmem:s12+$0xFFFFFFE0];
	[tilespmem:s0+$0xFFFFFE70] =	vst v29  }
0x2b1: {  	v16 =	vmul.f32 v3, v16;
	v3 =	vmul.f32 v3, v18;
	v14 =	vld [tilespmem:s7+$0xFFFFFF70];
	[tilespmem:s0+$0xFFFFFE80] =	vst v30  }
0x2b2: {  	v20 =	vmul.f32 v2, v20;
	v2 =	vmul.f32 v21, v2;
	v18 =	vld [tilespmem:s12+$0xFFFFFFF0];
	v15 =	vadd.f32 v15, v35;
	[tilespmem:s0+$0xFFFFFE90] =	vst v27  }
0x2b3: {  	v23 =	vmul.f32 v23, v1;
	v24 =	vmul.f32 v24, v1;
	v21 =	vld [tilespmem:s7+$0xFFFFFE50];
	[tilespmem:s0+$0xFFFFFEA0] =	vst v28  }
0x2b4: {  	v25 =	vmul.f32 v25, v0;
	v27 =	vld [tilespmem:s7+$0xFFFFFDD0];
	v1 =	vmul.f32 $2.000000030e-01, v15;
	[tilespmem:s0+$0xFFFFFEB0] =	vst v26  }
0x2b5: {  	vm0 =	vgt.f32 v15, $0.0e+00;
	v26 =	vld [tilespmem:s7+$0xFFFFFDE0];
	v0 =	vadd.f32 v17, v19;
	[tilespmem:s0+$0xFFFFFEC0] =	vst v4  }
0x2b6: {  	v28 =	vld [tilespmem:s7+$0xFFFFFDF0];
	v1 =	vsel vm0, v15, v1;
	[tilespmem:s0+$0xFFFFFED0] =	vst v9  }
0x2b7: {  	v29 =	vld [tilespmem:s7+$0xFFFFFE00];
	v4 =	vmul.f32 $2.000000030e-01, v0;
	v9 =	vadd.f32 v18, v14;
	v1 =	vmul.f32 $1.442695020e+00, v1;
	[tilespmem:s0+$0xFFFFFEF0] =	vst v5  }
0x2b8: {  	vm0 =	vgt.f32 v0, $0.0e+00;
	v5 =	vadd.f32 v22, v21;
	v21 =	vld [tilespmem:s7+$0xFFFFFE10];
	[tilespmem:s0+$0xFFFFFF00] =	vst v6  }
0x2b9: {  	v30 =	vld [tilespmem:s7+$0xFFFFFE20];
	vm1 =	vgt.f32 v9, $0.0e+00;
	v6 =	vmul.f32 $2.000000030e-01, v9;
	(erf) = vpow2.f32 v1;
	[tilespmem:s0+$0xFFFFFF10] =	vst v7  }
0x2ba: {  	v0 =	vsel vm0, v0, v4;
	vm2 =	vgt.f32 v5, $0.0e+00;
	v1 =	vmul.f32 $2.000000030e-01, v5;
	v31 =	vld [tilespmem:s7+$0xFFFFFE30];
	[tilespmem:s0+$0xFFFFFF20] =	vst v8  }
0x2bb: {  	v0 =	vmul.f32 $1.442695020e+00, v0;
	v32 =	vld [tilespmem:s7+$0xFFFFFE40];
	v4 =	vsel vm1, v9, v6;
	[tilespmem:s0+$0xFFFFFF30] =	vst v10  }
0x2bc: {  	v1 =	vsel vm2, v5, v1;
	v35 =	vld [tilespmem:s7+$0xFFFFFE60];
	v4 =	vmul.f32 $1.442695020e+00, v4;
	[tilespmem:s0+$0xFFFFFF40] =	vst v11  }
0x2bd: {  	v1 =	vmul.f32 $1.442695020e+00, v1;
	v36 =	vld [tilespmem:s7+$0xFFFFFE70];
	(erf) = vpow2.f32 v0;
	[tilespmem:s0+$0xFFFFFF50] =	vst v12  }
0x2be: {  	v37 =	vld [tilespmem:s7+$0xFFFFFE80];
	(erf) = vpow2.f32 v4;
	[tilespmem:s0+$0xFFFFFF60] =	vst v13  }
0x2bf: {  	v38 =	vld [tilespmem:s7+$0xFFFFFE90];
	(erf) = vpow2.f32 v1;
	[tilespmem:s0+$0xFFFFFF80] =	vst v16  }
0x2c0: {  	v6 =	vld [tilespmem:s7+$0xFFFFFFF0];
	[tilespmem:s0+$0xFFFFFF90] =	vst v3  }
0x2c1: {  	v39 =	vld [tilespmem:s7+$0xFFFFFEA0];
	[tilespmem:s0+$0xFFFFFFA0] =	vst v20  }
0x2c2: {  	v40 =	vld [tilespmem:s7+$0xFFFFFEB0];
	v7 =	vpop (erf);
	[tilespmem:s0+$0xFFFFFFB0] =	vst v2  }
0x2c3: {  	v4 =	vld [tilespmem:s7+$0xFFFFFEC0];
	v3 =	vbroadcast v7, $0x0;
	v0 =	vbroadcast v7, $0x3;
	[tilespmem:s0+$0xFFFFFFC0] =	vst v23  }
0x2c4: {  	v2 =	vbroadcast v7, $0x1;
	v1 =	vbroadcast v7, $0x2;
	v9 =	vld [tilespmem:s7+$0xFFFFFED0];
	[tilespmem:s0+$0xFFFFFFD0] =	vst v24  }
0x2c5: {  	v5 =	vld [tilespmem:s7+$0xFFFFFEF0];
	v8 =	vmul.f32 v6, v0;
	[tilespmem:s0+$0xFFFFFFE0] =	vst v25;
	s0 =	smov.u32 s7  }
0x2c6: {  	v6 =	vld [tilespmem:s7+$0xFFFFFF00];
	[tilespmem:s7+$0x0] =	vst v7;
	v10 =	vpop (erf)  }
0x2c7: {  	v23 =	vbroadcast v10, $0x0;
	v24 =	vbroadcast v10, $0x1;
	v7 =	vld [tilespmem:s7+$0xFFFFFF10];
	[tilespmem:s7+$0xFFFFFFF0] =	vst v8;
	v13 =	vpop (erf)  }
0x2c8: {  	v25 =	vbroadcast v10, $0x2;
	v15 =	vbroadcast v10, $0x3;
	[tilespmem:s7+$0xFFFFFEE0] =	vst v10;
	v8 =	vld [tilespmem:s7+$0xFFFFFF20];
	v11 =	vpop (erf)  }
0x2c9: {  	[tilespmem:s7+$0xFFFFFE50] =	vst v11;
	v16 =	vbroadcast v11, $0x0;
	v18 =	vbroadcast v11, $0x1;
	v10 =	vld [tilespmem:s7+$0xFFFFFF30]  }
0x2ca: {  	v20 =	vbroadcast v11, $0x2;
	v41 =	vbroadcast v11, $0x3;
	[tilespmem:s7+$0xFFFFFF70] =	vst v13;
	v11 =	vld [tilespmem:s7+$0xFFFFFF40]  }
0x2cb: {  	v22 =	vbroadcast v13, $0x0;
	v19 =	vbroadcast v13, $0x1;
	v12 =	vld [tilespmem:s7+$0xFFFFFF50]  }
0x2cc: {  	v17 =	vbroadcast v13, $0x2;
	v13 =	vbroadcast v13, $0x3;
	v14 =	vld [tilespmem:s7+$0xFFFFFF60]  }
0x2cd: {  	v27 =	vmul.f32 v16, v27;
	v26 =	vmul.f32 v16, v26;
	v16 =	vld [tilespmem:s7+$0xFFFFFF80]  }
0x2ce: {  	v28 =	vmul.f32 v18, v28;
	v42 =	vmul.f32 v29, v18;
	v18 =	vld [tilespmem:s7+$0xFFFFFF90]  }
.Ltmp5:
0x2cf: {  	v43 =	vmul.f32 v21, v20;
	v34 =	vmul.f32 v30, v20;
	[tilespmem:s7+$0xFFFFFDD0] =	vst v27;
	v20 =	vld [tilespmem:s7+$0xFFFFFFA0];
	(pc) =	sbr.rel @p1 .LBB2_13-.Ltmp5, $4  }
0x2d0: {  	v33 =	vmul.f32 v31, v41;
	v31 =	vmul.f32 v32, v41;
	[tilespmem:s7+$0xFFFFFDE0] =	vst v26;
	v21 =	vld [tilespmem:s7+$0xFFFFFFB0]  }
0x2d1: {  	v32 =	vmul.f32 v23, v35;
	v29 =	vmul.f32 v23, v36;
	[tilespmem:s7+$0xFFFFFDF0] =	vst v28;
	v23 =	vld [tilespmem:s7+$0xFFFFFFC0]  }
0x2d2: {  	v30 =	vmul.f32 v24, v37;
	v27 =	vmul.f32 v38, v24;
	[tilespmem:s7+$0xFFFFFE00] =	vst v42;
	v24 =	vld [tilespmem:s7+$0xFFFFFFD0]  }
0x2d3: {  	v26 =	vmul.f32 v40, v25;
	v28 =	vmul.f32 v39, v25;
	s7 =	sadd.s32 $0x240, s7;
	[tilespmem:s0+$0xFFFFFE10] =	vst v43;
	v25 =	vld [tilespmem:s0+$0xFFFFFFE0]  }
0x2d4: {  	[tilespmem:s0+$0xFFFFFE20] =	vst v34  }
0x2d5: {  	[tilespmem:s0+$0xFFFFFE30] =	vst v33  }
0x2d6: {  	[tilespmem:s0+$0xFFFFFE40] =	vst v31  }
0x2d7: {  	[tilespmem:s0+$0xFFFFFE60] =	vst v32  }
0x2d8: {  	[tilespmem:s0+$0xFFFFFE70] =	vst v29  }
0x2d9: {  	[tilespmem:s0+$0xFFFFFE80] =	vst v30  }
0x2da: {  	[tilespmem:s0+$0xFFFFFE90] =	vst v27  }
0x2db: {  	v4 =	vmul.f32 v4, v15;
	[tilespmem:s0+$0xFFFFFEA0] =	vst v28  }
0x2dc: {  	v9 =	vmul.f32 v9, v15;
	[tilespmem:s0+$0xFFFFFEB0] =	vst v26  }
0x2dd: {  	v5 =	vmul.f32 v22, v5;
	[tilespmem:s0+$0xFFFFFEC0] =	vst v4  }
0x2de: {  	v4 =	vmul.f32 v22, v6;
	[tilespmem:s0+$0xFFFFFED0] =	vst v9  }
0x2df: {  	v6 =	vmul.f32 v19, v7;
	[tilespmem:s0+$0xFFFFFEF0] =	vst v5  }
0x2e0: {  	v5 =	vmul.f32 v8, v19;
	[tilespmem:s0+$0xFFFFFF00] =	vst v4  }
0x2e1: {  	v4 =	vmul.f32 v10, v17;
	[tilespmem:s0+$0xFFFFFF10] =	vst v6  }
0x2e2: {  	v6 =	vmul.f32 v11, v17;
	[tilespmem:s0+$0xFFFFFF20] =	vst v5  }
0x2e3: {  	v5 =	vmul.f32 v12, v13;
	[tilespmem:s0+$0xFFFFFF30] =	vst v4  }
0x2e4: {  	v0 =	vmul.f32 v25, v0;
	[tilespmem:s0+$0xFFFFFF40] =	vst v6  }
0x2e5: {  	v4 =	vmul.f32 v14, v13;
	[tilespmem:s0+$0xFFFFFF50] =	vst v5  }
0x2e6: {  	v6 =	vmul.f32 v3, v16;
	[tilespmem:s0+$0xFFFFFFE0] =	vst v0  }
0x2e7: {  	v3 =	vmul.f32 v3, v18;
	[tilespmem:s0+$0xFFFFFF60] =	vst v4  }
0x2e8: {  	v4 =	vmul.f32 v2, v20;
	[tilespmem:s0+$0xFFFFFF80] =	vst v6  }
0x2e9: {  	v2 =	vmul.f32 v21, v2;
	[tilespmem:s0+$0xFFFFFF90] =	vst v3  }
0x2ea: {  	v3 =	vmul.f32 v23, v1;
	[tilespmem:s0+$0xFFFFFFA0] =	vst v4  }
0x2eb: {  	v1 =	vmul.f32 v24, v1;
	[tilespmem:s0+$0xFFFFFFB0] =	vst v2  }
0x2ec: {  	[tilespmem:s0+$0xFFFFFFC0] =	vst v3  }
0x2ed: {  	s12 =	simm.s32 $0x8BD8;
	[tilespmem:s0+$0xFFFFFFD0] =	vst v1  }
0x2ee: {  	[spmem:s2] =	stream.indirect.scatter.add.f32 [tilespmem:s9], [sflag:$0x7], $0x90, s12, s31, $0xb8;
	[tilespmem:$0x1EBE0] =	vst v63  }
0x2ef: {  	_ =	swait.ge [sflag:s11], $0x1680  }
0x2f0: {  	[sflag:s11] =	ssyncset.done $0x0  }
0x2f1: {  	p1 =	seq.s32 s10, $0x1E;
	[sflag:s11] =	ssyncadd.s32 $0xFFFFE980  }
0x2f2: {  	s0 =	smul.u32 @!p1 $0x140, s10;
	_ =	swait.ge [sflag:s11], $0x1680  }
0x2f3: {  	s7 =	rddreg [dreg:$0x9]  }
0x2f4: {  	s0 =	sadd.s32 @!p1 s0, s7  }
0x2f5: {  	s12 =	simm.s32 @!p1 $0x8B60;
	[sflag:s11] =	ssyncset.done $0x0;
	s0 =	sshrl.u32 @!p1 s0, $0x3  }
0x2f6: {  	[sflag:s11] =	ssyncadd.s32 $0xFFFFE980;
	s7 =	simm.s32 @!p1 $0x0;
	s0 =	sadd.s32 @!p1 s1, s0  }
0x2f7: {  	[tilespmem:s12], [sflag:$0x4] =	stream.linear.gather @!p1 [hbm4b:s0+s7], $0x50, $0x38;
	[tilespmem:$0x1EBE0] =	vst v63  }
0x2f8: {  	s17 =	smul.u32 $0x140, s8;
	_ =	swait.ge [sflag:s21], $0x50  }
0x2f9: {  	[sflag:s21] =	ssyncset.done $0x0  }
0x2fa: {  	s0 =	sshra.s32 s17, $0x2;
	[sflag:s21] =	ssyncadd.s32 $0xFFFFFFB0  }
0x2fb: {  	[tilespmem:s23], [sflag:$0x1] =	stream.indirect.gather [hbm4b:s5+s22], $0x90, s0, s22, $0xb8;
	[tilespmem:$0x1EBE0] =	vst v63  }
0x2fc: {  	_ = 	snop  }
0x2fd: {  	[tilespmem:s24], [sflag:$0x1] =	stream.indirect.gather [hbm4b:s6+s22], $0x10, s19, s22, $0xb8;
	[tilespmem:$0x1EBE0] =	vst v63  }
0x2fe: {  	_ =	swait.ge [sflag:s15], $0x2D00  }
0x2ff: {  	[sflag:s15] =	ssyncset.done $0x0  }
0x300: {  	[sflag:s15] =	ssyncadd.s32 $0xFFFFD300  }
0x301: {  	_ =	swait.ge [sflag:s15], $0x500  }
0x302: {  	[sflag:s15] =	ssyncset.done $0x0  }
0x303: {  	s0 =	simm.s32 $0x5530;
	[sflag:s15] =	ssyncadd.s32 $0xFFFFFB00  }
0x304: {  	s8 =	simm.s32 $0x8630;
	v0 =	vld [tilespmem:s0+$0x110]  }
0x305: {  	v1 =	vld [tilespmem:s8+$0x10]  }
0x306: {  	v2 =	vld [tilespmem:s8+$0xFFFFFFE0]  }
0x307: {  	v3 =	vld [tilespmem:s0+$0xFFFFFFF0]  }
0x308: {  	v4 =	vld [tilespmem:s8+$0xFFFFFFF0]  }
0x309: {  	v5 =	vld [tilespmem:s0+$0x80]  }
0x30a: {  	v6 =	vld [tilespmem:s8+$0x0]  }
0x30b: {  	v16 =	vld [tilespmem:s0+$0xFFFFFEE0];
	v0 =	vadd.f32 v1, v0  }
0x30c: {  	v1 =	vld [tilespmem:s0+$0xFFFFFF60]  }
0x30d: {  	v18 =	vld [tilespmem:s0+$0xFFFFFEF0];
	v3 =	vadd.f32 v4, v3;
	v7 =	vmul.f32 $2.000000030e-01, v0  }
0x30e: {  	v20 =	vld [tilespmem:s0+$0xFFFFFF00];
	vm0 =	vgt.f32 v0, $0.0e+00  }
0x30f: {  	v21 =	vld [tilespmem:s0+$0xFFFFFF10];
	v4 =	vadd.f32 v6, v5;
	v5 =	vmul.f32 $2.000000030e-01, v3;
	v0 =	vsel vm0, v0, v7  }
0x310: {  	v23 =	vld [tilespmem:s0+$0xFFFFFF20];
	vm14 =	vgt.f32 v3, $0.0e+00;
	v0 =	vmul.f32 $1.442695020e+00, v0  }
0x311: {  	v24 =	vld [tilespmem:s0+$0xFFFFFF30];
	v3 =	vsel vm14, v3, v5;
	v1 =	vadd.f32 v2, v1;
	v2 =	vmul.f32 $2.000000030e-01, v4  }
0x312: {  	v25 =	vld [tilespmem:s0+$0xFFFFFF40];
	v3 =	vmul.f32 $1.442695020e+00, v3;
	(erf) = vpow2.f32 v0  }
0x313: {  	v26 =	vld [tilespmem:s0+$0xFFFFFF50];
	vm1 =	vgt.f32 v4, $0.0e+00;
	v0 =	vmul.f32 $2.000000030e-01, v1  }
0x314: {  	v27 =	vld [tilespmem:s0+$0xFFFFFF70];
	vm15 =	vgt.f32 v1, $0.0e+00;
	v2 =	vsel vm1, v4, v2;
	(erf) = vpow2.f32 v3  }
0x315: {  	v28 =	vld [tilespmem:s0+$0xFFFFFF80];
	v0 =	vsel vm15, v1, v0;
	v1 =	vmul.f32 $1.442695020e+00, v2  }
0x316: {  	v30 =	vld [tilespmem:s0+$0xFFFFFF90]  }
0x317: {  	v35 =	vld [tilespmem:s0+$0xFFFFFFA0];
	v0 =	vmul.f32 $1.442695020e+00, v0;
	(erf) = vpow2.f32 v1  }
0x318: {  	v36 =	vld [tilespmem:s0+$0xFFFFFFB0]  }
0x319: {  	v37 =	vld [tilespmem:s0+$0xFFFFFFC0];
	(erf) = vpow2.f32 v0  }
0x31a: {  	v8 =	vld [tilespmem:s0+$0x30]  }
0x31b: {  	v7 =	vld [tilespmem:s0+$0x100];
	v12 =	vpop (erf)  }
0x31c: {  	v10 =	vld [tilespmem:s0+$0x40];
	v0 =	vbroadcast v12, $0x3  }
0x31d: {  	v9 =	vld [tilespmem:s0+$0xFFFFFFE0];
	v3 =	vbroadcast v12, $0x0;
	v2 =	vbroadcast v12, $0x1;
	v29 =	vpop (erf)  }
0x31e: {  	v11 =	vld [tilespmem:s0+$0x50];
	v1 =	vbroadcast v12, $0x2;
	v38 =	vbroadcast v29, $0x0  }
0x31f: {  	v6 =	vld [tilespmem:s0+$0x10];
	v39 =	vbroadcast v29, $0x1;
	v40 =	vbroadcast v29, $0x2  }
0x320: {  	v5 =	vld [tilespmem:s0+$0x0];
	v15 =	vbroadcast v29, $0x3;
	v13 =	vmul.f32 v7, v0;
	v14 =	vpop (erf)  }
0x321: {  	v4 =	vld [tilespmem:s0+$0xFFFFFFD0];
	v30 =	vmul.f32 v39, v30;
	v22 =	vbroadcast v14, $0x0  }
0x322: {  	[tilespmem:s0+$0x110] =	vst v12;
	v12 =	vld [tilespmem:s0+$0x60];
	v31 =	vpop (erf);
	v19 =	vbroadcast v14, $0x1;
	v17 =	vbroadcast v14, $0x2  }
0x323: {  	v7 =	vld [tilespmem:s0+$0x20];
	[tilespmem:s0+$0x100] =	vst v13;
	v13 =	vbroadcast v14, $0x3;
	v61 =	vbroadcast v31, $0x0  }
0x324: {  	[tilespmem:s0+$0x80] =	vst v14;
	v14 =	vld [tilespmem:s0+$0x70];
	v62 =	vbroadcast v31, $0x1;
	v63 =	vbroadcast v31, $0x2  }
0x325: {  	[tilespmem:s0+$0xFFFFFFF0] =	vst v29;
	v41 =	vbroadcast v31, $0x3;
	v29 =	vmul.f32 v61, v16;
	v16 =	vld [tilespmem:s0+$0x90]  }
0x326: {  	[tilespmem:s0+$0xFFFFFF60] =	vst v31;
	v32 =	vmul.f32 v61, v18;
	v42 =	vmul.f32 v62, v20;
	v18 =	vld [tilespmem:s0+$0xA0]  }
0x327: {  	v43 =	vmul.f32 v21, v62;
	v44 =	vmul.f32 v23, v63;
	v20 =	vld [tilespmem:s0+$0xB0];
	[tilespmem:s0+$0xFFFFFEE0] =	vst v29  }
0x328: {  	v34 =	vmul.f32 v24, v63;
	v33 =	vmul.f32 v25, v41;
	v21 =	vld [tilespmem:s0+$0xC0];
	[tilespmem:s0+$0xFFFFFEF0] =	vst v32  }
0x329: {  	v31 =	vmul.f32 v26, v41;
	v23 =	vld [tilespmem:s0+$0xD0];
	v26 =	vmul.f32 v37, v40;
	[tilespmem:s0+$0xFFFFFF00] =	vst v42  }
0x32a: {  	v24 =	vld [tilespmem:s0+$0xE0];
	v32 =	vmul.f32 v38, v27;
	v29 =	vmul.f32 v38, v28;
	[tilespmem:s0+$0xFFFFFF10] =	vst v43  }
0x32b: {  	s12 =	simm.s32 $0x0;
	s7 =	simm.s32 $0x5770;
	v25 =	vld [tilespmem:s0+$0xF0];
	v27 =	vmul.f32 v35, v39;
	[tilespmem:s0+$0xFFFFFF20] =	vst v44;
	v28 =	vmul.f32 v36, v40  }
.LBB2_15:
0x32c: {  	v35 =	vld [tilespmem:s7+$0x110];
	[tilespmem:s0+$0xFFFFFF30] =	vst v34;
	v4 =	vmul.f32 v4, v15;
	v9 =	vmul.f32 v9, v15;
	s8 =	sadd.s32 $0x40, s8  }
0x32d: {  	s12 =	sadd.s32 $0x4, s12;
	v5 =	vmul.f32 v22, v5;
	v6 =	vmul.f32 v22, v6;
	v15 =	vld [tilespmem:s8+$0x10];
	[tilespmem:s0+$0xFFFFFF40] =	vst v33  }
0x32e: {  	v7 =	vmul.f32 v19, v7;
	v8 =	vmul.f32 v8, v19;
	p1 =	slt.u32 s12, $0x24;
	v22 =	vld [tilespmem:s8+$0xFFFFFFE0];
	[tilespmem:s0+$0xFFFFFF50] =	vst v31  }
0x32f: {  	v10 =	vmul.f32 v10, v17;
	v11 =	vmul.f32 v11, v17;
	v19 =	vld [tilespmem:s7+$0xFFFFFFF0];
	[tilespmem:s0+$0xFFFFFF70] =	vst v32  }
0x330: {  	v12 =	vmul.f32 v12, v13;
	v13 =	vmul.f32 v14, v13;
	v17 =	vld [tilespmem:s8+$0xFFFFFFF0];
	[tilespmem:s0+$0xFFFFFF80] =	vst v29  }
0x331: {  	v16 =	vmul.f32 v3, v16;
	v3 =	vmul.f32 v3, v18;
	v14 =	vld [tilespmem:s7+$0x80];
	[tilespmem:s0+$0xFFFFFF90] =	vst v30  }
0x332: {  	v20 =	vmul.f32 v2, v20;
	v2 =	vmul.f32 v21, v2;
	v18 =	vld [tilespmem:s8+$0x0];
	v15 =	vadd.f32 v15, v35;
	[tilespmem:s0+$0xFFFFFFA0] =	vst v27  }
0x333: {  	v23 =	vmul.f32 v23, v1;
	v24 =	vmul.f32 v24, v1;
	v21 =	vld [tilespmem:s7+$0xFFFFFF60];
	[tilespmem:s0+$0xFFFFFFB0] =	vst v28  }
0x334: {  	v25 =	vmul.f32 v25, v0;
	v27 =	vld [tilespmem:s7+$0xFFFFFEE0];
	v1 =	vmul.f32 $2.000000030e-01, v15;
	[tilespmem:s0+$0xFFFFFFC0] =	vst v26  }
0x335: {  	vm0 =	vgt.f32 v15, $0.0e+00;
	v26 =	vld [tilespmem:s7+$0xFFFFFEF0];
	v0 =	vadd.f32 v17, v19;
	[tilespmem:s0+$0xFFFFFFD0] =	vst v4  }
0x336: {  	v28 =	vld [tilespmem:s7+$0xFFFFFF00];
	v1 =	vsel vm0, v15, v1;
	[tilespmem:s0+$0xFFFFFFE0] =	vst v9  }
0x337: {  	v29 =	vld [tilespmem:s7+$0xFFFFFF10];
	v4 =	vmul.f32 $2.000000030e-01, v0;
	v9 =	vadd.f32 v18, v14;
	v1 =	vmul.f32 $1.442695020e+00, v1;
	[tilespmem:s0+$0x0] =	vst v5  }
0x338: {  	vm0 =	vgt.f32 v0, $0.0e+00;
	v5 =	vadd.f32 v22, v21;
	v21 =	vld [tilespmem:s7+$0xFFFFFF20];
	[tilespmem:s0+$0x10] =	vst v6  }
0x339: {  	v30 =	vld [tilespmem:s7+$0xFFFFFF30];
	vm1 =	vgt.f32 v9, $0.0e+00;
	v6 =	vmul.f32 $2.000000030e-01, v9;
	(erf) = vpow2.f32 v1;
	[tilespmem:s0+$0x20] =	vst v7  }
0x33a: {  	v0 =	vsel vm0, v0, v4;
	vm2 =	vgt.f32 v5, $0.0e+00;
	v1 =	vmul.f32 $2.000000030e-01, v5;
	v31 =	vld [tilespmem:s7+$0xFFFFFF40];
	[tilespmem:s0+$0x30] =	vst v8  }
0x33b: {  	v0 =	vmul.f32 $1.442695020e+00, v0;
	v32 =	vld [tilespmem:s7+$0xFFFFFF50];
	v4 =	vsel vm1, v9, v6;
	[tilespmem:s0+$0x40] =	vst v10  }
0x33c: {  	v1 =	vsel vm2, v5, v1;
	v35 =	vld [tilespmem:s7+$0xFFFFFF70];
	v4 =	vmul.f32 $1.442695020e+00, v4;
	[tilespmem:s0+$0x50] =	vst v11  }
0x33d: {  	v1 =	vmul.f32 $1.442695020e+00, v1;
	v36 =	vld [tilespmem:s7+$0xFFFFFF80];
	(erf) = vpow2.f32 v0;
	[tilespmem:s0+$0x60] =	vst v12  }
0x33e: {  	v37 =	vld [tilespmem:s7+$0xFFFFFF90];
	(erf) = vpow2.f32 v4;
	[tilespmem:s0+$0x70] =	vst v13  }
0x33f: {  	v38 =	vld [tilespmem:s7+$0xFFFFFFA0];
	(erf) = vpow2.f32 v1;
	[tilespmem:s0+$0x90] =	vst v16  }
0x340: {  	v6 =	vld [tilespmem:s7+$0x100];
	[tilespmem:s0+$0xA0] =	vst v3  }
0x341: {  	v39 =	vld [tilespmem:s7+$0xFFFFFFB0];
	[tilespmem:s0+$0xB0] =	vst v20  }
0x342: {  	v40 =	vld [tilespmem:s7+$0xFFFFFFC0];
	v7 =	vpop (erf);
	[tilespmem:s0+$0xC0] =	vst v2  }
0x343: {  	v4 =	vld [tilespmem:s7+$0xFFFFFFD0];
	v3 =	vbroadcast v7, $0x0;
	v0 =	vbroadcast v7, $0x3;
	[tilespmem:s0+$0xD0] =	vst v23  }
0x344: {  	v2 =	vbroadcast v7, $0x1;
	v1 =	vbroadcast v7, $0x2;
	v9 =	vld [tilespmem:s7+$0xFFFFFFE0];
	[tilespmem:s0+$0xE0] =	vst v24  }
0x345: {  	v5 =	vld [tilespmem:s7+$0x0];
	v8 =	vmul.f32 v6, v0;
	[tilespmem:s0+$0xF0] =	vst v25;
	s0 =	smov.u32 s7  }
0x346: {  	v6 =	vld [tilespmem:s7+$0x10];
	[tilespmem:s7+$0x110] =	vst v7;
	v10 =	vpop (erf)  }
0x347: {  	v23 =	vbroadcast v10, $0x0;
	v24 =	vbroadcast v10, $0x1;
	v7 =	vld [tilespmem:s7+$0x20];
	[tilespmem:s7+$0x100] =	vst v8;
	v13 =	vpop (erf)  }
0x348: {  	v25 =	vbroadcast v10, $0x2;
	v15 =	vbroadcast v10, $0x3;
	[tilespmem:s7+$0xFFFFFFF0] =	vst v10;
	v8 =	vld [tilespmem:s7+$0x30];
	v11 =	vpop (erf)  }
0x349: {  	[tilespmem:s7+$0xFFFFFF60] =	vst v11;
	v16 =	vbroadcast v11, $0x0;
	v18 =	vbroadcast v11, $0x1;
	v10 =	vld [tilespmem:s7+$0x40]  }
0x34a: {  	v20 =	vbroadcast v11, $0x2;
	v41 =	vbroadcast v11, $0x3;
	[tilespmem:s7+$0x80] =	vst v13;
	v11 =	vld [tilespmem:s7+$0x50]  }
0x34b: {  	v22 =	vbroadcast v13, $0x0;
	v19 =	vbroadcast v13, $0x1;
	v12 =	vld [tilespmem:s7+$0x60]  }
0x34c: {  	v17 =	vbroadcast v13, $0x2;
	v13 =	vbroadcast v13, $0x3;
	v14 =	vld [tilespmem:s7+$0x70]  }
0x34d: {  	v27 =	vmul.f32 v16, v27;
	v26 =	vmul.f32 v16, v26;
	v16 =	vld [tilespmem:s7+$0x90]  }
0x34e: {  	v28 =	vmul.f32 v18, v28;
	v42 =	vmul.f32 v29, v18;
	v18 =	vld [tilespmem:s7+$0xA0]  }
.Ltmp6:
0x34f: {  	v43 =	vmul.f32 v21, v20;
	v34 =	vmul.f32 v30, v20;
	[tilespmem:s7+$0xFFFFFEE0] =	vst v27;
	v20 =	vld [tilespmem:s7+$0xB0];
	(pc) =	sbr.rel @p1 .LBB2_15-.Ltmp6, $4  }
0x350: {  	v33 =	vmul.f32 v31, v41;
	v31 =	vmul.f32 v32, v41;
	[tilespmem:s7+$0xFFFFFEF0] =	vst v26;
	v21 =	vld [tilespmem:s7+$0xC0]  }
0x351: {  	v32 =	vmul.f32 v23, v35;
	v29 =	vmul.f32 v23, v36;
	[tilespmem:s7+$0xFFFFFF00] =	vst v28;
	v23 =	vld [tilespmem:s7+$0xD0]  }
0x352: {  	v30 =	vmul.f32 v24, v37;
	v27 =	vmul.f32 v38, v24;
	[tilespmem:s7+$0xFFFFFF10] =	vst v42;
	v24 =	vld [tilespmem:s7+$0xE0]  }
0x353: {  	v26 =	vmul.f32 v40, v25;
	v28 =	vmul.f32 v39, v25;
	s7 =	sadd.s32 $0x240, s7;
	[tilespmem:s0+$0xFFFFFF20] =	vst v43;
	v25 =	vld [tilespmem:s0+$0xF0]  }
0x354: {  	[tilespmem:s0+$0xFFFFFF30] =	vst v34  }
0x355: {  	[tilespmem:s0+$0xFFFFFF40] =	vst v33  }
0x356: {  	[tilespmem:s0+$0xFFFFFF50] =	vst v31  }
0x357: {  	[tilespmem:s0+$0xFFFFFF70] =	vst v32  }
0x358: {  	[tilespmem:s0+$0xFFFFFF80] =	vst v29  }
0x359: {  	[tilespmem:s0+$0xFFFFFF90] =	vst v30  }
0x35a: {  	[tilespmem:s0+$0xFFFFFFA0] =	vst v27  }
0x35b: {  	v4 =	vmul.f32 v4, v15;
	[tilespmem:s0+$0xFFFFFFB0] =	vst v28  }
0x35c: {  	v9 =	vmul.f32 v9, v15;
	[tilespmem:s0+$0xFFFFFFC0] =	vst v26  }
0x35d: {  	v5 =	vmul.f32 v22, v5;
	[tilespmem:s0+$0xFFFFFFD0] =	vst v4  }
0x35e: {  	v4 =	vmul.f32 v22, v6;
	[tilespmem:s0+$0xFFFFFFE0] =	vst v9  }
0x35f: {  	v6 =	vmul.f32 v19, v7;
	[tilespmem:s0+$0x0] =	vst v5  }
0x360: {  	v5 =	vmul.f32 v8, v19;
	[tilespmem:s0+$0x10] =	vst v4  }
0x361: {  	v4 =	vmul.f32 v10, v17;
	[tilespmem:s0+$0x20] =	vst v6  }
0x362: {  	v6 =	vmul.f32 v11, v17;
	[tilespmem:s0+$0x30] =	vst v5  }
0x363: {  	v5 =	vmul.f32 v12, v13;
	[tilespmem:s0+$0x40] =	vst v4  }
0x364: {  	v0 =	vmul.f32 v25, v0;
	[tilespmem:s0+$0x50] =	vst v6  }
0x365: {  	v4 =	vmul.f32 v14, v13;
	[tilespmem:s0+$0x60] =	vst v5  }
0x366: {  	v6 =	vmul.f32 v3, v16;
	[tilespmem:s0+$0xF0] =	vst v0  }
0x367: {  	v3 =	vmul.f32 v3, v18;
	[tilespmem:s0+$0x70] =	vst v4  }
0x368: {  	v4 =	vmul.f32 v2, v20;
	[tilespmem:s0+$0x90] =	vst v6  }
0x369: {  	v2 =	vmul.f32 v21, v2;
	[tilespmem:s0+$0xA0] =	vst v3  }
0x36a: {  	v3 =	vmul.f32 v23, v1;
	[tilespmem:s0+$0xB0] =	vst v4  }
0x36b: {  	v1 =	vmul.f32 v24, v1;
	[tilespmem:s0+$0xC0] =	vst v2  }
0x36c: {  	[tilespmem:s0+$0xD0] =	vst v3  }
0x36d: {  	[tilespmem:s0+$0xE0] =	vst v1;
	s0 =	simm.s32 $0x6CC0  }
0x36e: {  	[spmem:s2] =	stream.indirect.scatter.add.f32 [tilespmem:s28], [sflag:$0x8], $0x90, s13, s31, $0xb8;
	[tilespmem:$0x1EBE0] =	vst v63  }
0x36f: {  	s8 =	simm.s32 $0x88C0;
	v0 =	vld [tilespmem:s0+$0x0]  }
0x370: {  	v1 =	vld [tilespmem:s8+$0x0]  }
0x371: {  	v2 =	vld [tilespmem:s8+$0xFFFFFFD0]  }
0x372: {  	v3 =	vld [tilespmem:s0+$0xFFFFFEE0]  }
0x373: {  	v4 =	vld [tilespmem:s8+$0xFFFFFFE0]  }
0x374: {  	v5 =	vld [tilespmem:s0+$0xFFFFFF70]  }
0x375: {  	v6 =	vld [tilespmem:s8+$0xFFFFFFF0]  }
0x376: {  	v16 =	vld [tilespmem:s0+$0xFFFFFDD0];
	v0 =	vadd.f32 v1, v0  }
0x377: {  	v1 =	vld [tilespmem:s0+$0xFFFFFE50]  }
0x378: {  	v18 =	vld [tilespmem:s0+$0xFFFFFDE0];
	v3 =	vadd.f32 v4, v3;
	v7 =	vmul.f32 $2.000000030e-01, v0  }
0x379: {  	v20 =	vld [tilespmem:s0+$0xFFFFFDF0];
	vm0 =	vgt.f32 v0, $0.0e+00  }
0x37a: {  	v21 =	vld [tilespmem:s0+$0xFFFFFE00];
	v4 =	vadd.f32 v6, v5;
	v5 =	vmul.f32 $2.000000030e-01, v3;
	v0 =	vsel vm0, v0, v7  }
0x37b: {  	v23 =	vld [tilespmem:s0+$0xFFFFFE10];
	vm14 =	vgt.f32 v3, $0.0e+00;
	v0 =	vmul.f32 $1.442695020e+00, v0  }
0x37c: {  	v24 =	vld [tilespmem:s0+$0xFFFFFE20];
	v3 =	vsel vm14, v3, v5;
	v1 =	vadd.f32 v2, v1;
	v2 =	vmul.f32 $2.000000030e-01, v4  }
0x37d: {  	v25 =	vld [tilespmem:s0+$0xFFFFFE30];
	v3 =	vmul.f32 $1.442695020e+00, v3;
	(erf) = vpow2.f32 v0  }
0x37e: {  	v26 =	vld [tilespmem:s0+$0xFFFFFE40];
	vm1 =	vgt.f32 v4, $0.0e+00;
	v0 =	vmul.f32 $2.000000030e-01, v1  }
0x37f: {  	v27 =	vld [tilespmem:s0+$0xFFFFFE60];
	vm15 =	vgt.f32 v1, $0.0e+00;
	v2 =	vsel vm1, v4, v2;
	(erf) = vpow2.f32 v3  }
0x380: {  	v28 =	vld [tilespmem:s0+$0xFFFFFE70];
	v0 =	vsel vm15, v1, v0;
	v1 =	vmul.f32 $1.442695020e+00, v2  }
0x381: {  	v30 =	vld [tilespmem:s0+$0xFFFFFE80]  }
0x382: {  	v35 =	vld [tilespmem:s0+$0xFFFFFE90];
	v0 =	vmul.f32 $1.442695020e+00, v0;
	(erf) = vpow2.f32 v1  }
0x383: {  	v36 =	vld [tilespmem:s0+$0xFFFFFEA0]  }
0x384: {  	v37 =	vld [tilespmem:s0+$0xFFFFFEB0];
	(erf) = vpow2.f32 v0  }
0x385: {  	v8 =	vld [tilespmem:s0+$0xFFFFFF20]  }
0x386: {  	v7 =	vld [tilespmem:s0+$0xFFFFFFF0];
	v12 =	vpop (erf)  }
0x387: {  	v10 =	vld [tilespmem:s0+$0xFFFFFF30];
	v0 =	vbroadcast v12, $0x3  }
0x388: {  	v9 =	vld [tilespmem:s0+$0xFFFFFED0];
	v3 =	vbroadcast v12, $0x0;
	v2 =	vbroadcast v12, $0x1;
	v29 =	vpop (erf)  }
0x389: {  	v11 =	vld [tilespmem:s0+$0xFFFFFF40];
	v1 =	vbroadcast v12, $0x2;
	v38 =	vbroadcast v29, $0x0  }
0x38a: {  	v6 =	vld [tilespmem:s0+$0xFFFFFF00];
	v39 =	vbroadcast v29, $0x1;
	v40 =	vbroadcast v29, $0x2  }
0x38b: {  	v5 =	vld [tilespmem:s0+$0xFFFFFEF0];
	v15 =	vbroadcast v29, $0x3;
	v13 =	vmul.f32 v7, v0;
	v14 =	vpop (erf)  }
0x38c: {  	v4 =	vld [tilespmem:s0+$0xFFFFFEC0];
	v30 =	vmul.f32 v39, v30;
	v22 =	vbroadcast v14, $0x0  }
0x38d: {  	[tilespmem:s0+$0x0] =	vst v12;
	v12 =	vld [tilespmem:s0+$0xFFFFFF50];
	v31 =	vpop (erf);
	v19 =	vbroadcast v14, $0x1;
	v17 =	vbroadcast v14, $0x2  }
0x38e: {  	v7 =	vld [tilespmem:s0+$0xFFFFFF10];
	[tilespmem:s0+$0xFFFFFFF0] =	vst v13;
	v13 =	vbroadcast v14, $0x3;
	v61 =	vbroadcast v31, $0x0  }
0x38f: {  	[tilespmem:s0+$0xFFFFFF70] =	vst v14;
	v14 =	vld [tilespmem:s0+$0xFFFFFF60];
	v62 =	vbroadcast v31, $0x1;
	v63 =	vbroadcast v31, $0x2  }
0x390: {  	[tilespmem:s0+$0xFFFFFEE0] =	vst v29;
	v41 =	vbroadcast v31, $0x3;
	v29 =	vmul.f32 v61, v16;
	v16 =	vld [tilespmem:s0+$0xFFFFFF80]  }
0x391: {  	[tilespmem:s0+$0xFFFFFE50] =	vst v31;
	v32 =	vmul.f32 v61, v18;
	v42 =	vmul.f32 v62, v20;
	v18 =	vld [tilespmem:s0+$0xFFFFFF90]  }
0x392: {  	v43 =	vmul.f32 v21, v62;
	v44 =	vmul.f32 v23, v63;
	v20 =	vld [tilespmem:s0+$0xFFFFFFA0];
	[tilespmem:s0+$0xFFFFFDD0] =	vst v29  }
0x393: {  	v34 =	vmul.f32 v24, v63;
	v33 =	vmul.f32 v25, v41;
	v21 =	vld [tilespmem:s0+$0xFFFFFFB0];
	[tilespmem:s0+$0xFFFFFDE0] =	vst v32  }
0x394: {  	v31 =	vmul.f32 v26, v41;
	v23 =	vld [tilespmem:s0+$0xFFFFFFC0];
	v26 =	vmul.f32 v37, v40;
	[tilespmem:s0+$0xFFFFFDF0] =	vst v42  }
0x395: {  	v24 =	vld [tilespmem:s0+$0xFFFFFFD0];
	v32 =	vmul.f32 v38, v27;
	v29 =	vmul.f32 v38, v28;
	[tilespmem:s0+$0xFFFFFE00] =	vst v43  }
0x396: {  	s12 =	simm.s32 $0x28;
	s7 =	simm.s32 $0x6F00;
	v25 =	vld [tilespmem:s0+$0xFFFFFFE0];
	v27 =	vmul.f32 v35, v39;
	[tilespmem:s0+$0xFFFFFE10] =	vst v44;
	v28 =	vmul.f32 v36, v40  }
.LBB2_17:
0x397: {  	v35 =	vld [tilespmem:s7+$0x0];
	[tilespmem:s0+$0xFFFFFE20] =	vst v34;
	v4 =	vmul.f32 v4, v15;
	v9 =	vmul.f32 v9, v15;
	s8 =	sadd.s32 $0x40, s8  }
0x398: {  	s12 =	sadd.s32 $0x4, s12;
	v5 =	vmul.f32 v22, v5;
	v6 =	vmul.f32 v22, v6;
	v15 =	vld [tilespmem:s8+$0x0];
	[tilespmem:s0+$0xFFFFFE30] =	vst v33  }
0x399: {  	v7 =	vmul.f32 v19, v7;
	v8 =	vmul.f32 v8, v19;
	p1 =	slt.u32 s12, $0x4C;
	v22 =	vld [tilespmem:s8+$0xFFFFFFD0];
	[tilespmem:s0+$0xFFFFFE40] =	vst v31  }
0x39a: {  	v10 =	vmul.f32 v10, v17;
	v11 =	vmul.f32 v11, v17;
	v19 =	vld [tilespmem:s7+$0xFFFFFEE0];
	[tilespmem:s0+$0xFFFFFE60] =	vst v32  }
0x39b: {  	v12 =	vmul.f32 v12, v13;
	v13 =	vmul.f32 v14, v13;
	v17 =	vld [tilespmem:s8+$0xFFFFFFE0];
	[tilespmem:s0+$0xFFFFFE70] =	vst v29  }
0x39c: {  	v16 =	vmul.f32 v3, v16;
	v3 =	vmul.f32 v3, v18;
	v14 =	vld [tilespmem:s7+$0xFFFFFF70];
	[tilespmem:s0+$0xFFFFFE80] =	vst v30  }
0x39d: {  	v20 =	vmul.f32 v2, v20;
	v2 =	vmul.f32 v21, v2;
	v18 =	vld [tilespmem:s8+$0xFFFFFFF0];
	v15 =	vadd.f32 v15, v35;
	[tilespmem:s0+$0xFFFFFE90] =	vst v27  }
0x39e: {  	v23 =	vmul.f32 v23, v1;
	v24 =	vmul.f32 v24, v1;
	v21 =	vld [tilespmem:s7+$0xFFFFFE50];
	[tilespmem:s0+$0xFFFFFEA0] =	vst v28  }
0x39f: {  	v25 =	vmul.f32 v25, v0;
	v27 =	vld [tilespmem:s7+$0xFFFFFDD0];
	v1 =	vmul.f32 $2.000000030e-01, v15;
	[tilespmem:s0+$0xFFFFFEB0] =	vst v26  }
0x3a0: {  	vm0 =	vgt.f32 v15, $0.0e+00;
	v26 =	vld [tilespmem:s7+$0xFFFFFDE0];
	v0 =	vadd.f32 v17, v19;
	[tilespmem:s0+$0xFFFFFEC0] =	vst v4  }
0x3a1: {  	v28 =	vld [tilespmem:s7+$0xFFFFFDF0];
	v1 =	vsel vm0, v15, v1;
	[tilespmem:s0+$0xFFFFFED0] =	vst v9  }
0x3a2: {  	v29 =	vld [tilespmem:s7+$0xFFFFFE00];
	v4 =	vmul.f32 $2.000000030e-01, v0;
	v9 =	vadd.f32 v18, v14;
	v1 =	vmul.f32 $1.442695020e+00, v1;
	[tilespmem:s0+$0xFFFFFEF0] =	vst v5  }
0x3a3: {  	vm0 =	vgt.f32 v0, $0.0e+00;
	v5 =	vadd.f32 v22, v21;
	v21 =	vld [tilespmem:s7+$0xFFFFFE10];
	[tilespmem:s0+$0xFFFFFF00] =	vst v6  }
0x3a4: {  	v30 =	vld [tilespmem:s7+$0xFFFFFE20];
	vm1 =	vgt.f32 v9, $0.0e+00;
	v6 =	vmul.f32 $2.000000030e-01, v9;
	(erf) = vpow2.f32 v1;
	[tilespmem:s0+$0xFFFFFF10] =	vst v7  }
0x3a5: {  	v0 =	vsel vm0, v0, v4;
	vm2 =	vgt.f32 v5, $0.0e+00;
	v1 =	vmul.f32 $2.000000030e-01, v5;
	v31 =	vld [tilespmem:s7+$0xFFFFFE30];
	[tilespmem:s0+$0xFFFFFF20] =	vst v8  }
0x3a6: {  	v0 =	vmul.f32 $1.442695020e+00, v0;
	v32 =	vld [tilespmem:s7+$0xFFFFFE40];
	v4 =	vsel vm1, v9, v6;
	[tilespmem:s0+$0xFFFFFF30] =	vst v10  }
0x3a7: {  	v1 =	vsel vm2, v5, v1;
	v35 =	vld [tilespmem:s7+$0xFFFFFE60];
	v4 =	vmul.f32 $1.442695020e+00, v4;
	[tilespmem:s0+$0xFFFFFF40] =	vst v11  }
0x3a8: {  	v1 =	vmul.f32 $1.442695020e+00, v1;
	v36 =	vld [tilespmem:s7+$0xFFFFFE70];
	(erf) = vpow2.f32 v0;
	[tilespmem:s0+$0xFFFFFF50] =	vst v12  }
0x3a9: {  	v37 =	vld [tilespmem:s7+$0xFFFFFE80];
	(erf) = vpow2.f32 v4;
	[tilespmem:s0+$0xFFFFFF60] =	vst v13  }
0x3aa: {  	v38 =	vld [tilespmem:s7+$0xFFFFFE90];
	(erf) = vpow2.f32 v1;
	[tilespmem:s0+$0xFFFFFF80] =	vst v16  }
0x3ab: {  	v6 =	vld [tilespmem:s7+$0xFFFFFFF0];
	[tilespmem:s0+$0xFFFFFF90] =	vst v3  }
0x3ac: {  	v39 =	vld [tilespmem:s7+$0xFFFFFEA0];
	[tilespmem:s0+$0xFFFFFFA0] =	vst v20  }
0x3ad: {  	v40 =	vld [tilespmem:s7+$0xFFFFFEB0];
	v7 =	vpop (erf);
	[tilespmem:s0+$0xFFFFFFB0] =	vst v2  }
0x3ae: {  	v4 =	vld [tilespmem:s7+$0xFFFFFEC0];
	v3 =	vbroadcast v7, $0x0;
	v0 =	vbroadcast v7, $0x3;
	[tilespmem:s0+$0xFFFFFFC0] =	vst v23  }
0x3af: {  	v2 =	vbroadcast v7, $0x1;
	v1 =	vbroadcast v7, $0x2;
	v9 =	vld [tilespmem:s7+$0xFFFFFED0];
	[tilespmem:s0+$0xFFFFFFD0] =	vst v24  }
0x3b0: {  	v5 =	vld [tilespmem:s7+$0xFFFFFEF0];
	v8 =	vmul.f32 v6, v0;
	[tilespmem:s0+$0xFFFFFFE0] =	vst v25;
	s0 =	smov.u32 s7  }
0x3b1: {  	v6 =	vld [tilespmem:s7+$0xFFFFFF00];
	[tilespmem:s7+$0x0] =	vst v7;
	v10 =	vpop (erf)  }
0x3b2: {  	v23 =	vbroadcast v10, $0x0;
	v24 =	vbroadcast v10, $0x1;
	v7 =	vld [tilespmem:s7+$0xFFFFFF10];
	[tilespmem:s7+$0xFFFFFFF0] =	vst v8;
	v13 =	vpop (erf)  }
0x3b3: {  	v25 =	vbroadcast v10, $0x2;
	v15 =	vbroadcast v10, $0x3;
	[tilespmem:s7+$0xFFFFFEE0] =	vst v10;
	v8 =	vld [tilespmem:s7+$0xFFFFFF20];
	v11 =	vpop (erf)  }
0x3b4: {  	[tilespmem:s7+$0xFFFFFE50] =	vst v11;
	v16 =	vbroadcast v11, $0x0;
	v18 =	vbroadcast v11, $0x1;
	v10 =	vld [tilespmem:s7+$0xFFFFFF30]  }
0x3b5: {  	v20 =	vbroadcast v11, $0x2;
	v41 =	vbroadcast v11, $0x3;
	[tilespmem:s7+$0xFFFFFF70] =	vst v13;
	v11 =	vld [tilespmem:s7+$0xFFFFFF40]  }
0x3b6: {  	v22 =	vbroadcast v13, $0x0;
	v19 =	vbroadcast v13, $0x1;
	v12 =	vld [tilespmem:s7+$0xFFFFFF50]  }
0x3b7: {  	v17 =	vbroadcast v13, $0x2;
	v13 =	vbroadcast v13, $0x3;
	v14 =	vld [tilespmem:s7+$0xFFFFFF60]  }
0x3b8: {  	v27 =	vmul.f32 v16, v27;
	v26 =	vmul.f32 v16, v26;
	v16 =	vld [tilespmem:s7+$0xFFFFFF80]  }
0x3b9: {  	v28 =	vmul.f32 v18, v28;
	v42 =	vmul.f32 v29, v18;
	v18 =	vld [tilespmem:s7+$0xFFFFFF90]  }
.Ltmp7:
0x3ba: {  	v43 =	vmul.f32 v21, v20;
	v34 =	vmul.f32 v30, v20;
	[tilespmem:s7+$0xFFFFFDD0] =	vst v27;
	v20 =	vld [tilespmem:s7+$0xFFFFFFA0];
	(pc) =	sbr.rel @p1 .LBB2_17-.Ltmp7, $4  }
0x3bb: {  	v33 =	vmul.f32 v31, v41;
	v31 =	vmul.f32 v32, v41;
	[tilespmem:s7+$0xFFFFFDE0] =	vst v26;
	v21 =	vld [tilespmem:s7+$0xFFFFFFB0]  }
0x3bc: {  	v32 =	vmul.f32 v23, v35;
	v29 =	vmul.f32 v23, v36;
	[tilespmem:s7+$0xFFFFFDF0] =	vst v28;
	v23 =	vld [tilespmem:s7+$0xFFFFFFC0]  }
0x3bd: {  	v30 =	vmul.f32 v24, v37;
	v27 =	vmul.f32 v38, v24;
	[tilespmem:s7+$0xFFFFFE00] =	vst v42;
	v24 =	vld [tilespmem:s7+$0xFFFFFFD0]  }
0x3be: {  	v26 =	vmul.f32 v40, v25;
	v28 =	vmul.f32 v39, v25;
	s7 =	sadd.s32 $0x240, s7;
	[tilespmem:s0+$0xFFFFFE10] =	vst v43;
	v25 =	vld [tilespmem:s0+$0xFFFFFFE0]  }
0x3bf: {  	[tilespmem:s0+$0xFFFFFE20] =	vst v34  }
0x3c0: {  	[tilespmem:s0+$0xFFFFFE30] =	vst v33  }
0x3c1: {  	[tilespmem:s0+$0xFFFFFE40] =	vst v31  }
0x3c2: {  	[tilespmem:s0+$0xFFFFFE60] =	vst v32  }
0x3c3: {  	[tilespmem:s0+$0xFFFFFE70] =	vst v29  }
0x3c4: {  	[tilespmem:s0+$0xFFFFFE80] =	vst v30  }
0x3c5: {  	[tilespmem:s0+$0xFFFFFE90] =	vst v27  }
0x3c6: {  	v4 =	vmul.f32 v4, v15;
	[tilespmem:s0+$0xFFFFFEA0] =	vst v28  }
0x3c7: {  	v9 =	vmul.f32 v9, v15;
	[tilespmem:s0+$0xFFFFFEB0] =	vst v26  }
0x3c8: {  	v5 =	vmul.f32 v22, v5;
	[tilespmem:s0+$0xFFFFFEC0] =	vst v4  }
0x3c9: {  	v51 =	vmul.f32 v22, v6;
	[tilespmem:s0+$0xFFFFFED0] =	vst v9  }
0x3ca: {  	v52 =	vmul.f32 v19, v7;
	[tilespmem:s0+$0xFFFFFEF0] =	vst v5  }
0x3cb: {  	v53 =	vmul.f32 v8, v19;
	[tilespmem:s0+$0xFFFFFF00] =	vst v51  }
0x3cc: {  	v54 =	vmul.f32 v10, v17;
	[tilespmem:s0+$0xFFFFFF10] =	vst v52  }
0x3cd: {  	v55 =	vmul.f32 v11, v17;
	[tilespmem:s0+$0xFFFFFF20] =	vst v53  }
0x3ce: {  	v56 =	vmul.f32 v12, v13;
	[tilespmem:s0+$0xFFFFFF30] =	vst v54  }
0x3cf: {  	v57 =	vmul.f32 v14, v13;
	[tilespmem:s0+$0xFFFFFF40] =	vst v55  }
0x3d0: {  	v58 =	vmul.f32 v3, v16;
	[tilespmem:s0+$0xFFFFFF50] =	vst v56  }
0x3d1: {  	v59 =	vmul.f32 v3, v18;
	[tilespmem:s0+$0xFFFFFF60] =	vst v57  }
0x3d2: {  	v60 =	vmul.f32 v2, v20;
	[tilespmem:s0+$0xFFFFFF80] =	vst v58  }
0x3d3: {  	v61 =	vmul.f32 v21, v2;
	[tilespmem:s0+$0xFFFFFF90] =	vst v59  }
0x3d4: {  	v62 =	vmul.f32 v23, v1;
	[tilespmem:s0+$0xFFFFFFA0] =	vst v60  }
0x3d5: {  	v63 =	vmul.f32 v24, v1;
	[tilespmem:s0+$0xFFFFFFB0] =	vst v61  }
0x3d6: {  	v0 =	vmul.f32 v25, v0;
	[tilespmem:s0+$0xFFFFFFC0] =	vst v62  }
0x3d7: {  	[tilespmem:s0+$0xFFFFFFD0] =	vst v63  }
0x3d8: {  	s17 =	simm.s32 $0x6A90;
	s7 =	simm.s32 $0x8C28;
	s10 =	sadd.s32 $0x1, s10;
	[tilespmem:s0+$0xFFFFFFE0] =	vst v0  }
0x3d9: {  	[spmem:s2] =	stream.indirect.scatter.add.f32 [tilespmem:s17], [sflag:$0x8], $0x90, s7, s31, $0xb8;
	[tilespmem:$0x1EBE0] =	vst v63  }
0x3da: {  	p1 =	sne.s32 s10, $0x1F;
	_ =	swait.ge [sflag:s16], $0x1680  }
.Ltmp8:
0x3db: {  	[sflag:s16] =	ssyncset.done $0x0;
	(pc) =	sbr.rel @p1 .LBB2_2-.Ltmp8, $4  }
0x3dc: {  	[sflag:s16] =	ssyncadd.s32 $0xFFFFE980  }
0x3dd: {  	_ =	swait.ge [sflag:s16], $0x1680  }
0x3de: {  	[sflag:s16] =	ssyncset.done $0x0  }
0x3df: {  	[sflag:s16] =	ssyncadd.s32 $0xFFFFE980  }
0x3e0: {  	_ =	swait.ge [sflag:s30], $0x2D00  }
0x3e1: {  	[sflag:s30] =	ssyncset.done $0x0  }
0x3e2: {  	[sflag:s30] =	ssyncadd.s32 $0xFFFFD300  }
0x3e3: {  	_ =	swait.ge [sflag:s30], $0x500  }
0x3e4: {  	[sflag:s30] =	ssyncset.done $0x0  }
0x3e5: {  	s0 =	simm.s32 $0x2830;
	[sflag:s30] =	ssyncadd.s32 $0xFFFFFB00  }
0x3e6: {  	s8 =	simm.s32 $0x8130;
	v0 =	vld [tilespmem:s0+$0x110]  }
0x3e7: {  	v1 =	vld [tilespmem:s8+$0x10]  }
0x3e8: {  	v2 =	vld [tilespmem:s8+$0xFFFFFFE0]  }
0x3e9: {  	v3 =	vld [tilespmem:s0+$0xFFFFFFF0]  }
0x3ea: {  	v4 =	vld [tilespmem:s8+$0xFFFFFFF0]  }
0x3eb: {  	v5 =	vld [tilespmem:s0+$0x80]  }
0x3ec: {  	v6 =	vld [tilespmem:s8+$0x0]  }
0x3ed: {  	v16 =	vld [tilespmem:s0+$0xFFFFFEE0];
	v0 =	vadd.f32 v1, v0  }
0x3ee: {  	v1 =	vld [tilespmem:s0+$0xFFFFFF60]  }
0x3ef: {  	v18 =	vld [tilespmem:s0+$0xFFFFFEF0];
	v3 =	vadd.f32 v4, v3;
	v7 =	vmul.f32 $2.000000030e-01, v0  }
0x3f0: {  	v20 =	vld [tilespmem:s0+$0xFFFFFF00];
	vm0 =	vgt.f32 v0, $0.0e+00  }
0x3f1: {  	v21 =	vld [tilespmem:s0+$0xFFFFFF10];
	v4 =	vadd.f32 v6, v5;
	v5 =	vmul.f32 $2.000000030e-01, v3;
	v0 =	vsel vm0, v0, v7  }
0x3f2: {  	v23 =	vld [tilespmem:s0+$0xFFFFFF20];
	vm14 =	vgt.f32 v3, $0.0e+00;
	v0 =	vmul.f32 $1.442695020e+00, v0  }
0x3f3: {  	v24 =	vld [tilespmem:s0+$0xFFFFFF30];
	v3 =	vsel vm14, v3, v5;
	v1 =	vadd.f32 v2, v1;
	v2 =	vmul.f32 $2.000000030e-01, v4  }
0x3f4: {  	v25 =	vld [tilespmem:s0+$0xFFFFFF40];
	v3 =	vmul.f32 $1.442695020e+00, v3;
	(erf) = vpow2.f32 v0  }
0x3f5: {  	v26 =	vld [tilespmem:s0+$0xFFFFFF50];
	vm1 =	vgt.f32 v4, $0.0e+00;
	v0 =	vmul.f32 $2.000000030e-01, v1  }
0x3f6: {  	v27 =	vld [tilespmem:s0+$0xFFFFFF70];
	vm15 =	vgt.f32 v1, $0.0e+00;
	v2 =	vsel vm1, v4, v2;
	(erf) = vpow2.f32 v3  }
0x3f7: {  	v28 =	vld [tilespmem:s0+$0xFFFFFF80];
	v0 =	vsel vm15, v1, v0;
	v1 =	vmul.f32 $1.442695020e+00, v2  }
0x3f8: {  	v30 =	vld [tilespmem:s0+$0xFFFFFF90]  }
0x3f9: {  	v35 =	vld [tilespmem:s0+$0xFFFFFFA0];
	v0 =	vmul.f32 $1.442695020e+00, v0;
	(erf) = vpow2.f32 v1  }
0x3fa: {  	v36 =	vld [tilespmem:s0+$0xFFFFFFB0]  }
0x3fb: {  	v37 =	vld [tilespmem:s0+$0xFFFFFFC0];
	(erf) = vpow2.f32 v0  }
0x3fc: {  	v8 =	vld [tilespmem:s0+$0x30]  }
0x3fd: {  	v7 =	vld [tilespmem:s0+$0x100];
	v12 =	vpop (erf)  }
0x3fe: {  	v10 =	vld [tilespmem:s0+$0x40];
	v0 =	vbroadcast v12, $0x3  }
0x3ff: {  	v9 =	vld [tilespmem:s0+$0xFFFFFFE0];
	v3 =	vbroadcast v12, $0x0;
	v2 =	vbroadcast v12, $0x1;
	v29 =	vpop (erf)  }
0x400: {  	v11 =	vld [tilespmem:s0+$0x50];
	v1 =	vbroadcast v12, $0x2;
	v38 =	vbroadcast v29, $0x0  }
0x401: {  	v6 =	vld [tilespmem:s0+$0x10];
	v39 =	vbroadcast v29, $0x1;
	v40 =	vbroadcast v29, $0x2  }
0x402: {  	v5 =	vld [tilespmem:s0+$0x0];
	v15 =	vbroadcast v29, $0x3;
	v13 =	vmul.f32 v7, v0;
	v14 =	vpop (erf)  }
0x403: {  	v4 =	vld [tilespmem:s0+$0xFFFFFFD0];
	v30 =	vmul.f32 v39, v30;
	v22 =	vbroadcast v14, $0x0  }
0x404: {  	[tilespmem:s0+$0x110] =	vst v12;
	v12 =	vld [tilespmem:s0+$0x60];
	v31 =	vpop (erf);
	v19 =	vbroadcast v14, $0x1;
	v17 =	vbroadcast v14, $0x2  }
0x405: {  	v7 =	vld [tilespmem:s0+$0x20];
	[tilespmem:s0+$0x100] =	vst v13;
	v13 =	vbroadcast v14, $0x3;
	v32 =	vbroadcast v31, $0x0  }
0x406: {  	[tilespmem:s0+$0x80] =	vst v14;
	v14 =	vld [tilespmem:s0+$0x70];
	v33 =	vbroadcast v31, $0x1;
	v34 =	vbroadcast v31, $0x2  }
0x407: {  	[tilespmem:s0+$0xFFFFFFF0] =	vst v29;
	v41 =	vbroadcast v31, $0x3;
	v29 =	vmul.f32 v32, v16;
	v16 =	vld [tilespmem:s0+$0x90]  }
0x408: {  	[tilespmem:s0+$0xFFFFFF60] =	vst v31;
	v32 =	vmul.f32 v32, v18;
	v42 =	vmul.f32 v33, v20;
	v18 =	vld [tilespmem:s0+$0xA0]  }
0x409: {  	v43 =	vmul.f32 v21, v33;
	v44 =	vmul.f32 v23, v34;
	v20 =	vld [tilespmem:s0+$0xB0];
	[tilespmem:s0+$0xFFFFFEE0] =	vst v29  }
0x40a: {  	v34 =	vmul.f32 v24, v34;
	v33 =	vmul.f32 v25, v41;
	v21 =	vld [tilespmem:s0+$0xC0];
	[tilespmem:s0+$0xFFFFFEF0] =	vst v32  }
0x40b: {  	v31 =	vmul.f32 v26, v41;
	v23 =	vld [tilespmem:s0+$0xD0];
	v26 =	vmul.f32 v37, v40;
	[tilespmem:s0+$0xFFFFFF00] =	vst v42  }
0x40c: {  	v24 =	vld [tilespmem:s0+$0xE0];
	v32 =	vmul.f32 v38, v27;
	v29 =	vmul.f32 v38, v28;
	[tilespmem:s0+$0xFFFFFF10] =	vst v43  }
0x40d: {  	s10 =	simm.s32 $0x0;
	s7 =	simm.s32 $0x2A70;
	v25 =	vld [tilespmem:s0+$0xF0];
	v27 =	vmul.f32 v35, v39;
	[tilespmem:s0+$0xFFFFFF20] =	vst v44;
	v28 =	vmul.f32 v36, v40  }
.LBB2_20:
0x40e: {  	v35 =	vld [tilespmem:s7+$0x110];
	[tilespmem:s0+$0xFFFFFF30] =	vst v34;
	v4 =	vmul.f32 v4, v15;
	v9 =	vmul.f32 v9, v15;
	s8 =	sadd.s32 $0x40, s8  }
0x40f: {  	s10 =	sadd.s32 $0x4, s10;
	v5 =	vmul.f32 v22, v5;
	v6 =	vmul.f32 v22, v6;
	v15 =	vld [tilespmem:s8+$0x10];
	[tilespmem:s0+$0xFFFFFF40] =	vst v33  }
0x410: {  	v7 =	vmul.f32 v19, v7;
	v8 =	vmul.f32 v8, v19;
	p1 =	slt.u32 s10, $0x24;
	v22 =	vld [tilespmem:s8+$0xFFFFFFE0];
	[tilespmem:s0+$0xFFFFFF50] =	vst v31  }
0x411: {  	v10 =	vmul.f32 v10, v17;
	v11 =	vmul.f32 v11, v17;
	v19 =	vld [tilespmem:s7+$0xFFFFFFF0];
	[tilespmem:s0+$0xFFFFFF70] =	vst v32  }
0x412: {  	v12 =	vmul.f32 v12, v13;
	v13 =	vmul.f32 v14, v13;
	v17 =	vld [tilespmem:s8+$0xFFFFFFF0];
	[tilespmem:s0+$0xFFFFFF80] =	vst v29  }
0x413: {  	v16 =	vmul.f32 v3, v16;
	v3 =	vmul.f32 v3, v18;
	v14 =	vld [tilespmem:s7+$0x80];
	[tilespmem:s0+$0xFFFFFF90] =	vst v30  }
0x414: {  	v20 =	vmul.f32 v2, v20;
	v2 =	vmul.f32 v21, v2;
	v18 =	vld [tilespmem:s8+$0x0];
	v15 =	vadd.f32 v15, v35;
	[tilespmem:s0+$0xFFFFFFA0] =	vst v27  }
0x415: {  	v23 =	vmul.f32 v23, v1;
	v24 =	vmul.f32 v24, v1;
	v21 =	vld [tilespmem:s7+$0xFFFFFF60];
	[tilespmem:s0+$0xFFFFFFB0] =	vst v28  }
0x416: {  	v25 =	vmul.f32 v25, v0;
	v27 =	vld [tilespmem:s7+$0xFFFFFEE0];
	v1 =	vmul.f32 $2.000000030e-01, v15;
	[tilespmem:s0+$0xFFFFFFC0] =	vst v26  }
0x417: {  	vm0 =	vgt.f32 v15, $0.0e+00;
	v26 =	vld [tilespmem:s7+$0xFFFFFEF0];
	v0 =	vadd.f32 v17, v19;
	[tilespmem:s0+$0xFFFFFFD0] =	vst v4  }
0x418: {  	v28 =	vld [tilespmem:s7+$0xFFFFFF00];
	v1 =	vsel vm0, v15, v1;
	[tilespmem:s0+$0xFFFFFFE0] =	vst v9  }
0x419: {  	v29 =	vld [tilespmem:s7+$0xFFFFFF10];
	v4 =	vmul.f32 $2.000000030e-01, v0;
	v9 =	vadd.f32 v18, v14;
	v1 =	vmul.f32 $1.442695020e+00, v1;
	[tilespmem:s0+$0x0] =	vst v5  }
0x41a: {  	vm0 =	vgt.f32 v0, $0.0e+00;
	v5 =	vadd.f32 v22, v21;
	v21 =	vld [tilespmem:s7+$0xFFFFFF20];
	[tilespmem:s0+$0x10] =	vst v6  }
0x41b: {  	v30 =	vld [tilespmem:s7+$0xFFFFFF30];
	vm1 =	vgt.f32 v9, $0.0e+00;
	v6 =	vmul.f32 $2.000000030e-01, v9;
	(erf) = vpow2.f32 v1;
	[tilespmem:s0+$0x20] =	vst v7  }
0x41c: {  	v0 =	vsel vm0, v0, v4;
	vm2 =	vgt.f32 v5, $0.0e+00;
	v1 =	vmul.f32 $2.000000030e-01, v5;
	v31 =	vld [tilespmem:s7+$0xFFFFFF40];
	[tilespmem:s0+$0x30] =	vst v8  }
0x41d: {  	v0 =	vmul.f32 $1.442695020e+00, v0;
	v32 =	vld [tilespmem:s7+$0xFFFFFF50];
	v4 =	vsel vm1, v9, v6;
	[tilespmem:s0+$0x40] =	vst v10  }
0x41e: {  	v1 =	vsel vm2, v5, v1;
	v35 =	vld [tilespmem:s7+$0xFFFFFF70];
	v4 =	vmul.f32 $1.442695020e+00, v4;
	[tilespmem:s0+$0x50] =	vst v11  }
0x41f: {  	v1 =	vmul.f32 $1.442695020e+00, v1;
	v36 =	vld [tilespmem:s7+$0xFFFFFF80];
	(erf) = vpow2.f32 v0;
	[tilespmem:s0+$0x60] =	vst v12  }
0x420: {  	v37 =	vld [tilespmem:s7+$0xFFFFFF90];
	(erf) = vpow2.f32 v4;
	[tilespmem:s0+$0x70] =	vst v13  }
0x421: {  	v38 =	vld [tilespmem:s7+$0xFFFFFFA0];
	(erf) = vpow2.f32 v1;
	[tilespmem:s0+$0x90] =	vst v16  }
0x422: {  	v6 =	vld [tilespmem:s7+$0x100];
	[tilespmem:s0+$0xA0] =	vst v3  }
0x423: {  	v39 =	vld [tilespmem:s7+$0xFFFFFFB0];
	[tilespmem:s0+$0xB0] =	vst v20  }
0x424: {  	v40 =	vld [tilespmem:s7+$0xFFFFFFC0];
	v7 =	vpop (erf);
	[tilespmem:s0+$0xC0] =	vst v2  }
0x425: {  	v4 =	vld [tilespmem:s7+$0xFFFFFFD0];
	v3 =	vbroadcast v7, $0x0;
	v0 =	vbroadcast v7, $0x3;
	[tilespmem:s0+$0xD0] =	vst v23  }
0x426: {  	v2 =	vbroadcast v7, $0x1;
	v1 =	vbroadcast v7, $0x2;
	v9 =	vld [tilespmem:s7+$0xFFFFFFE0];
	[tilespmem:s0+$0xE0] =	vst v24  }
0x427: {  	v5 =	vld [tilespmem:s7+$0x0];
	v8 =	vmul.f32 v6, v0;
	[tilespmem:s0+$0xF0] =	vst v25;
	s0 =	smov.u32 s7  }
0x428: {  	v6 =	vld [tilespmem:s7+$0x10];
	[tilespmem:s7+$0x110] =	vst v7;
	v10 =	vpop (erf)  }
0x429: {  	v23 =	vbroadcast v10, $0x0;
	v24 =	vbroadcast v10, $0x1;
	v7 =	vld [tilespmem:s7+$0x20];
	[tilespmem:s7+$0x100] =	vst v8;
	v13 =	vpop (erf)  }
0x42a: {  	v25 =	vbroadcast v10, $0x2;
	v15 =	vbroadcast v10, $0x3;
	[tilespmem:s7+$0xFFFFFFF0] =	vst v10;
	v8 =	vld [tilespmem:s7+$0x30];
	v11 =	vpop (erf)  }
0x42b: {  	[tilespmem:s7+$0xFFFFFF60] =	vst v11;
	v16 =	vbroadcast v11, $0x0;
	v18 =	vbroadcast v11, $0x1;
	v10 =	vld [tilespmem:s7+$0x40]  }
0x42c: {  	v20 =	vbroadcast v11, $0x2;
	v41 =	vbroadcast v11, $0x3;
	[tilespmem:s7+$0x80] =	vst v13;
	v11 =	vld [tilespmem:s7+$0x50]  }
0x42d: {  	v22 =	vbroadcast v13, $0x0;
	v19 =	vbroadcast v13, $0x1;
	v12 =	vld [tilespmem:s7+$0x60]  }
0x42e: {  	v17 =	vbroadcast v13, $0x2;
	v13 =	vbroadcast v13, $0x3;
	v14 =	vld [tilespmem:s7+$0x70]  }
0x42f: {  	v27 =	vmul.f32 v16, v27;
	v26 =	vmul.f32 v16, v26;
	v16 =	vld [tilespmem:s7+$0x90]  }
0x430: {  	v28 =	vmul.f32 v18, v28;
	v42 =	vmul.f32 v29, v18;
	v18 =	vld [tilespmem:s7+$0xA0]  }
.Ltmp9:
0x431: {  	v43 =	vmul.f32 v21, v20;
	v34 =	vmul.f32 v30, v20;
	[tilespmem:s7+$0xFFFFFEE0] =	vst v27;
	v20 =	vld [tilespmem:s7+$0xB0];
	(pc) =	sbr.rel @p1 .LBB2_20-.Ltmp9, $4  }
0x432: {  	v33 =	vmul.f32 v31, v41;
	v31 =	vmul.f32 v32, v41;
	[tilespmem:s7+$0xFFFFFEF0] =	vst v26;
	v21 =	vld [tilespmem:s7+$0xC0]  }
0x433: {  	v32 =	vmul.f32 v23, v35;
	v29 =	vmul.f32 v23, v36;
	[tilespmem:s7+$0xFFFFFF00] =	vst v28;
	v23 =	vld [tilespmem:s7+$0xD0]  }
0x434: {  	v30 =	vmul.f32 v24, v37;
	v27 =	vmul.f32 v38, v24;
	[tilespmem:s7+$0xFFFFFF10] =	vst v42;
	v24 =	vld [tilespmem:s7+$0xE0]  }
0x435: {  	v26 =	vmul.f32 v40, v25;
	v28 =	vmul.f32 v39, v25;
	s7 =	sadd.s32 $0x240, s7;
	[tilespmem:s0+$0xFFFFFF20] =	vst v43;
	v25 =	vld [tilespmem:s0+$0xF0]  }
0x436: {  	[tilespmem:s0+$0xFFFFFF30] =	vst v34  }
0x437: {  	[tilespmem:s0+$0xFFFFFF40] =	vst v33  }
0x438: {  	[tilespmem:s0+$0xFFFFFF50] =	vst v31  }
0x439: {  	[tilespmem:s0+$0xFFFFFF70] =	vst v32  }
0x43a: {  	[tilespmem:s0+$0xFFFFFF80] =	vst v29  }
0x43b: {  	[tilespmem:s0+$0xFFFFFF90] =	vst v30  }
0x43c: {  	[tilespmem:s0+$0xFFFFFFA0] =	vst v27  }
0x43d: {  	v4 =	vmul.f32 v4, v15;
	[tilespmem:s0+$0xFFFFFFB0] =	vst v28  }
0x43e: {  	v9 =	vmul.f32 v9, v15;
	[tilespmem:s0+$0xFFFFFFC0] =	vst v26  }
0x43f: {  	v5 =	vmul.f32 v22, v5;
	[tilespmem:s0+$0xFFFFFFD0] =	vst v4  }
0x440: {  	v4 =	vmul.f32 v22, v6;
	[tilespmem:s0+$0xFFFFFFE0] =	vst v9  }
0x441: {  	v6 =	vmul.f32 v19, v7;
	[tilespmem:s0+$0x0] =	vst v5  }
0x442: {  	v5 =	vmul.f32 v8, v19;
	[tilespmem:s0+$0x10] =	vst v4  }
0x443: {  	v4 =	vmul.f32 v10, v17;
	[tilespmem:s0+$0x20] =	vst v6  }
0x444: {  	v6 =	vmul.f32 v11, v17;
	[tilespmem:s0+$0x30] =	vst v5  }
0x445: {  	v5 =	vmul.f32 v12, v13;
	[tilespmem:s0+$0x40] =	vst v4  }
0x446: {  	v0 =	vmul.f32 v25, v0;
	[tilespmem:s0+$0x50] =	vst v6  }
0x447: {  	v4 =	vmul.f32 v14, v13;
	[tilespmem:s0+$0x60] =	vst v5  }
0x448: {  	v6 =	vmul.f32 v3, v16;
	[tilespmem:s0+$0xF0] =	vst v0  }
0x449: {  	v3 =	vmul.f32 v3, v18;
	[tilespmem:s0+$0x70] =	vst v4  }
0x44a: {  	v4 =	vmul.f32 v2, v20;
	[tilespmem:s0+$0x90] =	vst v6  }
0x44b: {  	v2 =	vmul.f32 v21, v2;
	[tilespmem:s0+$0xA0] =	vst v3  }
0x44c: {  	v3 =	vmul.f32 v23, v1;
	[tilespmem:s0+$0xB0] =	vst v4  }
0x44d: {  	v1 =	vmul.f32 v24, v1;
	[tilespmem:s0+$0xC0] =	vst v2  }
0x44e: {  	[tilespmem:s0+$0xD0] =	vst v3  }
0x44f: {  	[tilespmem:s0+$0xE0] =	vst v1;
	s0 =	simm.s32 $0x3FC0  }
0x450: {  	[spmem:s2] =	stream.indirect.scatter.add.f32 [tilespmem:s23], [sflag:$0x7], $0x90, s19, s31, $0xb8;
	[tilespmem:$0x1EBE0] =	vst v63  }
0x451: {  	s8 =	simm.s32 $0x83C0;
	v0 =	vld [tilespmem:s0+$0x0]  }
0x452: {  	v1 =	vld [tilespmem:s8+$0x0]  }
0x453: {  	v2 =	vld [tilespmem:s8+$0xFFFFFFD0]  }
0x454: {  	v3 =	vld [tilespmem:s0+$0xFFFFFEE0]  }
0x455: {  	v4 =	vld [tilespmem:s8+$0xFFFFFFE0]  }
0x456: {  	v5 =	vld [tilespmem:s0+$0xFFFFFF70]  }
0x457: {  	v6 =	vld [tilespmem:s8+$0xFFFFFFF0]  }
0x458: {  	v16 =	vld [tilespmem:s0+$0xFFFFFDD0];
	v0 =	vadd.f32 v1, v0  }
0x459: {  	v1 =	vld [tilespmem:s0+$0xFFFFFE50]  }
0x45a: {  	v18 =	vld [tilespmem:s0+$0xFFFFFDE0];
	v3 =	vadd.f32 v4, v3;
	v7 =	vmul.f32 $2.000000030e-01, v0  }
0x45b: {  	v20 =	vld [tilespmem:s0+$0xFFFFFDF0];
	vm0 =	vgt.f32 v0, $0.0e+00  }
0x45c: {  	v21 =	vld [tilespmem:s0+$0xFFFFFE00];
	v4 =	vadd.f32 v6, v5;
	v5 =	vmul.f32 $2.000000030e-01, v3;
	v0 =	vsel vm0, v0, v7  }
0x45d: {  	v23 =	vld [tilespmem:s0+$0xFFFFFE10];
	vm14 =	vgt.f32 v3, $0.0e+00;
	v0 =	vmul.f32 $1.442695020e+00, v0  }
0x45e: {  	v24 =	vld [tilespmem:s0+$0xFFFFFE20];
	v3 =	vsel vm14, v3, v5;
	v1 =	vadd.f32 v2, v1;
	v2 =	vmul.f32 $2.000000030e-01, v4  }
0x45f: {  	v25 =	vld [tilespmem:s0+$0xFFFFFE30];
	v3 =	vmul.f32 $1.442695020e+00, v3;
	(erf) = vpow2.f32 v0  }
0x460: {  	v26 =	vld [tilespmem:s0+$0xFFFFFE40];
	vm1 =	vgt.f32 v4, $0.0e+00;
	v0 =	vmul.f32 $2.000000030e-01, v1  }
0x461: {  	v27 =	vld [tilespmem:s0+$0xFFFFFE60];
	vm15 =	vgt.f32 v1, $0.0e+00;
	v2 =	vsel vm1, v4, v2;
	(erf) = vpow2.f32 v3  }
0x462: {  	v28 =	vld [tilespmem:s0+$0xFFFFFE70];
	v0 =	vsel vm15, v1, v0;
	v1 =	vmul.f32 $1.442695020e+00, v2  }
0x463: {  	v30 =	vld [tilespmem:s0+$0xFFFFFE80]  }
0x464: {  	v35 =	vld [tilespmem:s0+$0xFFFFFE90];
	v0 =	vmul.f32 $1.442695020e+00, v0;
	(erf) = vpow2.f32 v1  }
0x465: {  	v36 =	vld [tilespmem:s0+$0xFFFFFEA0]  }
0x466: {  	v37 =	vld [tilespmem:s0+$0xFFFFFEB0];
	(erf) = vpow2.f32 v0  }
0x467: {  	v8 =	vld [tilespmem:s0+$0xFFFFFF20]  }
0x468: {  	v7 =	vld [tilespmem:s0+$0xFFFFFFF0];
	v12 =	vpop (erf)  }
0x469: {  	v10 =	vld [tilespmem:s0+$0xFFFFFF30];
	v0 =	vbroadcast v12, $0x3  }
0x46a: {  	v9 =	vld [tilespmem:s0+$0xFFFFFED0];
	v3 =	vbroadcast v12, $0x0;
	v2 =	vbroadcast v12, $0x1;
	v29 =	vpop (erf)  }
0x46b: {  	v11 =	vld [tilespmem:s0+$0xFFFFFF40];
	v1 =	vbroadcast v12, $0x2;
	v38 =	vbroadcast v29, $0x0  }
0x46c: {  	v6 =	vld [tilespmem:s0+$0xFFFFFF00];
	v39 =	vbroadcast v29, $0x1;
	v40 =	vbroadcast v29, $0x2  }
0x46d: {  	v5 =	vld [tilespmem:s0+$0xFFFFFEF0];
	v15 =	vbroadcast v29, $0x3;
	v13 =	vmul.f32 v7, v0;
	v14 =	vpop (erf)  }
0x46e: {  	v4 =	vld [tilespmem:s0+$0xFFFFFEC0];
	v30 =	vmul.f32 v39, v30;
	v22 =	vbroadcast v14, $0x0  }
0x46f: {  	[tilespmem:s0+$0x0] =	vst v12;
	v12 =	vld [tilespmem:s0+$0xFFFFFF50];
	v31 =	vpop (erf);
	v19 =	vbroadcast v14, $0x1;
	v17 =	vbroadcast v14, $0x2  }
0x470: {  	v7 =	vld [tilespmem:s0+$0xFFFFFF10];
	[tilespmem:s0+$0xFFFFFFF0] =	vst v13;
	v13 =	vbroadcast v14, $0x3;
	v61 =	vbroadcast v31, $0x0  }
0x471: {  	[tilespmem:s0+$0xFFFFFF70] =	vst v14;
	v14 =	vld [tilespmem:s0+$0xFFFFFF60];
	v62 =	vbroadcast v31, $0x1;
	v63 =	vbroadcast v31, $0x2  }
0x472: {  	[tilespmem:s0+$0xFFFFFEE0] =	vst v29;
	v41 =	vbroadcast v31, $0x3;
	v29 =	vmul.f32 v61, v16;
	v16 =	vld [tilespmem:s0+$0xFFFFFF80]  }
0x473: {  	[tilespmem:s0+$0xFFFFFE50] =	vst v31;
	v32 =	vmul.f32 v61, v18;
	v42 =	vmul.f32 v62, v20;
	v18 =	vld [tilespmem:s0+$0xFFFFFF90]  }
0x474: {  	v43 =	vmul.f32 v21, v62;
	v44 =	vmul.f32 v23, v63;
	v20 =	vld [tilespmem:s0+$0xFFFFFFA0];
	[tilespmem:s0+$0xFFFFFDD0] =	vst v29  }
0x475: {  	v34 =	vmul.f32 v24, v63;
	v33 =	vmul.f32 v25, v41;
	v21 =	vld [tilespmem:s0+$0xFFFFFFB0];
	[tilespmem:s0+$0xFFFFFDE0] =	vst v32  }
0x476: {  	v31 =	vmul.f32 v26, v41;
	v23 =	vld [tilespmem:s0+$0xFFFFFFC0];
	v26 =	vmul.f32 v37, v40;
	[tilespmem:s0+$0xFFFFFDF0] =	vst v42  }
0x477: {  	v24 =	vld [tilespmem:s0+$0xFFFFFFD0];
	v32 =	vmul.f32 v38, v27;
	v29 =	vmul.f32 v38, v28;
	[tilespmem:s0+$0xFFFFFE00] =	vst v43  }
0x478: {  	s10 =	simm.s32 $0x28;
	s7 =	simm.s32 $0x4200;
	s12 =	simm.s32 $0x9;
	v25 =	vld [tilespmem:s0+$0xFFFFFFE0];
	v27 =	vmul.f32 v35, v39;
	[tilespmem:s0+$0xFFFFFE10] =	vst v44;
	v28 =	vmul.f32 v36, v40  }
.LBB2_22:
0x479: {  	v35 =	vld [tilespmem:s7+$0x0];
	[tilespmem:s0+$0xFFFFFE20] =	vst v34;
	v4 =	vmul.f32 v4, v15;
	v9 =	vmul.f32 v9, v15;
	s8 =	sadd.s32 $0x40, s8  }
0x47a: {  	s10 =	sadd.s32 $0x4, s10;
	v5 =	vmul.f32 v22, v5;
	v6 =	vmul.f32 v22, v6;
	v15 =	vld [tilespmem:s8+$0x0];
	[tilespmem:s0+$0xFFFFFE30] =	vst v33  }
0x47b: {  	v7 =	vmul.f32 v19, v7;
	v8 =	vmul.f32 v8, v19;
	p1 =	slt.u32 s10, $0x4C;
	v22 =	vld [tilespmem:s8+$0xFFFFFFD0];
	[tilespmem:s0+$0xFFFFFE40] =	vst v31  }
0x47c: {  	v10 =	vmul.f32 v10, v17;
	v11 =	vmul.f32 v11, v17;
	v19 =	vld [tilespmem:s7+$0xFFFFFEE0];
	[tilespmem:s0+$0xFFFFFE60] =	vst v32  }
0x47d: {  	v12 =	vmul.f32 v12, v13;
	v13 =	vmul.f32 v14, v13;
	v17 =	vld [tilespmem:s8+$0xFFFFFFE0];
	[tilespmem:s0+$0xFFFFFE70] =	vst v29  }
0x47e: {  	v16 =	vmul.f32 v3, v16;
	v3 =	vmul.f32 v3, v18;
	v14 =	vld [tilespmem:s7+$0xFFFFFF70];
	[tilespmem:s0+$0xFFFFFE80] =	vst v30  }
0x47f: {  	v20 =	vmul.f32 v2, v20;
	v2 =	vmul.f32 v21, v2;
	v18 =	vld [tilespmem:s8+$0xFFFFFFF0];
	v15 =	vadd.f32 v15, v35;
	[tilespmem:s0+$0xFFFFFE90] =	vst v27  }
0x480: {  	v23 =	vmul.f32 v23, v1;
	v24 =	vmul.f32 v24, v1;
	v21 =	vld [tilespmem:s7+$0xFFFFFE50];
	[tilespmem:s0+$0xFFFFFEA0] =	vst v28  }
0x481: {  	v25 =	vmul.f32 v25, v0;
	v27 =	vld [tilespmem:s7+$0xFFFFFDD0];
	v1 =	vmul.f32 $2.000000030e-01, v15;
	[tilespmem:s0+$0xFFFFFEB0] =	vst v26  }
0x482: {  	vm0 =	vgt.f32 v15, $0.0e+00;
	v26 =	vld [tilespmem:s7+$0xFFFFFDE0];
	v0 =	vadd.f32 v17, v19;
	[tilespmem:s0+$0xFFFFFEC0] =	vst v4  }
0x483: {  	v28 =	vld [tilespmem:s7+$0xFFFFFDF0];
	v1 =	vsel vm0, v15, v1;
	[tilespmem:s0+$0xFFFFFED0] =	vst v9  }
0x484: {  	v29 =	vld [tilespmem:s7+$0xFFFFFE00];
	v4 =	vmul.f32 $2.000000030e-01, v0;
	v9 =	vadd.f32 v18, v14;
	v1 =	vmul.f32 $1.442695020e+00, v1;
	[tilespmem:s0+$0xFFFFFEF0] =	vst v5  }
0x485: {  	vm0 =	vgt.f32 v0, $0.0e+00;
	v5 =	vadd.f32 v22, v21;
	v21 =	vld [tilespmem:s7+$0xFFFFFE10];
	[tilespmem:s0+$0xFFFFFF00] =	vst v6  }
0x486: {  	v30 =	vld [tilespmem:s7+$0xFFFFFE20];
	vm1 =	vgt.f32 v9, $0.0e+00;
	v6 =	vmul.f32 $2.000000030e-01, v9;
	(erf) = vpow2.f32 v1;
	[tilespmem:s0+$0xFFFFFF10] =	vst v7  }
0x487: {  	v0 =	vsel vm0, v0, v4;
	vm2 =	vgt.f32 v5, $0.0e+00;
	v1 =	vmul.f32 $2.000000030e-01, v5;
	v31 =	vld [tilespmem:s7+$0xFFFFFE30];
	[tilespmem:s0+$0xFFFFFF20] =	vst v8  }
0x488: {  	v0 =	vmul.f32 $1.442695020e+00, v0;
	v32 =	vld [tilespmem:s7+$0xFFFFFE40];
	v4 =	vsel vm1, v9, v6;
	[tilespmem:s0+$0xFFFFFF30] =	vst v10  }
0x489: {  	v1 =	vsel vm2, v5, v1;
	v35 =	vld [tilespmem:s7+$0xFFFFFE60];
	v4 =	vmul.f32 $1.442695020e+00, v4;
	[tilespmem:s0+$0xFFFFFF40] =	vst v11  }
0x48a: {  	v1 =	vmul.f32 $1.442695020e+00, v1;
	v36 =	vld [tilespmem:s7+$0xFFFFFE70];
	(erf) = vpow2.f32 v0;
	[tilespmem:s0+$0xFFFFFF50] =	vst v12  }
0x48b: {  	v37 =	vld [tilespmem:s7+$0xFFFFFE80];
	(erf) = vpow2.f32 v4;
	[tilespmem:s0+$0xFFFFFF60] =	vst v13  }
0x48c: {  	v38 =	vld [tilespmem:s7+$0xFFFFFE90];
	(erf) = vpow2.f32 v1;
	[tilespmem:s0+$0xFFFFFF80] =	vst v16  }
0x48d: {  	v6 =	vld [tilespmem:s7+$0xFFFFFFF0];
	[tilespmem:s0+$0xFFFFFF90] =	vst v3  }
0x48e: {  	v39 =	vld [tilespmem:s7+$0xFFFFFEA0];
	[tilespmem:s0+$0xFFFFFFA0] =	vst v20  }
0x48f: {  	v40 =	vld [tilespmem:s7+$0xFFFFFEB0];
	v7 =	vpop (erf);
	[tilespmem:s0+$0xFFFFFFB0] =	vst v2  }
0x490: {  	v4 =	vld [tilespmem:s7+$0xFFFFFEC0];
	v3 =	vbroadcast v7, $0x0;
	v0 =	vbroadcast v7, $0x3;
	[tilespmem:s0+$0xFFFFFFC0] =	vst v23  }
0x491: {  	v2 =	vbroadcast v7, $0x1;
	v1 =	vbroadcast v7, $0x2;
	v9 =	vld [tilespmem:s7+$0xFFFFFED0];
	[tilespmem:s0+$0xFFFFFFD0] =	vst v24  }
0x492: {  	v5 =	vld [tilespmem:s7+$0xFFFFFEF0];
	v8 =	vmul.f32 v6, v0;
	[tilespmem:s0+$0xFFFFFFE0] =	vst v25;
	s0 =	smov.u32 s7  }
0x493: {  	v6 =	vld [tilespmem:s7+$0xFFFFFF00];
	[tilespmem:s7+$0x0] =	vst v7;
	v10 =	vpop (erf)  }
0x494: {  	v23 =	vbroadcast v10, $0x0;
	v24 =	vbroadcast v10, $0x1;
	v7 =	vld [tilespmem:s7+$0xFFFFFF10];
	[tilespmem:s7+$0xFFFFFFF0] =	vst v8;
	v13 =	vpop (erf)  }
0x495: {  	v25 =	vbroadcast v10, $0x2;
	v15 =	vbroadcast v10, $0x3;
	[tilespmem:s7+$0xFFFFFEE0] =	vst v10;
	v8 =	vld [tilespmem:s7+$0xFFFFFF20];
	v11 =	vpop (erf)  }
0x496: {  	[tilespmem:s7+$0xFFFFFE50] =	vst v11;
	v16 =	vbroadcast v11, $0x0;
	v18 =	vbroadcast v11, $0x1;
	v10 =	vld [tilespmem:s7+$0xFFFFFF30]  }
0x497: {  	v20 =	vbroadcast v11, $0x2;
	v41 =	vbroadcast v11, $0x3;
	[tilespmem:s7+$0xFFFFFF70] =	vst v13;
	v11 =	vld [tilespmem:s7+$0xFFFFFF40]  }
0x498: {  	v22 =	vbroadcast v13, $0x0;
	v19 =	vbroadcast v13, $0x1;
	v12 =	vld [tilespmem:s7+$0xFFFFFF50]  }
0x499: {  	v17 =	vbroadcast v13, $0x2;
	v13 =	vbroadcast v13, $0x3;
	v14 =	vld [tilespmem:s7+$0xFFFFFF60]  }
0x49a: {  	v27 =	vmul.f32 v16, v27;
	v26 =	vmul.f32 v16, v26;
	v16 =	vld [tilespmem:s7+$0xFFFFFF80]  }
0x49b: {  	v28 =	vmul.f32 v18, v28;
	v42 =	vmul.f32 v29, v18;
	v18 =	vld [tilespmem:s7+$0xFFFFFF90]  }
.Ltmp10:
0x49c: {  	v43 =	vmul.f32 v21, v20;
	v34 =	vmul.f32 v30, v20;
	[tilespmem:s7+$0xFFFFFDD0] =	vst v27;
	v20 =	vld [tilespmem:s7+$0xFFFFFFA0];
	(pc) =	sbr.rel @p1 .LBB2_22-.Ltmp10, $4  }
0x49d: {  	v33 =	vmul.f32 v31, v41;
	v31 =	vmul.f32 v32, v41;
	[tilespmem:s7+$0xFFFFFDE0] =	vst v26;
	v21 =	vld [tilespmem:s7+$0xFFFFFFB0]  }
0x49e: {  	v32 =	vmul.f32 v23, v35;
	v29 =	vmul.f32 v23, v36;
	[tilespmem:s7+$0xFFFFFDF0] =	vst v28;
	v23 =	vld [tilespmem:s7+$0xFFFFFFC0]  }
0x49f: {  	v30 =	vmul.f32 v24, v37;
	v27 =	vmul.f32 v38, v24;
	[tilespmem:s7+$0xFFFFFE00] =	vst v42;
	v24 =	vld [tilespmem:s7+$0xFFFFFFD0]  }
0x4a0: {  	v26 =	vmul.f32 v40, v25;
	v28 =	vmul.f32 v39, v25;
	s7 =	sadd.s32 $0x240, s7;
	[tilespmem:s0+$0xFFFFFE10] =	vst v43;
	v25 =	vld [tilespmem:s0+$0xFFFFFFE0]  }
0x4a1: {  	[tilespmem:s0+$0xFFFFFE20] =	vst v34  }
0x4a2: {  	[tilespmem:s0+$0xFFFFFE30] =	vst v33  }
0x4a3: {  	[tilespmem:s0+$0xFFFFFE40] =	vst v31  }
0x4a4: {  	[tilespmem:s0+$0xFFFFFE60] =	vst v32  }
0x4a5: {  	[tilespmem:s0+$0xFFFFFE70] =	vst v29  }
0x4a6: {  	[tilespmem:s0+$0xFFFFFE80] =	vst v30  }
0x4a7: {  	[tilespmem:s0+$0xFFFFFE90] =	vst v27  }
0x4a8: {  	v4 =	vmul.f32 v4, v15;
	[tilespmem:s0+$0xFFFFFEA0] =	vst v28  }
0x4a9: {  	v9 =	vmul.f32 v9, v15;
	[tilespmem:s0+$0xFFFFFEB0] =	vst v26  }
0x4aa: {  	v5 =	vmul.f32 v22, v5;
	[tilespmem:s0+$0xFFFFFEC0] =	vst v4  }
0x4ab: {  	v51 =	vmul.f32 v22, v6;
	[tilespmem:s0+$0xFFFFFED0] =	vst v9  }
0x4ac: {  	v52 =	vmul.f32 v19, v7;
	[tilespmem:s0+$0xFFFFFEF0] =	vst v5  }
0x4ad: {  	v53 =	vmul.f32 v8, v19;
	[tilespmem:s0+$0xFFFFFF00] =	vst v51  }
0x4ae: {  	v54 =	vmul.f32 v10, v17;
	[tilespmem:s0+$0xFFFFFF10] =	vst v52  }
0x4af: {  	v55 =	vmul.f32 v11, v17;
	[tilespmem:s0+$0xFFFFFF20] =	vst v53  }
0x4b0: {  	v56 =	vmul.f32 v12, v13;
	[tilespmem:s0+$0xFFFFFF30] =	vst v54  }
0x4b1: {  	v57 =	vmul.f32 v14, v13;
	[tilespmem:s0+$0xFFFFFF40] =	vst v55  }
0x4b2: {  	v58 =	vmul.f32 v3, v16;
	[tilespmem:s0+$0xFFFFFF50] =	vst v56  }
0x4b3: {  	v59 =	vmul.f32 v3, v18;
	[tilespmem:s0+$0xFFFFFF60] =	vst v57  }
0x4b4: {  	v60 =	vmul.f32 v2, v20;
	[tilespmem:s0+$0xFFFFFF80] =	vst v58  }
0x4b5: {  	v61 =	vmul.f32 v21, v2;
	[tilespmem:s0+$0xFFFFFF90] =	vst v59  }
0x4b6: {  	v62 =	vmul.f32 v23, v1;
	[tilespmem:s0+$0xFFFFFFA0] =	vst v60  }
0x4b7: {  	v63 =	vmul.f32 v24, v1;
	[tilespmem:s0+$0xFFFFFFB0] =	vst v61  }
0x4b8: {  	v0 =	vmul.f32 v25, v0;
	[tilespmem:s0+$0xFFFFFFC0] =	vst v62  }
0x4b9: {  	[tilespmem:s0+$0xFFFFFFD0] =	vst v63  }
0x4ba: {  	s17 =	simm.s32 $0x8B38;
	[tilespmem:s0+$0xFFFFFFE0] =	vst v0  }
0x4bb: {  	[spmem:s2] =	stream.indirect.scatter.add.f32 [tilespmem:s9], [sflag:$0x7], $0x90, s17, s31, $0xb8;
	[tilespmem:$0x1EBE0] =	vst v63  }
0x4bc: {  	_ =	swait.ge [sflag:s11], $0x1680  }
0x4bd: {  	[sflag:s11] =	ssyncset.done $0x0  }
0x4be: {  	[sflag:s11] =	ssyncadd.s32 $0xFFFFE980  }
0x4bf: {  	_ =	swait.ge [sflag:s11], $0x1680  }
0x4c0: {  	[sflag:s11] =	ssyncset.done $0x0  }
0x4c1: {  	[sflag:s11] =	ssyncadd.s32 $0xFFFFE980  }
0x4c2: {  	[bflag:$0x0] =	sbarrier.arrive $0xFFFF  }
0x4c3: {  	s7 =	rddreg [dreg:$0x5]  }
0x4c4: {  	s20 =	rddreg [dreg:$0xa]  }
0x4c5: {  	s10 =	rddreg [dreg:$0xd]  }
0x4c6: {  	[hbm:s20], [sflag:s7] =	dma.local [spmem:s10], $0x2BE0  }
0x4c7: {  	_ =	swait.ge [sflag:s12], $0x2BE0  }
0x4c8: {  	[sflag:s12] =	ssyncset.done $0x0;
	s0 =	rddreg [dreg:$0xb]  }
0x4c9: {  	s17 =	rddreg [dreg:$0xe];
	[sflag:s12] =	ssyncadd.s32 $0xFFFFD420  }
0x4ca: {  	[hbm:s0], [sflag:s7] =	dma.local @!p0 [spmem:s17], $0x120  }
0x4cb: {  	s0 =	simm.s32 @!p0 $0x9  }
0x4cc: {  	_ =	swait.ge @!p0 [sflag:s0], $0x120  }
0x4cd: {  	s20 =	rddreg [dreg:$0xf]  }
0x4ce: {  	s8 =	rddreg [dreg:$0xc];
	s20 =	sadd.s32 $0x1, s20  }
0x4cf: {  	p1 =	sne.s32 s20, s8  }
.Ltmp11:
0x4d0: {  	_ = 	snop;
	(pc) =	sbr.rel @p1 .LBB2_1-.Ltmp11, $4  }
0x4d1: {  	_ = 	snop  }
0x4d2: {  	[sflag:s0] =	ssyncset.done @!p0 $0x0  }
0x4d3: {  	[sflag:s0] =	ssyncadd.s32 @!p0 $0xFFFFFEE0  }
0x4d4: {  	[dreg:$0xf] =	wrdreg s20;
	s8 =	smov.u32 s17;
	s20 =	simm.s32 $0x8B60  }
0x4d5: {  	_ =	sfence.sel $0x180000  }
0x4d6: {  	[bflag:$0x0] =	sbarrier.arrive $0xFFFF  }
0x4d7: {  	_ =	strace $0x90000047  }
0x4d8: {  	[bflag:$0x2] =	sbarrier.arrive $0xFFFF  }
0x4d9: {  	s0 =	rddreg [dreg:$0x3]  }
0x4da: {  	s0 =	sadd.s32 @!p0 $0x100000, s0  }
0x4db: {  	[sflag:s0] =	ssyncadd.tile.s32 @!p0 $0x1;
	_ =	shalt  }
.Lfunc_end2:
_tile_overlayer_lowered:
.L_overlay_start_2:
0x4dc: {  	(tag) =	ssettag $0x2  }
0x4dd: {  	s0 =	rddreg [dreg:$0x0];
	s2 =	stileid.u32  }
0x4de: {  	s1 =	rddreg [dreg:$0x1];
	p0 =	sne.s32 s2, $0x0  }
0x4df: {  	s3 =	rddreg [dreg:$0x2];
	[bflag:$0x3] =	sbarrier.arrive $0xFFFF;
	s2 =	simm.s32 @!p0 $0x1C09  }
0x4e0: {  	[timem:s3], [sflag:s2] =	dma.local @!p0 [hbm:s0], s1  }
0x4e1: {  	s0 =	simm.s32 @!p0 $0x9  }
0x4e2: {  	_ =	swait.ge @!p0 [sflag:s0], s1  }
0x4e3: {  	s1 =	ssub.s32 @!p0 $0x0, s1;
	[sflag:s0] =	ssyncset.done @!p0 $0x0  }
0x4e4: {  	[sflag:s0] =	ssyncadd.s32 @!p0 s1  }
0x4e5: {  	[bflag:$0x3] =	sbarrier.arrive $0xFFFF  }
0x4e6: {  	_ =	shalt  }

</sc_bundles>
